<compile_context>
chip_gen: v7x
topology: tpu7x:2x2x1
jax: 0.10.2.dev20260603
libtpu: 0.0.44.dev20260713+nightly
codegen_flags: <defaults>
</compile_context>

<pallas_src>
import functools

import jax
import jax.numpy as jnp
from jax import lax
from jax.experimental import pallas as pl
from jax.experimental.pallas import tpu as pltpu
from jax.experimental.pallas import tpu_sc as plsc

_NC = 2
_NS = 16
_NW = _NC * _NS


_BV = 4096


def _make_table_detile(vocab, width):
    pairs = (vocab + 2 * _BV - 1) // (2 * _BV)

    def body(a_ref, b_ref, out_ref):
        out_ref[:, 0:width] = a_ref[...].T
        out_ref[:, width:2 * width] = b_ref[...].T

    return pl.pallas_call(
        body,
        grid=(pairs,),
        in_specs=[pl.BlockSpec((width, _BV), lambda i: (0, 2 * i)),
                  pl.BlockSpec(
                      (width, _BV),
                      lambda i: (0, jnp.minimum(2 * i + 1,
                                                (vocab - 1) // _BV)))],
        out_specs=pl.BlockSpec((_BV, 2 * width), lambda i: (i, 0)),
        out_shape=jax.ShapeDtypeStruct((pairs * _BV, 2 * width),
                                       jnp.float32),
    )


def _make_gather(n_rows, seq, vocab, width):
    c8n = seq // 8
    tn = n_rows // 128
    assert tn == _NW
    n_streams = seq
    mesh = plsc.VectorSubcoreMesh(
        core_axis_name="c", subcore_axis_name="s",
        num_cores=_NC, num_subcores=_NS,
    )

    @functools.partial(
        pl.kernel,
        mesh=mesh,
        out_type=jax.ShapeDtypeStruct((seq, 8, tn, 8, 128), jnp.float32),
        scratch_types=[
            pltpu.VMEM((c8n, 8, 128), jnp.int32),
            pltpu.VMEM((2, 128, width), jnp.float32),
            pltpu.VMEM((2, 64, 128), jnp.float32),
            pltpu.SemaphoreType.DMA,
            pltpu.SemaphoreType.DMA,
            pltpu.SemaphoreType.DMA,
            pltpu.SemaphoreType.DMA,
        ],
        compiler_params=pltpu.CompilerParams(
            use_tc_tiling_on_sc=False, needs_layout_passes=False),
    )
    def gather_kernel(table_hbm, tok_hbm, q_hbm, tok_v, rows_v, tr_v,
                      gsem0, gsem1, wsem0, wsem1):
        t = lax.axis_index("s") * _NC + lax.axis_index("c")
        gsems = (gsem0, gsem1)
        wsems = (wsem0, wsem1)

        pltpu.sync_copy(tok_hbm.at[:, t], tok_v)

        @plsc.parallel_loop(0, c8n * 8 * 8, unroll=8)
        def _(i):
            c8 = lax.shift_right_logical(i, 6)
            s = lax.bitwise_and(lax.shift_right_logical(i, 3), 7)
            g = lax.bitwise_and(i, 7) * 16
            v = tok_v[c8, s, pl.ds(g, 16)]
            idx = (lax.shift_left(lax.shift_right_logical(v, 13), 13)
                   + lax.shift_left(lax.bitwise_and(v, _BV - 1), 1)
                   + lax.bitwise_and(lax.shift_right_logical(v, 12), 1))
            tok_v[c8, s, pl.ds(g, 16)] = idx

        iota16 = lax.iota(jnp.int32, 16)
        diag = [lax.bitwise_and(iota16 + k, 15) for k in range(16)]

        def gather_copy(k, nb):
            c8 = lax.div(k, 8)
            s = lax.rem(k, 8)
            return pltpu.make_async_copy(
                table_hbm.at[tok_v.at[c8, s]], rows_v.at[nb], gsems[nb])

        def write_copies(k, nb):
            return [pltpu.make_async_copy(
                        tr_v.at[nb, pl.ds(a * 8, 8)],
                        q_hbm.at[k, a, t], wsems[nb])
                    for a in range(8)]

        def transpose(nb):
            rows_2d = rows_v.at[nb]
            tr_2d = tr_v.at[nb]

            @plsc.parallel_loop(0, 8 * (width // 16), unroll=2)
            def _(blk):
                l0 = lax.bitwise_and(blk, 7) * 16
                d0 = lax.shift_right_logical(blk, 3) * 16
                lv = iota16 + l0
                for k in range(16):
                    dv = diag[k] + d0
                    vals = plsc.load_gather(rows_2d, [lv, dv])
                    plsc.store_scatter(tr_2d, [dv, lv], vals)

        def start_write(k, nb):
            for d in write_copies(k, nb):
                d.start()

        for nb in range(2):
            gather_copy(nb, nb).start()

        @pl.loop(0, n_streams - 2, step=2)
        def _(k0):
            for nb in range(2):
                k = k0 + nb
                gather_copy(k, nb).wait()

                @pl.when(k0 > 0)
                def _():
                    for d in write_copies(k, nb):
                        d.wait()

                transpose(nb)
                gather_copy(k + 2, nb).start()
                start_write(k, nb)

        for nb in range(2):
            k = n_streams - 2 + nb
            gather_copy(k, nb).wait()
            for d in write_copies(k, nb):
                d.wait()
            transpose(nb)
            start_write(k, nb)
        for nb in range(2):
            for d in write_copies(n_streams - 2 + nb, nb):
                d.wait()

    return gather_kernel


@jax.jit
def kernel(tokens, embedding_weight):
    n_rows, seq = tokens.shape
    vocab, width = embedding_weight.shape
    tok_view = (tokens.T.reshape(seq // 8, 8, n_rows // 128, 128)
                .transpose(0, 2, 1, 3))
    tt = embedding_weight.T
    w2 = _make_table_detile(vocab, width)(tt, tt)
    q = _make_gather(n_rows, seq, vocab, width)(
        w2.reshape(w2.shape[0] * 2, width), tok_view)
    return q.transpose(2, 4, 0, 1, 3).reshape(n_rows, seq, width)

# --- scband reference (transcript-rebuilt; emitter-appended) ---
"""Pipeline reference for scband-text-token-projection-21887153341505 (READ-ONLY COPY).

The authoritative reference and input builder live on the scoring server;
editing this copy changes nothing except your own understanding.
"""

import jax, jax.numpy as jnp
import numpy as np

VOCAB = 1000000
WIDTH = 64

def setup_inputs(seed: int = 0) -> dict:
    key = jax.random.key(seed)
    k_tok, k_emb = jax.random.split(key)
    tokens = jax.random.randint(k_tok, (4096, 200), 0, VOCAB, dtype=jnp.int64 if jax.config.jax_enable_x64 else jnp.int32)
    # nn.Embedding default init: N(0, 1)
    embedding_weight = jax.random.normal(k_emb, (VOCAB, WIDTH), dtype=jnp.float32)
    return {"tokens": tokens, "embedding_weight": embedding_weight}

def reference(tokens, embedding_weight):
    # torch.nn.Embedding(token_vocabulary_size, width)(tokens)
    return jnp.take(embedding_weight, tokens, axis=0)

if __name__ == "__main__":
    import jax
    _d = setup_inputs()
    print(jax.jit(kernel)(*tuple(_d.values())))

</pallas_src>

<mosaic_0001>
#map = affine_map<(d0, d1) -> (0, 0)>
#map1 = affine_map<(d0, d1) -> (0, 0, 0, 0)>
#map2 = affine_map<(d0, d1) -> (0, 0, 0, 0, 0)>
module attributes {stable_mosaic.version = 14 : i64} {
  func.func @gather_kernel(%arg0: i32, %arg1: i32, %arg2: memref<1007616x64xf32, #tpu.memory_space<hbm>>, %arg3: memref<25x32x8x128xi32, #tpu.memory_space<hbm>>, %arg4: memref<200x8x32x8x128xf32, #tpu.memory_space<hbm>>, %arg5: memref<25x8x128xi32, #tpu.memory_space<vmem>>, %arg6: memref<2x128x64xf32, #tpu.memory_space<vmem>>, %arg7: memref<2x64x128xf32, #tpu.memory_space<vmem>>, %arg8: memref<!tpu.dma_semaphore, #tpu.memory_space<semaphore_mem>>, %arg9: memref<!tpu.dma_semaphore, #tpu.memory_space<semaphore_mem>>, %arg10: memref<!tpu.dma_semaphore, #tpu.memory_space<semaphore_mem>>, %arg11: memref<!tpu.dma_semaphore, #tpu.memory_space<semaphore_mem>>) attributes {dimension_semantics = [#tpu.dimension_semantics<core_parallel>, #tpu.dimension_semantics<subcore_parallel>], iteration_bounds = array<i64: 2, 16>, scalar_prefetch = 0 : i64, scratch_operands = 7 : i64, tpu.core_type = #tpu.core_type<sc_vector_subcore>, window_params = [{transform_indices = #map}, {transform_indices = #map1}, {transform_indices = #map2}]} {
    %mul3A = arith.constant 2 : i32
    %mul3A_0 = arith.muli %arg1, %mul3A : i32
    %add3A = arith.addi %mul3A_0, %arg0 : i32
    "tpu.region"() ({
      %run_scoped3A = tpu.sem_alloc : memref<!tpu.dma_semaphore, #tpu.memory_space<semaphore_mem>>
      %dma_start3A_1088 = arith.constant 0 : i32
      %dma_start3A_1089 = arith.constant 0 : i32
      %dma_start3A_1090 = arith.constant 0 : i32
      %dma_start3A_1091 = tpu.memref_slice %arg3[%dma_start3A_1088, %add3A, %dma_start3A_1089, %dma_start3A_1090] : memref<25x32x8x128xi32, #tpu.memory_space<hbm>> -> memref<25x1x8x128xi32, #tpu.memory_space<hbm>>
      %dma_start3A_1092 = tpu.memref_squeeze %dma_start3A_1091 : memref<25x1x8x128xi32, #tpu.memory_space<hbm>> -> memref<25x8x128xi32, #tpu.memory_space<hbm>>
      %dma_start3A_1093 = arith.constant 0 : i32
      %dma_start3A_1094 = arith.constant 0 : i32
      %dma_start3A_1095 = arith.constant 0 : i32
      %dma_start3A_1096 = tpu.memref_slice %arg3[%dma_start3A_1093, %add3A, %dma_start3A_1094, %dma_start3A_1095] : memref<25x32x8x128xi32, #tpu.memory_space<hbm>> -> memref<25x1x8x128xi32, #tpu.memory_space<hbm>>
      %dma_start3A_1097 = tpu.memref_squeeze %dma_start3A_1096 : memref<25x1x8x128xi32, #tpu.memory_space<hbm>> -> memref<25x8x128xi32, #tpu.memory_space<hbm>>
      tpu.enqueue_dma source(%dma_start3A_1097 : memref<25x8x128xi32, #tpu.memory_space<hbm>>) target(%arg5 : memref<25x8x128xi32, #tpu.memory_space<vmem>>) target_semaphore(%run_scoped3A : memref<!tpu.dma_semaphore, #tpu.memory_space<semaphore_mem>>)
      %dma_wait3A_1098 = arith.constant 0 : i32
      %dma_wait3A_1099 = arith.constant 0 : i32
      %dma_wait3A_1100 = arith.constant 0 : i32
      %dma_wait3A_1101 = tpu.memref_slice %arg3[%dma_wait3A_1098, %add3A, %dma_wait3A_1099, %dma_wait3A_1100] : memref<25x32x8x128xi32, #tpu.memory_space<hbm>> -> memref<25x1x8x128xi32, #tpu.memory_space<hbm>>
      %dma_wait3A_1102 = tpu.memref_squeeze %dma_wait3A_1101 : memref<25x1x8x128xi32, #tpu.memory_space<hbm>> -> memref<25x8x128xi32, #tpu.memory_space<hbm>>
      %dma_wait3A_1103 = arith.constant 0 : i32
      %dma_wait3A_1104 = arith.constant 0 : i32
      %dma_wait3A_1105 = arith.constant 0 : i32
      %dma_wait3A_1106 = tpu.memref_slice %arg3[%dma_wait3A_1103, %add3A, %dma_wait3A_1104, %dma_wait3A_1105] : memref<25x32x8x128xi32, #tpu.memory_space<hbm>> -> memref<25x1x8x128xi32, #tpu.memory_space<hbm>>
      %dma_wait3A_1107 = tpu.memref_squeeze %dma_wait3A_1106 : memref<25x1x8x128xi32, #tpu.memory_space<hbm>> -> memref<25x8x128xi32, #tpu.memory_space<hbm>>
      tpu.wait_dma2 semaphore(%run_scoped3A : memref<!tpu.dma_semaphore, #tpu.memory_space<semaphore_mem>>) src(%dma_wait3A_1107 : memref<25x8x128xi32, #tpu.memory_space<hbm>>) dst(%arg5 : memref<25x8x128xi32, #tpu.memory_space<vmem>>)
      tpu.yield
    }) : () -> ()
    %parallel_loop3A = arith.constant 0 : i32
    %parallel_loop3A_1 = arith.constant 1600 : i32
    %parallel_loop3A_2 = arith.constant 1 : i32
    scf.for %parallel_loop3A_1088 = %parallel_loop3A to %parallel_loop3A_1 step %parallel_loop3A_2  : i32 {
      %parallel_loop3A_1089 = arith.constant 6 : i32
      %parallel_loop3A_1090 = arith.shrui %parallel_loop3A_1088, %parallel_loop3A_1089 : i32
      %parallel_loop3A_1091 = arith.constant 3 : i32
      %parallel_loop3A_1092 = arith.shrui %parallel_loop3A_1088, %parallel_loop3A_1091 : i32
      %parallel_loop3A_1093 = arith.constant 7 : i32
      %parallel_loop3A_1094 = arith.andi %parallel_loop3A_1092, %parallel_loop3A_1093 : i32
      %parallel_loop3A_1095 = arith.constant 7 : i32
      %parallel_loop3A_1096 = arith.andi %parallel_loop3A_1088, %parallel_loop3A_1095 : i32
      %parallel_loop3A_1097 = arith.constant 16 : i32
      %parallel_loop3A_1098 = arith.muli %parallel_loop3A_1096, %parallel_loop3A_1097 : i32
      %parallel_loop3A_1099 = arith.index_cast %parallel_loop3A_1090 : i32 to index
      %parallel_loop3A_1100 = arith.index_cast %parallel_loop3A_1094 : i32 to index
      %parallel_loop3A_1101 = arith.index_cast %parallel_loop3A_1098 : i32 to index
      %parallel_loop3A_1102 = tpu.vector_load %arg5[%parallel_loop3A_1099, %parallel_loop3A_1100, %parallel_loop3A_1101] {strides = array<i32>} : memref<25x8x128xi32, #tpu.memory_space<vmem>>, vector<16xi32>,
      %parallel_loop3A_1103 = arith.constant 13 : i32
      %parallel_loop3A_1104 = vector.broadcast %parallel_loop3A_1103 : i32 to vector<16xi32>
      %parallel_loop3A_1105 = arith.shrui %parallel_loop3A_1102, %parallel_loop3A_1104 : vector<16xi32>
      %parallel_loop3A_1106 = arith.constant 13 : i32
      %parallel_loop3A_1107 = vector.broadcast %parallel_loop3A_1106 : i32 to vector<16xi32>
      %parallel_loop3A_1108 = arith.shli %parallel_loop3A_1105, %parallel_loop3A_1107 : vector<16xi32>
      %parallel_loop3A_1109 = arith.constant 4095 : i32
      %parallel_loop3A_1110 = vector.broadcast %parallel_loop3A_1109 : i32 to vector<16xi32>
      %parallel_loop3A_1111 = arith.andi %parallel_loop3A_1102, %parallel_loop3A_1110 : vector<16xi32>
      %parallel_loop3A_1112 = arith.constant 1 : i32
      %parallel_loop3A_1113 = vector.broadcast %parallel_loop3A_1112 : i32 to vector<16xi32>
      %parallel_loop3A_1114 = arith.shli %parallel_loop3A_1111, %parallel_loop3A_1113 : vector<16xi32>
      %parallel_loop3A_1115 = arith.addi %parallel_loop3A_1108, %parallel_loop3A_1114 : vector<16xi32>
      %parallel_loop3A_1116 = arith.constant 12 : i32
      %parallel_loop3A_1117 = vector.broadcast %parallel_loop3A_1116 : i32 to vector<16xi32>
      %parallel_loop3A_1118 = arith.shrui %parallel_loop3A_1102, %parallel_loop3A_1117 : vector<16xi32>
      %parallel_loop3A_1119 = arith.constant 1 : i32
      %parallel_loop3A_1120 = vector.broadcast %parallel_loop3A_1119 : i32 to vector<16xi32>
      %parallel_loop3A_1121 = arith.andi %parallel_loop3A_1118, %parallel_loop3A_1120 : vector<16xi32>
      %parallel_loop3A_1122 = arith.addi %parallel_loop3A_1115, %parallel_loop3A_1121 : vector<16xi32>
      %parallel_loop3A_1123 = arith.index_cast %parallel_loop3A_1090 : i32 to index
      %parallel_loop3A_1124 = arith.index_cast %parallel_loop3A_1094 : i32 to index
      %parallel_loop3A_1125 = arith.index_cast %parallel_loop3A_1098 : i32 to index
      %parallel_loop3A_1126 = tpu.vector_load %arg5[%parallel_loop3A_1123, %parallel_loop3A_1124, %parallel_loop3A_1125] {strides = array<i32>} : memref<25x8x128xi32, #tpu.memory_space<vmem>>, vector<16xi32>,
      tpu.vector_store %arg5[%parallel_loop3A_1123, %parallel_loop3A_1124, %parallel_loop3A_1125], %parallel_loop3A_1122 {strides = array<i32>} : memref<25x8x128xi32, #tpu.memory_space<vmem>>, vector<16xi32>,
    } {sc.loop_unroll_factor = 8 : i64, sc.parallel_access}
    %iota3A = tpu.iota {dimensions = array<i32: 0>} : vector<16xi32>
    %add3A_3 = arith.constant 0 : i32
    %add3A_4 = vector.broadcast %add3A_3 : i32 to vector<16xi32>
    %add3A_5 = arith.addi %iota3A, %add3A_4 : vector<16xi32>
    %and3A = arith.constant 15 : i32
    %and3A_6 = vector.broadcast %and3A : i32 to vector<16xi32>
    %and3A_7 = arith.andi %add3A_5, %and3A_6 : vector<16xi32>
    %add3A_8 = arith.constant 1 : i32
    %add3A_9 = vector.broadcast %add3A_8 : i32 to vector<16xi32>
    %add3A_10 = arith.addi %iota3A, %add3A_9 : vector<16xi32>
    %and3A_11 = arith.constant 15 : i32
    %and3A_12 = vector.broadcast %and3A_11 : i32 to vector<16xi32>
    %and3A_13 = arith.andi %add3A_10, %and3A_12 : vector<16xi32>
    %add3A_14 = arith.constant 2 : i32
    %add3A_15 = vector.broadcast %add3A_14 : i32 to vector<16xi32>
    %add3A_16 = arith.addi %iota3A, %add3A_15 : vector<16xi32>
    %and3A_17 = arith.constant 15 : i32
    %and3A_18 = vector.broadcast %and3A_17 : i32 to vector<16xi32>
    %and3A_19 = arith.andi %add3A_16, %and3A_18 : vector<16xi32>
    %add3A_20 = arith.constant 3 : i32
    %add3A_21 = vector.broadcast %add3A_20 : i32 to vector<16xi32>
    %add3A_22 = arith.addi %iota3A, %add3A_21 : vector<16xi32>
    %and3A_23 = arith.constant 15 : i32
    %and3A_24 = vector.broadcast %and3A_23 : i32 to vector<16xi32>
    %and3A_25 = arith.andi %add3A_22, %and3A_24 : vector<16xi32>
    %add3A_26 = arith.constant 4 : i32
    %add3A_27 = vector.broadcast %add3A_26 : i32 to vector<16xi32>
    %add3A_28 = arith.addi %iota3A, %add3A_27 : vector<16xi32>
    %and3A_29 = arith.constant 15 : i32
    %and3A_30 = vector.broadcast %and3A_29 : i32 to vector<16xi32>
    %and3A_31 = arith.andi %add3A_28, %and3A_30 : vector<16xi32>
    %add3A_32 = arith.constant 5 : i32
    %add3A_33 = vector.broadcast %add3A_32 : i32 to vector<16xi32>
    %add3A_34 = arith.addi %iota3A, %add3A_33 : vector<16xi32>
    %and3A_35 = arith.constant 15 : i32
    %and3A_36 = vector.broadcast %and3A_35 : i32 to vector<16xi32>
    %and3A_37 = arith.andi %add3A_34, %and3A_36 : vector<16xi32>
    %add3A_38 = arith.constant 6 : i32
    %add3A_39 = vector.broadcast %add3A_38 : i32 to vector<16xi32>
    %add3A_40 = arith.addi %iota3A, %add3A_39 : vector<16xi32>
    %and3A_41 = arith.constant 15 : i32
    %and3A_42 = vector.broadcast %and3A_41 : i32 to vector<16xi32>
    %and3A_43 = arith.andi %add3A_40, %and3A_42 : vector<16xi32>
    %add3A_44 = arith.constant 7 : i32
    %add3A_45 = vector.broadcast %add3A_44 : i32 to vector<16xi32>
    %add3A_46 = arith.addi %iota3A, %add3A_45 : vector<16xi32>
    %and3A_47 = arith.constant 15 : i32
    %and3A_48 = vector.broadcast %and3A_47 : i32 to vector<16xi32>
    %and3A_49 = arith.andi %add3A_46, %and3A_48 : vector<16xi32>
    %add3A_50 = arith.constant 8 : i32
    %add3A_51 = vector.broadcast %add3A_50 : i32 to vector<16xi32>
    %add3A_52 = arith.addi %iota3A, %add3A_51 : vector<16xi32>
    %and3A_53 = arith.constant 15 : i32
    %and3A_54 = vector.broadcast %and3A_53 : i32 to vector<16xi32>
    %and3A_55 = arith.andi %add3A_52, %and3A_54 : vector<16xi32>
    %add3A_56 = arith.constant 9 : i32
    %add3A_57 = vector.broadcast %add3A_56 : i32 to vector<16xi32>
    %add3A_58 = arith.addi %iota3A, %add3A_57 : vector<16xi32>
    %and3A_59 = arith.constant 15 : i32
    %and3A_60 = vector.broadcast %and3A_59 : i32 to vector<16xi32>
    %and3A_61 = arith.andi %add3A_58, %and3A_60 : vector<16xi32>
    %add3A_62 = arith.constant 10 : i32
    %add3A_63 = vector.broadcast %add3A_62 : i32 to vector<16xi32>
    %add3A_64 = arith.addi %iota3A, %add3A_63 : vector<16xi32>
    %and3A_65 = arith.constant 15 : i32
    %and3A_66 = vector.broadcast %and3A_65 : i32 to vector<16xi32>
    %and3A_67 = arith.andi %add3A_64, %and3A_66 : vector<16xi32>
    %add3A_68 = arith.constant 11 : i32
    %add3A_69 = vector.broadcast %add3A_68 : i32 to vector<16xi32>
    %add3A_70 = arith.addi %iota3A, %add3A_69 : vector<16xi32>
    %and3A_71 = arith.constant 15 : i32
    %and3A_72 = vector.broadcast %and3A_71 : i32 to vector<16xi32>
    %and3A_73 = arith.andi %add3A_70, %and3A_72 : vector<16xi32>
    %add3A_74 = arith.constant 12 : i32
    %add3A_75 = vector.broadcast %add3A_74 : i32 to vector<16xi32>
    %add3A_76 = arith.addi %iota3A, %add3A_75 : vector<16xi32>
    %and3A_77 = arith.constant 15 : i32
    %and3A_78 = vector.broadcast %and3A_77 : i32 to vector<16xi32>
    %and3A_79 = arith.andi %add3A_76, %and3A_78 : vector<16xi32>
    %add3A_80 = arith.constant 13 : i32
    %add3A_81 = vector.broadcast %add3A_80 : i32 to vector<16xi32>
    %add3A_82 = arith.addi %iota3A, %add3A_81 : vector<16xi32>
    %and3A_83 = arith.constant 15 : i32
    %and3A_84 = vector.broadcast %and3A_83 : i32 to vector<16xi32>
    %and3A_85 = arith.andi %add3A_82, %and3A_84 : vector<16xi32>
    %add3A_86 = arith.constant 14 : i32
    %add3A_87 = vector.broadcast %add3A_86 : i32 to vector<16xi32>
    %add3A_88 = arith.addi %iota3A, %add3A_87 : vector<16xi32>
    %and3A_89 = arith.constant 15 : i32
    %and3A_90 = vector.broadcast %and3A_89 : i32 to vector<16xi32>
    %and3A_91 = arith.andi %add3A_88, %and3A_90 : vector<16xi32>
    %add3A_92 = arith.constant 15 : i32
    %add3A_93 = vector.broadcast %add3A_92 : i32 to vector<16xi32>
    %add3A_94 = arith.addi %iota3A, %add3A_93 : vector<16xi32>
    %and3A_95 = arith.constant 15 : i32
    %and3A_96 = vector.broadcast %and3A_95 : i32 to vector<16xi32>
    %and3A_97 = arith.andi %add3A_94, %and3A_96 : vector<16xi32>
    %div3A = arith.constant 0 : i32
    %div3A_98 = arith.constant 8 : i32
    %div3A_99 = arith.divsi %div3A, %div3A_98 : i32
    %rem3A = arith.constant 0 : i32
    %rem3A_100 = arith.constant 8 : i32
    %rem3A_101 = arith.remsi %rem3A, %rem3A_100 : i32
    %dma_start3A = arith.constant 0 : i32
    %dma_start3A_102 = arith.constant 0 : i32
    %dma_start3A_103 = arith.constant 0 : i32
    %dma_start3A_104 = tpu.memref_slice %arg6[%dma_start3A, %dma_start3A_102, %dma_start3A_103] : memref<2x128x64xf32, #tpu.memory_space<vmem>> -> memref<1x128x64xf32, #tpu.memory_space<vmem>>
    %dma_start3A_105 = tpu.memref_squeeze %dma_start3A_104 : memref<1x128x64xf32, #tpu.memory_space<vmem>> -> memref<128x64xf32, #tpu.memory_space<vmem>>
    %dma_start3A_106 = arith.constant 0 : i32
    %dma_start3A_107 = tpu.memref_slice %arg5[%div3A_99, %rem3A_101, %dma_start3A_106] : memref<25x8x128xi32, #tpu.memory_space<vmem>> -> memref<1x1x128xi32, #tpu.memory_space<vmem>>
    %dma_start3A_108 = tpu.memref_squeeze %dma_start3A_107 : memref<1x1x128xi32, #tpu.memory_space<vmem>> -> memref<128xi32, #tpu.memory_space<vmem>>
    %dma_start3A_109 = arith.constant 0 : i32
    %dma_start3A_110 = arith.constant 0 : i32
    %dma_start3A_111 = tpu.memref_slice %arg2[%dma_start3A_109, %dma_start3A_110] : memref<1007616x64xf32, #tpu.memory_space<hbm>> -> memref<1007616x64xf32, #tpu.memory_space<hbm>>
    tpu.enqueue_indirect_dma source(%dma_start3A_111 : memref<1007616x64xf32, #tpu.memory_space<hbm>>) target(%dma_start3A_105 : memref<128x64xf32, #tpu.memory_space<vmem>>) offsets(%dma_start3A_108 : memref<128xi32, #tpu.memory_space<vmem>>) semaphore(%arg8 : memref<!tpu.dma_semaphore, #tpu.memory_space<semaphore_mem>>)
    %div3A_112 = arith.constant 1 : i32
    %div3A_113 = arith.constant 8 : i32
    %div3A_114 = arith.divsi %div3A_112, %div3A_113 : i32
    %rem3A_115 = arith.constant 1 : i32
    %rem3A_116 = arith.constant 8 : i32
    %rem3A_117 = arith.remsi %rem3A_115, %rem3A_116 : i32
    %dma_start3A_118 = arith.constant 1 : i32
    %dma_start3A_119 = arith.constant 0 : i32
    %dma_start3A_120 = arith.constant 0 : i32
    %dma_start3A_121 = tpu.memref_slice %arg6[%dma_start3A_118, %dma_start3A_119, %dma_start3A_120] : memref<2x128x64xf32, #tpu.memory_space<vmem>> -> memref<1x128x64xf32, #tpu.memory_space<vmem>>
    %dma_start3A_122 = tpu.memref_squeeze %dma_start3A_121 : memref<1x128x64xf32, #tpu.memory_space<vmem>> -> memref<128x64xf32, #tpu.memory_space<vmem>>
    %dma_start3A_123 = arith.constant 0 : i32
    %dma_start3A_124 = tpu.memref_slice %arg5[%div3A_114, %rem3A_117, %dma_start3A_123] : memref<25x8x128xi32, #tpu.memory_space<vmem>> -> memref<1x1x128xi32, #tpu.memory_space<vmem>>
    %dma_start3A_125 = tpu.memref_squeeze %dma_start3A_124 : memref<1x1x128xi32, #tpu.memory_space<vmem>> -> memref<128xi32, #tpu.memory_space<vmem>>
    %dma_start3A_126 = arith.constant 0 : i32
    %dma_start3A_127 = arith.constant 0 : i32
    %dma_start3A_128 = tpu.memref_slice %arg2[%dma_start3A_126, %dma_start3A_127] : memref<1007616x64xf32, #tpu.memory_space<hbm>> -> memref<1007616x64xf32, #tpu.memory_space<hbm>>
    tpu.enqueue_indirect_dma source(%dma_start3A_128 : memref<1007616x64xf32, #tpu.memory_space<hbm>>) target(%dma_start3A_122 : memref<128x64xf32, #tpu.memory_space<vmem>>) offsets(%dma_start3A_125 : memref<128xi32, #tpu.memory_space<vmem>>) semaphore(%arg9 : memref<!tpu.dma_semaphore, #tpu.memory_space<semaphore_mem>>)
    %scan3A = arith.constant 0 : i32
    %scan3A_129 = arith.constant 99 : i32
    %scan3A_130 = arith.addi %scan3A, %scan3A_129 : i32
    %scan3A_131 = arith.constant 1 : i32
    scf.for %scan3A_1088 = %scan3A to %scan3A_130 step %scan3A_131  : i32 {
      %mul3A_1089 = arith.constant 2 : i32
      %mul3A_1090 = arith.muli %scan3A_1088, %mul3A_1089 : i32
      %add3A_1091 = arith.constant 0 : i32
      %add3A_1092 = arith.addi %add3A_1091, %mul3A_1090 : i32
      %add3A_1093 = arith.constant 0 : i32
      %add3A_1094 = arith.addi %add3A_1092, %add3A_1093 : i32
      %div3A_1095 = arith.constant 8 : i32
      %div3A_1096 = arith.divsi %add3A_1094, %div3A_1095 : i32
      %rem3A_1097 = arith.constant 8 : i32
      %rem3A_1098 = arith.remsi %add3A_1094, %rem3A_1097 : i32
      %dma_wait3A_1099 = arith.constant 0 : i32
      %dma_wait3A_1100 = arith.constant 0 : i32
      %dma_wait3A_1101 = arith.constant 0 : i32
      %dma_wait3A_1102 = tpu.memref_slice %arg6[%dma_wait3A_1099, %dma_wait3A_1100, %dma_wait3A_1101] : memref<2x128x64xf32, #tpu.memory_space<vmem>> -> memref<1x128x64xf32, #tpu.memory_space<vmem>>
      %dma_wait3A_1103 = tpu.memref_squeeze %dma_wait3A_1102 : memref<1x128x64xf32, #tpu.memory_space<vmem>> -> memref<128x64xf32, #tpu.memory_space<vmem>>
      %dma_wait3A_1104 = arith.constant 0 : i32
      %dma_wait3A_1105 = tpu.memref_slice %arg5[%div3A_1096, %rem3A_1098, %dma_wait3A_1104] : memref<25x8x128xi32, #tpu.memory_space<vmem>> -> memref<1x1x128xi32, #tpu.memory_space<vmem>>
      %dma_wait3A_1106 = tpu.memref_squeeze %dma_wait3A_1105 : memref<1x1x128xi32, #tpu.memory_space<vmem>> -> memref<128xi32, #tpu.memory_space<vmem>>
      %dma_wait3A_1107 = arith.constant 0 : i32
      %dma_wait3A_1108 = arith.constant 0 : i32
      %dma_wait3A_1109 = tpu.memref_slice %arg2[%dma_wait3A_1107, %dma_wait3A_1108] : memref<1007616x64xf32, #tpu.memory_space<hbm>> -> memref<1007616x64xf32, #tpu.memory_space<hbm>>
      tpu.wait_indirect_dma semaphore(%arg8 : memref<!tpu.dma_semaphore, #tpu.memory_space<semaphore_mem>>) src(%dma_wait3A_1109 : memref<1007616x64xf32, #tpu.memory_space<hbm>>) dst(%dma_wait3A_1103 : memref<128x64xf32, #tpu.memory_space<vmem>>)
      %gt3A = arith.constant 0 : i32
      %gt3A_1110 = arith.cmpi sgt, %add3A_1092, %gt3A : i32
      %convert_element_type3A = arith.extui %gt3A_1110 : i1 to i32
      %cond3A = arith.constant 0 : i32
      %cond3A_1111 = arith.cmpi ne, %convert_element_type3A, %cond3A : i32
      scf.if %cond3A_1111 {
        %dma_wait3A_1466 = arith.constant 0 : i32
        %dma_wait3A_1467 = arith.constant 0 : i32
        %dma_wait3A_1468 = arith.constant 0 : i32
        %dma_wait3A_1469 = arith.constant 0 : i32
        %dma_wait3A_1470 = tpu.memref_slice %arg7[%dma_wait3A_1466, %dma_wait3A_1468, %dma_wait3A_1469] : memref<2x64x128xf32, #tpu.memory_space<vmem>> -> memref<1x8x128xf32, #tpu.memory_space<vmem>>
        %dma_wait3A_1471 = tpu.memref_squeeze %dma_wait3A_1470 : memref<1x8x128xf32, #tpu.memory_space<vmem>> -> memref<8x128xf32, #tpu.memory_space<vmem>>
        %dma_wait3A_1472 = arith.constant 0 : i32
        %dma_wait3A_1473 = arith.constant 0 : i32
        %dma_wait3A_1474 = tpu.memref_slice %arg4[%add3A_1094, %dma_wait3A_1467, %add3A, %dma_wait3A_1472, %dma_wait3A_1473] : memref<200x8x32x8x128xf32, #tpu.memory_space<hbm>> -> memref<1x1x1x8x128xf32, #tpu.memory_space<hbm>>
        %dma_wait3A_1475 = tpu.memref_squeeze %dma_wait3A_1474 : memref<1x1x1x8x128xf32, #tpu.memory_space<hbm>> -> memref<8x128xf32, #tpu.memory_space<hbm>>
        %dma_wait3A_1476 = arith.constant 0 : i32
        %dma_wait3A_1477 = arith.constant 0 : i32
        %dma_wait3A_1478 = tpu.memref_slice %arg4[%add3A_1094, %dma_wait3A_1467, %add3A, %dma_wait3A_1476, %dma_wait3A_1477] : memref<200x8x32x8x128xf32, #tpu.memory_space<hbm>> -> memref<1x1x1x8x128xf32, #tpu.memory_space<hbm>>
        %dma_wait3A_1479 = tpu.memref_squeeze %dma_wait3A_1478 : memref<1x1x1x8x128xf32, #tpu.memory_space<hbm>> -> memref<8x128xf32, #tpu.memory_space<hbm>>
        %dma_wait3A_1480 = arith.constant 0 : i32
        %dma_wait3A_1481 = arith.constant 0 : i32
        %dma_wait3A_1482 = tpu.memref_slice %arg7[%dma_wait3A_1466, %dma_wait3A_1480, %dma_wait3A_1481] : memref<2x64x128xf32, #tpu.memory_space<vmem>> -> memref<1x8x128xf32, #tpu.memory_space<vmem>>
        %dma_wait3A_1483 = tpu.memref_squeeze %dma_wait3A_1482 : memref<1x8x128xf32, #tpu.memory_space<vmem>> -> memref<8x128xf32, #tpu.memory_space<vmem>>
        tpu.wait_dma2 semaphore(%arg10 : memref<!tpu.dma_semaphore, #tpu.memory_space<semaphore_mem>>) src(%dma_wait3A_1483 : memref<8x128xf32, #tpu.memory_space<vmem>>) dst(%dma_wait3A_1479 : memref<8x128xf32, #tpu.memory_space<hbm>>)
        %dma_wait3A_1484 = arith.constant 0 : i32
        %dma_wait3A_1485 = arith.constant 1 : i32
        %dma_wait3A_1486 = arith.constant 8 : i32
        %dma_wait3A_1487 = arith.constant 0 : i32
        %dma_wait3A_1488 = tpu.memref_slice %arg7[%dma_wait3A_1484, %dma_wait3A_1486, %dma_wait3A_1487] : memref<2x64x128xf32, #tpu.memory_space<vmem>> -> memref<1x8x128xf32, #tpu.memory_space<vmem>>
        %dma_wait3A_1489 = tpu.memref_squeeze %dma_wait3A_1488 : memref<1x8x128xf32, #tpu.memory_space<vmem>> -> memref<8x128xf32, #tpu.memory_space<vmem>>
        %dma_wait3A_1490 = arith.constant 0 : i32
        %dma_wait3A_1491 = arith.constant 0 : i32
        %dma_wait3A_1492 = tpu.memref_slice %arg4[%add3A_1094, %dma_wait3A_1485, %add3A, %dma_wait3A_1490, %dma_wait3A_1491] : memref<200x8x32x8x128xf32, #tpu.memory_space<hbm>> -> memref<1x1x1x8x128xf32, #tpu.memory_space<hbm>>
        %dma_wait3A_1493 = tpu.memref_squeeze %dma_wait3A_1492 : memref<1x1x1x8x128xf32, #tpu.memory_space<hbm>> -> memref<8x128xf32, #tpu.memory_space<hbm>>
        %dma_wait3A_1494 = arith.constant 0 : i32
        %dma_wait3A_1495 = arith.constant 0 : i32
        %dma_wait3A_1496 = tpu.memref_slice %arg4[%add3A_1094, %dma_wait3A_1485, %add3A, %dma_wait3A_1494, %dma_wait3A_1495] : memref<200x8x32x8x128xf32, #tpu.memory_space<hbm>> -> memref<1x1x1x8x128xf32, #tpu.memory_space<hbm>>
        %dma_wait3A_1497 = tpu.memref_squeeze %dma_wait3A_1496 : memref<1x1x1x8x128xf32, #tpu.memory_space<hbm>> -> memref<8x128xf32, #tpu.memory_space<hbm>>
        %dma_wait3A_1498 = arith.constant 8 : i32
        %dma_wait3A_1499 = arith.constant 0 : i32
        %dma_wait3A_1500 = tpu.memref_slice %arg7[%dma_wait3A_1484, %dma_wait3A_1498, %dma_wait3A_1499] : memref<2x64x128xf32, #tpu.memory_space<vmem>> -> memref<1x8x128xf32, #tpu.memory_space<vmem>>
        %dma_wait3A_1501 = tpu.memref_squeeze %dma_wait3A_1500 : memref<1x8x128xf32, #tpu.memory_space<vmem>> -> memref<8x128xf32, #tpu.memory_space<vmem>>
        tpu.wait_dma2 semaphore(%arg10 : memref<!tpu.dma_semaphore, #tpu.memory_space<semaphore_mem>>) src(%dma_wait3A_1501 : memref<8x128xf32, #tpu.memory_space<vmem>>) dst(%dma_wait3A_1497 : memref<8x128xf32, #tpu.memory_space<hbm>>)
        %dma_wait3A_1502 = arith.constant 0 : i32
        %dma_wait3A_1503 = arith.constant 2 : i32
        %dma_wait3A_1504 = arith.constant 16 : i32
        %dma_wait3A_1505 = arith.constant 0 : i32
        %dma_wait3A_1506 = tpu.memref_slice %arg7[%dma_wait3A_1502, %dma_wait3A_1504, %dma_wait3A_1505] : memref<2x64x128xf32, #tpu.memory_space<vmem>> -> memref<1x8x128xf32, #tpu.memory_space<vmem>>
        %dma_wait3A_1507 = tpu.memref_squeeze %dma_wait3A_1506 : memref<1x8x128xf32, #tpu.memory_space<vmem>> -> memref<8x128xf32, #tpu.memory_space<vmem>>
        %dma_wait3A_1508 = arith.constant 0 : i32
        %dma_wait3A_1509 = arith.constant 0 : i32
        %dma_wait3A_1510 = tpu.memref_slice %arg4[%add3A_1094, %dma_wait3A_1503, %add3A, %dma_wait3A_1508, %dma_wait3A_1509] : memref<200x8x32x8x128xf32, #tpu.memory_space<hbm>> -> memref<1x1x1x8x128xf32, #tpu.memory_space<hbm>>
        %dma_wait3A_1511 = tpu.memref_squeeze %dma_wait3A_1510 : memref<1x1x1x8x128xf32, #tpu.memory_space<hbm>> -> memref<8x128xf32, #tpu.memory_space<hbm>>
        %dma_wait3A_1512 = arith.constant 0 : i32
        %dma_wait3A_1513 = arith.constant 0 : i32
        %dma_wait3A_1514 = tpu.memref_slice %arg4[%add3A_1094, %dma_wait3A_1503, %add3A, %dma_wait3A_1512, %dma_wait3A_1513] : memref<200x8x32x8x128xf32, #tpu.memory_space<hbm>> -> memref<1x1x1x8x128xf32, #tpu.memory_space<hbm>>
        %dma_wait3A_1515 = tpu.memref_squeeze %dma_wait3A_1514 : memref<1x1x1x8x128xf32, #tpu.memory_space<hbm>> -> memref<8x128xf32, #tpu.memory_space<hbm>>
        %dma_wait3A_1516 = arith.constant 16 : i32
        %dma_wait3A_1517 = arith.constant 0 : i32
        %dma_wait3A_1518 = tpu.memref_slice %arg7[%dma_wait3A_1502, %dma_wait3A_1516, %dma_wait3A_1517] : memref<2x64x128xf32, #tpu.memory_space<vmem>> -> memref<1x8x128xf32, #tpu.memory_space<vmem>>
        %dma_wait3A_1519 = tpu.memref_squeeze %dma_wait3A_1518 : memref<1x8x128xf32, #tpu.memory_space<vmem>> -> memref<8x128xf32, #tpu.memory_space<vmem>>
        tpu.wait_dma2 semaphore(%arg10 : memref<!tpu.dma_semaphore, #tpu.memory_space<semaphore_mem>>) src(%dma_wait3A_1519 : memref<8x128xf32, #tpu.memory_space<vmem>>) dst(%dma_wait3A_1515 : memref<8x128xf32, #tpu.memory_space<hbm>>)
        %dma_wait3A_1520 = arith.constant 0 : i32
        %dma_wait3A_1521 = arith.constant 3 : i32
        %dma_wait3A_1522 = arith.constant 24 : i32
        %dma_wait3A_1523 = arith.constant 0 : i32
        %dma_wait3A_1524 = tpu.memref_slice %arg7[%dma_wait3A_1520, %dma_wait3A_1522, %dma_wait3A_1523] : memref<2x64x128xf32, #tpu.memory_space<vmem>> -> memref<1x8x128xf32, #tpu.memory_space<vmem>>
        %dma_wait3A_1525 = tpu.memref_squeeze %dma_wait3A_1524 : memref<1x8x128xf32, #tpu.memory_space<vmem>> -> memref<8x128xf32, #tpu.memory_space<vmem>>
        %dma_wait3A_1526 = arith.constant 0 : i32
        %dma_wait3A_1527 = arith.constant 0 : i32
        %dma_wait3A_1528 = tpu.memref_slice %arg4[%add3A_1094, %dma_wait3A_1521, %add3A, %dma_wait3A_1526, %dma_wait3A_1527] : memref<200x8x32x8x128xf32, #tpu.memory_space<hbm>> -> memref<1x1x1x8x128xf32, #tpu.memory_space<hbm>>
        %dma_wait3A_1529 = tpu.memref_squeeze %dma_wait3A_1528 : memref<1x1x1x8x128xf32, #tpu.memory_space<hbm>> -> memref<8x128xf32, #tpu.memory_space<hbm>>
        %dma_wait3A_1530 = arith.constant 0 : i32
        %dma_wait3A_1531 = arith.constant 0 : i32
        %dma_wait3A_1532 = tpu.memref_slice %arg4[%add3A_1094, %dma_wait3A_1521, %add3A, %dma_wait3A_1530, %dma_wait3A_1531] : memref<200x8x32x8x128xf32, #tpu.memory_space<hbm>> -> memref<1x1x1x8x128xf32, #tpu.memory_space<hbm>>
        %dma_wait3A_1533 = tpu.memref_squeeze %dma_wait3A_1532 : memref<1x1x1x8x128xf32, #tpu.memory_space<hbm>> -> memref<8x128xf32, #tpu.memory_space<hbm>>
        %dma_wait3A_1534 = arith.constant 24 : i32
        %dma_wait3A_1535 = arith.constant 0 : i32
        %dma_wait3A_1536 = tpu.memref_slice %arg7[%dma_wait3A_1520, %dma_wait3A_1534, %dma_wait3A_1535] : memref<2x64x128xf32, #tpu.memory_space<vmem>> -> memref<1x8x128xf32, #tpu.memory_space<vmem>>
        %dma_wait3A_1537 = tpu.memref_squeeze %dma_wait3A_1536 : memref<1x8x128xf32, #tpu.memory_space<vmem>> -> memref<8x128xf32, #tpu.memory_space<vmem>>
        tpu.wait_dma2 semaphore(%arg10 : memref<!tpu.dma_semaphore, #tpu.memory_space<semaphore_mem>>) src(%dma_wait3A_1537 : memref<8x128xf32, #tpu.memory_space<vmem>>) dst(%dma_wait3A_1533 : memref<8x128xf32, #tpu.memory_space<hbm>>)
        %dma_wait3A_1538 = arith.constant 0 : i32
        %dma_wait3A_1539 = arith.constant 4 : i32
        %dma_wait3A_1540 = arith.constant 32 : i32
        %dma_wait3A_1541 = arith.constant 0 : i32
        %dma_wait3A_1542 = tpu.memref_slice %arg7[%dma_wait3A_1538, %dma_wait3A_1540, %dma_wait3A_1541] : memref<2x64x128xf32, #tpu.memory_space<vmem>> -> memref<1x8x128xf32, #tpu.memory_space<vmem>>
        %dma_wait3A_1543 = tpu.memref_squeeze %dma_wait3A_1542 : memref<1x8x128xf32, #tpu.memory_space<vmem>> -> memref<8x128xf32, #tpu.memory_space<vmem>>
        %dma_wait3A_1544 = arith.constant 0 : i32
        %dma_wait3A_1545 = arith.constant 0 : i32
        %dma_wait3A_1546 = tpu.memref_slice %arg4[%add3A_1094, %dma_wait3A_1539, %add3A, %dma_wait3A_1544, %dma_wait3A_1545] : memref<200x8x32x8x128xf32, #tpu.memory_space<hbm>> -> memref<1x1x1x8x128xf32, #tpu.memory_space<hbm>>
        %dma_wait3A_1547 = tpu.memref_squeeze %dma_wait3A_1546 : memref<1x1x1x8x128xf32, #tpu.memory_space<hbm>> -> memref<8x128xf32, #tpu.memory_space<hbm>>
        %dma_wait3A_1548 = arith.constant 0 : i32
        %dma_wait3A_1549 = arith.constant 0 : i32
        %dma_wait3A_1550 = tpu.memref_slice %arg4[%add3A_1094, %dma_wait3A_1539, %add3A, %dma_wait3A_1548, %dma_wait3A_1549] : memref<200x8x32x8x128xf32, #tpu.memory_space<hbm>> -> memref<1x1x1x8x128xf32, #tpu.memory_space<hbm>>
        %dma_wait3A_1551 = tpu.memref_squeeze %dma_wait3A_1550 : memref<1x1x1x8x128xf32, #tpu.memory_space<hbm>> -> memref<8x128xf32, #tpu.memory_space<hbm>>
        %dma_wait3A_1552 = arith.constant 32 : i32
        %dma_wait3A_1553 = arith.constant 0 : i32
        %dma_wait3A_1554 = tpu.memref_slice %arg7[%dma_wait3A_1538, %dma_wait3A_1552, %dma_wait3A_1553] : memref<2x64x128xf32, #tpu.memory_space<vmem>> -> memref<1x8x128xf32, #tpu.memory_space<vmem>>
        %dma_wait3A_1555 = tpu.memref_squeeze %dma_wait3A_1554 : memref<1x8x128xf32, #tpu.memory_space<vmem>> -> memref<8x128xf32, #tpu.memory_space<vmem>>
        tpu.wait_dma2 semaphore(%arg10 : memref<!tpu.dma_semaphore, #tpu.memory_space<semaphore_mem>>) src(%dma_wait3A_1555 : memref<8x128xf32, #tpu.memory_space<vmem>>) dst(%dma_wait3A_1551 : memref<8x128xf32, #tpu.memory_space<hbm>>)
        %dma_wait3A_1556 = arith.constant 0 : i32
        %dma_wait3A_1557 = arith.constant 5 : i32
        %dma_wait3A_1558 = arith.constant 40 : i32
        %dma_wait3A_1559 = arith.constant 0 : i32
        %dma_wait3A_1560 = tpu.memref_slice %arg7[%dma_wait3A_1556, %dma_wait3A_1558, %dma_wait3A_1559] : memref<2x64x128xf32, #tpu.memory_space<vmem>> -> memref<1x8x128xf32, #tpu.memory_space<vmem>>
        %dma_wait3A_1561 = tpu.memref_squeeze %dma_wait3A_1560 : memref<1x8x128xf32, #tpu.memory_space<vmem>> -> memref<8x128xf32, #tpu.memory_space<vmem>>
        %dma_wait3A_1562 = arith.constant 0 : i32
        %dma_wait3A_1563 = arith.constant 0 : i32
        %dma_wait3A_1564 = tpu.memref_slice %arg4[%add3A_1094, %dma_wait3A_1557, %add3A, %dma_wait3A_1562, %dma_wait3A_1563] : memref<200x8x32x8x128xf32, #tpu.memory_space<hbm>> -> memref<1x1x1x8x128xf32, #tpu.memory_space<hbm>>
        %dma_wait3A_1565 = tpu.memref_squeeze %dma_wait3A_1564 : memref<1x1x1x8x128xf32, #tpu.memory_space<hbm>> -> memref<8x128xf32, #tpu.memory_space<hbm>>
        %dma_wait3A_1566 = arith.constant 0 : i32
        %dma_wait3A_1567 = arith.constant 0 : i32
        %dma_wait3A_1568 = tpu.memref_slice %arg4[%add3A_1094, %dma_wait3A_1557, %add3A, %dma_wait3A_1566, %dma_wait3A_1567] : memref<200x8x32x8x128xf32, #tpu.memory_space<hbm>> -> memref<1x1x1x8x128xf32, #tpu.memory_space<hbm>>
        %dma_wait3A_1569 = tpu.memref_squeeze %dma_wait3A_1568 : memref<1x1x1x8x128xf32, #tpu.memory_space<hbm>> -> memref<8x128xf32, #tpu.memory_space<hbm>>
        %dma_wait3A_1570 = arith.constant 40 : i32
        %dma_wait3A_1571 = arith.constant 0 : i32
        %dma_wait3A_1572 = tpu.memref_slice %arg7[%dma_wait3A_1556, %dma_wait3A_1570, %dma_wait3A_1571] : memref<2x64x128xf32, #tpu.memory_space<vmem>> -> memref<1x8x128xf32, #tpu.memory_space<vmem>>
        %dma_wait3A_1573 = tpu.memref_squeeze %dma_wait3A_1572 : memref<1x8x128xf32, #tpu.memory_space<vmem>> -> memref<8x128xf32, #tpu.memory_space<vmem>>
        tpu.wait_dma2 semaphore(%arg10 : memref<!tpu.dma_semaphore, #tpu.memory_space<semaphore_mem>>) src(%dma_wait3A_1573 : memref<8x128xf32, #tpu.memory_space<vmem>>) dst(%dma_wait3A_1569 : memref<8x128xf32, #tpu.memory_space<hbm>>)
        %dma_wait3A_1574 = arith.constant 0 : i32
        %dma_wait3A_1575 = arith.constant 6 : i32
        %dma_wait3A_1576 = arith.constant 48 : i32
        %dma_wait3A_1577 = arith.constant 0 : i32
        %dma_wait3A_1578 = tpu.memref_slice %arg7[%dma_wait3A_1574, %dma_wait3A_1576, %dma_wait3A_1577] : memref<2x64x128xf32, #tpu.memory_space<vmem>> -> memref<1x8x128xf32, #tpu.memory_space<vmem>>
        %dma_wait3A_1579 = tpu.memref_squeeze %dma_wait3A_1578 : memref<1x8x128xf32, #tpu.memory_space<vmem>> -> memref<8x128xf32, #tpu.memory_space<vmem>>
        %dma_wait3A_1580 = arith.constant 0 : i32
        %dma_wait3A_1581 = arith.constant 0 : i32
        %dma_wait3A_1582 = tpu.memref_slice %arg4[%add3A_1094, %dma_wait3A_1575, %add3A, %dma_wait3A_1580, %dma_wait3A_1581] : memref<200x8x32x8x128xf32, #tpu.memory_space<hbm>> -> memref<1x1x1x8x128xf32, #tpu.memory_space<hbm>>
        %dma_wait3A_1583 = tpu.memref_squeeze %dma_wait3A_1582 : memref<1x1x1x8x128xf32, #tpu.memory_space<hbm>> -> memref<8x128xf32, #tpu.memory_space<hbm>>
        %dma_wait3A_1584 = arith.constant 0 : i32
        %dma_wait3A_1585 = arith.constant 0 : i32
        %dma_wait3A_1586 = tpu.memref_slice %arg4[%add3A_1094, %dma_wait3A_1575, %add3A, %dma_wait3A_1584, %dma_wait3A_1585] : memref<200x8x32x8x128xf32, #tpu.memory_space<hbm>> -> memref<1x1x1x8x128xf32, #tpu.memory_space<hbm>>
        %dma_wait3A_1587 = tpu.memref_squeeze %dma_wait3A_1586 : memref<1x1x1x8x128xf32, #tpu.memory_space<hbm>> -> memref<8x128xf32, #tpu.memory_space<hbm>>
        %dma_wait3A_1588 = arith.constant 48 : i32
        %dma_wait3A_1589 = arith.constant 0 : i32
        %dma_wait3A_1590 = tpu.memref_slice %arg7[%dma_wait3A_1574, %dma_wait3A_1588, %dma_wait3A_1589] : memref<2x64x128xf32, #tpu.memory_space<vmem>> -> memref<1x8x128xf32, #tpu.memory_space<vmem>>
        %dma_wait3A_1591 = tpu.memref_squeeze %dma_wait3A_1590 : memref<1x8x128xf32, #tpu.memory_space<vmem>> -> memref<8x128xf32, #tpu.memory_space<vmem>>
        tpu.wait_dma2 semaphore(%arg10 : memref<!tpu.dma_semaphore, #tpu.memory_space<semaphore_mem>>) src(%dma_wait3A_1591 : memref<8x128xf32, #tpu.memory_space<vmem>>) dst(%dma_wait3A_1587 : memref<8x128xf32, #tpu.memory_space<hbm>>)
        %dma_wait3A_1592 = arith.constant 0 : i32
        %dma_wait3A_1593 = arith.constant 7 : i32
        %dma_wait3A_1594 = arith.constant 56 : i32
        %dma_wait3A_1595 = arith.constant 0 : i32
        %dma_wait3A_1596 = tpu.memref_slice %arg7[%dma_wait3A_1592, %dma_wait3A_1594, %dma_wait3A_1595] : memref<2x64x128xf32, #tpu.memory_space<vmem>> -> memref<1x8x128xf32, #tpu.memory_space<vmem>>
        %dma_wait3A_1597 = tpu.memref_squeeze %dma_wait3A_1596 : memref<1x8x128xf32, #tpu.memory_space<vmem>> -> memref<8x128xf32, #tpu.memory_space<vmem>>
        %dma_wait3A_1598 = arith.constant 0 : i32
        %dma_wait3A_1599 = arith.constant 0 : i32
        %dma_wait3A_1600 = tpu.memref_slice %arg4[%add3A_1094, %dma_wait3A_1593, %add3A, %dma_wait3A_1598, %dma_wait3A_1599] : memref<200x8x32x8x128xf32, #tpu.memory_space<hbm>> -> memref<1x1x1x8x128xf32, #tpu.memory_space<hbm>>
        %dma_wait3A_1601 = tpu.memref_squeeze %dma_wait3A_1600 : memref<1x1x1x8x128xf32, #tpu.memory_space<hbm>> -> memref<8x128xf32, #tpu.memory_space<hbm>>
        %dma_wait3A_1602 = arith.constant 0 : i32
        %dma_wait3A_1603 = arith.constant 0 : i32
        %dma_wait3A_1604 = tpu.memref_slice %arg4[%add3A_1094, %dma_wait3A_1593, %add3A, %dma_wait3A_1602, %dma_wait3A_1603] : memref<200x8x32x8x128xf32, #tpu.memory_space<hbm>> -> memref<1x1x1x8x128xf32, #tpu.memory_space<hbm>>
        %dma_wait3A_1605 = tpu.memref_squeeze %dma_wait3A_1604 : memref<1x1x1x8x128xf32, #tpu.memory_space<hbm>> -> memref<8x128xf32, #tpu.memory_space<hbm>>
        %dma_wait3A_1606 = arith.constant 56 : i32
        %dma_wait3A_1607 = arith.constant 0 : i32
        %dma_wait3A_1608 = tpu.memref_slice %arg7[%dma_wait3A_1592, %dma_wait3A_1606, %dma_wait3A_1607] : memref<2x64x128xf32, #tpu.memory_space<vmem>> -> memref<1x8x128xf32, #tpu.memory_space<vmem>>
        %dma_wait3A_1609 = tpu.memref_squeeze %dma_wait3A_1608 : memref<1x8x128xf32, #tpu.memory_space<vmem>> -> memref<8x128xf32, #tpu.memory_space<vmem>>
        tpu.wait_dma2 semaphore(%arg10 : memref<!tpu.dma_semaphore, #tpu.memory_space<semaphore_mem>>) src(%dma_wait3A_1609 : memref<8x128xf32, #tpu.memory_space<vmem>>) dst(%dma_wait3A_1605 : memref<8x128xf32, #tpu.memory_space<hbm>>)
      } else {
      }
      %parallel_loop3A_1112 = arith.constant 0 : i32
      %parallel_loop3A_1113 = arith.constant 32 : i32
      %parallel_loop3A_1114 = arith.constant 1 : i32
      %parallel_loop3A_1115 = arith.constant 0 : i32
      %parallel_loop3A_1116 = arith.constant 0 : i32
      scf.for %parallel_loop3A_1466 = %parallel_loop3A_1112 to %parallel_loop3A_1113 step %parallel_loop3A_1114  : i32 {
        %parallel_loop3A_1467 = arith.constant 7 : i32
        %parallel_loop3A_1468 = arith.andi %parallel_loop3A_1466, %parallel_loop3A_1467 : i32
        %parallel_loop3A_1469 = arith.constant 16 : i32
        %parallel_loop3A_1470 = arith.muli %parallel_loop3A_1468, %parallel_loop3A_1469 : i32
        %parallel_loop3A_1471 = arith.constant 3 : i32
        %parallel_loop3A_1472 = arith.shrui %parallel_loop3A_1466, %parallel_loop3A_1471 : i32
        %parallel_loop3A_1473 = arith.constant 16 : i32
        %parallel_loop3A_1474 = arith.muli %parallel_loop3A_1472, %parallel_loop3A_1473 : i32
        %parallel_loop3A_1475 = vector.broadcast %parallel_loop3A_1470 : i32 to vector<16xi32>
        %parallel_loop3A_1476 = arith.addi %iota3A, %parallel_loop3A_1475 : vector<16xi32>
        %parallel_loop3A_1477 = vector.broadcast %parallel_loop3A_1474 : i32 to vector<16xi32>
        %parallel_loop3A_1478 = arith.addi %and3A_7, %parallel_loop3A_1477 : vector<16xi32>
        %parallel_loop3A_1479 = arith.constant 0 : i32
        %parallel_loop3A_1480 = arith.constant 0 : i32
        %parallel_loop3A_1481 = tpu.memref_slice %arg6[%parallel_loop3A_1115, %parallel_loop3A_1479, %parallel_loop3A_1480] : memref<2x128x64xf32, #tpu.memory_space<vmem>> -> memref<1x128x64xf32, #tpu.memory_space<vmem>>
        %parallel_loop3A_1482 = tpu.memref_squeeze %parallel_loop3A_1481 : memref<1x128x64xf32, #tpu.memory_space<vmem>> -> memref<128x64xf32, #tpu.memory_space<vmem>>
        %parallel_loop3A_1483 = tpu.vector_load_idx %parallel_loop3A_1482[%parallel_loop3A_1476, %parallel_loop3A_1478] : memref<128x64xf32, #tpu.memory_space<vmem>>[vector<16xi32>, vector<16xi32>], vector<16xf32>,
        %parallel_loop3A_1484 = arith.constant 0 : i32
        %parallel_loop3A_1485 = arith.constant 0 : i32
        %parallel_loop3A_1486 = tpu.memref_slice %arg7[%parallel_loop3A_1116, %parallel_loop3A_1484, %parallel_loop3A_1485] : memref<2x64x128xf32, #tpu.memory_space<vmem>> -> memref<1x64x128xf32, #tpu.memory_space<vmem>>
        %parallel_loop3A_1487 = tpu.memref_squeeze %parallel_loop3A_1486 : memref<1x64x128xf32, #tpu.memory_space<vmem>> -> memref<64x128xf32, #tpu.memory_space<vmem>>
        tpu.vector_store_idx %parallel_loop3A_1487[%parallel_loop3A_1478, %parallel_loop3A_1476], %parallel_loop3A_1483 : memref<64x128xf32, #tpu.memory_space<vmem>>[vector<16xi32>, vector<16xi32>], vector<16xf32>,
        %parallel_loop3A_1488 = vector.broadcast %parallel_loop3A_1474 : i32 to vector<16xi32>
        %parallel_loop3A_1489 = arith.addi %and3A_13, %parallel_loop3A_1488 : vector<16xi32>
        %parallel_loop3A_1490 = arith.constant 0 : i32
        %parallel_loop3A_1491 = arith.constant 0 : i32
        %parallel_loop3A_1492 = tpu.memref_slice %arg6[%parallel_loop3A_1115, %parallel_loop3A_1490, %parallel_loop3A_1491] : memref<2x128x64xf32, #tpu.memory_space<vmem>> -> memref<1x128x64xf32, #tpu.memory_space<vmem>>
        %parallel_loop3A_1493 = tpu.memref_squeeze %parallel_loop3A_1492 : memref<1x128x64xf32, #tpu.memory_space<vmem>> -> memref<128x64xf32, #tpu.memory_space<vmem>>
        %parallel_loop3A_1494 = tpu.vector_load_idx %parallel_loop3A_1493[%parallel_loop3A_1476, %parallel_loop3A_1489] : memref<128x64xf32, #tpu.memory_space<vmem>>[vector<16xi32>, vector<16xi32>], vector<16xf32>,
        %parallel_loop3A_1495 = arith.constant 0 : i32
        %parallel_loop3A_1496 = arith.constant 0 : i32
        %parallel_loop3A_1497 = tpu.memref_slice %arg7[%parallel_loop3A_1116, %parallel_loop3A_1495, %parallel_loop3A_1496] : memref<2x64x128xf32, #tpu.memory_space<vmem>> -> memref<1x64x128xf32, #tpu.memory_space<vmem>>
        %parallel_loop3A_1498 = tpu.memref_squeeze %parallel_loop3A_1497 : memref<1x64x128xf32, #tpu.memory_space<vmem>> -> memref<64x128xf32, #tpu.memory_space<vmem>>
        tpu.vector_store_idx %parallel_loop3A_1498[%parallel_loop3A_1489, %parallel_loop3A_1476], %parallel_loop3A_1494 : memref<64x128xf32, #tpu.memory_space<vmem>>[vector<16xi32>, vector<16xi32>], vector<16xf32>,
        %parallel_loop3A_1499 = vector.broadcast %parallel_loop3A_1474 : i32 to vector<16xi32>
        %parallel_loop3A_1500 = arith.addi %and3A_19, %parallel_loop3A_1499 : vector<16xi32>
        %parallel_loop3A_1501 = arith.constant 0 : i32
        %parallel_loop3A_1502 = arith.constant 0 : i32
        %parallel_loop3A_1503 = tpu.memref_slice %arg6[%parallel_loop3A_1115, %parallel_loop3A_1501, %parallel_loop3A_1502] : memref<2x128x64xf32, #tpu.memory_space<vmem>> -> memref<1x128x64xf32, #tpu.memory_space<vmem>>
        %parallel_loop3A_1504 = tpu.memref_squeeze %parallel_loop3A_1503 : memref<1x128x64xf32, #tpu.memory_space<vmem>> -> memref<128x64xf32, #tpu.memory_space<vmem>>
        %parallel_loop3A_1505 = tpu.vector_load_idx %parallel_loop3A_1504[%parallel_loop3A_1476, %parallel_loop3A_1500] : memref<128x64xf32, #tpu.memory_space<vmem>>[vector<16xi32>, vector<16xi32>], vector<16xf32>,
        %parallel_loop3A_1506 = arith.constant 0 : i32
        %parallel_loop3A_1507 = arith.constant 0 : i32
        %parallel_loop3A_1508 = tpu.memref_slice %arg7[%parallel_loop3A_1116, %parallel_loop3A_1506, %parallel_loop3A_1507] : memref<2x64x128xf32, #tpu.memory_space<vmem>> -> memref<1x64x128xf32, #tpu.memory_space<vmem>>
        %parallel_loop3A_1509 = tpu.memref_squeeze %parallel_loop3A_1508 : memref<1x64x128xf32, #tpu.memory_space<vmem>> -> memref<64x128xf32, #tpu.memory_space<vmem>>
        tpu.vector_store_idx %parallel_loop3A_1509[%parallel_loop3A_1500, %parallel_loop3A_1476], %parallel_loop3A_1505 : memref<64x128xf32, #tpu.memory_space<vmem>>[vector<16xi32>, vector<16xi32>], vector<16xf32>,
        %parallel_loop3A_1510 = vector.broadcast %parallel_loop3A_1474 : i32 to vector<16xi32>
        %parallel_loop3A_1511 = arith.addi %and3A_25, %parallel_loop3A_1510 : vector<16xi32>
        %parallel_loop3A_1512 = arith.constant 0 : i32
        %parallel_loop3A_1513 = arith.constant 0 : i32
        %parallel_loop3A_1514 = tpu.memref_slice %arg6[%parallel_loop3A_1115, %parallel_loop3A_1512, %parallel_loop3A_1513] : memref<2x128x64xf32, #tpu.memory_space<vmem>> -> memref<1x128x64xf32, #tpu.memory_space<vmem>>
        %parallel_loop3A_1515 = tpu.memref_squeeze %parallel_loop3A_1514 : memref<1x128x64xf32, #tpu.memory_space<vmem>> -> memref<128x64xf32, #tpu.memory_space<vmem>>
        %parallel_loop3A_1516 = tpu.vector_load_idx %parallel_loop3A_1515[%parallel_loop3A_1476, %parallel_loop3A_1511] : memref<128x64xf32, #tpu.memory_space<vmem>>[vector<16xi32>, vector<16xi32>], vector<16xf32>,
        %parallel_loop3A_1517 = arith.constant 0 : i32
        %parallel_loop3A_1518 = arith.constant 0 : i32
        %parallel_loop3A_1519 = tpu.memref_slice %arg7[%parallel_loop3A_1116, %parallel_loop3A_1517, %parallel_loop3A_1518] : memref<2x64x128xf32, #tpu.memory_space<vmem>> -> memref<1x64x128xf32, #tpu.memory_space<vmem>>
        %parallel_loop3A_1520 = tpu.memref_squeeze %parallel_loop3A_1519 : memref<1x64x128xf32, #tpu.memory_space<vmem>> -> memref<64x128xf32, #tpu.memory_space<vmem>>
        tpu.vector_store_idx %parallel_loop3A_1520[%parallel_loop3A_1511, %parallel_loop3A_1476], %parallel_loop3A_1516 : memref<64x128xf32, #tpu.memory_space<vmem>>[vector<16xi32>, vector<16xi32>], vector<16xf32>,
        %parallel_loop3A_1521 = vector.broadcast %parallel_loop3A_1474 : i32 to vector<16xi32>
        %parallel_loop3A_1522 = arith.addi %and3A_31, %parallel_loop3A_1521 : vector<16xi32>
        %parallel_loop3A_1523 = arith.constant 0 : i32
        %parallel_loop3A_1524 = arith.constant 0 : i32
        %parallel_loop3A_1525 = tpu.memref_slice %arg6[%parallel_loop3A_1115, %parallel_loop3A_1523, %parallel_loop3A_1524] : memref<2x128x64xf32, #tpu.memory_space<vmem>> -> memref<1x128x64xf32, #tpu.memory_space<vmem>>
        %parallel_loop3A_1526 = tpu.memref_squeeze %parallel_loop3A_1525 : memref<1x128x64xf32, #tpu.memory_space<vmem>> -> memref<128x64xf32, #tpu.memory_space<vmem>>
        %parallel_loop3A_1527 = tpu.vector_load_idx %parallel_loop3A_1526[%parallel_loop3A_1476, %parallel_loop3A_1522] : memref<128x64xf32, #tpu.memory_space<vmem>>[vector<16xi32>, vector<16xi32>], vector<16xf32>,
        %parallel_loop3A_1528 = arith.constant 0 : i32
        %parallel_loop3A_1529 = arith.constant 0 : i32
        %parallel_loop3A_1530 = tpu.memref_slice %arg7[%parallel_loop3A_1116, %parallel_loop3A_1528, %parallel_loop3A_1529] : memref<2x64x128xf32, #tpu.memory_space<vmem>> -> memref<1x64x128xf32, #tpu.memory_space<vmem>>
        %parallel_loop3A_1531 = tpu.memref_squeeze %parallel_loop3A_1530 : memref<1x64x128xf32, #tpu.memory_space<vmem>> -> memref<64x128xf32, #tpu.memory_space<vmem>>
        tpu.vector_store_idx %parallel_loop3A_1531[%parallel_loop3A_1522, %parallel_loop3A_1476], %parallel_loop3A_1527 : memref<64x128xf32, #tpu.memory_space<vmem>>[vector<16xi32>, vector<16xi32>], vector<16xf32>,
        %parallel_loop3A_1532 = vector.broadcast %parallel_loop3A_1474 : i32 to vector<16xi32>
        %parallel_loop3A_1533 = arith.addi %and3A_37, %parallel_loop3A_1532 : vector<16xi32>
        %parallel_loop3A_1534 = arith.constant 0 : i32
        %parallel_loop3A_1535 = arith.constant 0 : i32
        %parallel_loop3A_1536 = tpu.memref_slice %arg6[%parallel_loop3A_1115, %parallel_loop3A_1534, %parallel_loop3A_1535] : memref<2x128x64xf32, #tpu.memory_space<vmem>> -> memref<1x128x64xf32, #tpu.memory_space<vmem>>
        %parallel_loop3A_1537 = tpu.memref_squeeze %parallel_loop3A_1536 : memref<1x128x64xf32, #tpu.memory_space<vmem>> -> memref<128x64xf32, #tpu.memory_space<vmem>>
        %parallel_loop3A_1538 = tpu.vector_load_idx %parallel_loop3A_1537[%parallel_loop3A_1476, %parallel_loop3A_1533] : memref<128x64xf32, #tpu.memory_space<vmem>>[vector<16xi32>, vector<16xi32>], vector<16xf32>,
        %parallel_loop3A_1539 = arith.constant 0 : i32
        %parallel_loop3A_1540 = arith.constant 0 : i32
        %parallel_loop3A_1541 = tpu.memref_slice %arg7[%parallel_loop3A_1116, %parallel_loop3A_1539, %parallel_loop3A_1540] : memref<2x64x128xf32, #tpu.memory_space<vmem>> -> memref<1x64x128xf32, #tpu.memory_space<vmem>>
        %parallel_loop3A_1542 = tpu.memref_squeeze %parallel_loop3A_1541 : memref<1x64x128xf32, #tpu.memory_space<vmem>> -> memref<64x128xf32, #tpu.memory_space<vmem>>
        tpu.vector_store_idx %parallel_loop3A_1542[%parallel_loop3A_1533, %parallel_loop3A_1476], %parallel_loop3A_1538 : memref<64x128xf32, #tpu.memory_space<vmem>>[vector<16xi32>, vector<16xi32>], vector<16xf32>,
        %parallel_loop3A_1543 = vector.broadcast %parallel_loop3A_1474 : i32 to vector<16xi32>
        %parallel_loop3A_1544 = arith.addi %and3A_43, %parallel_loop3A_1543 : vector<16xi32>
        %parallel_loop3A_1545 = arith.constant 0 : i32
        %parallel_loop3A_1546 = arith.constant 0 : i32
        %parallel_loop3A_1547 = tpu.memref_slice %arg6[%parallel_loop3A_1115, %parallel_loop3A_1545, %parallel_loop3A_1546] : memref<2x128x64xf32, #tpu.memory_space<vmem>> -> memref<1x128x64xf32, #tpu.memory_space<vmem>>
        %parallel_loop3A_1548 = tpu.memref_squeeze %parallel_loop3A_1547 : memref<1x128x64xf32, #tpu.memory_space<vmem>> -> memref<128x64xf32, #tpu.memory_space<vmem>>
        %parallel_loop3A_1549 = tpu.vector_load_idx %parallel_loop3A_1548[%parallel_loop3A_1476, %parallel_loop3A_1544] : memref<128x64xf32, #tpu.memory_space<vmem>>[vector<16xi32>, vector<16xi32>], vector<16xf32>,
        %parallel_loop3A_1550 = arith.constant 0 : i32
        %parallel_loop3A_1551 = arith.constant 0 : i32
        %parallel_loop3A_1552 = tpu.memref_slice %arg7[%parallel_loop3A_1116, %parallel_loop3A_1550, %parallel_loop3A_1551] : memref<2x64x128xf32, #tpu.memory_space<vmem>> -> memref<1x64x128xf32, #tpu.memory_space<vmem>>
        %parallel_loop3A_1553 = tpu.memref_squeeze %parallel_loop3A_1552 : memref<1x64x128xf32, #tpu.memory_space<vmem>> -> memref<64x128xf32, #tpu.memory_space<vmem>>
        tpu.vector_store_idx %parallel_loop3A_1553[%parallel_loop3A_1544, %parallel_loop3A_1476], %parallel_loop3A_1549 : memref<64x128xf32, #tpu.memory_space<vmem>>[vector<16xi32>, vector<16xi32>], vector<16xf32>,
        %parallel_loop3A_1554 = vector.broadcast %parallel_loop3A_1474 : i32 to vector<16xi32>
        %parallel_loop3A_1555 = arith.addi %and3A_49, %parallel_loop3A_1554 : vector<16xi32>
        %parallel_loop3A_1556 = arith.constant 0 : i32
        %parallel_loop3A_1557 = arith.constant 0 : i32
        %parallel_loop3A_1558 = tpu.memref_slice %arg6[%parallel_loop3A_1115, %parallel_loop3A_1556, %parallel_loop3A_1557] : memref<2x128x64xf32, #tpu.memory_space<vmem>> -> memref<1x128x64xf32, #tpu.memory_space<vmem>>
        %parallel_loop3A_1559 = tpu.memref_squeeze %parallel_loop3A_1558 : memref<1x128x64xf32, #tpu.memory_space<vmem>> -> memref<128x64xf32, #tpu.memory_space<vmem>>
        %parallel_loop3A_1560 = tpu.vector_load_idx %parallel_loop3A_1559[%parallel_loop3A_1476, %parallel_loop3A_1555] : memref<128x64xf32, #tpu.memory_space<vmem>>[vector<16xi32>, vector<16xi32>], vector<16xf32>,
        %parallel_loop3A_1561 = arith.constant 0 : i32
        %parallel_loop3A_1562 = arith.constant 0 : i32
        %parallel_loop3A_1563 = tpu.memref_slice %arg7[%parallel_loop3A_1116, %parallel_loop3A_1561, %parallel_loop3A_1562] : memref<2x64x128xf32, #tpu.memory_space<vmem>> -> memref<1x64x128xf32, #tpu.memory_space<vmem>>
        %parallel_loop3A_1564 = tpu.memref_squeeze %parallel_loop3A_1563 : memref<1x64x128xf32, #tpu.memory_space<vmem>> -> memref<64x128xf32, #tpu.memory_space<vmem>>
        tpu.vector_store_idx %parallel_loop3A_1564[%parallel_loop3A_1555, %parallel_loop3A_1476], %parallel_loop3A_1560 : memref<64x128xf32, #tpu.memory_space<vmem>>[vector<16xi32>, vector<16xi32>], vector<16xf32>,
        %parallel_loop3A_1565 = vector.broadcast %parallel_loop3A_1474 : i32 to vector<16xi32>
        %parallel_loop3A_1566 = arith.addi %and3A_55, %parallel_loop3A_1565 : vector<16xi32>
        %parallel_loop3A_1567 = arith.constant 0 : i32
        %parallel_loop3A_1568 = arith.constant 0 : i32
        %parallel_loop3A_1569 = tpu.memref_slice %arg6[%parallel_loop3A_1115, %parallel_loop3A_1567, %parallel_loop3A_1568] : memref<2x128x64xf32, #tpu.memory_space<vmem>> -> memref<1x128x64xf32, #tpu.memory_space<vmem>>
        %parallel_loop3A_1570 = tpu.memref_squeeze %parallel_loop3A_1569 : memref<1x128x64xf32, #tpu.memory_space<vmem>> -> memref<128x64xf32, #tpu.memory_space<vmem>>
        %parallel_loop3A_1571 = tpu.vector_load_idx %parallel_loop3A_1570[%parallel_loop3A_1476, %parallel_loop3A_1566] : memref<128x64xf32, #tpu.memory_space<vmem>>[vector<16xi32>, vector<16xi32>], vector<16xf32>,
        %parallel_loop3A_1572 = arith.constant 0 : i32
        %parallel_loop3A_1573 = arith.constant 0 : i32
        %parallel_loop3A_1574 = tpu.memref_slice %arg7[%parallel_loop3A_1116, %parallel_loop3A_1572, %parallel_loop3A_1573] : memref<2x64x128xf32, #tpu.memory_space<vmem>> -> memref<1x64x128xf32, #tpu.memory_space<vmem>>
        %parallel_loop3A_1575 = tpu.memref_squeeze %parallel_loop3A_1574 : memref<1x64x128xf32, #tpu.memory_space<vmem>> -> memref<64x128xf32, #tpu.memory_space<vmem>>
        tpu.vector_store_idx %parallel_loop3A_1575[%parallel_loop3A_1566, %parallel_loop3A_1476], %parallel_loop3A_1571 : memref<64x128xf32, #tpu.memory_space<vmem>>[vector<16xi32>, vector<16xi32>], vector<16xf32>,
        %parallel_loop3A_1576 = vector.broadcast %parallel_loop3A_1474 : i32 to vector<16xi32>
        %parallel_loop3A_1577 = arith.addi %and3A_61, %parallel_loop3A_1576 : vector<16xi32>
        %parallel_loop3A_1578 = arith.constant 0 : i32
        %parallel_loop3A_1579 = arith.constant 0 : i32
        %parallel_loop3A_1580 = tpu.memref_slice %arg6[%parallel_loop3A_1115, %parallel_loop3A_1578, %parallel_loop3A_1579] : memref<2x128x64xf32, #tpu.memory_space<vmem>> -> memref<1x128x64xf32, #tpu.memory_space<vmem>>
        %parallel_loop3A_1581 = tpu.memref_squeeze %parallel_loop3A_1580 : memref<1x128x64xf32, #tpu.memory_space<vmem>> -> memref<128x64xf32, #tpu.memory_space<vmem>>
        %parallel_loop3A_1582 = tpu.vector_load_idx %parallel_loop3A_1581[%parallel_loop3A_1476, %parallel_loop3A_1577] : memref<128x64xf32, #tpu.memory_space<vmem>>[vector<16xi32>, vector<16xi32>], vector<16xf32>,
        %parallel_loop3A_1583 = arith.constant 0 : i32
        %parallel_loop3A_1584 = arith.constant 0 : i32
        %parallel_loop3A_1585 = tpu.memref_slice %arg7[%parallel_loop3A_1116, %parallel_loop3A_1583, %parallel_loop3A_1584] : memref<2x64x128xf32, #tpu.memory_space<vmem>> -> memref<1x64x128xf32, #tpu.memory_space<vmem>>
        %parallel_loop3A_1586 = tpu.memref_squeeze %parallel_loop3A_1585 : memref<1x64x128xf32, #tpu.memory_space<vmem>> -> memref<64x128xf32, #tpu.memory_space<vmem>>
        tpu.vector_store_idx %parallel_loop3A_1586[%parallel_loop3A_1577, %parallel_loop3A_1476], %parallel_loop3A_1582 : memref<64x128xf32, #tpu.memory_space<vmem>>[vector<16xi32>, vector<16xi32>], vector<16xf32>,
        %parallel_loop3A_1587 = vector.broadcast %parallel_loop3A_1474 : i32 to vector<16xi32>
        %parallel_loop3A_1588 = arith.addi %and3A_67, %parallel_loop3A_1587 : vector<16xi32>
        %parallel_loop3A_1589 = arith.constant 0 : i32
        %parallel_loop3A_1590 = arith.constant 0 : i32
        %parallel_loop3A_1591 = tpu.memref_slice %arg6[%parallel_loop3A_1115, %parallel_loop3A_1589, %parallel_loop3A_1590] : memref<2x128x64xf32, #tpu.memory_space<vmem>> -> memref<1x128x64xf32, #tpu.memory_space<vmem>>
        %parallel_loop3A_1592 = tpu.memref_squeeze %parallel_loop3A_1591 : memref<1x128x64xf32, #tpu.memory_space<vmem>> -> memref<128x64xf32, #tpu.memory_space<vmem>>
        %parallel_loop3A_1593 = tpu.vector_load_idx %parallel_loop3A_1592[%parallel_loop3A_1476, %parallel_loop3A_1588] : memref<128x64xf32, #tpu.memory_space<vmem>>[vector<16xi32>, vector<16xi32>], vector<16xf32>,
        %parallel_loop3A_1594 = arith.constant 0 : i32
        %parallel_loop3A_1595 = arith.constant 0 : i32
        %parallel_loop3A_1596 = tpu.memref_slice %arg7[%parallel_loop3A_1116, %parallel_loop3A_1594, %parallel_loop3A_1595] : memref<2x64x128xf32, #tpu.memory_space<vmem>> -> memref<1x64x128xf32, #tpu.memory_space<vmem>>
        %parallel_loop3A_1597 = tpu.memref_squeeze %parallel_loop3A_1596 : memref<1x64x128xf32, #tpu.memory_space<vmem>> -> memref<64x128xf32, #tpu.memory_space<vmem>>
        tpu.vector_store_idx %parallel_loop3A_1597[%parallel_loop3A_1588, %parallel_loop3A_1476], %parallel_loop3A_1593 : memref<64x128xf32, #tpu.memory_space<vmem>>[vector<16xi32>, vector<16xi32>], vector<16xf32>,
        %parallel_loop3A_1598 = vector.broadcast %parallel_loop3A_1474 : i32 to vector<16xi32>
        %parallel_loop3A_1599 = arith.addi %and3A_73, %parallel_loop3A_1598 : vector<16xi32>
        %parallel_loop3A_1600 = arith.constant 0 : i32
        %parallel_loop3A_1601 = arith.constant 0 : i32
        %parallel_loop3A_1602 = tpu.memref_slice %arg6[%parallel_loop3A_1115, %parallel_loop3A_1600, %parallel_loop3A_1601] : memref<2x128x64xf32, #tpu.memory_space<vmem>> -> memref<1x128x64xf32, #tpu.memory_space<vmem>>
        %parallel_loop3A_1603 = tpu.memref_squeeze %parallel_loop3A_1602 : memref<1x128x64xf32, #tpu.memory_space<vmem>> -> memref<128x64xf32, #tpu.memory_space<vmem>>
        %parallel_loop3A_1604 = tpu.vector_load_idx %parallel_loop3A_1603[%parallel_loop3A_1476, %parallel_loop3A_1599] : memref<128x64xf32, #tpu.memory_space<vmem>>[vector<16xi32>, vector<16xi32>], vector<16xf32>,
        %parallel_loop3A_1605 = arith.constant 0 : i32
        %parallel_loop3A_1606 = arith.constant 0 : i32
        %parallel_loop3A_1607 = tpu.memref_slice %arg7[%parallel_loop3A_1116, %parallel_loop3A_1605, %parallel_loop3A_1606] : memref<2x64x128xf32, #tpu.memory_space<vmem>> -> memref<1x64x128xf32, #tpu.memory_space<vmem>>
        %parallel_loop3A_1608 = tpu.memref_squeeze %parallel_loop3A_1607 : memref<1x64x128xf32, #tpu.memory_space<vmem>> -> memref<64x128xf32, #tpu.memory_space<vmem>>
        tpu.vector_store_idx %parallel_loop3A_1608[%parallel_loop3A_1599, %parallel_loop3A_1476], %parallel_loop3A_1604 : memref<64x128xf32, #tpu.memory_space<vmem>>[vector<16xi32>, vector<16xi32>], vector<16xf32>,
        %parallel_loop3A_1609 = vector.broadcast %parallel_loop3A_1474 : i32 to vector<16xi32>
        %parallel_loop3A_1610 = arith.addi %and3A_79, %parallel_loop3A_1609 : vector<16xi32>
        %parallel_loop3A_1611 = arith.constant 0 : i32
        %parallel_loop3A_1612 = arith.constant 0 : i32
        %parallel_loop3A_1613 = tpu.memref_slice %arg6[%parallel_loop3A_1115, %parallel_loop3A_1611, %parallel_loop3A_1612] : memref<2x128x64xf32, #tpu.memory_space<vmem>> -> memref<1x128x64xf32, #tpu.memory_space<vmem>>
        %parallel_loop3A_1614 = tpu.memref_squeeze %parallel_loop3A_1613 : memref<1x128x64xf32, #tpu.memory_space<vmem>> -> memref<128x64xf32, #tpu.memory_space<vmem>>
        %parallel_loop3A_1615 = tpu.vector_load_idx %parallel_loop3A_1614[%parallel_loop3A_1476, %parallel_loop3A_1610] : memref<128x64xf32, #tpu.memory_space<vmem>>[vector<16xi32>, vector<16xi32>], vector<16xf32>,
        %parallel_loop3A_1616 = arith.constant 0 : i32
        %parallel_loop3A_1617 = arith.constant 0 : i32
        %parallel_loop3A_1618 = tpu.memref_slice %arg7[%parallel_loop3A_1116, %parallel_loop3A_1616, %parallel_loop3A_1617] : memref<2x64x128xf32, #tpu.memory_space<vmem>> -> memref<1x64x128xf32, #tpu.memory_space<vmem>>
        %parallel_loop3A_1619 = tpu.memref_squeeze %parallel_loop3A_1618 : memref<1x64x128xf32, #tpu.memory_space<vmem>> -> memref<64x128xf32, #tpu.memory_space<vmem>>
        tpu.vector_store_idx %parallel_loop3A_1619[%parallel_loop3A_1610, %parallel_loop3A_1476], %parallel_loop3A_1615 : memref<64x128xf32, #tpu.memory_space<vmem>>[vector<16xi32>, vector<16xi32>], vector<16xf32>,
        %parallel_loop3A_1620 = vector.broadcast %parallel_loop3A_1474 : i32 to vector<16xi32>
        %parallel_loop3A_1621 = arith.addi %and3A_85, %parallel_loop3A_1620 : vector<16xi32>
        %parallel_loop3A_1622 = arith.constant 0 : i32
        %parallel_loop3A_1623 = arith.constant 0 : i32
        %parallel_loop3A_1624 = tpu.memref_slice %arg6[%parallel_loop3A_1115, %parallel_loop3A_1622, %parallel_loop3A_1623] : memref<2x128x64xf32, #tpu.memory_space<vmem>> -> memref<1x128x64xf32, #tpu.memory_space<vmem>>
        %parallel_loop3A_1625 = tpu.memref_squeeze %parallel_loop3A_1624 : memref<1x128x64xf32, #tpu.memory_space<vmem>> -> memref<128x64xf32, #tpu.memory_space<vmem>>
        %parallel_loop3A_1626 = tpu.vector_load_idx %parallel_loop3A_1625[%parallel_loop3A_1476, %parallel_loop3A_1621] : memref<128x64xf32, #tpu.memory_space<vmem>>[vector<16xi32>, vector<16xi32>], vector<16xf32>,
        %parallel_loop3A_1627 = arith.constant 0 : i32
        %parallel_loop3A_1628 = arith.constant 0 : i32
        %parallel_loop3A_1629 = tpu.memref_slice %arg7[%parallel_loop3A_1116, %parallel_loop3A_1627, %parallel_loop3A_1628] : memref<2x64x128xf32, #tpu.memory_space<vmem>> -> memref<1x64x128xf32, #tpu.memory_space<vmem>>
        %parallel_loop3A_1630 = tpu.memref_squeeze %parallel_loop3A_1629 : memref<1x64x128xf32, #tpu.memory_space<vmem>> -> memref<64x128xf32, #tpu.memory_space<vmem>>
        tpu.vector_store_idx %parallel_loop3A_1630[%parallel_loop3A_1621, %parallel_loop3A_1476], %parallel_loop3A_1626 : memref<64x128xf32, #tpu.memory_space<vmem>>[vector<16xi32>, vector<16xi32>], vector<16xf32>,
        %parallel_loop3A_1631 = vector.broadcast %parallel_loop3A_1474 : i32 to vector<16xi32>
        %parallel_loop3A_1632 = arith.addi %and3A_91, %parallel_loop3A_1631 : vector<16xi32>
        %parallel_loop3A_1633 = arith.constant 0 : i32
        %parallel_loop3A_1634 = arith.constant 0 : i32
        %parallel_loop3A_1635 = tpu.memref_slice %arg6[%parallel_loop3A_1115, %parallel_loop3A_1633, %parallel_loop3A_1634] : memref<2x128x64xf32, #tpu.memory_space<vmem>> -> memref<1x128x64xf32, #tpu.memory_space<vmem>>
        %parallel_loop3A_1636 = tpu.memref_squeeze %parallel_loop3A_1635 : memref<1x128x64xf32, #tpu.memory_space<vmem>> -> memref<128x64xf32, #tpu.memory_space<vmem>>
        %parallel_loop3A_1637 = tpu.vector_load_idx %parallel_loop3A_1636[%parallel_loop3A_1476, %parallel_loop3A_1632] : memref<128x64xf32, #tpu.memory_space<vmem>>[vector<16xi32>, vector<16xi32>], vector<16xf32>,
        %parallel_loop3A_1638 = arith.constant 0 : i32
        %parallel_loop3A_1639 = arith.constant 0 : i32
        %parallel_loop3A_1640 = tpu.memref_slice %arg7[%parallel_loop3A_1116, %parallel_loop3A_1638, %parallel_loop3A_1639] : memref<2x64x128xf32, #tpu.memory_space<vmem>> -> memref<1x64x128xf32, #tpu.memory_space<vmem>>
        %parallel_loop3A_1641 = tpu.memref_squeeze %parallel_loop3A_1640 : memref<1x64x128xf32, #tpu.memory_space<vmem>> -> memref<64x128xf32, #tpu.memory_space<vmem>>
        tpu.vector_store_idx %parallel_loop3A_1641[%parallel_loop3A_1632, %parallel_loop3A_1476], %parallel_loop3A_1637 : memref<64x128xf32, #tpu.memory_space<vmem>>[vector<16xi32>, vector<16xi32>], vector<16xf32>,
        %parallel_loop3A_1642 = vector.broadcast %parallel_loop3A_1474 : i32 to vector<16xi32>
        %parallel_loop3A_1643 = arith.addi %and3A_97, %parallel_loop3A_1642 : vector<16xi32>
        %parallel_loop3A_1644 = arith.constant 0 : i32
        %parallel_loop3A_1645 = arith.constant 0 : i32
        %parallel_loop3A_1646 = tpu.memref_slice %arg6[%parallel_loop3A_1115, %parallel_loop3A_1644, %parallel_loop3A_1645] : memref<2x128x64xf32, #tpu.memory_space<vmem>> -> memref<1x128x64xf32, #tpu.memory_space<vmem>>
        %parallel_loop3A_1647 = tpu.memref_squeeze %parallel_loop3A_1646 : memref<1x128x64xf32, #tpu.memory_space<vmem>> -> memref<128x64xf32, #tpu.memory_space<vmem>>
        %parallel_loop3A_1648 = tpu.vector_load_idx %parallel_loop3A_1647[%parallel_loop3A_1476, %parallel_loop3A_1643] : memref<128x64xf32, #tpu.memory_space<vmem>>[vector<16xi32>, vector<16xi32>], vector<16xf32>,
        %parallel_loop3A_1649 = arith.constant 0 : i32
        %parallel_loop3A_1650 = arith.constant 0 : i32
        %parallel_loop3A_1651 = tpu.memref_slice %arg7[%parallel_loop3A_1116, %parallel_loop3A_1649, %parallel_loop3A_1650] : memref<2x64x128xf32, #tpu.memory_space<vmem>> -> memref<1x64x128xf32, #tpu.memory_space<vmem>>
        %parallel_loop3A_1652 = tpu.memref_squeeze %parallel_loop3A_1651 : memref<1x64x128xf32, #tpu.memory_space<vmem>> -> memref<64x128xf32, #tpu.memory_space<vmem>>
        tpu.vector_store_idx %parallel_loop3A_1652[%parallel_loop3A_1643, %parallel_loop3A_1476], %parallel_loop3A_1648 : memref<64x128xf32, #tpu.memory_space<vmem>>[vector<16xi32>, vector<16xi32>], vector<16xf32>,
      } {sc.loop_unroll_factor = 2 : i64, sc.parallel_access}
      %add3A_1117 = arith.constant 2 : i32
      %add3A_1118 = arith.addi %add3A_1094, %add3A_1117 : i32
      %div3A_1119 = arith.constant 8 : i32
      %div3A_1120 = arith.divsi %add3A_1118, %div3A_1119 : i32
      %rem3A_1121 = arith.constant 8 : i32
      %rem3A_1122 = arith.remsi %add3A_1118, %rem3A_1121 : i32
      %dma_start3A_1123 = arith.constant 0 : i32
      %dma_start3A_1124 = arith.constant 0 : i32
      %dma_start3A_1125 = arith.constant 0 : i32
      %dma_start3A_1126 = tpu.memref_slice %arg6[%dma_start3A_1123, %dma_start3A_1124, %dma_start3A_1125] : memref<2x128x64xf32, #tpu.memory_space<vmem>> -> memref<1x128x64xf32, #tpu.memory_space<vmem>>
      %dma_start3A_1127 = tpu.memref_squeeze %dma_start3A_1126 : memref<1x128x64xf32, #tpu.memory_space<vmem>> -> memref<128x64xf32, #tpu.memory_space<vmem>>
      %dma_start3A_1128 = arith.constant 0 : i32
      %dma_start3A_1129 = tpu.memref_slice %arg5[%div3A_1120, %rem3A_1122, %dma_start3A_1128] : memref<25x8x128xi32, #tpu.memory_space<vmem>> -> memref<1x1x128xi32, #tpu.memory_space<vmem>>
      %dma_start3A_1130 = tpu.memref_squeeze %dma_start3A_1129 : memref<1x1x128xi32, #tpu.memory_space<vmem>> -> memref<128xi32, #tpu.memory_space<vmem>>
      %dma_start3A_1131 = arith.constant 0 : i32
      %dma_start3A_1132 = arith.constant 0 : i32
      %dma_start3A_1133 = tpu.memref_slice %arg2[%dma_start3A_1131, %dma_start3A_1132] : memref<1007616x64xf32, #tpu.memory_space<hbm>> -> memref<1007616x64xf32, #tpu.memory_space<hbm>>
      tpu.enqueue_indirect_dma source(%dma_start3A_1133 : memref<1007616x64xf32, #tpu.memory_space<hbm>>) target(%dma_start3A_1127 : memref<128x64xf32, #tpu.memory_space<vmem>>) offsets(%dma_start3A_1130 : memref<128xi32, #tpu.memory_space<vmem>>) semaphore(%arg8 : memref<!tpu.dma_semaphore, #tpu.memory_space<semaphore_mem>>)
      %dma_start3A_1134 = arith.constant 0 : i32
      %dma_start3A_1135 = arith.constant 0 : i32
      %dma_start3A_1136 = arith.constant 0 : i32
      %dma_start3A_1137 = arith.constant 0 : i32
      %dma_start3A_1138 = tpu.memref_slice %arg7[%dma_start3A_1134, %dma_start3A_1136, %dma_start3A_1137] : memref<2x64x128xf32, #tpu.memory_space<vmem>> -> memref<1x8x128xf32, #tpu.memory_space<vmem>>
      %dma_start3A_1139 = tpu.memref_squeeze %dma_start3A_1138 : memref<1x8x128xf32, #tpu.memory_space<vmem>> -> memref<8x128xf32, #tpu.memory_space<vmem>>
      %dma_start3A_1140 = arith.constant 0 : i32
      %dma_start3A_1141 = arith.constant 0 : i32
      %dma_start3A_1142 = tpu.memref_slice %arg4[%add3A_1094, %dma_start3A_1135, %add3A, %dma_start3A_1140, %dma_start3A_1141] : memref<200x8x32x8x128xf32, #tpu.memory_space<hbm>> -> memref<1x1x1x8x128xf32, #tpu.memory_space<hbm>>
      %dma_start3A_1143 = tpu.memref_squeeze %dma_start3A_1142 : memref<1x1x1x8x128xf32, #tpu.memory_space<hbm>> -> memref<8x128xf32, #tpu.memory_space<hbm>>
      %dma_start3A_1144 = arith.constant 0 : i32
      %dma_start3A_1145 = arith.constant 0 : i32
      %dma_start3A_1146 = tpu.memref_slice %arg4[%add3A_1094, %dma_start3A_1135, %add3A, %dma_start3A_1144, %dma_start3A_1145] : memref<200x8x32x8x128xf32, #tpu.memory_space<hbm>> -> memref<1x1x1x8x128xf32, #tpu.memory_space<hbm>>
      %dma_start3A_1147 = tpu.memref_squeeze %dma_start3A_1146 : memref<1x1x1x8x128xf32, #tpu.memory_space<hbm>> -> memref<8x128xf32, #tpu.memory_space<hbm>>
      %dma_start3A_1148 = arith.constant 0 : i32
      %dma_start3A_1149 = arith.constant 0 : i32
      %dma_start3A_1150 = tpu.memref_slice %arg7[%dma_start3A_1134, %dma_start3A_1148, %dma_start3A_1149] : memref<2x64x128xf32, #tpu.memory_space<vmem>> -> memref<1x8x128xf32, #tpu.memory_space<vmem>>
      %dma_start3A_1151 = tpu.memref_squeeze %dma_start3A_1150 : memref<1x8x128xf32, #tpu.memory_space<vmem>> -> memref<8x128xf32, #tpu.memory_space<vmem>>
      tpu.enqueue_dma source(%dma_start3A_1151 : memref<8x128xf32, #tpu.memory_space<vmem>>) target(%dma_start3A_1147 : memref<8x128xf32, #tpu.memory_space<hbm>>) target_semaphore(%arg10 : memref<!tpu.dma_semaphore, #tpu.memory_space<semaphore_mem>>)
      %dma_start3A_1152 = arith.constant 0 : i32
      %dma_start3A_1153 = arith.constant 1 : i32
      %dma_start3A_1154 = arith.constant 8 : i32
      %dma_start3A_1155 = arith.constant 0 : i32
      %dma_start3A_1156 = tpu.memref_slice %arg7[%dma_start3A_1152, %dma_start3A_1154, %dma_start3A_1155] : memref<2x64x128xf32, #tpu.memory_space<vmem>> -> memref<1x8x128xf32, #tpu.memory_space<vmem>>
      %dma_start3A_1157 = tpu.memref_squeeze %dma_start3A_1156 : memref<1x8x128xf32, #tpu.memory_space<vmem>> -> memref<8x128xf32, #tpu.memory_space<vmem>>
      %dma_start3A_1158 = arith.constant 0 : i32
      %dma_start3A_1159 = arith.constant 0 : i32
      %dma_start3A_1160 = tpu.memref_slice %arg4[%add3A_1094, %dma_start3A_1153, %add3A, %dma_start3A_1158, %dma_start3A_1159] : memref<200x8x32x8x128xf32, #tpu.memory_space<hbm>> -> memref<1x1x1x8x128xf32, #tpu.memory_space<hbm>>
      %dma_start3A_1161 = tpu.memref_squeeze %dma_start3A_1160 : memref<1x1x1x8x128xf32, #tpu.memory_space<hbm>> -> memref<8x128xf32, #tpu.memory_space<hbm>>
      %dma_start3A_1162 = arith.constant 0 : i32
      %dma_start3A_1163 = arith.constant 0 : i32
      %dma_start3A_1164 = tpu.memref_slice %arg4[%add3A_1094, %dma_start3A_1153, %add3A, %dma_start3A_1162, %dma_start3A_1163] : memref<200x8x32x8x128xf32, #tpu.memory_space<hbm>> -> memref<1x1x1x8x128xf32, #tpu.memory_space<hbm>>
      %dma_start3A_1165 = tpu.memref_squeeze %dma_start3A_1164 : memref<1x1x1x8x128xf32, #tpu.memory_space<hbm>> -> memref<8x128xf32, #tpu.memory_space<hbm>>
      %dma_start3A_1166 = arith.constant 8 : i32
      %dma_start3A_1167 = arith.constant 0 : i32
      %dma_start3A_1168 = tpu.memref_slice %arg7[%dma_start3A_1152, %dma_start3A_1166, %dma_start3A_1167] : memref<2x64x128xf32, #tpu.memory_space<vmem>> -> memref<1x8x128xf32, #tpu.memory_space<vmem>>
      %dma_start3A_1169 = tpu.memref_squeeze %dma_start3A_1168 : memref<1x8x128xf32, #tpu.memory_space<vmem>> -> memref<8x128xf32, #tpu.memory_space<vmem>>
      tpu.enqueue_dma source(%dma_start3A_1169 : memref<8x128xf32, #tpu.memory_space<vmem>>) target(%dma_start3A_1165 : memref<8x128xf32, #tpu.memory_space<hbm>>) target_semaphore(%arg10 : memref<!tpu.dma_semaphore, #tpu.memory_space<semaphore_mem>>)
      %dma_start3A_1170 = arith.constant 0 : i32
      %dma_start3A_1171 = arith.constant 2 : i32
      %dma_start3A_1172 = arith.constant 16 : i32
      %dma_start3A_1173 = arith.constant 0 : i32
      %dma_start3A_1174 = tpu.memref_slice %arg7[%dma_start3A_1170, %dma_start3A_1172, %dma_start3A_1173] : memref<2x64x128xf32, #tpu.memory_space<vmem>> -> memref<1x8x128xf32, #tpu.memory_space<vmem>>
      %dma_start3A_1175 = tpu.memref_squeeze %dma_start3A_1174 : memref<1x8x128xf32, #tpu.memory_space<vmem>> -> memref<8x128xf32, #tpu.memory_space<vmem>>
      %dma_start3A_1176 = arith.constant 0 : i32
      %dma_start3A_1177 = arith.constant 0 : i32
      %dma_start3A_1178 = tpu.memref_slice %arg4[%add3A_1094, %dma_start3A_1171, %add3A, %dma_start3A_1176, %dma_start3A_1177] : memref<200x8x32x8x128xf32, #tpu.memory_space<hbm>> -> memref<1x1x1x8x128xf32, #tpu.memory_space<hbm>>
      %dma_start3A_1179 = tpu.memref_squeeze %dma_start3A_1178 : memref<1x1x1x8x128xf32, #tpu.memory_space<hbm>> -> memref<8x128xf32, #tpu.memory_space<hbm>>
      %dma_start3A_1180 = arith.constant 0 : i32
      %dma_start3A_1181 = arith.constant 0 : i32
      %dma_start3A_1182 = tpu.memref_slice %arg4[%add3A_1094, %dma_start3A_1171, %add3A, %dma_start3A_1180, %dma_start3A_1181] : memref<200x8x32x8x128xf32, #tpu.memory_space<hbm>> -> memref<1x1x1x8x128xf32, #tpu.memory_space<hbm>>
      %dma_start3A_1183 = tpu.memref_squeeze %dma_start3A_1182 : memref<1x1x1x8x128xf32, #tpu.memory_space<hbm>> -> memref<8x128xf32, #tpu.memory_space<hbm>>
      %dma_start3A_1184 = arith.constant 16 : i32
      %dma_start3A_1185 = arith.constant 0 : i32
      %dma_start3A_1186 = tpu.memref_slice %arg7[%dma_start3A_1170, %dma_start3A_1184, %dma_start3A_1185] : memref<2x64x128xf32, #tpu.memory_space<vmem>> -> memref<1x8x128xf32, #tpu.memory_space<vmem>>
      %dma_start3A_1187 = tpu.memref_squeeze %dma_start3A_1186 : memref<1x8x128xf32, #tpu.memory_space<vmem>> -> memref<8x128xf32, #tpu.memory_space<vmem>>
      tpu.enqueue_dma source(%dma_start3A_1187 : memref<8x128xf32, #tpu.memory_space<vmem>>) target(%dma_start3A_1183 : memref<8x128xf32, #tpu.memory_space<hbm>>) target_semaphore(%arg10 : memref<!tpu.dma_semaphore, #tpu.memory_space<semaphore_mem>>)
      %dma_start3A_1188 = arith.constant 0 : i32
      %dma_start3A_1189 = arith.constant 3 : i32
      %dma_start3A_1190 = arith.constant 24 : i32
      %dma_start3A_1191 = arith.constant 0 : i32
      %dma_start3A_1192 = tpu.memref_slice %arg7[%dma_start3A_1188, %dma_start3A_1190, %dma_start3A_1191] : memref<2x64x128xf32, #tpu.memory_space<vmem>> -> memref<1x8x128xf32, #tpu.memory_space<vmem>>
      %dma_start3A_1193 = tpu.memref_squeeze %dma_start3A_1192 : memref<1x8x128xf32, #tpu.memory_space<vmem>> -> memref<8x128xf32, #tpu.memory_space<vmem>>
      %dma_start3A_1194 = arith.constant 0 : i32
      %dma_start3A_1195 = arith.constant 0 : i32
      %dma_start3A_1196 = tpu.memref_slice %arg4[%add3A_1094, %dma_start3A_1189, %add3A, %dma_start3A_1194, %dma_start3A_1195] : memref<200x8x32x8x128xf32, #tpu.memory_space<hbm>> -> memref<1x1x1x8x128xf32, #tpu.memory_space<hbm>>
      %dma_start3A_1197 = tpu.memref_squeeze %dma_start3A_1196 : memref<1x1x1x8x128xf32, #tpu.memory_space<hbm>> -> memref<8x128xf32, #tpu.memory_space<hbm>>
      %dma_start3A_1198 = arith.constant 0 : i32
      %dma_start3A_1199 = arith.constant 0 : i32
      %dma_start3A_1200 = tpu.memref_slice %arg4[%add3A_1094, %dma_start3A_1189, %add3A, %dma_start3A_1198, %dma_start3A_1199] : memref<200x8x32x8x128xf32, #tpu.memory_space<hbm>> -> memref<1x1x1x8x128xf32, #tpu.memory_space<hbm>>
      %dma_start3A_1201 = tpu.memref_squeeze %dma_start3A_1200 : memref<1x1x1x8x128xf32, #tpu.memory_space<hbm>> -> memref<8x128xf32, #tpu.memory_space<hbm>>
      %dma_start3A_1202 = arith.constant 24 : i32
      %dma_start3A_1203 = arith.constant 0 : i32
      %dma_start3A_1204 = tpu.memref_slice %arg7[%dma_start3A_1188, %dma_start3A_1202, %dma_start3A_1203] : memref<2x64x128xf32, #tpu.memory_space<vmem>> -> memref<1x8x128xf32, #tpu.memory_space<vmem>>
      %dma_start3A_1205 = tpu.memref_squeeze %dma_start3A_1204 : memref<1x8x128xf32, #tpu.memory_space<vmem>> -> memref<8x128xf32, #tpu.memory_space<vmem>>
      tpu.enqueue_dma source(%dma_start3A_1205 : memref<8x128xf32, #tpu.memory_space<vmem>>) target(%dma_start3A_1201 : memref<8x128xf32, #tpu.memory_space<hbm>>) target_semaphore(%arg10 : memref<!tpu.dma_semaphore, #tpu.memory_space<semaphore_mem>>)
      %dma_start3A_1206 = arith.constant 0 : i32
      %dma_start3A_1207 = arith.constant 4 : i32
      %dma_start3A_1208 = arith.constant 32 : i32
      %dma_start3A_1209 = arith.constant 0 : i32
      %dma_start3A_1210 = tpu.memref_slice %arg7[%dma_start3A_1206, %dma_start3A_1208, %dma_start3A_1209] : memref<2x64x128xf32, #tpu.memory_space<vmem>> -> memref<1x8x128xf32, #tpu.memory_space<vmem>>
      %dma_start3A_1211 = tpu.memref_squeeze %dma_start3A_1210 : memref<1x8x128xf32, #tpu.memory_space<vmem>> -> memref<8x128xf32, #tpu.memory_space<vmem>>
      %dma_start3A_1212 = arith.constant 0 : i32
      %dma_start3A_1213 = arith.constant 0 : i32
      %dma_start3A_1214 = tpu.memref_slice %arg4[%add3A_1094, %dma_start3A_1207, %add3A, %dma_start3A_1212, %dma_start3A_1213] : memref<200x8x32x8x128xf32, #tpu.memory_space<hbm>> -> memref<1x1x1x8x128xf32, #tpu.memory_space<hbm>>
      %dma_start3A_1215 = tpu.memref_squeeze %dma_start3A_1214 : memref<1x1x1x8x128xf32, #tpu.memory_space<hbm>> -> memref<8x128xf32, #tpu.memory_space<hbm>>
      %dma_start3A_1216 = arith.constant 0 : i32
      %dma_start3A_1217 = arith.constant 0 : i32
      %dma_start3A_1218 = tpu.memref_slice %arg4[%add3A_1094, %dma_start3A_1207, %add3A, %dma_start3A_1216, %dma_start3A_1217] : memref<200x8x32x8x128xf32, #tpu.memory_space<hbm>> -> memref<1x1x1x8x128xf32, #tpu.memory_space<hbm>>
      %dma_start3A_1219 = tpu.memref_squeeze %dma_start3A_1218 : memref<1x1x1x8x128xf32, #tpu.memory_space<hbm>> -> memref<8x128xf32, #tpu.memory_space<hbm>>
      %dma_start3A_1220 = arith.constant 32 : i32
      %dma_start3A_1221 = arith.constant 0 : i32
      %dma_start3A_1222 = tpu.memref_slice %arg7[%dma_start3A_1206, %dma_start3A_1220, %dma_start3A_1221] : memref<2x64x128xf32, #tpu.memory_space<vmem>> -> memref<1x8x128xf32, #tpu.memory_space<vmem>>
      %dma_start3A_1223 = tpu.memref_squeeze %dma_start3A_1222 : memref<1x8x128xf32, #tpu.memory_space<vmem>> -> memref<8x128xf32, #tpu.memory_space<vmem>>
      tpu.enqueue_dma source(%dma_start3A_1223 : memref<8x128xf32, #tpu.memory_space<vmem>>) target(%dma_start3A_1219 : memref<8x128xf32, #tpu.memory_space<hbm>>) target_semaphore(%arg10 : memref<!tpu.dma_semaphore, #tpu.memory_space<semaphore_mem>>)
      %dma_start3A_1224 = arith.constant 0 : i32
      %dma_start3A_1225 = arith.constant 5 : i32
      %dma_start3A_1226 = arith.constant 40 : i32
      %dma_start3A_1227 = arith.constant 0 : i32
      %dma_start3A_1228 = tpu.memref_slice %arg7[%dma_start3A_1224, %dma_start3A_1226, %dma_start3A_1227] : memref<2x64x128xf32, #tpu.memory_space<vmem>> -> memref<1x8x128xf32, #tpu.memory_space<vmem>>
      %dma_start3A_1229 = tpu.memref_squeeze %dma_start3A_1228 : memref<1x8x128xf32, #tpu.memory_space<vmem>> -> memref<8x128xf32, #tpu.memory_space<vmem>>
      %dma_start3A_1230 = arith.constant 0 : i32
      %dma_start3A_1231 = arith.constant 0 : i32
      %dma_start3A_1232 = tpu.memref_slice %arg4[%add3A_1094, %dma_start3A_1225, %add3A, %dma_start3A_1230, %dma_start3A_1231] : memref<200x8x32x8x128xf32, #tpu.memory_space<hbm>> -> memref<1x1x1x8x128xf32, #tpu.memory_space<hbm>>
      %dma_start3A_1233 = tpu.memref_squeeze %dma_start3A_1232 : memref<1x1x1x8x128xf32, #tpu.memory_space<hbm>> -> memref<8x128xf32, #tpu.memory_space<hbm>>
      %dma_start3A_1234 = arith.constant 0 : i32
      %dma_start3A_1235 = arith.constant 0 : i32
      %dma_start3A_1236 = tpu.memref_slice %arg4[%add3A_1094, %dma_start3A_1225, %add3A, %dma_start3A_1234, %dma_start3A_1235] : memref<200x8x32x8x128xf32, #tpu.memory_space<hbm>> -> memref<1x1x1x8x128xf32, #tpu.memory_space<hbm>>
      %dma_start3A_1237 = tpu.memref_squeeze %dma_start3A_1236 : memref<1x1x1x8x128xf32, #tpu.memory_space<hbm>> -> memref<8x128xf32, #tpu.memory_space<hbm>>
      %dma_start3A_1238 = arith.constant 40 : i32
      %dma_start3A_1239 = arith.constant 0 : i32
      %dma_start3A_1240 = tpu.memref_slice %arg7[%dma_start3A_1224, %dma_start3A_1238, %dma_start3A_1239] : memref<2x64x128xf32, #tpu.memory_space<vmem>> -> memref<1x8x128xf32, #tpu.memory_space<vmem>>
      %dma_start3A_1241 = tpu.memref_squeeze %dma_start3A_1240 : memref<1x8x128xf32, #tpu.memory_space<vmem>> -> memref<8x128xf32, #tpu.memory_space<vmem>>
      tpu.enqueue_dma source(%dma_start3A_1241 : memref<8x128xf32, #tpu.memory_space<vmem>>) target(%dma_start3A_1237 : memref<8x128xf32, #tpu.memory_space<hbm>>) target_semaphore(%arg10 : memref<!tpu.dma_semaphore, #tpu.memory_space<semaphore_mem>>)
      %dma_start3A_1242 = arith.constant 0 : i32
      %dma_start3A_1243 = arith.constant 6 : i32
      %dma_start3A_1244 = arith.constant 48 : i32
      %dma_start3A_1245 = arith.constant 0 : i32
      %dma_start3A_1246 = tpu.memref_slice %arg7[%dma_start3A_1242, %dma_start3A_1244, %dma_start3A_1245] : memref<2x64x128xf32, #tpu.memory_space<vmem>> -> memref<1x8x128xf32, #tpu.memory_space<vmem>>
      %dma_start3A_1247 = tpu.memref_squeeze %dma_start3A_1246 : memref<1x8x128xf32, #tpu.memory_space<vmem>> -> memref<8x128xf32, #tpu.memory_space<vmem>>
      %dma_start3A_1248 = arith.constant 0 : i32
      %dma_start3A_1249 = arith.constant 0 : i32
      %dma_start3A_1250 = tpu.memref_slice %arg4[%add3A_1094, %dma_start3A_1243, %add3A, %dma_start3A_1248, %dma_start3A_1249] : memref<200x8x32x8x128xf32, #tpu.memory_space<hbm>> -> memref<1x1x1x8x128xf32, #tpu.memory_space<hbm>>
      %dma_start3A_1251 = tpu.memref_squeeze %dma_start3A_1250 : memref<1x1x1x8x128xf32, #tpu.memory_space<hbm>> -> memref<8x128xf32, #tpu.memory_space<hbm>>
      %dma_start3A_1252 = arith.constant 0 : i32
      %dma_start3A_1253 = arith.constant 0 : i32
      %dma_start3A_1254 = tpu.memref_slice %arg4[%add3A_1094, %dma_start3A_1243, %add3A, %dma_start3A_1252, %dma_start3A_1253] : memref<200x8x32x8x128xf32, #tpu.memory_space<hbm>> -> memref<1x1x1x8x128xf32, #tpu.memory_space<hbm>>
      %dma_start3A_1255 = tpu.memref_squeeze %dma_start3A_1254 : memref<1x1x1x8x128xf32, #tpu.memory_space<hbm>> -> memref<8x128xf32, #tpu.memory_space<hbm>>
      %dma_start3A_1256 = arith.constant 48 : i32
      %dma_start3A_1257 = arith.constant 0 : i32
      %dma_start3A_1258 = tpu.memref_slice %arg7[%dma_start3A_1242, %dma_start3A_1256, %dma_start3A_1257] : memref<2x64x128xf32, #tpu.memory_space<vmem>> -> memref<1x8x128xf32, #tpu.memory_space<vmem>>
      %dma_start3A_1259 = tpu.memref_squeeze %dma_start3A_1258 : memref<1x8x128xf32, #tpu.memory_space<vmem>> -> memref<8x128xf32, #tpu.memory_space<vmem>>
      tpu.enqueue_dma source(%dma_start3A_1259 : memref<8x128xf32, #tpu.memory_space<vmem>>) target(%dma_start3A_1255 : memref<8x128xf32, #tpu.memory_space<hbm>>) target_semaphore(%arg10 : memref<!tpu.dma_semaphore, #tpu.memory_space<semaphore_mem>>)
      %dma_start3A_1260 = arith.constant 0 : i32
      %dma_start3A_1261 = arith.constant 7 : i32
      %dma_start3A_1262 = arith.constant 56 : i32
      %dma_start3A_1263 = arith.constant 0 : i32
      %dma_start3A_1264 = tpu.memref_slice %arg7[%dma_start3A_1260, %dma_start3A_1262, %dma_start3A_1263] : memref<2x64x128xf32, #tpu.memory_space<vmem>> -> memref<1x8x128xf32, #tpu.memory_space<vmem>>
      %dma_start3A_1265 = tpu.memref_squeeze %dma_start3A_1264 : memref<1x8x128xf32, #tpu.memory_space<vmem>> -> memref<8x128xf32, #tpu.memory_space<vmem>>
      %dma_start3A_1266 = arith.constant 0 : i32
      %dma_start3A_1267 = arith.constant 0 : i32
      %dma_start3A_1268 = tpu.memref_slice %arg4[%add3A_1094, %dma_start3A_1261, %add3A, %dma_start3A_1266, %dma_start3A_1267] : memref<200x8x32x8x128xf32, #tpu.memory_space<hbm>> -> memref<1x1x1x8x128xf32, #tpu.memory_space<hbm>>
      %dma_start3A_1269 = tpu.memref_squeeze %dma_start3A_1268 : memref<1x1x1x8x128xf32, #tpu.memory_space<hbm>> -> memref<8x128xf32, #tpu.memory_space<hbm>>
      %dma_start3A_1270 = arith.constant 0 : i32
      %dma_start3A_1271 = arith.constant 0 : i32
      %dma_start3A_1272 = tpu.memref_slice %arg4[%add3A_1094, %dma_start3A_1261, %add3A, %dma_start3A_1270, %dma_start3A_1271] : memref<200x8x32x8x128xf32, #tpu.memory_space<hbm>> -> memref<1x1x1x8x128xf32, #tpu.memory_space<hbm>>
      %dma_start3A_1273 = tpu.memref_squeeze %dma_start3A_1272 : memref<1x1x1x8x128xf32, #tpu.memory_space<hbm>> -> memref<8x128xf32, #tpu.memory_space<hbm>>
      %dma_start3A_1274 = arith.constant 56 : i32
      %dma_start3A_1275 = arith.constant 0 : i32
      %dma_start3A_1276 = tpu.memref_slice %arg7[%dma_start3A_1260, %dma_start3A_1274, %dma_start3A_1275] : memref<2x64x128xf32, #tpu.memory_space<vmem>> -> memref<1x8x128xf32, #tpu.memory_space<vmem>>
      %dma_start3A_1277 = tpu.memref_squeeze %dma_start3A_1276 : memref<1x8x128xf32, #tpu.memory_space<vmem>> -> memref<8x128xf32, #tpu.memory_space<vmem>>
      tpu.enqueue_dma source(%dma_start3A_1277 : memref<8x128xf32, #tpu.memory_space<vmem>>) target(%dma_start3A_1273 : memref<8x128xf32, #tpu.memory_space<hbm>>) target_semaphore(%arg10 : memref<!tpu.dma_semaphore, #tpu.memory_space<semaphore_mem>>)
      %add3A_1278 = arith.constant 1 : i32
      %add3A_1279 = arith.addi %add3A_1092, %add3A_1278 : i32
      %div3A_1280 = arith.constant 8 : i32
      %div3A_1281 = arith.divsi %add3A_1279, %div3A_1280 : i32
      %rem3A_1282 = arith.constant 8 : i32
      %rem3A_1283 = arith.remsi %add3A_1279, %rem3A_1282 : i32
      %dma_wait3A_1284 = arith.constant 1 : i32
      %dma_wait3A_1285 = arith.constant 0 : i32
      %dma_wait3A_1286 = arith.constant 0 : i32
      %dma_wait3A_1287 = tpu.memref_slice %arg6[%dma_wait3A_1284, %dma_wait3A_1285, %dma_wait3A_1286] : memref<2x128x64xf32, #tpu.memory_space<vmem>> -> memref<1x128x64xf32, #tpu.memory_space<vmem>>
      %dma_wait3A_1288 = tpu.memref_squeeze %dma_wait3A_1287 : memref<1x128x64xf32, #tpu.memory_space<vmem>> -> memref<128x64xf32, #tpu.memory_space<vmem>>
      %dma_wait3A_1289 = arith.constant 0 : i32
      %dma_wait3A_1290 = tpu.memref_slice %arg5[%div3A_1281, %rem3A_1283, %dma_wait3A_1289] : memref<25x8x128xi32, #tpu.memory_space<vmem>> -> memref<1x1x128xi32, #tpu.memory_space<vmem>>
      %dma_wait3A_1291 = tpu.memref_squeeze %dma_wait3A_1290 : memref<1x1x128xi32, #tpu.memory_space<vmem>> -> memref<128xi32, #tpu.memory_space<vmem>>
      %dma_wait3A_1292 = arith.constant 0 : i32
      %dma_wait3A_1293 = arith.constant 0 : i32
      %dma_wait3A_1294 = tpu.memref_slice %arg2[%dma_wait3A_1292, %dma_wait3A_1293] : memref<1007616x64xf32, #tpu.memory_space<hbm>> -> memref<1007616x64xf32, #tpu.memory_space<hbm>>
      tpu.wait_indirect_dma semaphore(%arg9 : memref<!tpu.dma_semaphore, #tpu.memory_space<semaphore_mem>>) src(%dma_wait3A_1294 : memref<1007616x64xf32, #tpu.memory_space<hbm>>) dst(%dma_wait3A_1288 : memref<128x64xf32, #tpu.memory_space<vmem>>)
      %gt3A_1295 = arith.constant 0 : i32
      %gt3A_1296 = arith.cmpi sgt, %add3A_1092, %gt3A_1295 : i32
      %convert_element_type3A_1297 = arith.extui %gt3A_1296 : i1 to i32
      %cond3A_1298 = arith.constant 0 : i32
      %cond3A_1299 = arith.cmpi ne, %convert_element_type3A_1297, %cond3A_1298 : i32
      scf.if %cond3A_1299 {
        %dma_wait3A_1466 = arith.constant 1 : i32
        %dma_wait3A_1467 = arith.constant 0 : i32
        %dma_wait3A_1468 = arith.constant 0 : i32
        %dma_wait3A_1469 = arith.constant 0 : i32
        %dma_wait3A_1470 = tpu.memref_slice %arg7[%dma_wait3A_1466, %dma_wait3A_1468, %dma_wait3A_1469] : memref<2x64x128xf32, #tpu.memory_space<vmem>> -> memref<1x8x128xf32, #tpu.memory_space<vmem>>
        %dma_wait3A_1471 = tpu.memref_squeeze %dma_wait3A_1470 : memref<1x8x128xf32, #tpu.memory_space<vmem>> -> memref<8x128xf32, #tpu.memory_space<vmem>>
        %dma_wait3A_1472 = arith.constant 0 : i32
        %dma_wait3A_1473 = arith.constant 0 : i32
        %dma_wait3A_1474 = tpu.memref_slice %arg4[%add3A_1279, %dma_wait3A_1467, %add3A, %dma_wait3A_1472, %dma_wait3A_1473] : memref<200x8x32x8x128xf32, #tpu.memory_space<hbm>> -> memref<1x1x1x8x128xf32, #tpu.memory_space<hbm>>
        %dma_wait3A_1475 = tpu.memref_squeeze %dma_wait3A_1474 : memref<1x1x1x8x128xf32, #tpu.memory_space<hbm>> -> memref<8x128xf32, #tpu.memory_space<hbm>>
        %dma_wait3A_1476 = arith.constant 0 : i32
        %dma_wait3A_1477 = arith.constant 0 : i32
        %dma_wait3A_1478 = tpu.memref_slice %arg4[%add3A_1279, %dma_wait3A_1467, %add3A, %dma_wait3A_1476, %dma_wait3A_1477] : memref<200x8x32x8x128xf32, #tpu.memory_space<hbm>> -> memref<1x1x1x8x128xf32, #tpu.memory_space<hbm>>
        %dma_wait3A_1479 = tpu.memref_squeeze %dma_wait3A_1478 : memref<1x1x1x8x128xf32, #tpu.memory_space<hbm>> -> memref<8x128xf32, #tpu.memory_space<hbm>>
        %dma_wait3A_1480 = arith.constant 0 : i32
        %dma_wait3A_1481 = arith.constant 0 : i32
        %dma_wait3A_1482 = tpu.memref_slice %arg7[%dma_wait3A_1466, %dma_wait3A_1480, %dma_wait3A_1481] : memref<2x64x128xf32, #tpu.memory_space<vmem>> -> memref<1x8x128xf32, #tpu.memory_space<vmem>>
        %dma_wait3A_1483 = tpu.memref_squeeze %dma_wait3A_1482 : memref<1x8x128xf32, #tpu.memory_space<vmem>> -> memref<8x128xf32, #tpu.memory_space<vmem>>
        tpu.wait_dma2 semaphore(%arg11 : memref<!tpu.dma_semaphore, #tpu.memory_space<semaphore_mem>>) src(%dma_wait3A_1483 : memref<8x128xf32, #tpu.memory_space<vmem>>) dst(%dma_wait3A_1479 : memref<8x128xf32, #tpu.memory_space<hbm>>)
        %dma_wait3A_1484 = arith.constant 1 : i32
        %dma_wait3A_1485 = arith.constant 1 : i32
        %dma_wait3A_1486 = arith.constant 8 : i32
        %dma_wait3A_1487 = arith.constant 0 : i32
        %dma_wait3A_1488 = tpu.memref_slice %arg7[%dma_wait3A_1484, %dma_wait3A_1486, %dma_wait3A_1487] : memref<2x64x128xf32, #tpu.memory_space<vmem>> -> memref<1x8x128xf32, #tpu.memory_space<vmem>>
        %dma_wait3A_1489 = tpu.memref_squeeze %dma_wait3A_1488 : memref<1x8x128xf32, #tpu.memory_space<vmem>> -> memref<8x128xf32, #tpu.memory_space<vmem>>
        %dma_wait3A_1490 = arith.constant 0 : i32
        %dma_wait3A_1491 = arith.constant 0 : i32
        %dma_wait3A_1492 = tpu.memref_slice %arg4[%add3A_1279, %dma_wait3A_1485, %add3A, %dma_wait3A_1490, %dma_wait3A_1491] : memref<200x8x32x8x128xf32, #tpu.memory_space<hbm>> -> memref<1x1x1x8x128xf32, #tpu.memory_space<hbm>>
        %dma_wait3A_1493 = tpu.memref_squeeze %dma_wait3A_1492 : memref<1x1x1x8x128xf32, #tpu.memory_space<hbm>> -> memref<8x128xf32, #tpu.memory_space<hbm>>
        %dma_wait3A_1494 = arith.constant 0 : i32
        %dma_wait3A_1495 = arith.constant 0 : i32
        %dma_wait3A_1496 = tpu.memref_slice %arg4[%add3A_1279, %dma_wait3A_1485, %add3A, %dma_wait3A_1494, %dma_wait3A_1495] : memref<200x8x32x8x128xf32, #tpu.memory_space<hbm>> -> memref<1x1x1x8x128xf32, #tpu.memory_space<hbm>>
        %dma_wait3A_1497 = tpu.memref_squeeze %dma_wait3A_1496 : memref<1x1x1x8x128xf32, #tpu.memory_space<hbm>> -> memref<8x128xf32, #tpu.memory_space<hbm>>
        %dma_wait3A_1498 = arith.constant 8 : i32
        %dma_wait3A_1499 = arith.constant 0 : i32
        %dma_wait3A_1500 = tpu.memref_slice %arg7[%dma_wait3A_1484, %dma_wait3A_1498, %dma_wait3A_1499] : memref<2x64x128xf32, #tpu.memory_space<vmem>> -> memref<1x8x128xf32, #tpu.memory_space<vmem>>
        %dma_wait3A_1501 = tpu.memref_squeeze %dma_wait3A_1500 : memref<1x8x128xf32, #tpu.memory_space<vmem>> -> memref<8x128xf32, #tpu.memory_space<vmem>>
        tpu.wait_dma2 semaphore(%arg11 : memref<!tpu.dma_semaphore, #tpu.memory_space<semaphore_mem>>) src(%dma_wait3A_1501 : memref<8x128xf32, #tpu.memory_space<vmem>>) dst(%dma_wait3A_1497 : memref<8x128xf32, #tpu.memory_space<hbm>>)
        %dma_wait3A_1502 = arith.constant 1 : i32
        %dma_wait3A_1503 = arith.constant 2 : i32
        %dma_wait3A_1504 = arith.constant 16 : i32
        %dma_wait3A_1505 = arith.constant 0 : i32
        %dma_wait3A_1506 = tpu.memref_slice %arg7[%dma_wait3A_1502, %dma_wait3A_1504, %dma_wait3A_1505] : memref<2x64x128xf32, #tpu.memory_space<vmem>> -> memref<1x8x128xf32, #tpu.memory_space<vmem>>
        %dma_wait3A_1507 = tpu.memref_squeeze %dma_wait3A_1506 : memref<1x8x128xf32, #tpu.memory_space<vmem>> -> memref<8x128xf32, #tpu.memory_space<vmem>>
        %dma_wait3A_1508 = arith.constant 0 : i32
        %dma_wait3A_1509 = arith.constant 0 : i32
        %dma_wait3A_1510 = tpu.memref_slice %arg4[%add3A_1279, %dma_wait3A_1503, %add3A, %dma_wait3A_1508, %dma_wait3A_1509] : memref<200x8x32x8x128xf32, #tpu.memory_space<hbm>> -> memref<1x1x1x8x128xf32, #tpu.memory_space<hbm>>
        %dma_wait3A_1511 = tpu.memref_squeeze %dma_wait3A_1510 : memref<1x1x1x8x128xf32, #tpu.memory_space<hbm>> -> memref<8x128xf32, #tpu.memory_space<hbm>>
        %dma_wait3A_1512 = arith.constant 0 : i32
        %dma_wait3A_1513 = arith.constant 0 : i32
        %dma_wait3A_1514 = tpu.memref_slice %arg4[%add3A_1279, %dma_wait3A_1503, %add3A, %dma_wait3A_1512, %dma_wait3A_1513] : memref<200x8x32x8x128xf32, #tpu.memory_space<hbm>> -> memref<1x1x1x8x128xf32, #tpu.memory_space<hbm>>
        %dma_wait3A_1515 = tpu.memref_squeeze %dma_wait3A_1514 : memref<1x1x1x8x128xf32, #tpu.memory_space<hbm>> -> memref<8x128xf32, #tpu.memory_space<hbm>>
        %dma_wait3A_1516 = arith.constant 16 : i32
        %dma_wait3A_1517 = arith.constant 0 : i32
        %dma_wait3A_1518 = tpu.memref_slice %arg7[%dma_wait3A_1502, %dma_wait3A_1516, %dma_wait3A_1517] : memref<2x64x128xf32, #tpu.memory_space<vmem>> -> memref<1x8x128xf32, #tpu.memory_space<vmem>>
        %dma_wait3A_1519 = tpu.memref_squeeze %dma_wait3A_1518 : memref<1x8x128xf32, #tpu.memory_space<vmem>> -> memref<8x128xf32, #tpu.memory_space<vmem>>
        tpu.wait_dma2 semaphore(%arg11 : memref<!tpu.dma_semaphore, #tpu.memory_space<semaphore_mem>>) src(%dma_wait3A_1519 : memref<8x128xf32, #tpu.memory_space<vmem>>) dst(%dma_wait3A_1515 : memref<8x128xf32, #tpu.memory_space<hbm>>)
        %dma_wait3A_1520 = arith.constant 1 : i32
        %dma_wait3A_1521 = arith.constant 3 : i32
        %dma_wait3A_1522 = arith.constant 24 : i32
        %dma_wait3A_1523 = arith.constant 0 : i32
        %dma_wait3A_1524 = tpu.memref_slice %arg7[%dma_wait3A_1520, %dma_wait3A_1522, %dma_wait3A_1523] : memref<2x64x128xf32, #tpu.memory_space<vmem>> -> memref<1x8x128xf32, #tpu.memory_space<vmem>>
        %dma_wait3A_1525 = tpu.memref_squeeze %dma_wait3A_1524 : memref<1x8x128xf32, #tpu.memory_space<vmem>> -> memref<8x128xf32, #tpu.memory_space<vmem>>
        %dma_wait3A_1526 = arith.constant 0 : i32
        %dma_wait3A_1527 = arith.constant 0 : i32
        %dma_wait3A_1528 = tpu.memref_slice %arg4[%add3A_1279, %dma_wait3A_1521, %add3A, %dma_wait3A_1526, %dma_wait3A_1527] : memref<200x8x32x8x128xf32, #tpu.memory_space<hbm>> -> memref<1x1x1x8x128xf32, #tpu.memory_space<hbm>>
        %dma_wait3A_1529 = tpu.memref_squeeze %dma_wait3A_1528 : memref<1x1x1x8x128xf32, #tpu.memory_space<hbm>> -> memref<8x128xf32, #tpu.memory_space<hbm>>
        %dma_wait3A_1530 = arith.constant 0 : i32
        %dma_wait3A_1531 = arith.constant 0 : i32
        %dma_wait3A_1532 = tpu.memref_slice %arg4[%add3A_1279, %dma_wait3A_1521, %add3A, %dma_wait3A_1530, %dma_wait3A_1531] : memref<200x8x32x8x128xf32, #tpu.memory_space<hbm>> -> memref<1x1x1x8x128xf32, #tpu.memory_space<hbm>>
        %dma_wait3A_1533 = tpu.memref_squeeze %dma_wait3A_1532 : memref<1x1x1x8x128xf32, #tpu.memory_space<hbm>> -> memref<8x128xf32, #tpu.memory_space<hbm>>
        %dma_wait3A_1534 = arith.constant 24 : i32
        %dma_wait3A_1535 = arith.constant 0 : i32
        %dma_wait3A_1536 = tpu.memref_slice %arg7[%dma_wait3A_1520, %dma_wait3A_1534, %dma_wait3A_1535] : memref<2x64x128xf32, #tpu.memory_space<vmem>> -> memref<1x8x128xf32, #tpu.memory_space<vmem>>
        %dma_wait3A_1537 = tpu.memref_squeeze %dma_wait3A_1536 : memref<1x8x128xf32, #tpu.memory_space<vmem>> -> memref<8x128xf32, #tpu.memory_space<vmem>>
        tpu.wait_dma2 semaphore(%arg11 : memref<!tpu.dma_semaphore, #tpu.memory_space<semaphore_mem>>) src(%dma_wait3A_1537 : memref<8x128xf32, #tpu.memory_space<vmem>>) dst(%dma_wait3A_1533 : memref<8x128xf32, #tpu.memory_space<hbm>>)
        %dma_wait3A_1538 = arith.constant 1 : i32
        %dma_wait3A_1539 = arith.constant 4 : i32
        %dma_wait3A_1540 = arith.constant 32 : i32
        %dma_wait3A_1541 = arith.constant 0 : i32
        %dma_wait3A_1542 = tpu.memref_slice %arg7[%dma_wait3A_1538, %dma_wait3A_1540, %dma_wait3A_1541] : memref<2x64x128xf32, #tpu.memory_space<vmem>> -> memref<1x8x128xf32, #tpu.memory_space<vmem>>
        %dma_wait3A_1543 = tpu.memref_squeeze %dma_wait3A_1542 : memref<1x8x128xf32, #tpu.memory_space<vmem>> -> memref<8x128xf32, #tpu.memory_space<vmem>>
        %dma_wait3A_1544 = arith.constant 0 : i32
        %dma_wait3A_1545 = arith.constant 0 : i32
        %dma_wait3A_1546 = tpu.memref_slice %arg4[%add3A_1279, %dma_wait3A_1539, %add3A, %dma_wait3A_1544, %dma_wait3A_1545] : memref<200x8x32x8x128xf32, #tpu.memory_space<hbm>> -> memref<1x1x1x8x128xf32, #tpu.memory_space<hbm>>
        %dma_wait3A_1547 = tpu.memref_squeeze %dma_wait3A_1546 : memref<1x1x1x8x128xf32, #tpu.memory_space<hbm>> -> memref<8x128xf32, #tpu.memory_space<hbm>>
        %dma_wait3A_1548 = arith.constant 0 : i32
        %dma_wait3A_1549 = arith.constant 0 : i32
        %dma_wait3A_1550 = tpu.memref_slice %arg4[%add3A_1279, %dma_wait3A_1539, %add3A, %dma_wait3A_1548, %dma_wait3A_1549] : memref<200x8x32x8x128xf32, #tpu.memory_space<hbm>> -> memref<1x1x1x8x128xf32, #tpu.memory_space<hbm>>
        %dma_wait3A_1551 = tpu.memref_squeeze %dma_wait3A_1550 : memref<1x1x1x8x128xf32, #tpu.memory_space<hbm>> -> memref<8x128xf32, #tpu.memory_space<hbm>>
        %dma_wait3A_1552 = arith.constant 32 : i32
        %dma_wait3A_1553 = arith.constant 0 : i32
        %dma_wait3A_1554 = tpu.memref_slice %arg7[%dma_wait3A_1538, %dma_wait3A_1552, %dma_wait3A_1553] : memref<2x64x128xf32, #tpu.memory_space<vmem>> -> memref<1x8x128xf32, #tpu.memory_space<vmem>>
        %dma_wait3A_1555 = tpu.memref_squeeze %dma_wait3A_1554 : memref<1x8x128xf32, #tpu.memory_space<vmem>> -> memref<8x128xf32, #tpu.memory_space<vmem>>
        tpu.wait_dma2 semaphore(%arg11 : memref<!tpu.dma_semaphore, #tpu.memory_space<semaphore_mem>>) src(%dma_wait3A_1555 : memref<8x128xf32, #tpu.memory_space<vmem>>) dst(%dma_wait3A_1551 : memref<8x128xf32, #tpu.memory_space<hbm>>)
        %dma_wait3A_1556 = arith.constant 1 : i32
        %dma_wait3A_1557 = arith.constant 5 : i32
        %dma_wait3A_1558 = arith.constant 40 : i32
        %dma_wait3A_1559 = arith.constant 0 : i32
        %dma_wait3A_1560 = tpu.memref_slice %arg7[%dma_wait3A_1556, %dma_wait3A_1558, %dma_wait3A_1559] : memref<2x64x128xf32, #tpu.memory_space<vmem>> -> memref<1x8x128xf32, #tpu.memory_space<vmem>>
        %dma_wait3A_1561 = tpu.memref_squeeze %dma_wait3A_1560 : memref<1x8x128xf32, #tpu.memory_space<vmem>> -> memref<8x128xf32, #tpu.memory_space<vmem>>
        %dma_wait3A_1562 = arith.constant 0 : i32
        %dma_wait3A_1563 = arith.constant 0 : i32
        %dma_wait3A_1564 = tpu.memref_slice %arg4[%add3A_1279, %dma_wait3A_1557, %add3A, %dma_wait3A_1562, %dma_wait3A_1563] : memref<200x8x32x8x128xf32, #tpu.memory_space<hbm>> -> memref<1x1x1x8x128xf32, #tpu.memory_space<hbm>>
        %dma_wait3A_1565 = tpu.memref_squeeze %dma_wait3A_1564 : memref<1x1x1x8x128xf32, #tpu.memory_space<hbm>> -> memref<8x128xf32, #tpu.memory_space<hbm>>
        %dma_wait3A_1566 = arith.constant 0 : i32
        %dma_wait3A_1567 = arith.constant 0 : i32
        %dma_wait3A_1568 = tpu.memref_slice %arg4[%add3A_1279, %dma_wait3A_1557, %add3A, %dma_wait3A_1566, %dma_wait3A_1567] : memref<200x8x32x8x128xf32, #tpu.memory_space<hbm>> -> memref<1x1x1x8x128xf32, #tpu.memory_space<hbm>>
        %dma_wait3A_1569 = tpu.memref_squeeze %dma_wait3A_1568 : memref<1x1x1x8x128xf32, #tpu.memory_space<hbm>> -> memref<8x128xf32, #tpu.memory_space<hbm>>
        %dma_wait3A_1570 = arith.constant 40 : i32
        %dma_wait3A_1571 = arith.constant 0 : i32
        %dma_wait3A_1572 = tpu.memref_slice %arg7[%dma_wait3A_1556, %dma_wait3A_1570, %dma_wait3A_1571] : memref<2x64x128xf32, #tpu.memory_space<vmem>> -> memref<1x8x128xf32, #tpu.memory_space<vmem>>
        %dma_wait3A_1573 = tpu.memref_squeeze %dma_wait3A_1572 : memref<1x8x128xf32, #tpu.memory_space<vmem>> -> memref<8x128xf32, #tpu.memory_space<vmem>>
        tpu.wait_dma2 semaphore(%arg11 : memref<!tpu.dma_semaphore, #tpu.memory_space<semaphore_mem>>) src(%dma_wait3A_1573 : memref<8x128xf32, #tpu.memory_space<vmem>>) dst(%dma_wait3A_1569 : memref<8x128xf32, #tpu.memory_space<hbm>>)
        %dma_wait3A_1574 = arith.constant 1 : i32
        %dma_wait3A_1575 = arith.constant 6 : i32
        %dma_wait3A_1576 = arith.constant 48 : i32
        %dma_wait3A_1577 = arith.constant 0 : i32
        %dma_wait3A_1578 = tpu.memref_slice %arg7[%dma_wait3A_1574, %dma_wait3A_1576, %dma_wait3A_1577] : memref<2x64x128xf32, #tpu.memory_space<vmem>> -> memref<1x8x128xf32, #tpu.memory_space<vmem>>
        %dma_wait3A_1579 = tpu.memref_squeeze %dma_wait3A_1578 : memref<1x8x128xf32, #tpu.memory_space<vmem>> -> memref<8x128xf32, #tpu.memory_space<vmem>>
        %dma_wait3A_1580 = arith.constant 0 : i32
        %dma_wait3A_1581 = arith.constant 0 : i32
        %dma_wait3A_1582 = tpu.memref_slice %arg4[%add3A_1279, %dma_wait3A_1575, %add3A, %dma_wait3A_1580, %dma_wait3A_1581] : memref<200x8x32x8x128xf32, #tpu.memory_space<hbm>> -> memref<1x1x1x8x128xf32, #tpu.memory_space<hbm>>
        %dma_wait3A_1583 = tpu.memref_squeeze %dma_wait3A_1582 : memref<1x1x1x8x128xf32, #tpu.memory_space<hbm>> -> memref<8x128xf32, #tpu.memory_space<hbm>>
        %dma_wait3A_1584 = arith.constant 0 : i32
        %dma_wait3A_1585 = arith.constant 0 : i32
        %dma_wait3A_1586 = tpu.memref_slice %arg4[%add3A_1279, %dma_wait3A_1575, %add3A, %dma_wait3A_1584, %dma_wait3A_1585] : memref<200x8x32x8x128xf32, #tpu.memory_space<hbm>> -> memref<1x1x1x8x128xf32, #tpu.memory_space<hbm>>
        %dma_wait3A_1587 = tpu.memref_squeeze %dma_wait3A_1586 : memref<1x1x1x8x128xf32, #tpu.memory_space<hbm>> -> memref<8x128xf32, #tpu.memory_space<hbm>>
        %dma_wait3A_1588 = arith.constant 48 : i32
        %dma_wait3A_1589 = arith.constant 0 : i32
        %dma_wait3A_1590 = tpu.memref_slice %arg7[%dma_wait3A_1574, %dma_wait3A_1588, %dma_wait3A_1589] : memref<2x64x128xf32, #tpu.memory_space<vmem>> -> memref<1x8x128xf32, #tpu.memory_space<vmem>>
        %dma_wait3A_1591 = tpu.memref_squeeze %dma_wait3A_1590 : memref<1x8x128xf32, #tpu.memory_space<vmem>> -> memref<8x128xf32, #tpu.memory_space<vmem>>
        tpu.wait_dma2 semaphore(%arg11 : memref<!tpu.dma_semaphore, #tpu.memory_space<semaphore_mem>>) src(%dma_wait3A_1591 : memref<8x128xf32, #tpu.memory_space<vmem>>) dst(%dma_wait3A_1587 : memref<8x128xf32, #tpu.memory_space<hbm>>)
        %dma_wait3A_1592 = arith.constant 1 : i32
        %dma_wait3A_1593 = arith.constant 7 : i32
        %dma_wait3A_1594 = arith.constant 56 : i32
        %dma_wait3A_1595 = arith.constant 0 : i32
        %dma_wait3A_1596 = tpu.memref_slice %arg7[%dma_wait3A_1592, %dma_wait3A_1594, %dma_wait3A_1595] : memref<2x64x128xf32, #tpu.memory_space<vmem>> -> memref<1x8x128xf32, #tpu.memory_space<vmem>>
        %dma_wait3A_1597 = tpu.memref_squeeze %dma_wait3A_1596 : memref<1x8x128xf32, #tpu.memory_space<vmem>> -> memref<8x128xf32, #tpu.memory_space<vmem>>
        %dma_wait3A_1598 = arith.constant 0 : i32
        %dma_wait3A_1599 = arith.constant 0 : i32
        %dma_wait3A_1600 = tpu.memref_slice %arg4[%add3A_1279, %dma_wait3A_1593, %add3A, %dma_wait3A_1598, %dma_wait3A_1599] : memref<200x8x32x8x128xf32, #tpu.memory_space<hbm>> -> memref<1x1x1x8x128xf32, #tpu.memory_space<hbm>>
        %dma_wait3A_1601 = tpu.memref_squeeze %dma_wait3A_1600 : memref<1x1x1x8x128xf32, #tpu.memory_space<hbm>> -> memref<8x128xf32, #tpu.memory_space<hbm>>
        %dma_wait3A_1602 = arith.constant 0 : i32
        %dma_wait3A_1603 = arith.constant 0 : i32
        %dma_wait3A_1604 = tpu.memref_slice %arg4[%add3A_1279, %dma_wait3A_1593, %add3A, %dma_wait3A_1602, %dma_wait3A_1603] : memref<200x8x32x8x128xf32, #tpu.memory_space<hbm>> -> memref<1x1x1x8x128xf32, #tpu.memory_space<hbm>>
        %dma_wait3A_1605 = tpu.memref_squeeze %dma_wait3A_1604 : memref<1x1x1x8x128xf32, #tpu.memory_space<hbm>> -> memref<8x128xf32, #tpu.memory_space<hbm>>
        %dma_wait3A_1606 = arith.constant 56 : i32
        %dma_wait3A_1607 = arith.constant 0 : i32
        %dma_wait3A_1608 = tpu.memref_slice %arg7[%dma_wait3A_1592, %dma_wait3A_1606, %dma_wait3A_1607] : memref<2x64x128xf32, #tpu.memory_space<vmem>> -> memref<1x8x128xf32, #tpu.memory_space<vmem>>
        %dma_wait3A_1609 = tpu.memref_squeeze %dma_wait3A_1608 : memref<1x8x128xf32, #tpu.memory_space<vmem>> -> memref<8x128xf32, #tpu.memory_space<vmem>>
        tpu.wait_dma2 semaphore(%arg11 : memref<!tpu.dma_semaphore, #tpu.memory_space<semaphore_mem>>) src(%dma_wait3A_1609 : memref<8x128xf32, #tpu.memory_space<vmem>>) dst(%dma_wait3A_1605 : memref<8x128xf32, #tpu.memory_space<hbm>>)
      } else {
      }
      %parallel_loop3A_1300 = arith.constant 0 : i32
      %parallel_loop3A_1301 = arith.constant 32 : i32
      %parallel_loop3A_1302 = arith.constant 1 : i32
      %parallel_loop3A_1303 = arith.constant 1 : i32
      %parallel_loop3A_1304 = arith.constant 1 : i32
      scf.for %parallel_loop3A_1466 = %parallel_loop3A_1300 to %parallel_loop3A_1301 step %parallel_loop3A_1302  : i32 {
        %parallel_loop3A_1467 = arith.constant 7 : i32
        %parallel_loop3A_1468 = arith.andi %parallel_loop3A_1466, %parallel_loop3A_1467 : i32
        %parallel_loop3A_1469 = arith.constant 16 : i32
        %parallel_loop3A_1470 = arith.muli %parallel_loop3A_1468, %parallel_loop3A_1469 : i32
        %parallel_loop3A_1471 = arith.constant 3 : i32
        %parallel_loop3A_1472 = arith.shrui %parallel_loop3A_1466, %parallel_loop3A_1471 : i32
        %parallel_loop3A_1473 = arith.constant 16 : i32
        %parallel_loop3A_1474 = arith.muli %parallel_loop3A_1472, %parallel_loop3A_1473 : i32
        %parallel_loop3A_1475 = vector.broadcast %parallel_loop3A_1470 : i32 to vector<16xi32>
        %parallel_loop3A_1476 = arith.addi %iota3A, %parallel_loop3A_1475 : vector<16xi32>
        %parallel_loop3A_1477 = vector.broadcast %parallel_loop3A_1474 : i32 to vector<16xi32>
        %parallel_loop3A_1478 = arith.addi %and3A_7, %parallel_loop3A_1477 : vector<16xi32>
        %parallel_loop3A_1479 = arith.constant 0 : i32
        %parallel_loop3A_1480 = arith.constant 0 : i32
        %parallel_loop3A_1481 = tpu.memref_slice %arg6[%parallel_loop3A_1303, %parallel_loop3A_1479, %parallel_loop3A_1480] : memref<2x128x64xf32, #tpu.memory_space<vmem>> -> memref<1x128x64xf32, #tpu.memory_space<vmem>>
        %parallel_loop3A_1482 = tpu.memref_squeeze %parallel_loop3A_1481 : memref<1x128x64xf32, #tpu.memory_space<vmem>> -> memref<128x64xf32, #tpu.memory_space<vmem>>
        %parallel_loop3A_1483 = tpu.vector_load_idx %parallel_loop3A_1482[%parallel_loop3A_1476, %parallel_loop3A_1478] : memref<128x64xf32, #tpu.memory_space<vmem>>[vector<16xi32>, vector<16xi32>], vector<16xf32>,
        %parallel_loop3A_1484 = arith.constant 0 : i32
        %parallel_loop3A_1485 = arith.constant 0 : i32
        %parallel_loop3A_1486 = tpu.memref_slice %arg7[%parallel_loop3A_1304, %parallel_loop3A_1484, %parallel_loop3A_1485] : memref<2x64x128xf32, #tpu.memory_space<vmem>> -> memref<1x64x128xf32, #tpu.memory_space<vmem>>
        %parallel_loop3A_1487 = tpu.memref_squeeze %parallel_loop3A_1486 : memref<1x64x128xf32, #tpu.memory_space<vmem>> -> memref<64x128xf32, #tpu.memory_space<vmem>>
        tpu.vector_store_idx %parallel_loop3A_1487[%parallel_loop3A_1478, %parallel_loop3A_1476], %parallel_loop3A_1483 : memref<64x128xf32, #tpu.memory_space<vmem>>[vector<16xi32>, vector<16xi32>], vector<16xf32>,
        %parallel_loop3A_1488 = vector.broadcast %parallel_loop3A_1474 : i32 to vector<16xi32>
        %parallel_loop3A_1489 = arith.addi %and3A_13, %parallel_loop3A_1488 : vector<16xi32>
        %parallel_loop3A_1490 = arith.constant 0 : i32
        %parallel_loop3A_1491 = arith.constant 0 : i32
        %parallel_loop3A_1492 = tpu.memref_slice %arg6[%parallel_loop3A_1303, %parallel_loop3A_1490, %parallel_loop3A_1491] : memref<2x128x64xf32, #tpu.memory_space<vmem>> -> memref<1x128x64xf32, #tpu.memory_space<vmem>>
        %parallel_loop3A_1493 = tpu.memref_squeeze %parallel_loop3A_1492 : memref<1x128x64xf32, #tpu.memory_space<vmem>> -> memref<128x64xf32, #tpu.memory_space<vmem>>
        %parallel_loop3A_1494 = tpu.vector_load_idx %parallel_loop3A_1493[%parallel_loop3A_1476, %parallel_loop3A_1489] : memref<128x64xf32, #tpu.memory_space<vmem>>[vector<16xi32>, vector<16xi32>], vector<16xf32>,
        %parallel_loop3A_1495 = arith.constant 0 : i32
        %parallel_loop3A_1496 = arith.constant 0 : i32
        %parallel_loop3A_1497 = tpu.memref_slice %arg7[%parallel_loop3A_1304, %parallel_loop3A_1495, %parallel_loop3A_1496] : memref<2x64x128xf32, #tpu.memory_space<vmem>> -> memref<1x64x128xf32, #tpu.memory_space<vmem>>
        %parallel_loop3A_1498 = tpu.memref_squeeze %parallel_loop3A_1497 : memref<1x64x128xf32, #tpu.memory_space<vmem>> -> memref<64x128xf32, #tpu.memory_space<vmem>>
        tpu.vector_store_idx %parallel_loop3A_1498[%parallel_loop3A_1489, %parallel_loop3A_1476], %parallel_loop3A_1494 : memref<64x128xf32, #tpu.memory_space<vmem>>[vector<16xi32>, vector<16xi32>], vector<16xf32>,
        %parallel_loop3A_1499 = vector.broadcast %parallel_loop3A_1474 : i32 to vector<16xi32>
        %parallel_loop3A_1500 = arith.addi %and3A_19, %parallel_loop3A_1499 : vector<16xi32>
        %parallel_loop3A_1501 = arith.constant 0 : i32
        %parallel_loop3A_1502 = arith.constant 0 : i32
        %parallel_loop3A_1503 = tpu.memref_slice %arg6[%parallel_loop3A_1303, %parallel_loop3A_1501, %parallel_loop3A_1502] : memref<2x128x64xf32, #tpu.memory_space<vmem>> -> memref<1x128x64xf32, #tpu.memory_space<vmem>>
        %parallel_loop3A_1504 = tpu.memref_squeeze %parallel_loop3A_1503 : memref<1x128x64xf32, #tpu.memory_space<vmem>> -> memref<128x64xf32, #tpu.memory_space<vmem>>
        %parallel_loop3A_1505 = tpu.vector_load_idx %parallel_loop3A_1504[%parallel_loop3A_1476, %parallel_loop3A_1500] : memref<128x64xf32, #tpu.memory_space<vmem>>[vector<16xi32>, vector<16xi32>], vector<16xf32>,
        %parallel_loop3A_1506 = arith.constant 0 : i32
        %parallel_loop3A_1507 = arith.constant 0 : i32
        %parallel_loop3A_1508 = tpu.memref_slice %arg7[%parallel_loop3A_1304, %parallel_loop3A_1506, %parallel_loop3A_1507] : memref<2x64x128xf32, #tpu.memory_space<vmem>> -> memref<1x64x128xf32, #tpu.memory_space<vmem>>
        %parallel_loop3A_1509 = tpu.memref_squeeze %parallel_loop3A_1508 : memref<1x64x128xf32, #tpu.memory_space<vmem>> -> memref<64x128xf32, #tpu.memory_space<vmem>>
        tpu.vector_store_idx %parallel_loop3A_1509[%parallel_loop3A_1500, %parallel_loop3A_1476], %parallel_loop3A_1505 : memref<64x128xf32, #tpu.memory_space<vmem>>[vector<16xi32>, vector<16xi32>], vector<16xf32>,
        %parallel_loop3A_1510 = vector.broadcast %parallel_loop3A_1474 : i32 to vector<16xi32>
        %parallel_loop3A_1511 = arith.addi %and3A_25, %parallel_loop3A_1510 : vector<16xi32>
        %parallel_loop3A_1512 = arith.constant 0 : i32
        %parallel_loop3A_1513 = arith.constant 0 : i32
        %parallel_loop3A_1514 = tpu.memref_slice %arg6[%parallel_loop3A_1303, %parallel_loop3A_1512, %parallel_loop3A_1513] : memref<2x128x64xf32, #tpu.memory_space<vmem>> -> memref<1x128x64xf32, #tpu.memory_space<vmem>>
        %parallel_loop3A_1515 = tpu.memref_squeeze %parallel_loop3A_1514 : memref<1x128x64xf32, #tpu.memory_space<vmem>> -> memref<128x64xf32, #tpu.memory_space<vmem>>
        %parallel_loop3A_1516 = tpu.vector_load_idx %parallel_loop3A_1515[%parallel_loop3A_1476, %parallel_loop3A_1511] : memref<128x64xf32, #tpu.memory_space<vmem>>[vector<16xi32>, vector<16xi32>], vector<16xf32>,
        %parallel_loop3A_1517 = arith.constant 0 : i32
        %parallel_loop3A_1518 = arith.constant 0 : i32
        %parallel_loop3A_1519 = tpu.memref_slice %arg7[%parallel_loop3A_1304, %parallel_loop3A_1517, %parallel_loop3A_1518] : memref<2x64x128xf32, #tpu.memory_space<vmem>> -> memref<1x64x128xf32, #tpu.memory_space<vmem>>
        %parallel_loop3A_1520 = tpu.memref_squeeze %parallel_loop3A_1519 : memref<1x64x128xf32, #tpu.memory_space<vmem>> -> memref<64x128xf32, #tpu.memory_space<vmem>>
        tpu.vector_store_idx %parallel_loop3A_1520[%parallel_loop3A_1511, %parallel_loop3A_1476], %parallel_loop3A_1516 : memref<64x128xf32, #tpu.memory_space<vmem>>[vector<16xi32>, vector<16xi32>], vector<16xf32>,
        %parallel_loop3A_1521 = vector.broadcast %parallel_loop3A_1474 : i32 to vector<16xi32>
        %parallel_loop3A_1522 = arith.addi %and3A_31, %parallel_loop3A_1521 : vector<16xi32>
        %parallel_loop3A_1523 = arith.constant 0 : i32
        %parallel_loop3A_1524 = arith.constant 0 : i32
        %parallel_loop3A_1525 = tpu.memref_slice %arg6[%parallel_loop3A_1303, %parallel_loop3A_1523, %parallel_loop3A_1524] : memref<2x128x64xf32, #tpu.memory_space<vmem>> -> memref<1x128x64xf32, #tpu.memory_space<vmem>>
        %parallel_loop3A_1526 = tpu.memref_squeeze %parallel_loop3A_1525 : memref<1x128x64xf32, #tpu.memory_space<vmem>> -> memref<128x64xf32, #tpu.memory_space<vmem>>
        %parallel_loop3A_1527 = tpu.vector_load_idx %parallel_loop3A_1526[%parallel_loop3A_1476, %parallel_loop3A_1522] : memref<128x64xf32, #tpu.memory_space<vmem>>[vector<16xi32>, vector<16xi32>], vector<16xf32>,
        %parallel_loop3A_1528 = arith.constant 0 : i32
        %parallel_loop3A_1529 = arith.constant 0 : i32
        %parallel_loop3A_1530 = tpu.memref_slice %arg7[%parallel_loop3A_1304, %parallel_loop3A_1528, %parallel_loop3A_1529] : memref<2x64x128xf32, #tpu.memory_space<vmem>> -> memref<1x64x128xf32, #tpu.memory_space<vmem>>
        %parallel_loop3A_1531 = tpu.memref_squeeze %parallel_loop3A_1530 : memref<1x64x128xf32, #tpu.memory_space<vmem>> -> memref<64x128xf32, #tpu.memory_space<vmem>>
        tpu.vector_store_idx %parallel_loop3A_1531[%parallel_loop3A_1522, %parallel_loop3A_1476], %parallel_loop3A_1527 : memref<64x128xf32, #tpu.memory_space<vmem>>[vector<16xi32>, vector<16xi32>], vector<16xf32>,
        %parallel_loop3A_1532 = vector.broadcast %parallel_loop3A_1474 : i32 to vector<16xi32>
        %parallel_loop3A_1533 = arith.addi %and3A_37, %parallel_loop3A_1532 : vector<16xi32>
        %parallel_loop3A_1534 = arith.constant 0 : i32
        %parallel_loop3A_1535 = arith.constant 0 : i32
        %parallel_loop3A_1536 = tpu.memref_slice %arg6[%parallel_loop3A_1303, %parallel_loop3A_1534, %parallel_loop3A_1535] : memref<2x128x64xf32, #tpu.memory_space<vmem>> -> memref<1x128x64xf32, #tpu.memory_space<vmem>>
        %parallel_loop3A_1537 = tpu.memref_squeeze %parallel_loop3A_1536 : memref<1x128x64xf32, #tpu.memory_space<vmem>> -> memref<128x64xf32, #tpu.memory_space<vmem>>
        %parallel_loop3A_1538 = tpu.vector_load_idx %parallel_loop3A_1537[%parallel_loop3A_1476, %parallel_loop3A_1533] : memref<128x64xf32, #tpu.memory_space<vmem>>[vector<16xi32>, vector<16xi32>], vector<16xf32>,
        %parallel_loop3A_1539 = arith.constant 0 : i32
        %parallel_loop3A_1540 = arith.constant 0 : i32
        %parallel_loop3A_1541 = tpu.memref_slice %arg7[%parallel_loop3A_1304, %parallel_loop3A_1539, %parallel_loop3A_1540] : memref<2x64x128xf32, #tpu.memory_space<vmem>> -> memref<1x64x128xf32, #tpu.memory_space<vmem>>
        %parallel_loop3A_1542 = tpu.memref_squeeze %parallel_loop3A_1541 : memref<1x64x128xf32, #tpu.memory_space<vmem>> -> memref<64x128xf32, #tpu.memory_space<vmem>>
        tpu.vector_store_idx %parallel_loop3A_1542[%parallel_loop3A_1533, %parallel_loop3A_1476], %parallel_loop3A_1538 : memref<64x128xf32, #tpu.memory_space<vmem>>[vector<16xi32>, vector<16xi32>], vector<16xf32>,
        %parallel_loop3A_1543 = vector.broadcast %parallel_loop3A_1474 : i32 to vector<16xi32>
        %parallel_loop3A_1544 = arith.addi %and3A_43, %parallel_loop3A_1543 : vector<16xi32>
        %parallel_loop3A_1545 = arith.constant 0 : i32
        %parallel_loop3A_1546 = arith.constant 0 : i32
        %parallel_loop3A_1547 = tpu.memref_slice %arg6[%parallel_loop3A_1303, %parallel_loop3A_1545, %parallel_loop3A_1546] : memref<2x128x64xf32, #tpu.memory_space<vmem>> -> memref<1x128x64xf32, #tpu.memory_space<vmem>>
        %parallel_loop3A_1548 = tpu.memref_squeeze %parallel_loop3A_1547 : memref<1x128x64xf32, #tpu.memory_space<vmem>> -> memref<128x64xf32, #tpu.memory_space<vmem>>
        %parallel_loop3A_1549 = tpu.vector_load_idx %parallel_loop3A_1548[%parallel_loop3A_1476, %parallel_loop3A_1544] : memref<128x64xf32, #tpu.memory_space<vmem>>[vector<16xi32>, vector<16xi32>], vector<16xf32>,
        %parallel_loop3A_1550 = arith.constant 0 : i32
        %parallel_loop3A_1551 = arith.constant 0 : i32
        %parallel_loop3A_1552 = tpu.memref_slice %arg7[%parallel_loop3A_1304, %parallel_loop3A_1550, %parallel_loop3A_1551] : memref<2x64x128xf32, #tpu.memory_space<vmem>> -> memref<1x64x128xf32, #tpu.memory_space<vmem>>
        %parallel_loop3A_1553 = tpu.memref_squeeze %parallel_loop3A_1552 : memref<1x64x128xf32, #tpu.memory_space<vmem>> -> memref<64x128xf32, #tpu.memory_space<vmem>>
        tpu.vector_store_idx %parallel_loop3A_1553[%parallel_loop3A_1544, %parallel_loop3A_1476], %parallel_loop3A_1549 : memref<64x128xf32, #tpu.memory_space<vmem>>[vector<16xi32>, vector<16xi32>], vector<16xf32>,
        %parallel_loop3A_1554 = vector.broadcast %parallel_loop3A_1474 : i32 to vector<16xi32>
        %parallel_loop3A_1555 = arith.addi %and3A_49, %parallel_loop3A_1554 : vector<16xi32>
        %parallel_loop3A_1556 = arith.constant 0 : i32
        %parallel_loop3A_1557 = arith.constant 0 : i32
        %parallel_loop3A_1558 = tpu.memref_slice %arg6[%parallel_loop3A_1303, %parallel_loop3A_1556, %parallel_loop3A_1557] : memref<2x128x64xf32, #tpu.memory_space<vmem>> -> memref<1x128x64xf32, #tpu.memory_space<vmem>>
        %parallel_loop3A_1559 = tpu.memref_squeeze %parallel_loop3A_1558 : memref<1x128x64xf32, #tpu.memory_space<vmem>> -> memref<128x64xf32, #tpu.memory_space<vmem>>
        %parallel_loop3A_1560 = tpu.vector_load_idx %parallel_loop3A_1559[%parallel_loop3A_1476, %parallel_loop3A_1555] : memref<128x64xf32, #tpu.memory_space<vmem>>[vector<16xi32>, vector<16xi32>], vector<16xf32>,
        %parallel_loop3A_1561 = arith.constant 0 : i32
        %parallel_loop3A_1562 = arith.constant 0 : i32
        %parallel_loop3A_1563 = tpu.memref_slice %arg7[%parallel_loop3A_1304, %parallel_loop3A_1561, %parallel_loop3A_1562] : memref<2x64x128xf32, #tpu.memory_space<vmem>> -> memref<1x64x128xf32, #tpu.memory_space<vmem>>
        %parallel_loop3A_1564 = tpu.memref_squeeze %parallel_loop3A_1563 : memref<1x64x128xf32, #tpu.memory_space<vmem>> -> memref<64x128xf32, #tpu.memory_space<vmem>>
        tpu.vector_store_idx %parallel_loop3A_1564[%parallel_loop3A_1555, %parallel_loop3A_1476], %parallel_loop3A_1560 : memref<64x128xf32, #tpu.memory_space<vmem>>[vector<16xi32>, vector<16xi32>], vector<16xf32>,
        %parallel_loop3A_1565 = vector.broadcast %parallel_loop3A_1474 : i32 to vector<16xi32>
        %parallel_loop3A_1566 = arith.addi %and3A_55, %parallel_loop3A_1565 : vector<16xi32>
        %parallel_loop3A_1567 = arith.constant 0 : i32
        %parallel_loop3A_1568 = arith.constant 0 : i32
        %parallel_loop3A_1569 = tpu.memref_slice %arg6[%parallel_loop3A_1303, %parallel_loop3A_1567, %parallel_loop3A_1568] : memref<2x128x64xf32, #tpu.memory_space<vmem>> -> memref<1x128x64xf32, #tpu.memory_space<vmem>>
        %parallel_loop3A_1570 = tpu.memref_squeeze %parallel_loop3A_1569 : memref<1x128x64xf32, #tpu.memory_space<vmem>> -> memref<128x64xf32, #tpu.memory_space<vmem>>
        %parallel_loop3A_1571 = tpu.vector_load_idx %parallel_loop3A_1570[%parallel_loop3A_1476, %parallel_loop3A_1566] : memref<128x64xf32, #tpu.memory_space<vmem>>[vector<16xi32>, vector<16xi32>], vector<16xf32>,
        %parallel_loop3A_1572 = arith.constant 0 : i32
        %parallel_loop3A_1573 = arith.constant 0 : i32
        %parallel_loop3A_1574 = tpu.memref_slice %arg7[%parallel_loop3A_1304, %parallel_loop3A_1572, %parallel_loop3A_1573] : memref<2x64x128xf32, #tpu.memory_space<vmem>> -> memref<1x64x128xf32, #tpu.memory_space<vmem>>
        %parallel_loop3A_1575 = tpu.memref_squeeze %parallel_loop3A_1574 : memref<1x64x128xf32, #tpu.memory_space<vmem>> -> memref<64x128xf32, #tpu.memory_space<vmem>>
        tpu.vector_store_idx %parallel_loop3A_1575[%parallel_loop3A_1566, %parallel_loop3A_1476], %parallel_loop3A_1571 : memref<64x128xf32, #tpu.memory_space<vmem>>[vector<16xi32>, vector<16xi32>], vector<16xf32>,
        %parallel_loop3A_1576 = vector.broadcast %parallel_loop3A_1474 : i32 to vector<16xi32>
        %parallel_loop3A_1577 = arith.addi %and3A_61, %parallel_loop3A_1576 : vector<16xi32>
        %parallel_loop3A_1578 = arith.constant 0 : i32
        %parallel_loop3A_1579 = arith.constant 0 : i32
        %parallel_loop3A_1580 = tpu.memref_slice %arg6[%parallel_loop3A_1303, %parallel_loop3A_1578, %parallel_loop3A_1579] : memref<2x128x64xf32, #tpu.memory_space<vmem>> -> memref<1x128x64xf32, #tpu.memory_space<vmem>>
        %parallel_loop3A_1581 = tpu.memref_squeeze %parallel_loop3A_1580 : memref<1x128x64xf32, #tpu.memory_space<vmem>> -> memref<128x64xf32, #tpu.memory_space<vmem>>
        %parallel_loop3A_1582 = tpu.vector_load_idx %parallel_loop3A_1581[%parallel_loop3A_1476, %parallel_loop3A_1577] : memref<128x64xf32, #tpu.memory_space<vmem>>[vector<16xi32>, vector<16xi32>], vector<16xf32>,
        %parallel_loop3A_1583 = arith.constant 0 : i32
        %parallel_loop3A_1584 = arith.constant 0 : i32
        %parallel_loop3A_1585 = tpu.memref_slice %arg7[%parallel_loop3A_1304, %parallel_loop3A_1583, %parallel_loop3A_1584] : memref<2x64x128xf32, #tpu.memory_space<vmem>> -> memref<1x64x128xf32, #tpu.memory_space<vmem>>
        %parallel_loop3A_1586 = tpu.memref_squeeze %parallel_loop3A_1585 : memref<1x64x128xf32, #tpu.memory_space<vmem>> -> memref<64x128xf32, #tpu.memory_space<vmem>>
        tpu.vector_store_idx %parallel_loop3A_1586[%parallel_loop3A_1577, %parallel_loop3A_1476], %parallel_loop3A_1582 : memref<64x128xf32, #tpu.memory_space<vmem>>[vector<16xi32>, vector<16xi32>], vector<16xf32>,
        %parallel_loop3A_1587 = vector.broadcast %parallel_loop3A_1474 : i32 to vector<16xi32>
        %parallel_loop3A_1588 = arith.addi %and3A_67, %parallel_loop3A_1587 : vector<16xi32>
        %parallel_loop3A_1589 = arith.constant 0 : i32
        %parallel_loop3A_1590 = arith.constant 0 : i32
        %parallel_loop3A_1591 = tpu.memref_slice %arg6[%parallel_loop3A_1303, %parallel_loop3A_1589, %parallel_loop3A_1590] : memref<2x128x64xf32, #tpu.memory_space<vmem>> -> memref<1x128x64xf32, #tpu.memory_space<vmem>>
        %parallel_loop3A_1592 = tpu.memref_squeeze %parallel_loop3A_1591 : memref<1x128x64xf32, #tpu.memory_space<vmem>> -> memref<128x64xf32, #tpu.memory_space<vmem>>
        %parallel_loop3A_1593 = tpu.vector_load_idx %parallel_loop3A_1592[%parallel_loop3A_1476, %parallel_loop3A_1588] : memref<128x64xf32, #tpu.memory_space<vmem>>[vector<16xi32>, vector<16xi32>], vector<16xf32>,
        %parallel_loop3A_1594 = arith.constant 0 : i32
        %parallel_loop3A_1595 = arith.constant 0 : i32
        %parallel_loop3A_1596 = tpu.memref_slice %arg7[%parallel_loop3A_1304, %parallel_loop3A_1594, %parallel_loop3A_1595] : memref<2x64x128xf32, #tpu.memory_space<vmem>> -> memref<1x64x128xf32, #tpu.memory_space<vmem>>
        %parallel_loop3A_1597 = tpu.memref_squeeze %parallel_loop3A_1596 : memref<1x64x128xf32, #tpu.memory_space<vmem>> -> memref<64x128xf32, #tpu.memory_space<vmem>>
        tpu.vector_store_idx %parallel_loop3A_1597[%parallel_loop3A_1588, %parallel_loop3A_1476], %parallel_loop3A_1593 : memref<64x128xf32, #tpu.memory_space<vmem>>[vector<16xi32>, vector<16xi32>], vector<16xf32>,
        %parallel_loop3A_1598 = vector.broadcast %parallel_loop3A_1474 : i32 to vector<16xi32>
        %parallel_loop3A_1599 = arith.addi %and3A_73, %parallel_loop3A_1598 : vector<16xi32>
        %parallel_loop3A_1600 = arith.constant 0 : i32
        %parallel_loop3A_1601 = arith.constant 0 : i32
        %parallel_loop3A_1602 = tpu.memref_slice %arg6[%parallel_loop3A_1303, %parallel_loop3A_1600, %parallel_loop3A_1601] : memref<2x128x64xf32, #tpu.memory_space<vmem>> -> memref<1x128x64xf32, #tpu.memory_space<vmem>>
        %parallel_loop3A_1603 = tpu.memref_squeeze %parallel_loop3A_1602 : memref<1x128x64xf32, #tpu.memory_space<vmem>> -> memref<128x64xf32, #tpu.memory_space<vmem>>
        %parallel_loop3A_1604 = tpu.vector_load_idx %parallel_loop3A_1603[%parallel_loop3A_1476, %parallel_loop3A_1599] : memref<128x64xf32, #tpu.memory_space<vmem>>[vector<16xi32>, vector<16xi32>], vector<16xf32>,
        %parallel_loop3A_1605 = arith.constant 0 : i32
        %parallel_loop3A_1606 = arith.constant 0 : i32
        %parallel_loop3A_1607 = tpu.memref_slice %arg7[%parallel_loop3A_1304, %parallel_loop3A_1605, %parallel_loop3A_1606] : memref<2x64x128xf32, #tpu.memory_space<vmem>> -> memref<1x64x128xf32, #tpu.memory_space<vmem>>
        %parallel_loop3A_1608 = tpu.memref_squeeze %parallel_loop3A_1607 : memref<1x64x128xf32, #tpu.memory_space<vmem>> -> memref<64x128xf32, #tpu.memory_space<vmem>>
        tpu.vector_store_idx %parallel_loop3A_1608[%parallel_loop3A_1599, %parallel_loop3A_1476], %parallel_loop3A_1604 : memref<64x128xf32, #tpu.memory_space<vmem>>[vector<16xi32>, vector<16xi32>], vector<16xf32>,
        %parallel_loop3A_1609 = vector.broadcast %parallel_loop3A_1474 : i32 to vector<16xi32>
        %parallel_loop3A_1610 = arith.addi %and3A_79, %parallel_loop3A_1609 : vector<16xi32>
        %parallel_loop3A_1611 = arith.constant 0 : i32
        %parallel_loop3A_1612 = arith.constant 0 : i32
        %parallel_loop3A_1613 = tpu.memref_slice %arg6[%parallel_loop3A_1303, %parallel_loop3A_1611, %parallel_loop3A_1612] : memref<2x128x64xf32, #tpu.memory_space<vmem>> -> memref<1x128x64xf32, #tpu.memory_space<vmem>>
        %parallel_loop3A_1614 = tpu.memref_squeeze %parallel_loop3A_1613 : memref<1x128x64xf32, #tpu.memory_space<vmem>> -> memref<128x64xf32, #tpu.memory_space<vmem>>
        %parallel_loop3A_1615 = tpu.vector_load_idx %parallel_loop3A_1614[%parallel_loop3A_1476, %parallel_loop3A_1610] : memref<128x64xf32, #tpu.memory_space<vmem>>[vector<16xi32>, vector<16xi32>], vector<16xf32>,
        %parallel_loop3A_1616 = arith.constant 0 : i32
        %parallel_loop3A_1617 = arith.constant 0 : i32
        %parallel_loop3A_1618 = tpu.memref_slice %arg7[%parallel_loop3A_1304, %parallel_loop3A_1616, %parallel_loop3A_1617] : memref<2x64x128xf32, #tpu.memory_space<vmem>> -> memref<1x64x128xf32, #tpu.memory_space<vmem>>
        %parallel_loop3A_1619 = tpu.memref_squeeze %parallel_loop3A_1618 : memref<1x64x128xf32, #tpu.memory_space<vmem>> -> memref<64x128xf32, #tpu.memory_space<vmem>>
        tpu.vector_store_idx %parallel_loop3A_1619[%parallel_loop3A_1610, %parallel_loop3A_1476], %parallel_loop3A_1615 : memref<64x128xf32, #tpu.memory_space<vmem>>[vector<16xi32>, vector<16xi32>], vector<16xf32>,
        %parallel_loop3A_1620 = vector.broadcast %parallel_loop3A_1474 : i32 to vector<16xi32>
        %parallel_loop3A_1621 = arith.addi %and3A_85, %parallel_loop3A_1620 : vector<16xi32>
        %parallel_loop3A_1622 = arith.constant 0 : i32
        %parallel_loop3A_1623 = arith.constant 0 : i32
        %parallel_loop3A_1624 = tpu.memref_slice %arg6[%parallel_loop3A_1303, %parallel_loop3A_1622, %parallel_loop3A_1623] : memref<2x128x64xf32, #tpu.memory_space<vmem>> -> memref<1x128x64xf32, #tpu.memory_space<vmem>>
        %parallel_loop3A_1625 = tpu.memref_squeeze %parallel_loop3A_1624 : memref<1x128x64xf32, #tpu.memory_space<vmem>> -> memref<128x64xf32, #tpu.memory_space<vmem>>
        %parallel_loop3A_1626 = tpu.vector_load_idx %parallel_loop3A_1625[%parallel_loop3A_1476, %parallel_loop3A_1621] : memref<128x64xf32, #tpu.memory_space<vmem>>[vector<16xi32>, vector<16xi32>], vector<16xf32>,
        %parallel_loop3A_1627 = arith.constant 0 : i32
        %parallel_loop3A_1628 = arith.constant 0 : i32
        %parallel_loop3A_1629 = tpu.memref_slice %arg7[%parallel_loop3A_1304, %parallel_loop3A_1627, %parallel_loop3A_1628] : memref<2x64x128xf32, #tpu.memory_space<vmem>> -> memref<1x64x128xf32, #tpu.memory_space<vmem>>
        %parallel_loop3A_1630 = tpu.memref_squeeze %parallel_loop3A_1629 : memref<1x64x128xf32, #tpu.memory_space<vmem>> -> memref<64x128xf32, #tpu.memory_space<vmem>>
        tpu.vector_store_idx %parallel_loop3A_1630[%parallel_loop3A_1621, %parallel_loop3A_1476], %parallel_loop3A_1626 : memref<64x128xf32, #tpu.memory_space<vmem>>[vector<16xi32>, vector<16xi32>], vector<16xf32>,
        %parallel_loop3A_1631 = vector.broadcast %parallel_loop3A_1474 : i32 to vector<16xi32>
        %parallel_loop3A_1632 = arith.addi %and3A_91, %parallel_loop3A_1631 : vector<16xi32>
        %parallel_loop3A_1633 = arith.constant 0 : i32
        %parallel_loop3A_1634 = arith.constant 0 : i32
        %parallel_loop3A_1635 = tpu.memref_slice %arg6[%parallel_loop3A_1303, %parallel_loop3A_1633, %parallel_loop3A_1634] : memref<2x128x64xf32, #tpu.memory_space<vmem>> -> memref<1x128x64xf32, #tpu.memory_space<vmem>>
        %parallel_loop3A_1636 = tpu.memref_squeeze %parallel_loop3A_1635 : memref<1x128x64xf32, #tpu.memory_space<vmem>> -> memref<128x64xf32, #tpu.memory_space<vmem>>
        %parallel_loop3A_1637 = tpu.vector_load_idx %parallel_loop3A_1636[%parallel_loop3A_1476, %parallel_loop3A_1632] : memref<128x64xf32, #tpu.memory_space<vmem>>[vector<16xi32>, vector<16xi32>], vector<16xf32>,
        %parallel_loop3A_1638 = arith.constant 0 : i32
        %parallel_loop3A_1639 = arith.constant 0 : i32
        %parallel_loop3A_1640 = tpu.memref_slice %arg7[%parallel_loop3A_1304, %parallel_loop3A_1638, %parallel_loop3A_1639] : memref<2x64x128xf32, #tpu.memory_space<vmem>> -> memref<1x64x128xf32, #tpu.memory_space<vmem>>
        %parallel_loop3A_1641 = tpu.memref_squeeze %parallel_loop3A_1640 : memref<1x64x128xf32, #tpu.memory_space<vmem>> -> memref<64x128xf32, #tpu.memory_space<vmem>>
        tpu.vector_store_idx %parallel_loop3A_1641[%parallel_loop3A_1632, %parallel_loop3A_1476], %parallel_loop3A_1637 : memref<64x128xf32, #tpu.memory_space<vmem>>[vector<16xi32>, vector<16xi32>], vector<16xf32>,
        %parallel_loop3A_1642 = vector.broadcast %parallel_loop3A_1474 : i32 to vector<16xi32>
        %parallel_loop3A_1643 = arith.addi %and3A_97, %parallel_loop3A_1642 : vector<16xi32>
        %parallel_loop3A_1644 = arith.constant 0 : i32
        %parallel_loop3A_1645 = arith.constant 0 : i32
        %parallel_loop3A_1646 = tpu.memref_slice %arg6[%parallel_loop3A_1303, %parallel_loop3A_1644, %parallel_loop3A_1645] : memref<2x128x64xf32, #tpu.memory_space<vmem>> -> memref<1x128x64xf32, #tpu.memory_space<vmem>>
        %parallel_loop3A_1647 = tpu.memref_squeeze %parallel_loop3A_1646 : memref<1x128x64xf32, #tpu.memory_space<vmem>> -> memref<128x64xf32, #tpu.memory_space<vmem>>
        %parallel_loop3A_1648 = tpu.vector_load_idx %parallel_loop3A_1647[%parallel_loop3A_1476, %parallel_loop3A_1643] : memref<128x64xf32, #tpu.memory_space<vmem>>[vector<16xi32>, vector<16xi32>], vector<16xf32>,
        %parallel_loop3A_1649 = arith.constant 0 : i32
        %parallel_loop3A_1650 = arith.constant 0 : i32
        %parallel_loop3A_1651 = tpu.memref_slice %arg7[%parallel_loop3A_1304, %parallel_loop3A_1649, %parallel_loop3A_1650] : memref<2x64x128xf32, #tpu.memory_space<vmem>> -> memref<1x64x128xf32, #tpu.memory_space<vmem>>
        %parallel_loop3A_1652 = tpu.memref_squeeze %parallel_loop3A_1651 : memref<1x64x128xf32, #tpu.memory_space<vmem>> -> memref<64x128xf32, #tpu.memory_space<vmem>>
        tpu.vector_store_idx %parallel_loop3A_1652[%parallel_loop3A_1643, %parallel_loop3A_1476], %parallel_loop3A_1648 : memref<64x128xf32, #tpu.memory_space<vmem>>[vector<16xi32>, vector<16xi32>], vector<16xf32>,
      } {sc.loop_unroll_factor = 2 : i64, sc.parallel_access}
      %add3A_1305 = arith.constant 2 : i32
      %add3A_1306 = arith.addi %add3A_1279, %add3A_1305 : i32
      %div3A_1307 = arith.constant 8 : i32
      %div3A_1308 = arith.divsi %add3A_1306, %div3A_1307 : i32
      %rem3A_1309 = arith.constant 8 : i32
      %rem3A_1310 = arith.remsi %add3A_1306, %rem3A_1309 : i32
      %dma_start3A_1311 = arith.constant 1 : i32
      %dma_start3A_1312 = arith.constant 0 : i32
      %dma_start3A_1313 = arith.constant 0 : i32
      %dma_start3A_1314 = tpu.memref_slice %arg6[%dma_start3A_1311, %dma_start3A_1312, %dma_start3A_1313] : memref<2x128x64xf32, #tpu.memory_space<vmem>> -> memref<1x128x64xf32, #tpu.memory_space<vmem>>
      %dma_start3A_1315 = tpu.memref_squeeze %dma_start3A_1314 : memref<1x128x64xf32, #tpu.memory_space<vmem>> -> memref<128x64xf32, #tpu.memory_space<vmem>>
      %dma_start3A_1316 = arith.constant 0 : i32
      %dma_start3A_1317 = tpu.memref_slice %arg5[%div3A_1308, %rem3A_1310, %dma_start3A_1316] : memref<25x8x128xi32, #tpu.memory_space<vmem>> -> memref<1x1x128xi32, #tpu.memory_space<vmem>>
      %dma_start3A_1318 = tpu.memref_squeeze %dma_start3A_1317 : memref<1x1x128xi32, #tpu.memory_space<vmem>> -> memref<128xi32, #tpu.memory_space<vmem>>
      %dma_start3A_1319 = arith.constant 0 : i32
      %dma_start3A_1320 = arith.constant 0 : i32
      %dma_start3A_1321 = tpu.memref_slice %arg2[%dma_start3A_1319, %dma_start3A_1320] : memref<1007616x64xf32, #tpu.memory_space<hbm>> -> memref<1007616x64xf32, #tpu.memory_space<hbm>>
      tpu.enqueue_indirect_dma source(%dma_start3A_1321 : memref<1007616x64xf32, #tpu.memory_space<hbm>>) target(%dma_start3A_1315 : memref<128x64xf32, #tpu.memory_space<vmem>>) offsets(%dma_start3A_1318 : memref<128xi32, #tpu.memory_space<vmem>>) semaphore(%arg9 : memref<!tpu.dma_semaphore, #tpu.memory_space<semaphore_mem>>)
      %dma_start3A_1322 = arith.constant 1 : i32
      %dma_start3A_1323 = arith.constant 0 : i32
      %dma_start3A_1324 = arith.constant 0 : i32
      %dma_start3A_1325 = arith.constant 0 : i32
      %dma_start3A_1326 = tpu.memref_slice %arg7[%dma_start3A_1322, %dma_start3A_1324, %dma_start3A_1325] : memref<2x64x128xf32, #tpu.memory_space<vmem>> -> memref<1x8x128xf32, #tpu.memory_space<vmem>>
      %dma_start3A_1327 = tpu.memref_squeeze %dma_start3A_1326 : memref<1x8x128xf32, #tpu.memory_space<vmem>> -> memref<8x128xf32, #tpu.memory_space<vmem>>
      %dma_start3A_1328 = arith.constant 0 : i32
      %dma_start3A_1329 = arith.constant 0 : i32
      %dma_start3A_1330 = tpu.memref_slice %arg4[%add3A_1279, %dma_start3A_1323, %add3A, %dma_start3A_1328, %dma_start3A_1329] : memref<200x8x32x8x128xf32, #tpu.memory_space<hbm>> -> memref<1x1x1x8x128xf32, #tpu.memory_space<hbm>>
      %dma_start3A_1331 = tpu.memref_squeeze %dma_start3A_1330 : memref<1x1x1x8x128xf32, #tpu.memory_space<hbm>> -> memref<8x128xf32, #tpu.memory_space<hbm>>
      %dma_start3A_1332 = arith.constant 0 : i32
      %dma_start3A_1333 = arith.constant 0 : i32
      %dma_start3A_1334 = tpu.memref_slice %arg4[%add3A_1279, %dma_start3A_1323, %add3A, %dma_start3A_1332, %dma_start3A_1333] : memref<200x8x32x8x128xf32, #tpu.memory_space<hbm>> -> memref<1x1x1x8x128xf32, #tpu.memory_space<hbm>>
      %dma_start3A_1335 = tpu.memref_squeeze %dma_start3A_1334 : memref<1x1x1x8x128xf32, #tpu.memory_space<hbm>> -> memref<8x128xf32, #tpu.memory_space<hbm>>
      %dma_start3A_1336 = arith.constant 0 : i32
      %dma_start3A_1337 = arith.constant 0 : i32
      %dma_start3A_1338 = tpu.memref_slice %arg7[%dma_start3A_1322, %dma_start3A_1336, %dma_start3A_1337] : memref<2x64x128xf32, #tpu.memory_space<vmem>> -> memref<1x8x128xf32, #tpu.memory_space<vmem>>
      %dma_start3A_1339 = tpu.memref_squeeze %dma_start3A_1338 : memref<1x8x128xf32, #tpu.memory_space<vmem>> -> memref<8x128xf32, #tpu.memory_space<vmem>>
      tpu.enqueue_dma source(%dma_start3A_1339 : memref<8x128xf32, #tpu.memory_space<vmem>>) target(%dma_start3A_1335 : memref<8x128xf32, #tpu.memory_space<hbm>>) target_semaphore(%arg11 : memref<!tpu.dma_semaphore, #tpu.memory_space<semaphore_mem>>)
      %dma_start3A_1340 = arith.constant 1 : i32
      %dma_start3A_1341 = arith.constant 1 : i32
      %dma_start3A_1342 = arith.constant 8 : i32
      %dma_start3A_1343 = arith.constant 0 : i32
      %dma_start3A_1344 = tpu.memref_slice %arg7[%dma_start3A_1340, %dma_start3A_1342, %dma_start3A_1343] : memref<2x64x128xf32, #tpu.memory_space<vmem>> -> memref<1x8x128xf32, #tpu.memory_space<vmem>>
      %dma_start3A_1345 = tpu.memref_squeeze %dma_start3A_1344 : memref<1x8x128xf32, #tpu.memory_space<vmem>> -> memref<8x128xf32, #tpu.memory_space<vmem>>
      %dma_start3A_1346 = arith.constant 0 : i32
      %dma_start3A_1347 = arith.constant 0 : i32
      %dma_start3A_1348 = tpu.memref_slice %arg4[%add3A_1279, %dma_start3A_1341, %add3A, %dma_start3A_1346, %dma_start3A_1347] : memref<200x8x32x8x128xf32, #tpu.memory_space<hbm>> -> memref<1x1x1x8x128xf32, #tpu.memory_space<hbm>>
      %dma_start3A_1349 = tpu.memref_squeeze %dma_start3A_1348 : memref<1x1x1x8x128xf32, #tpu.memory_space<hbm>> -> memref<8x128xf32, #tpu.memory_space<hbm>>
      %dma_start3A_1350 = arith.constant 0 : i32
      %dma_start3A_1351 = arith.constant 0 : i32
      %dma_start3A_1352 = tpu.memref_slice %arg4[%add3A_1279, %dma_start3A_1341, %add3A, %dma_start3A_1350, %dma_start3A_1351] : memref<200x8x32x8x128xf32, #tpu.memory_space<hbm>> -> memref<1x1x1x8x128xf32, #tpu.memory_space<hbm>>
      %dma_start3A_1353 = tpu.memref_squeeze %dma_start3A_1352 : memref<1x1x1x8x128xf32, #tpu.memory_space<hbm>> -> memref<8x128xf32, #tpu.memory_space<hbm>>
      %dma_start3A_1354 = arith.constant 8 : i32
      %dma_start3A_1355 = arith.constant 0 : i32
      %dma_start3A_1356 = tpu.memref_slice %arg7[%dma_start3A_1340, %dma_start3A_1354, %dma_start3A_1355] : memref<2x64x128xf32, #tpu.memory_space<vmem>> -> memref<1x8x128xf32, #tpu.memory_space<vmem>>
      %dma_start3A_1357 = tpu.memref_squeeze %dma_start3A_1356 : memref<1x8x128xf32, #tpu.memory_space<vmem>> -> memref<8x128xf32, #tpu.memory_space<vmem>>
      tpu.enqueue_dma source(%dma_start3A_1357 : memref<8x128xf32, #tpu.memory_space<vmem>>) target(%dma_start3A_1353 : memref<8x128xf32, #tpu.memory_space<hbm>>) target_semaphore(%arg11 : memref<!tpu.dma_semaphore, #tpu.memory_space<semaphore_mem>>)
      %dma_start3A_1358 = arith.constant 1 : i32
      %dma_start3A_1359 = arith.constant 2 : i32
      %dma_start3A_1360 = arith.constant 16 : i32
      %dma_start3A_1361 = arith.constant 0 : i32
      %dma_start3A_1362 = tpu.memref_slice %arg7[%dma_start3A_1358, %dma_start3A_1360, %dma_start3A_1361] : memref<2x64x128xf32, #tpu.memory_space<vmem>> -> memref<1x8x128xf32, #tpu.memory_space<vmem>>
      %dma_start3A_1363 = tpu.memref_squeeze %dma_start3A_1362 : memref<1x8x128xf32, #tpu.memory_space<vmem>> -> memref<8x128xf32, #tpu.memory_space<vmem>>
      %dma_start3A_1364 = arith.constant 0 : i32
      %dma_start3A_1365 = arith.constant 0 : i32
      %dma_start3A_1366 = tpu.memref_slice %arg4[%add3A_1279, %dma_start3A_1359, %add3A, %dma_start3A_1364, %dma_start3A_1365] : memref<200x8x32x8x128xf32, #tpu.memory_space<hbm>> -> memref<1x1x1x8x128xf32, #tpu.memory_space<hbm>>
      %dma_start3A_1367 = tpu.memref_squeeze %dma_start3A_1366 : memref<1x1x1x8x128xf32, #tpu.memory_space<hbm>> -> memref<8x128xf32, #tpu.memory_space<hbm>>
      %dma_start3A_1368 = arith.constant 0 : i32
      %dma_start3A_1369 = arith.constant 0 : i32
      %dma_start3A_1370 = tpu.memref_slice %arg4[%add3A_1279, %dma_start3A_1359, %add3A, %dma_start3A_1368, %dma_start3A_1369] : memref<200x8x32x8x128xf32, #tpu.memory_space<hbm>> -> memref<1x1x1x8x128xf32, #tpu.memory_space<hbm>>
      %dma_start3A_1371 = tpu.memref_squeeze %dma_start3A_1370 : memref<1x1x1x8x128xf32, #tpu.memory_space<hbm>> -> memref<8x128xf32, #tpu.memory_space<hbm>>
      %dma_start3A_1372 = arith.constant 16 : i32
      %dma_start3A_1373 = arith.constant 0 : i32
      %dma_start3A_1374 = tpu.memref_slice %arg7[%dma_start3A_1358, %dma_start3A_1372, %dma_start3A_1373] : memref<2x64x128xf32, #tpu.memory_space<vmem>> -> memref<1x8x128xf32, #tpu.memory_space<vmem>>
      %dma_start3A_1375 = tpu.memref_squeeze %dma_start3A_1374 : memref<1x8x128xf32, #tpu.memory_space<vmem>> -> memref<8x128xf32, #tpu.memory_space<vmem>>
      tpu.enqueue_dma source(%dma_start3A_1375 : memref<8x128xf32, #tpu.memory_space<vmem>>) target(%dma_start3A_1371 : memref<8x128xf32, #tpu.memory_space<hbm>>) target_semaphore(%arg11 : memref<!tpu.dma_semaphore, #tpu.memory_space<semaphore_mem>>)
      %dma_start3A_1376 = arith.constant 1 : i32
      %dma_start3A_1377 = arith.constant 3 : i32
      %dma_start3A_1378 = arith.constant 24 : i32
      %dma_start3A_1379 = arith.constant 0 : i32
      %dma_start3A_1380 = tpu.memref_slice %arg7[%dma_start3A_1376, %dma_start3A_1378, %dma_start3A_1379] : memref<2x64x128xf32, #tpu.memory_space<vmem>> -> memref<1x8x128xf32, #tpu.memory_space<vmem>>
      %dma_start3A_1381 = tpu.memref_squeeze %dma_start3A_1380 : memref<1x8x128xf32, #tpu.memory_space<vmem>> -> memref<8x128xf32, #tpu.memory_space<vmem>>
      %dma_start3A_1382 = arith.constant 0 : i32
      %dma_start3A_1383 = arith.constant 0 : i32
      %dma_start3A_1384 = tpu.memref_slice %arg4[%add3A_1279, %dma_start3A_1377, %add3A, %dma_start3A_1382, %dma_start3A_1383] : memref<200x8x32x8x128xf32, #tpu.memory_space<hbm>> -> memref<1x1x1x8x128xf32, #tpu.memory_space<hbm>>
      %dma_start3A_1385 = tpu.memref_squeeze %dma_start3A_1384 : memref<1x1x1x8x128xf32, #tpu.memory_space<hbm>> -> memref<8x128xf32, #tpu.memory_space<hbm>>
      %dma_start3A_1386 = arith.constant 0 : i32
      %dma_start3A_1387 = arith.constant 0 : i32
      %dma_start3A_1388 = tpu.memref_slice %arg4[%add3A_1279, %dma_start3A_1377, %add3A, %dma_start3A_1386, %dma_start3A_1387] : memref<200x8x32x8x128xf32, #tpu.memory_space<hbm>> -> memref<1x1x1x8x128xf32, #tpu.memory_space<hbm>>
      %dma_start3A_1389 = tpu.memref_squeeze %dma_start3A_1388 : memref<1x1x1x8x128xf32, #tpu.memory_space<hbm>> -> memref<8x128xf32, #tpu.memory_space<hbm>>
      %dma_start3A_1390 = arith.constant 24 : i32
      %dma_start3A_1391 = arith.constant 0 : i32
      %dma_start3A_1392 = tpu.memref_slice %arg7[%dma_start3A_1376, %dma_start3A_1390, %dma_start3A_1391] : memref<2x64x128xf32, #tpu.memory_space<vmem>> -> memref<1x8x128xf32, #tpu.memory_space<vmem>>
      %dma_start3A_1393 = tpu.memref_squeeze %dma_start3A_1392 : memref<1x8x128xf32, #tpu.memory_space<vmem>> -> memref<8x128xf32, #tpu.memory_space<vmem>>
      tpu.enqueue_dma source(%dma_start3A_1393 : memref<8x128xf32, #tpu.memory_space<vmem>>) target(%dma_start3A_1389 : memref<8x128xf32, #tpu.memory_space<hbm>>) target_semaphore(%arg11 : memref<!tpu.dma_semaphore, #tpu.memory_space<semaphore_mem>>)
      %dma_start3A_1394 = arith.constant 1 : i32
      %dma_start3A_1395 = arith.constant 4 : i32
      %dma_start3A_1396 = arith.constant 32 : i32
      %dma_start3A_1397 = arith.constant 0 : i32
      %dma_start3A_1398 = tpu.memref_slice %arg7[%dma_start3A_1394, %dma_start3A_1396, %dma_start3A_1397] : memref<2x64x128xf32, #tpu.memory_space<vmem>> -> memref<1x8x128xf32, #tpu.memory_space<vmem>>
      %dma_start3A_1399 = tpu.memref_squeeze %dma_start3A_1398 : memref<1x8x128xf32, #tpu.memory_space<vmem>> -> memref<8x128xf32, #tpu.memory_space<vmem>>
      %dma_start3A_1400 = arith.constant 0 : i32
      %dma_start3A_1401 = arith.constant 0 : i32
      %dma_start3A_1402 = tpu.memref_slice %arg4[%add3A_1279, %dma_start3A_1395, %add3A, %dma_start3A_1400, %dma_start3A_1401] : memref<200x8x32x8x128xf32, #tpu.memory_space<hbm>> -> memref<1x1x1x8x128xf32, #tpu.memory_space<hbm>>
      %dma_start3A_1403 = tpu.memref_squeeze %dma_start3A_1402 : memref<1x1x1x8x128xf32, #tpu.memory_space<hbm>> -> memref<8x128xf32, #tpu.memory_space<hbm>>
      %dma_start3A_1404 = arith.constant 0 : i32
      %dma_start3A_1405 = arith.constant 0 : i32
      %dma_start3A_1406 = tpu.memref_slice %arg4[%add3A_1279, %dma_start3A_1395, %add3A, %dma_start3A_1404, %dma_start3A_1405] : memref<200x8x32x8x128xf32, #tpu.memory_space<hbm>> -> memref<1x1x1x8x128xf32, #tpu.memory_space<hbm>>
      %dma_start3A_1407 = tpu.memref_squeeze %dma_start3A_1406 : memref<1x1x1x8x128xf32, #tpu.memory_space<hbm>> -> memref<8x128xf32, #tpu.memory_space<hbm>>
      %dma_start3A_1408 = arith.constant 32 : i32
      %dma_start3A_1409 = arith.constant 0 : i32
      %dma_start3A_1410 = tpu.memref_slice %arg7[%dma_start3A_1394, %dma_start3A_1408, %dma_start3A_1409] : memref<2x64x128xf32, #tpu.memory_space<vmem>> -> memref<1x8x128xf32, #tpu.memory_space<vmem>>
      %dma_start3A_1411 = tpu.memref_squeeze %dma_start3A_1410 : memref<1x8x128xf32, #tpu.memory_space<vmem>> -> memref<8x128xf32, #tpu.memory_space<vmem>>
      tpu.enqueue_dma source(%dma_start3A_1411 : memref<8x128xf32, #tpu.memory_space<vmem>>) target(%dma_start3A_1407 : memref<8x128xf32, #tpu.memory_space<hbm>>) target_semaphore(%arg11 : memref<!tpu.dma_semaphore, #tpu.memory_space<semaphore_mem>>)
      %dma_start3A_1412 = arith.constant 1 : i32
      %dma_start3A_1413 = arith.constant 5 : i32
      %dma_start3A_1414 = arith.constant 40 : i32
      %dma_start3A_1415 = arith.constant 0 : i32
      %dma_start3A_1416 = tpu.memref_slice %arg7[%dma_start3A_1412, %dma_start3A_1414, %dma_start3A_1415] : memref<2x64x128xf32, #tpu.memory_space<vmem>> -> memref<1x8x128xf32, #tpu.memory_space<vmem>>
      %dma_start3A_1417 = tpu.memref_squeeze %dma_start3A_1416 : memref<1x8x128xf32, #tpu.memory_space<vmem>> -> memref<8x128xf32, #tpu.memory_space<vmem>>
      %dma_start3A_1418 = arith.constant 0 : i32
      %dma_start3A_1419 = arith.constant 0 : i32
      %dma_start3A_1420 = tpu.memref_slice %arg4[%add3A_1279, %dma_start3A_1413, %add3A, %dma_start3A_1418, %dma_start3A_1419] : memref<200x8x32x8x128xf32, #tpu.memory_space<hbm>> -> memref<1x1x1x8x128xf32, #tpu.memory_space<hbm>>
      %dma_start3A_1421 = tpu.memref_squeeze %dma_start3A_1420 : memref<1x1x1x8x128xf32, #tpu.memory_space<hbm>> -> memref<8x128xf32, #tpu.memory_space<hbm>>
      %dma_start3A_1422 = arith.constant 0 : i32
      %dma_start3A_1423 = arith.constant 0 : i32
      %dma_start3A_1424 = tpu.memref_slice %arg4[%add3A_1279, %dma_start3A_1413, %add3A, %dma_start3A_1422, %dma_start3A_1423] : memref<200x8x32x8x128xf32, #tpu.memory_space<hbm>> -> memref<1x1x1x8x128xf32, #tpu.memory_space<hbm>>
      %dma_start3A_1425 = tpu.memref_squeeze %dma_start3A_1424 : memref<1x1x1x8x128xf32, #tpu.memory_space<hbm>> -> memref<8x128xf32, #tpu.memory_space<hbm>>
      %dma_start3A_1426 = arith.constant 40 : i32
      %dma_start3A_1427 = arith.constant 0 : i32
      %dma_start3A_1428 = tpu.memref_slice %arg7[%dma_start3A_1412, %dma_start3A_1426, %dma_start3A_1427] : memref<2x64x128xf32, #tpu.memory_space<vmem>> -> memref<1x8x128xf32, #tpu.memory_space<vmem>>
      %dma_start3A_1429 = tpu.memref_squeeze %dma_start3A_1428 : memref<1x8x128xf32, #tpu.memory_space<vmem>> -> memref<8x128xf32, #tpu.memory_space<vmem>>
      tpu.enqueue_dma source(%dma_start3A_1429 : memref<8x128xf32, #tpu.memory_space<vmem>>) target(%dma_start3A_1425 : memref<8x128xf32, #tpu.memory_space<hbm>>) target_semaphore(%arg11 : memref<!tpu.dma_semaphore, #tpu.memory_space<semaphore_mem>>)
      %dma_start3A_1430 = arith.constant 1 : i32
      %dma_start3A_1431 = arith.constant 6 : i32
      %dma_start3A_1432 = arith.constant 48 : i32
      %dma_start3A_1433 = arith.constant 0 : i32
      %dma_start3A_1434 = tpu.memref_slice %arg7[%dma_start3A_1430, %dma_start3A_1432, %dma_start3A_1433] : memref<2x64x128xf32, #tpu.memory_space<vmem>> -> memref<1x8x128xf32, #tpu.memory_space<vmem>>
      %dma_start3A_1435 = tpu.memref_squeeze %dma_start3A_1434 : memref<1x8x128xf32, #tpu.memory_space<vmem>> -> memref<8x128xf32, #tpu.memory_space<vmem>>
      %dma_start3A_1436 = arith.constant 0 : i32
      %dma_start3A_1437 = arith.constant 0 : i32
      %dma_start3A_1438 = tpu.memref_slice %arg4[%add3A_1279, %dma_start3A_1431, %add3A, %dma_start3A_1436, %dma_start3A_1437] : memref<200x8x32x8x128xf32, #tpu.memory_space<hbm>> -> memref<1x1x1x8x128xf32, #tpu.memory_space<hbm>>
      %dma_start3A_1439 = tpu.memref_squeeze %dma_start3A_1438 : memref<1x1x1x8x128xf32, #tpu.memory_space<hbm>> -> memref<8x128xf32, #tpu.memory_space<hbm>>
      %dma_start3A_1440 = arith.constant 0 : i32
      %dma_start3A_1441 = arith.constant 0 : i32
      %dma_start3A_1442 = tpu.memref_slice %arg4[%add3A_1279, %dma_start3A_1431, %add3A, %dma_start3A_1440, %dma_start3A_1441] : memref<200x8x32x8x128xf32, #tpu.memory_space<hbm>> -> memref<1x1x1x8x128xf32, #tpu.memory_space<hbm>>
      %dma_start3A_1443 = tpu.memref_squeeze %dma_start3A_1442 : memref<1x1x1x8x128xf32, #tpu.memory_space<hbm>> -> memref<8x128xf32, #tpu.memory_space<hbm>>
      %dma_start3A_1444 = arith.constant 48 : i32
      %dma_start3A_1445 = arith.constant 0 : i32
      %dma_start3A_1446 = tpu.memref_slice %arg7[%dma_start3A_1430, %dma_start3A_1444, %dma_start3A_1445] : memref<2x64x128xf32, #tpu.memory_space<vmem>> -> memref<1x8x128xf32, #tpu.memory_space<vmem>>
      %dma_start3A_1447 = tpu.memref_squeeze %dma_start3A_1446 : memref<1x8x128xf32, #tpu.memory_space<vmem>> -> memref<8x128xf32, #tpu.memory_space<vmem>>
      tpu.enqueue_dma source(%dma_start3A_1447 : memref<8x128xf32, #tpu.memory_space<vmem>>) target(%dma_start3A_1443 : memref<8x128xf32, #tpu.memory_space<hbm>>) target_semaphore(%arg11 : memref<!tpu.dma_semaphore, #tpu.memory_space<semaphore_mem>>)
      %dma_start3A_1448 = arith.constant 1 : i32
      %dma_start3A_1449 = arith.constant 7 : i32
      %dma_start3A_1450 = arith.constant 56 : i32
      %dma_start3A_1451 = arith.constant 0 : i32
      %dma_start3A_1452 = tpu.memref_slice %arg7[%dma_start3A_1448, %dma_start3A_1450, %dma_start3A_1451] : memref<2x64x128xf32, #tpu.memory_space<vmem>> -> memref<1x8x128xf32, #tpu.memory_space<vmem>>
      %dma_start3A_1453 = tpu.memref_squeeze %dma_start3A_1452 : memref<1x8x128xf32, #tpu.memory_space<vmem>> -> memref<8x128xf32, #tpu.memory_space<vmem>>
      %dma_start3A_1454 = arith.constant 0 : i32
      %dma_start3A_1455 = arith.constant 0 : i32
      %dma_start3A_1456 = tpu.memref_slice %arg4[%add3A_1279, %dma_start3A_1449, %add3A, %dma_start3A_1454, %dma_start3A_1455] : memref<200x8x32x8x128xf32, #tpu.memory_space<hbm>> -> memref<1x1x1x8x128xf32, #tpu.memory_space<hbm>>
      %dma_start3A_1457 = tpu.memref_squeeze %dma_start3A_1456 : memref<1x1x1x8x128xf32, #tpu.memory_space<hbm>> -> memref<8x128xf32, #tpu.memory_space<hbm>>
      %dma_start3A_1458 = arith.constant 0 : i32
      %dma_start3A_1459 = arith.constant 0 : i32
      %dma_start3A_1460 = tpu.memref_slice %arg4[%add3A_1279, %dma_start3A_1449, %add3A, %dma_start3A_1458, %dma_start3A_1459] : memref<200x8x32x8x128xf32, #tpu.memory_space<hbm>> -> memref<1x1x1x8x128xf32, #tpu.memory_space<hbm>>
      %dma_start3A_1461 = tpu.memref_squeeze %dma_start3A_1460 : memref<1x1x1x8x128xf32, #tpu.memory_space<hbm>> -> memref<8x128xf32, #tpu.memory_space<hbm>>
      %dma_start3A_1462 = arith.constant 56 : i32
      %dma_start3A_1463 = arith.constant 0 : i32
      %dma_start3A_1464 = tpu.memref_slice %arg7[%dma_start3A_1448, %dma_start3A_1462, %dma_start3A_1463] : memref<2x64x128xf32, #tpu.memory_space<vmem>> -> memref<1x8x128xf32, #tpu.memory_space<vmem>>
      %dma_start3A_1465 = tpu.memref_squeeze %dma_start3A_1464 : memref<1x8x128xf32, #tpu.memory_space<vmem>> -> memref<8x128xf32, #tpu.memory_space<vmem>>
      tpu.enqueue_dma source(%dma_start3A_1465 : memref<8x128xf32, #tpu.memory_space<vmem>>) target(%dma_start3A_1461 : memref<8x128xf32, #tpu.memory_space<hbm>>) target_semaphore(%arg11 : memref<!tpu.dma_semaphore, #tpu.memory_space<semaphore_mem>>)
    }
    %scan3A_132 = arith.constant 99 : i32
    %div3A_133 = arith.constant 198 : i32
    %div3A_134 = arith.constant 8 : i32
    %div3A_135 = arith.divsi %div3A_133, %div3A_134 : i32
    %rem3A_136 = arith.constant 198 : i32
    %rem3A_137 = arith.constant 8 : i32
    %rem3A_138 = arith.remsi %rem3A_136, %rem3A_137 : i32
    %dma_wait3A = arith.constant 0 : i32
    %dma_wait3A_139 = arith.constant 0 : i32
    %dma_wait3A_140 = arith.constant 0 : i32
    %dma_wait3A_141 = tpu.memref_slice %arg6[%dma_wait3A, %dma_wait3A_139, %dma_wait3A_140] : memref<2x128x64xf32, #tpu.memory_space<vmem>> -> memref<1x128x64xf32, #tpu.memory_space<vmem>>
    %dma_wait3A_142 = tpu.memref_squeeze %dma_wait3A_141 : memref<1x128x64xf32, #tpu.memory_space<vmem>> -> memref<128x64xf32, #tpu.memory_space<vmem>>
    %dma_wait3A_143 = arith.constant 0 : i32
    %dma_wait3A_144 = tpu.memref_slice %arg5[%div3A_135, %rem3A_138, %dma_wait3A_143] : memref<25x8x128xi32, #tpu.memory_space<vmem>> -> memref<1x1x128xi32, #tpu.memory_space<vmem>>
    %dma_wait3A_145 = tpu.memref_squeeze %dma_wait3A_144 : memref<1x1x128xi32, #tpu.memory_space<vmem>> -> memref<128xi32, #tpu.memory_space<vmem>>
    %dma_wait3A_146 = arith.constant 0 : i32
    %dma_wait3A_147 = arith.constant 0 : i32
    %dma_wait3A_148 = tpu.memref_slice %arg2[%dma_wait3A_146, %dma_wait3A_147] : memref<1007616x64xf32, #tpu.memory_space<hbm>> -> memref<1007616x64xf32, #tpu.memory_space<hbm>>
    tpu.wait_indirect_dma semaphore(%arg8 : memref<!tpu.dma_semaphore, #tpu.memory_space<semaphore_mem>>) src(%dma_wait3A_148 : memref<1007616x64xf32, #tpu.memory_space<hbm>>) dst(%dma_wait3A_142 : memref<128x64xf32, #tpu.memory_space<vmem>>)
    %dma_wait3A_149 = arith.constant 0 : i32
    %dma_wait3A_150 = arith.constant 198 : i32
    %dma_wait3A_151 = arith.constant 0 : i32
    %dma_wait3A_152 = arith.constant 0 : i32
    %dma_wait3A_153 = arith.constant 0 : i32
    %dma_wait3A_154 = tpu.memref_slice %arg7[%dma_wait3A_149, %dma_wait3A_152, %dma_wait3A_153] : memref<2x64x128xf32, #tpu.memory_space<vmem>> -> memref<1x8x128xf32, #tpu.memory_space<vmem>>
    %dma_wait3A_155 = tpu.memref_squeeze %dma_wait3A_154 : memref<1x8x128xf32, #tpu.memory_space<vmem>> -> memref<8x128xf32, #tpu.memory_space<vmem>>
    %dma_wait3A_156 = arith.constant 0 : i32
    %dma_wait3A_157 = arith.constant 0 : i32
    %dma_wait3A_158 = tpu.memref_slice %arg4[%dma_wait3A_150, %dma_wait3A_151, %add3A, %dma_wait3A_156, %dma_wait3A_157] : memref<200x8x32x8x128xf32, #tpu.memory_space<hbm>> -> memref<1x1x1x8x128xf32, #tpu.memory_space<hbm>>
    %dma_wait3A_159 = tpu.memref_squeeze %dma_wait3A_158 : memref<1x1x1x8x128xf32, #tpu.memory_space<hbm>> -> memref<8x128xf32, #tpu.memory_space<hbm>>
    %dma_wait3A_160 = arith.constant 0 : i32
    %dma_wait3A_161 = arith.constant 0 : i32
    %dma_wait3A_162 = tpu.memref_slice %arg4[%dma_wait3A_150, %dma_wait3A_151, %add3A, %dma_wait3A_160, %dma_wait3A_161] : memref<200x8x32x8x128xf32, #tpu.memory_space<hbm>> -> memref<1x1x1x8x128xf32, #tpu.memory_space<hbm>>
    %dma_wait3A_163 = tpu.memref_squeeze %dma_wait3A_162 : memref<1x1x1x8x128xf32, #tpu.memory_space<hbm>> -> memref<8x128xf32, #tpu.memory_space<hbm>>
    %dma_wait3A_164 = arith.constant 0 : i32
    %dma_wait3A_165 = arith.constant 0 : i32
    %dma_wait3A_166 = tpu.memref_slice %arg7[%dma_wait3A_149, %dma_wait3A_164, %dma_wait3A_165] : memref<2x64x128xf32, #tpu.memory_space<vmem>> -> memref<1x8x128xf32, #tpu.memory_space<vmem>>
    %dma_wait3A_167 = tpu.memref_squeeze %dma_wait3A_166 : memref<1x8x128xf32, #tpu.memory_space<vmem>> -> memref<8x128xf32, #tpu.memory_space<vmem>>
    tpu.wait_dma2 semaphore(%arg10 : memref<!tpu.dma_semaphore, #tpu.memory_space<semaphore_mem>>) src(%dma_wait3A_167 : memref<8x128xf32, #tpu.memory_space<vmem>>) dst(%dma_wait3A_163 : memref<8x128xf32, #tpu.memory_space<hbm>>)
    %dma_wait3A_168 = arith.constant 0 : i32
    %dma_wait3A_169 = arith.constant 198 : i32
    %dma_wait3A_170 = arith.constant 1 : i32
    %dma_wait3A_171 = arith.constant 8 : i32
    %dma_wait3A_172 = arith.constant 0 : i32
    %dma_wait3A_173 = tpu.memref_slice %arg7[%dma_wait3A_168, %dma_wait3A_171, %dma_wait3A_172] : memref<2x64x128xf32, #tpu.memory_space<vmem>> -> memref<1x8x128xf32, #tpu.memory_space<vmem>>
    %dma_wait3A_174 = tpu.memref_squeeze %dma_wait3A_173 : memref<1x8x128xf32, #tpu.memory_space<vmem>> -> memref<8x128xf32, #tpu.memory_space<vmem>>
    %dma_wait3A_175 = arith.constant 0 : i32
    %dma_wait3A_176 = arith.constant 0 : i32
    %dma_wait3A_177 = tpu.memref_slice %arg4[%dma_wait3A_169, %dma_wait3A_170, %add3A, %dma_wait3A_175, %dma_wait3A_176] : memref<200x8x32x8x128xf32, #tpu.memory_space<hbm>> -> memref<1x1x1x8x128xf32, #tpu.memory_space<hbm>>
    %dma_wait3A_178 = tpu.memref_squeeze %dma_wait3A_177 : memref<1x1x1x8x128xf32, #tpu.memory_space<hbm>> -> memref<8x128xf32, #tpu.memory_space<hbm>>
    %dma_wait3A_179 = arith.constant 0 : i32
    %dma_wait3A_180 = arith.constant 0 : i32
    %dma_wait3A_181 = tpu.memref_slice %arg4[%dma_wait3A_169, %dma_wait3A_170, %add3A, %dma_wait3A_179, %dma_wait3A_180] : memref<200x8x32x8x128xf32, #tpu.memory_space<hbm>> -> memref<1x1x1x8x128xf32, #tpu.memory_space<hbm>>
    %dma_wait3A_182 = tpu.memref_squeeze %dma_wait3A_181 : memref<1x1x1x8x128xf32, #tpu.memory_space<hbm>> -> memref<8x128xf32, #tpu.memory_space<hbm>>
    %dma_wait3A_183 = arith.constant 8 : i32
    %dma_wait3A_184 = arith.constant 0 : i32
    %dma_wait3A_185 = tpu.memref_slice %arg7[%dma_wait3A_168, %dma_wait3A_183, %dma_wait3A_184] : memref<2x64x128xf32, #tpu.memory_space<vmem>> -> memref<1x8x128xf32, #tpu.memory_space<vmem>>
    %dma_wait3A_186 = tpu.memref_squeeze %dma_wait3A_185 : memref<1x8x128xf32, #tpu.memory_space<vmem>> -> memref<8x128xf32, #tpu.memory_space<vmem>>
    tpu.wait_dma2 semaphore(%arg10 : memref<!tpu.dma_semaphore, #tpu.memory_space<semaphore_mem>>) src(%dma_wait3A_186 : memref<8x128xf32, #tpu.memory_space<vmem>>) dst(%dma_wait3A_182 : memref<8x128xf32, #tpu.memory_space<hbm>>)
    %dma_wait3A_187 = arith.constant 0 : i32
    %dma_wait3A_188 = arith.constant 198 : i32
    %dma_wait3A_189 = arith.constant 2 : i32
    %dma_wait3A_190 = arith.constant 16 : i32
    %dma_wait3A_191 = arith.constant 0 : i32
    %dma_wait3A_192 = tpu.memref_slice %arg7[%dma_wait3A_187, %dma_wait3A_190, %dma_wait3A_191] : memref<2x64x128xf32, #tpu.memory_space<vmem>> -> memref<1x8x128xf32, #tpu.memory_space<vmem>>
    %dma_wait3A_193 = tpu.memref_squeeze %dma_wait3A_192 : memref<1x8x128xf32, #tpu.memory_space<vmem>> -> memref<8x128xf32, #tpu.memory_space<vmem>>
    %dma_wait3A_194 = arith.constant 0 : i32
    %dma_wait3A_195 = arith.constant 0 : i32
    %dma_wait3A_196 = tpu.memref_slice %arg4[%dma_wait3A_188, %dma_wait3A_189, %add3A, %dma_wait3A_194, %dma_wait3A_195] : memref<200x8x32x8x128xf32, #tpu.memory_space<hbm>> -> memref<1x1x1x8x128xf32, #tpu.memory_space<hbm>>
    %dma_wait3A_197 = tpu.memref_squeeze %dma_wait3A_196 : memref<1x1x1x8x128xf32, #tpu.memory_space<hbm>> -> memref<8x128xf32, #tpu.memory_space<hbm>>
    %dma_wait3A_198 = arith.constant 0 : i32
    %dma_wait3A_199 = arith.constant 0 : i32
    %dma_wait3A_200 = tpu.memref_slice %arg4[%dma_wait3A_188, %dma_wait3A_189, %add3A, %dma_wait3A_198, %dma_wait3A_199] : memref<200x8x32x8x128xf32, #tpu.memory_space<hbm>> -> memref<1x1x1x8x128xf32, #tpu.memory_space<hbm>>
    %dma_wait3A_201 = tpu.memref_squeeze %dma_wait3A_200 : memref<1x1x1x8x128xf32, #tpu.memory_space<hbm>> -> memref<8x128xf32, #tpu.memory_space<hbm>>
    %dma_wait3A_202 = arith.constant 16 : i32
    %dma_wait3A_203 = arith.constant 0 : i32
    %dma_wait3A_204 = tpu.memref_slice %arg7[%dma_wait3A_187, %dma_wait3A_202, %dma_wait3A_203] : memref<2x64x128xf32, #tpu.memory_space<vmem>> -> memref<1x8x128xf32, #tpu.memory_space<vmem>>
    %dma_wait3A_205 = tpu.memref_squeeze %dma_wait3A_204 : memref<1x8x128xf32, #tpu.memory_space<vmem>> -> memref<8x128xf32, #tpu.memory_space<vmem>>
    tpu.wait_dma2 semaphore(%arg10 : memref<!tpu.dma_semaphore, #tpu.memory_space<semaphore_mem>>) src(%dma_wait3A_205 : memref<8x128xf32, #tpu.memory_space<vmem>>) dst(%dma_wait3A_201 : memref<8x128xf32, #tpu.memory_space<hbm>>)
    %dma_wait3A_206 = arith.constant 0 : i32
    %dma_wait3A_207 = arith.constant 198 : i32
    %dma_wait3A_208 = arith.constant 3 : i32
    %dma_wait3A_209 = arith.constant 24 : i32
    %dma_wait3A_210 = arith.constant 0 : i32
    %dma_wait3A_211 = tpu.memref_slice %arg7[%dma_wait3A_206, %dma_wait3A_209, %dma_wait3A_210] : memref<2x64x128xf32, #tpu.memory_space<vmem>> -> memref<1x8x128xf32, #tpu.memory_space<vmem>>
    %dma_wait3A_212 = tpu.memref_squeeze %dma_wait3A_211 : memref<1x8x128xf32, #tpu.memory_space<vmem>> -> memref<8x128xf32, #tpu.memory_space<vmem>>
    %dma_wait3A_213 = arith.constant 0 : i32
    %dma_wait3A_214 = arith.constant 0 : i32
    %dma_wait3A_215 = tpu.memref_slice %arg4[%dma_wait3A_207, %dma_wait3A_208, %add3A, %dma_wait3A_213, %dma_wait3A_214] : memref<200x8x32x8x128xf32, #tpu.memory_space<hbm>> -> memref<1x1x1x8x128xf32, #tpu.memory_space<hbm>>
    %dma_wait3A_216 = tpu.memref_squeeze %dma_wait3A_215 : memref<1x1x1x8x128xf32, #tpu.memory_space<hbm>> -> memref<8x128xf32, #tpu.memory_space<hbm>>
    %dma_wait3A_217 = arith.constant 0 : i32
    %dma_wait3A_218 = arith.constant 0 : i32
    %dma_wait3A_219 = tpu.memref_slice %arg4[%dma_wait3A_207, %dma_wait3A_208, %add3A, %dma_wait3A_217, %dma_wait3A_218] : memref<200x8x32x8x128xf32, #tpu.memory_space<hbm>> -> memref<1x1x1x8x128xf32, #tpu.memory_space<hbm>>
    %dma_wait3A_220 = tpu.memref_squeeze %dma_wait3A_219 : memref<1x1x1x8x128xf32, #tpu.memory_space<hbm>> -> memref<8x128xf32, #tpu.memory_space<hbm>>
    %dma_wait3A_221 = arith.constant 24 : i32
    %dma_wait3A_222 = arith.constant 0 : i32
    %dma_wait3A_223 = tpu.memref_slice %arg7[%dma_wait3A_206, %dma_wait3A_221, %dma_wait3A_222] : memref<2x64x128xf32, #tpu.memory_space<vmem>> -> memref<1x8x128xf32, #tpu.memory_space<vmem>>
    %dma_wait3A_224 = tpu.memref_squeeze %dma_wait3A_223 : memref<1x8x128xf32, #tpu.memory_space<vmem>> -> memref<8x128xf32, #tpu.memory_space<vmem>>
    tpu.wait_dma2 semaphore(%arg10 : memref<!tpu.dma_semaphore, #tpu.memory_space<semaphore_mem>>) src(%dma_wait3A_224 : memref<8x128xf32, #tpu.memory_space<vmem>>) dst(%dma_wait3A_220 : memref<8x128xf32, #tpu.memory_space<hbm>>)
    %dma_wait3A_225 = arith.constant 0 : i32
    %dma_wait3A_226 = arith.constant 198 : i32
    %dma_wait3A_227 = arith.constant 4 : i32
    %dma_wait3A_228 = arith.constant 32 : i32
    %dma_wait3A_229 = arith.constant 0 : i32
    %dma_wait3A_230 = tpu.memref_slice %arg7[%dma_wait3A_225, %dma_wait3A_228, %dma_wait3A_229] : memref<2x64x128xf32, #tpu.memory_space<vmem>> -> memref<1x8x128xf32, #tpu.memory_space<vmem>>
    %dma_wait3A_231 = tpu.memref_squeeze %dma_wait3A_230 : memref<1x8x128xf32, #tpu.memory_space<vmem>> -> memref<8x128xf32, #tpu.memory_space<vmem>>
    %dma_wait3A_232 = arith.constant 0 : i32
    %dma_wait3A_233 = arith.constant 0 : i32
    %dma_wait3A_234 = tpu.memref_slice %arg4[%dma_wait3A_226, %dma_wait3A_227, %add3A, %dma_wait3A_232, %dma_wait3A_233] : memref<200x8x32x8x128xf32, #tpu.memory_space<hbm>> -> memref<1x1x1x8x128xf32, #tpu.memory_space<hbm>>
    %dma_wait3A_235 = tpu.memref_squeeze %dma_wait3A_234 : memref<1x1x1x8x128xf32, #tpu.memory_space<hbm>> -> memref<8x128xf32, #tpu.memory_space<hbm>>
    %dma_wait3A_236 = arith.constant 0 : i32
    %dma_wait3A_237 = arith.constant 0 : i32
    %dma_wait3A_238 = tpu.memref_slice %arg4[%dma_wait3A_226, %dma_wait3A_227, %add3A, %dma_wait3A_236, %dma_wait3A_237] : memref<200x8x32x8x128xf32, #tpu.memory_space<hbm>> -> memref<1x1x1x8x128xf32, #tpu.memory_space<hbm>>
    %dma_wait3A_239 = tpu.memref_squeeze %dma_wait3A_238 : memref<1x1x1x8x128xf32, #tpu.memory_space<hbm>> -> memref<8x128xf32, #tpu.memory_space<hbm>>
    %dma_wait3A_240 = arith.constant 32 : i32
    %dma_wait3A_241 = arith.constant 0 : i32
    %dma_wait3A_242 = tpu.memref_slice %arg7[%dma_wait3A_225, %dma_wait3A_240, %dma_wait3A_241] : memref<2x64x128xf32, #tpu.memory_space<vmem>> -> memref<1x8x128xf32, #tpu.memory_space<vmem>>
    %dma_wait3A_243 = tpu.memref_squeeze %dma_wait3A_242 : memref<1x8x128xf32, #tpu.memory_space<vmem>> -> memref<8x128xf32, #tpu.memory_space<vmem>>
    tpu.wait_dma2 semaphore(%arg10 : memref<!tpu.dma_semaphore, #tpu.memory_space<semaphore_mem>>) src(%dma_wait3A_243 : memref<8x128xf32, #tpu.memory_space<vmem>>) dst(%dma_wait3A_239 : memref<8x128xf32, #tpu.memory_space<hbm>>)
    %dma_wait3A_244 = arith.constant 0 : i32
    %dma_wait3A_245 = arith.constant 198 : i32
    %dma_wait3A_246 = arith.constant 5 : i32
    %dma_wait3A_247 = arith.constant 40 : i32
    %dma_wait3A_248 = arith.constant 0 : i32
    %dma_wait3A_249 = tpu.memref_slice %arg7[%dma_wait3A_244, %dma_wait3A_247, %dma_wait3A_248] : memref<2x64x128xf32, #tpu.memory_space<vmem>> -> memref<1x8x128xf32, #tpu.memory_space<vmem>>
    %dma_wait3A_250 = tpu.memref_squeeze %dma_wait3A_249 : memref<1x8x128xf32, #tpu.memory_space<vmem>> -> memref<8x128xf32, #tpu.memory_space<vmem>>
    %dma_wait3A_251 = arith.constant 0 : i32
    %dma_wait3A_252 = arith.constant 0 : i32
    %dma_wait3A_253 = tpu.memref_slice %arg4[%dma_wait3A_245, %dma_wait3A_246, %add3A, %dma_wait3A_251, %dma_wait3A_252] : memref<200x8x32x8x128xf32, #tpu.memory_space<hbm>> -> memref<1x1x1x8x128xf32, #tpu.memory_space<hbm>>
    %dma_wait3A_254 = tpu.memref_squeeze %dma_wait3A_253 : memref<1x1x1x8x128xf32, #tpu.memory_space<hbm>> -> memref<8x128xf32, #tpu.memory_space<hbm>>
    %dma_wait3A_255 = arith.constant 0 : i32
    %dma_wait3A_256 = arith.constant 0 : i32
    %dma_wait3A_257 = tpu.memref_slice %arg4[%dma_wait3A_245, %dma_wait3A_246, %add3A, %dma_wait3A_255, %dma_wait3A_256] : memref<200x8x32x8x128xf32, #tpu.memory_space<hbm>> -> memref<1x1x1x8x128xf32, #tpu.memory_space<hbm>>
    %dma_wait3A_258 = tpu.memref_squeeze %dma_wait3A_257 : memref<1x1x1x8x128xf32, #tpu.memory_space<hbm>> -> memref<8x128xf32, #tpu.memory_space<hbm>>
    %dma_wait3A_259 = arith.constant 40 : i32
    %dma_wait3A_260 = arith.constant 0 : i32
    %dma_wait3A_261 = tpu.memref_slice %arg7[%dma_wait3A_244, %dma_wait3A_259, %dma_wait3A_260] : memref<2x64x128xf32, #tpu.memory_space<vmem>> -> memref<1x8x128xf32, #tpu.memory_space<vmem>>
    %dma_wait3A_262 = tpu.memref_squeeze %dma_wait3A_261 : memref<1x8x128xf32, #tpu.memory_space<vmem>> -> memref<8x128xf32, #tpu.memory_space<vmem>>
    tpu.wait_dma2 semaphore(%arg10 : memref<!tpu.dma_semaphore, #tpu.memory_space<semaphore_mem>>) src(%dma_wait3A_262 : memref<8x128xf32, #tpu.memory_space<vmem>>) dst(%dma_wait3A_258 : memref<8x128xf32, #tpu.memory_space<hbm>>)
    %dma_wait3A_263 = arith.constant 0 : i32
    %dma_wait3A_264 = arith.constant 198 : i32
    %dma_wait3A_265 = arith.constant 6 : i32
    %dma_wait3A_266 = arith.constant 48 : i32
    %dma_wait3A_267 = arith.constant 0 : i32
    %dma_wait3A_268 = tpu.memref_slice %arg7[%dma_wait3A_263, %dma_wait3A_266, %dma_wait3A_267] : memref<2x64x128xf32, #tpu.memory_space<vmem>> -> memref<1x8x128xf32, #tpu.memory_space<vmem>>
    %dma_wait3A_269 = tpu.memref_squeeze %dma_wait3A_268 : memref<1x8x128xf32, #tpu.memory_space<vmem>> -> memref<8x128xf32, #tpu.memory_space<vmem>>
    %dma_wait3A_270 = arith.constant 0 : i32
    %dma_wait3A_271 = arith.constant 0 : i32
    %dma_wait3A_272 = tpu.memref_slice %arg4[%dma_wait3A_264, %dma_wait3A_265, %add3A, %dma_wait3A_270, %dma_wait3A_271] : memref<200x8x32x8x128xf32, #tpu.memory_space<hbm>> -> memref<1x1x1x8x128xf32, #tpu.memory_space<hbm>>
    %dma_wait3A_273 = tpu.memref_squeeze %dma_wait3A_272 : memref<1x1x1x8x128xf32, #tpu.memory_space<hbm>> -> memref<8x128xf32, #tpu.memory_space<hbm>>
    %dma_wait3A_274 = arith.constant 0 : i32
    %dma_wait3A_275 = arith.constant 0 : i32
    %dma_wait3A_276 = tpu.memref_slice %arg4[%dma_wait3A_264, %dma_wait3A_265, %add3A, %dma_wait3A_274, %dma_wait3A_275] : memref<200x8x32x8x128xf32, #tpu.memory_space<hbm>> -> memref<1x1x1x8x128xf32, #tpu.memory_space<hbm>>
    %dma_wait3A_277 = tpu.memref_squeeze %dma_wait3A_276 : memref<1x1x1x8x128xf32, #tpu.memory_space<hbm>> -> memref<8x128xf32, #tpu.memory_space<hbm>>
    %dma_wait3A_278 = arith.constant 48 : i32
    %dma_wait3A_279 = arith.constant 0 : i32
    %dma_wait3A_280 = tpu.memref_slice %arg7[%dma_wait3A_263, %dma_wait3A_278, %dma_wait3A_279] : memref<2x64x128xf32, #tpu.memory_space<vmem>> -> memref<1x8x128xf32, #tpu.memory_space<vmem>>
    %dma_wait3A_281 = tpu.memref_squeeze %dma_wait3A_280 : memref<1x8x128xf32, #tpu.memory_space<vmem>> -> memref<8x128xf32, #tpu.memory_space<vmem>>
    tpu.wait_dma2 semaphore(%arg10 : memref<!tpu.dma_semaphore, #tpu.memory_space<semaphore_mem>>) src(%dma_wait3A_281 : memref<8x128xf32, #tpu.memory_space<vmem>>) dst(%dma_wait3A_277 : memref<8x128xf32, #tpu.memory_space<hbm>>)
    %dma_wait3A_282 = arith.constant 0 : i32
    %dma_wait3A_283 = arith.constant 198 : i32
    %dma_wait3A_284 = arith.constant 7 : i32
    %dma_wait3A_285 = arith.constant 56 : i32
    %dma_wait3A_286 = arith.constant 0 : i32
    %dma_wait3A_287 = tpu.memref_slice %arg7[%dma_wait3A_282, %dma_wait3A_285, %dma_wait3A_286] : memref<2x64x128xf32, #tpu.memory_space<vmem>> -> memref<1x8x128xf32, #tpu.memory_space<vmem>>
    %dma_wait3A_288 = tpu.memref_squeeze %dma_wait3A_287 : memref<1x8x128xf32, #tpu.memory_space<vmem>> -> memref<8x128xf32, #tpu.memory_space<vmem>>
    %dma_wait3A_289 = arith.constant 0 : i32
    %dma_wait3A_290 = arith.constant 0 : i32
    %dma_wait3A_291 = tpu.memref_slice %arg4[%dma_wait3A_283, %dma_wait3A_284, %add3A, %dma_wait3A_289, %dma_wait3A_290] : memref<200x8x32x8x128xf32, #tpu.memory_space<hbm>> -> memref<1x1x1x8x128xf32, #tpu.memory_space<hbm>>
    %dma_wait3A_292 = tpu.memref_squeeze %dma_wait3A_291 : memref<1x1x1x8x128xf32, #tpu.memory_space<hbm>> -> memref<8x128xf32, #tpu.memory_space<hbm>>
    %dma_wait3A_293 = arith.constant 0 : i32
    %dma_wait3A_294 = arith.constant 0 : i32
    %dma_wait3A_295 = tpu.memref_slice %arg4[%dma_wait3A_283, %dma_wait3A_284, %add3A, %dma_wait3A_293, %dma_wait3A_294] : memref<200x8x32x8x128xf32, #tpu.memory_space<hbm>> -> memref<1x1x1x8x128xf32, #tpu.memory_space<hbm>>
    %dma_wait3A_296 = tpu.memref_squeeze %dma_wait3A_295 : memref<1x1x1x8x128xf32, #tpu.memory_space<hbm>> -> memref<8x128xf32, #tpu.memory_space<hbm>>
    %dma_wait3A_297 = arith.constant 56 : i32
    %dma_wait3A_298 = arith.constant 0 : i32
    %dma_wait3A_299 = tpu.memref_slice %arg7[%dma_wait3A_282, %dma_wait3A_297, %dma_wait3A_298] : memref<2x64x128xf32, #tpu.memory_space<vmem>> -> memref<1x8x128xf32, #tpu.memory_space<vmem>>
    %dma_wait3A_300 = tpu.memref_squeeze %dma_wait3A_299 : memref<1x8x128xf32, #tpu.memory_space<vmem>> -> memref<8x128xf32, #tpu.memory_space<vmem>>
    tpu.wait_dma2 semaphore(%arg10 : memref<!tpu.dma_semaphore, #tpu.memory_space<semaphore_mem>>) src(%dma_wait3A_300 : memref<8x128xf32, #tpu.memory_space<vmem>>) dst(%dma_wait3A_296 : memref<8x128xf32, #tpu.memory_space<hbm>>)
    %parallel_loop3A_301 = arith.constant 0 : i32
    %parallel_loop3A_302 = arith.constant 32 : i32
    %parallel_loop3A_303 = arith.constant 1 : i32
    %parallel_loop3A_304 = arith.constant 0 : i32
    %parallel_loop3A_305 = arith.constant 0 : i32
    scf.for %parallel_loop3A_1088 = %parallel_loop3A_301 to %parallel_loop3A_302 step %parallel_loop3A_303  : i32 {
      %parallel_loop3A_1089 = arith.constant 7 : i32
      %parallel_loop3A_1090 = arith.andi %parallel_loop3A_1088, %parallel_loop3A_1089 : i32
      %parallel_loop3A_1091 = arith.constant 16 : i32
      %parallel_loop3A_1092 = arith.muli %parallel_loop3A_1090, %parallel_loop3A_1091 : i32
      %parallel_loop3A_1093 = arith.constant 3 : i32
      %parallel_loop3A_1094 = arith.shrui %parallel_loop3A_1088, %parallel_loop3A_1093 : i32
      %parallel_loop3A_1095 = arith.constant 16 : i32
      %parallel_loop3A_1096 = arith.muli %parallel_loop3A_1094, %parallel_loop3A_1095 : i32
      %parallel_loop3A_1097 = vector.broadcast %parallel_loop3A_1092 : i32 to vector<16xi32>
      %parallel_loop3A_1098 = arith.addi %iota3A, %parallel_loop3A_1097 : vector<16xi32>
      %parallel_loop3A_1099 = vector.broadcast %parallel_loop3A_1096 : i32 to vector<16xi32>
      %parallel_loop3A_1100 = arith.addi %and3A_7, %parallel_loop3A_1099 : vector<16xi32>
      %parallel_loop3A_1101 = arith.constant 0 : i32
      %parallel_loop3A_1102 = arith.constant 0 : i32
      %parallel_loop3A_1103 = tpu.memref_slice %arg6[%parallel_loop3A_304, %parallel_loop3A_1101, %parallel_loop3A_1102] : memref<2x128x64xf32, #tpu.memory_space<vmem>> -> memref<1x128x64xf32, #tpu.memory_space<vmem>>
      %parallel_loop3A_1104 = tpu.memref_squeeze %parallel_loop3A_1103 : memref<1x128x64xf32, #tpu.memory_space<vmem>> -> memref<128x64xf32, #tpu.memory_space<vmem>>
      %parallel_loop3A_1105 = tpu.vector_load_idx %parallel_loop3A_1104[%parallel_loop3A_1098, %parallel_loop3A_1100] : memref<128x64xf32, #tpu.memory_space<vmem>>[vector<16xi32>, vector<16xi32>], vector<16xf32>,
      %parallel_loop3A_1106 = arith.constant 0 : i32
      %parallel_loop3A_1107 = arith.constant 0 : i32
      %parallel_loop3A_1108 = tpu.memref_slice %arg7[%parallel_loop3A_305, %parallel_loop3A_1106, %parallel_loop3A_1107] : memref<2x64x128xf32, #tpu.memory_space<vmem>> -> memref<1x64x128xf32, #tpu.memory_space<vmem>>
      %parallel_loop3A_1109 = tpu.memref_squeeze %parallel_loop3A_1108 : memref<1x64x128xf32, #tpu.memory_space<vmem>> -> memref<64x128xf32, #tpu.memory_space<vmem>>
      tpu.vector_store_idx %parallel_loop3A_1109[%parallel_loop3A_1100, %parallel_loop3A_1098], %parallel_loop3A_1105 : memref<64x128xf32, #tpu.memory_space<vmem>>[vector<16xi32>, vector<16xi32>], vector<16xf32>,
      %parallel_loop3A_1110 = vector.broadcast %parallel_loop3A_1096 : i32 to vector<16xi32>
      %parallel_loop3A_1111 = arith.addi %and3A_13, %parallel_loop3A_1110 : vector<16xi32>
      %parallel_loop3A_1112 = arith.constant 0 : i32
      %parallel_loop3A_1113 = arith.constant 0 : i32
      %parallel_loop3A_1114 = tpu.memref_slice %arg6[%parallel_loop3A_304, %parallel_loop3A_1112, %parallel_loop3A_1113] : memref<2x128x64xf32, #tpu.memory_space<vmem>> -> memref<1x128x64xf32, #tpu.memory_space<vmem>>
      %parallel_loop3A_1115 = tpu.memref_squeeze %parallel_loop3A_1114 : memref<1x128x64xf32, #tpu.memory_space<vmem>> -> memref<128x64xf32, #tpu.memory_space<vmem>>
      %parallel_loop3A_1116 = tpu.vector_load_idx %parallel_loop3A_1115[%parallel_loop3A_1098, %parallel_loop3A_1111] : memref<128x64xf32, #tpu.memory_space<vmem>>[vector<16xi32>, vector<16xi32>], vector<16xf32>,
      %parallel_loop3A_1117 = arith.constant 0 : i32
      %parallel_loop3A_1118 = arith.constant 0 : i32
      %parallel_loop3A_1119 = tpu.memref_slice %arg7[%parallel_loop3A_305, %parallel_loop3A_1117, %parallel_loop3A_1118] : memref<2x64x128xf32, #tpu.memory_space<vmem>> -> memref<1x64x128xf32, #tpu.memory_space<vmem>>
      %parallel_loop3A_1120 = tpu.memref_squeeze %parallel_loop3A_1119 : memref<1x64x128xf32, #tpu.memory_space<vmem>> -> memref<64x128xf32, #tpu.memory_space<vmem>>
      tpu.vector_store_idx %parallel_loop3A_1120[%parallel_loop3A_1111, %parallel_loop3A_1098], %parallel_loop3A_1116 : memref<64x128xf32, #tpu.memory_space<vmem>>[vector<16xi32>, vector<16xi32>], vector<16xf32>,
      %parallel_loop3A_1121 = vector.broadcast %parallel_loop3A_1096 : i32 to vector<16xi32>
      %parallel_loop3A_1122 = arith.addi %and3A_19, %parallel_loop3A_1121 : vector<16xi32>
      %parallel_loop3A_1123 = arith.constant 0 : i32
      %parallel_loop3A_1124 = arith.constant 0 : i32
      %parallel_loop3A_1125 = tpu.memref_slice %arg6[%parallel_loop3A_304, %parallel_loop3A_1123, %parallel_loop3A_1124] : memref<2x128x64xf32, #tpu.memory_space<vmem>> -> memref<1x128x64xf32, #tpu.memory_space<vmem>>
      %parallel_loop3A_1126 = tpu.memref_squeeze %parallel_loop3A_1125 : memref<1x128x64xf32, #tpu.memory_space<vmem>> -> memref<128x64xf32, #tpu.memory_space<vmem>>
      %parallel_loop3A_1127 = tpu.vector_load_idx %parallel_loop3A_1126[%parallel_loop3A_1098, %parallel_loop3A_1122] : memref<128x64xf32, #tpu.memory_space<vmem>>[vector<16xi32>, vector<16xi32>], vector<16xf32>,
      %parallel_loop3A_1128 = arith.constant 0 : i32
      %parallel_loop3A_1129 = arith.constant 0 : i32
      %parallel_loop3A_1130 = tpu.memref_slice %arg7[%parallel_loop3A_305, %parallel_loop3A_1128, %parallel_loop3A_1129] : memref<2x64x128xf32, #tpu.memory_space<vmem>> -> memref<1x64x128xf32, #tpu.memory_space<vmem>>
      %parallel_loop3A_1131 = tpu.memref_squeeze %parallel_loop3A_1130 : memref<1x64x128xf32, #tpu.memory_space<vmem>> -> memref<64x128xf32, #tpu.memory_space<vmem>>
      tpu.vector_store_idx %parallel_loop3A_1131[%parallel_loop3A_1122, %parallel_loop3A_1098], %parallel_loop3A_1127 : memref<64x128xf32, #tpu.memory_space<vmem>>[vector<16xi32>, vector<16xi32>], vector<16xf32>,
      %parallel_loop3A_1132 = vector.broadcast %parallel_loop3A_1096 : i32 to vector<16xi32>
      %parallel_loop3A_1133 = arith.addi %and3A_25, %parallel_loop3A_1132 : vector<16xi32>
      %parallel_loop3A_1134 = arith.constant 0 : i32
      %parallel_loop3A_1135 = arith.constant 0 : i32
      %parallel_loop3A_1136 = tpu.memref_slice %arg6[%parallel_loop3A_304, %parallel_loop3A_1134, %parallel_loop3A_1135] : memref<2x128x64xf32, #tpu.memory_space<vmem>> -> memref<1x128x64xf32, #tpu.memory_space<vmem>>
      %parallel_loop3A_1137 = tpu.memref_squeeze %parallel_loop3A_1136 : memref<1x128x64xf32, #tpu.memory_space<vmem>> -> memref<128x64xf32, #tpu.memory_space<vmem>>
      %parallel_loop3A_1138 = tpu.vector_load_idx %parallel_loop3A_1137[%parallel_loop3A_1098, %parallel_loop3A_1133] : memref<128x64xf32, #tpu.memory_space<vmem>>[vector<16xi32>, vector<16xi32>], vector<16xf32>,
      %parallel_loop3A_1139 = arith.constant 0 : i32
      %parallel_loop3A_1140 = arith.constant 0 : i32
      %parallel_loop3A_1141 = tpu.memref_slice %arg7[%parallel_loop3A_305, %parallel_loop3A_1139, %parallel_loop3A_1140] : memref<2x64x128xf32, #tpu.memory_space<vmem>> -> memref<1x64x128xf32, #tpu.memory_space<vmem>>
      %parallel_loop3A_1142 = tpu.memref_squeeze %parallel_loop3A_1141 : memref<1x64x128xf32, #tpu.memory_space<vmem>> -> memref<64x128xf32, #tpu.memory_space<vmem>>
      tpu.vector_store_idx %parallel_loop3A_1142[%parallel_loop3A_1133, %parallel_loop3A_1098], %parallel_loop3A_1138 : memref<64x128xf32, #tpu.memory_space<vmem>>[vector<16xi32>, vector<16xi32>], vector<16xf32>,
      %parallel_loop3A_1143 = vector.broadcast %parallel_loop3A_1096 : i32 to vector<16xi32>
      %parallel_loop3A_1144 = arith.addi %and3A_31, %parallel_loop3A_1143 : vector<16xi32>
      %parallel_loop3A_1145 = arith.constant 0 : i32
      %parallel_loop3A_1146 = arith.constant 0 : i32
      %parallel_loop3A_1147 = tpu.memref_slice %arg6[%parallel_loop3A_304, %parallel_loop3A_1145, %parallel_loop3A_1146] : memref<2x128x64xf32, #tpu.memory_space<vmem>> -> memref<1x128x64xf32, #tpu.memory_space<vmem>>
      %parallel_loop3A_1148 = tpu.memref_squeeze %parallel_loop3A_1147 : memref<1x128x64xf32, #tpu.memory_space<vmem>> -> memref<128x64xf32, #tpu.memory_space<vmem>>
      %parallel_loop3A_1149 = tpu.vector_load_idx %parallel_loop3A_1148[%parallel_loop3A_1098, %parallel_loop3A_1144] : memref<128x64xf32, #tpu.memory_space<vmem>>[vector<16xi32>, vector<16xi32>], vector<16xf32>,
      %parallel_loop3A_1150 = arith.constant 0 : i32
      %parallel_loop3A_1151 = arith.constant 0 : i32
      %parallel_loop3A_1152 = tpu.memref_slice %arg7[%parallel_loop3A_305, %parallel_loop3A_1150, %parallel_loop3A_1151] : memref<2x64x128xf32, #tpu.memory_space<vmem>> -> memref<1x64x128xf32, #tpu.memory_space<vmem>>
      %parallel_loop3A_1153 = tpu.memref_squeeze %parallel_loop3A_1152 : memref<1x64x128xf32, #tpu.memory_space<vmem>> -> memref<64x128xf32, #tpu.memory_space<vmem>>
      tpu.vector_store_idx %parallel_loop3A_1153[%parallel_loop3A_1144, %parallel_loop3A_1098], %parallel_loop3A_1149 : memref<64x128xf32, #tpu.memory_space<vmem>>[vector<16xi32>, vector<16xi32>], vector<16xf32>,
      %parallel_loop3A_1154 = vector.broadcast %parallel_loop3A_1096 : i32 to vector<16xi32>
      %parallel_loop3A_1155 = arith.addi %and3A_37, %parallel_loop3A_1154 : vector<16xi32>
      %parallel_loop3A_1156 = arith.constant 0 : i32
      %parallel_loop3A_1157 = arith.constant 0 : i32
      %parallel_loop3A_1158 = tpu.memref_slice %arg6[%parallel_loop3A_304, %parallel_loop3A_1156, %parallel_loop3A_1157] : memref<2x128x64xf32, #tpu.memory_space<vmem>> -> memref<1x128x64xf32, #tpu.memory_space<vmem>>
      %parallel_loop3A_1159 = tpu.memref_squeeze %parallel_loop3A_1158 : memref<1x128x64xf32, #tpu.memory_space<vmem>> -> memref<128x64xf32, #tpu.memory_space<vmem>>
      %parallel_loop3A_1160 = tpu.vector_load_idx %parallel_loop3A_1159[%parallel_loop3A_1098, %parallel_loop3A_1155] : memref<128x64xf32, #tpu.memory_space<vmem>>[vector<16xi32>, vector<16xi32>], vector<16xf32>,
      %parallel_loop3A_1161 = arith.constant 0 : i32
      %parallel_loop3A_1162 = arith.constant 0 : i32
      %parallel_loop3A_1163 = tpu.memref_slice %arg7[%parallel_loop3A_305, %parallel_loop3A_1161, %parallel_loop3A_1162] : memref<2x64x128xf32, #tpu.memory_space<vmem>> -> memref<1x64x128xf32, #tpu.memory_space<vmem>>
      %parallel_loop3A_1164 = tpu.memref_squeeze %parallel_loop3A_1163 : memref<1x64x128xf32, #tpu.memory_space<vmem>> -> memref<64x128xf32, #tpu.memory_space<vmem>>
      tpu.vector_store_idx %parallel_loop3A_1164[%parallel_loop3A_1155, %parallel_loop3A_1098], %parallel_loop3A_1160 : memref<64x128xf32, #tpu.memory_space<vmem>>[vector<16xi32>, vector<16xi32>], vector<16xf32>,
      %parallel_loop3A_1165 = vector.broadcast %parallel_loop3A_1096 : i32 to vector<16xi32>
      %parallel_loop3A_1166 = arith.addi %and3A_43, %parallel_loop3A_1165 : vector<16xi32>
      %parallel_loop3A_1167 = arith.constant 0 : i32
      %parallel_loop3A_1168 = arith.constant 0 : i32
      %parallel_loop3A_1169 = tpu.memref_slice %arg6[%parallel_loop3A_304, %parallel_loop3A_1167, %parallel_loop3A_1168] : memref<2x128x64xf32, #tpu.memory_space<vmem>> -> memref<1x128x64xf32, #tpu.memory_space<vmem>>
      %parallel_loop3A_1170 = tpu.memref_squeeze %parallel_loop3A_1169 : memref<1x128x64xf32, #tpu.memory_space<vmem>> -> memref<128x64xf32, #tpu.memory_space<vmem>>
      %parallel_loop3A_1171 = tpu.vector_load_idx %parallel_loop3A_1170[%parallel_loop3A_1098, %parallel_loop3A_1166] : memref<128x64xf32, #tpu.memory_space<vmem>>[vector<16xi32>, vector<16xi32>], vector<16xf32>,
      %parallel_loop3A_1172 = arith.constant 0 : i32
      %parallel_loop3A_1173 = arith.constant 0 : i32
      %parallel_loop3A_1174 = tpu.memref_slice %arg7[%parallel_loop3A_305, %parallel_loop3A_1172, %parallel_loop3A_1173] : memref<2x64x128xf32, #tpu.memory_space<vmem>> -> memref<1x64x128xf32, #tpu.memory_space<vmem>>
      %parallel_loop3A_1175 = tpu.memref_squeeze %parallel_loop3A_1174 : memref<1x64x128xf32, #tpu.memory_space<vmem>> -> memref<64x128xf32, #tpu.memory_space<vmem>>
      tpu.vector_store_idx %parallel_loop3A_1175[%parallel_loop3A_1166, %parallel_loop3A_1098], %parallel_loop3A_1171 : memref<64x128xf32, #tpu.memory_space<vmem>>[vector<16xi32>, vector<16xi32>], vector<16xf32>,
      %parallel_loop3A_1176 = vector.broadcast %parallel_loop3A_1096 : i32 to vector<16xi32>
      %parallel_loop3A_1177 = arith.addi %and3A_49, %parallel_loop3A_1176 : vector<16xi32>
      %parallel_loop3A_1178 = arith.constant 0 : i32
      %parallel_loop3A_1179 = arith.constant 0 : i32
      %parallel_loop3A_1180 = tpu.memref_slice %arg6[%parallel_loop3A_304, %parallel_loop3A_1178, %parallel_loop3A_1179] : memref<2x128x64xf32, #tpu.memory_space<vmem>> -> memref<1x128x64xf32, #tpu.memory_space<vmem>>
      %parallel_loop3A_1181 = tpu.memref_squeeze %parallel_loop3A_1180 : memref<1x128x64xf32, #tpu.memory_space<vmem>> -> memref<128x64xf32, #tpu.memory_space<vmem>>
      %parallel_loop3A_1182 = tpu.vector_load_idx %parallel_loop3A_1181[%parallel_loop3A_1098, %parallel_loop3A_1177] : memref<128x64xf32, #tpu.memory_space<vmem>>[vector<16xi32>, vector<16xi32>], vector<16xf32>,
      %parallel_loop3A_1183 = arith.constant 0 : i32
      %parallel_loop3A_1184 = arith.constant 0 : i32
      %parallel_loop3A_1185 = tpu.memref_slice %arg7[%parallel_loop3A_305, %parallel_loop3A_1183, %parallel_loop3A_1184] : memref<2x64x128xf32, #tpu.memory_space<vmem>> -> memref<1x64x128xf32, #tpu.memory_space<vmem>>
      %parallel_loop3A_1186 = tpu.memref_squeeze %parallel_loop3A_1185 : memref<1x64x128xf32, #tpu.memory_space<vmem>> -> memref<64x128xf32, #tpu.memory_space<vmem>>
      tpu.vector_store_idx %parallel_loop3A_1186[%parallel_loop3A_1177, %parallel_loop3A_1098], %parallel_loop3A_1182 : memref<64x128xf32, #tpu.memory_space<vmem>>[vector<16xi32>, vector<16xi32>], vector<16xf32>,
      %parallel_loop3A_1187 = vector.broadcast %parallel_loop3A_1096 : i32 to vector<16xi32>
      %parallel_loop3A_1188 = arith.addi %and3A_55, %parallel_loop3A_1187 : vector<16xi32>
      %parallel_loop3A_1189 = arith.constant 0 : i32
      %parallel_loop3A_1190 = arith.constant 0 : i32
      %parallel_loop3A_1191 = tpu.memref_slice %arg6[%parallel_loop3A_304, %parallel_loop3A_1189, %parallel_loop3A_1190] : memref<2x128x64xf32, #tpu.memory_space<vmem>> -> memref<1x128x64xf32, #tpu.memory_space<vmem>>
      %parallel_loop3A_1192 = tpu.memref_squeeze %parallel_loop3A_1191 : memref<1x128x64xf32, #tpu.memory_space<vmem>> -> memref<128x64xf32, #tpu.memory_space<vmem>>
      %parallel_loop3A_1193 = tpu.vector_load_idx %parallel_loop3A_1192[%parallel_loop3A_1098, %parallel_loop3A_1188] : memref<128x64xf32, #tpu.memory_space<vmem>>[vector<16xi32>, vector<16xi32>], vector<16xf32>,
      %parallel_loop3A_1194 = arith.constant 0 : i32
      %parallel_loop3A_1195 = arith.constant 0 : i32
      %parallel_loop3A_1196 = tpu.memref_slice %arg7[%parallel_loop3A_305, %parallel_loop3A_1194, %parallel_loop3A_1195] : memref<2x64x128xf32, #tpu.memory_space<vmem>> -> memref<1x64x128xf32, #tpu.memory_space<vmem>>
      %parallel_loop3A_1197 = tpu.memref_squeeze %parallel_loop3A_1196 : memref<1x64x128xf32, #tpu.memory_space<vmem>> -> memref<64x128xf32, #tpu.memory_space<vmem>>
      tpu.vector_store_idx %parallel_loop3A_1197[%parallel_loop3A_1188, %parallel_loop3A_1098], %parallel_loop3A_1193 : memref<64x128xf32, #tpu.memory_space<vmem>>[vector<16xi32>, vector<16xi32>], vector<16xf32>,
      %parallel_loop3A_1198 = vector.broadcast %parallel_loop3A_1096 : i32 to vector<16xi32>
      %parallel_loop3A_1199 = arith.addi %and3A_61, %parallel_loop3A_1198 : vector<16xi32>
      %parallel_loop3A_1200 = arith.constant 0 : i32
      %parallel_loop3A_1201 = arith.constant 0 : i32
      %parallel_loop3A_1202 = tpu.memref_slice %arg6[%parallel_loop3A_304, %parallel_loop3A_1200, %parallel_loop3A_1201] : memref<2x128x64xf32, #tpu.memory_space<vmem>> -> memref<1x128x64xf32, #tpu.memory_space<vmem>>
      %parallel_loop3A_1203 = tpu.memref_squeeze %parallel_loop3A_1202 : memref<1x128x64xf32, #tpu.memory_space<vmem>> -> memref<128x64xf32, #tpu.memory_space<vmem>>
      %parallel_loop3A_1204 = tpu.vector_load_idx %parallel_loop3A_1203[%parallel_loop3A_1098, %parallel_loop3A_1199] : memref<128x64xf32, #tpu.memory_space<vmem>>[vector<16xi32>, vector<16xi32>], vector<16xf32>,
      %parallel_loop3A_1205 = arith.constant 0 : i32
      %parallel_loop3A_1206 = arith.constant 0 : i32
      %parallel_loop3A_1207 = tpu.memref_slice %arg7[%parallel_loop3A_305, %parallel_loop3A_1205, %parallel_loop3A_1206] : memref<2x64x128xf32, #tpu.memory_space<vmem>> -> memref<1x64x128xf32, #tpu.memory_space<vmem>>
      %parallel_loop3A_1208 = tpu.memref_squeeze %parallel_loop3A_1207 : memref<1x64x128xf32, #tpu.memory_space<vmem>> -> memref<64x128xf32, #tpu.memory_space<vmem>>
      tpu.vector_store_idx %parallel_loop3A_1208[%parallel_loop3A_1199, %parallel_loop3A_1098], %parallel_loop3A_1204 : memref<64x128xf32, #tpu.memory_space<vmem>>[vector<16xi32>, vector<16xi32>], vector<16xf32>,
      %parallel_loop3A_1209 = vector.broadcast %parallel_loop3A_1096 : i32 to vector<16xi32>
      %parallel_loop3A_1210 = arith.addi %and3A_67, %parallel_loop3A_1209 : vector<16xi32>
      %parallel_loop3A_1211 = arith.constant 0 : i32
      %parallel_loop3A_1212 = arith.constant 0 : i32
      %parallel_loop3A_1213 = tpu.memref_slice %arg6[%parallel_loop3A_304, %parallel_loop3A_1211, %parallel_loop3A_1212] : memref<2x128x64xf32, #tpu.memory_space<vmem>> -> memref<1x128x64xf32, #tpu.memory_space<vmem>>
      %parallel_loop3A_1214 = tpu.memref_squeeze %parallel_loop3A_1213 : memref<1x128x64xf32, #tpu.memory_space<vmem>> -> memref<128x64xf32, #tpu.memory_space<vmem>>
      %parallel_loop3A_1215 = tpu.vector_load_idx %parallel_loop3A_1214[%parallel_loop3A_1098, %parallel_loop3A_1210] : memref<128x64xf32, #tpu.memory_space<vmem>>[vector<16xi32>, vector<16xi32>], vector<16xf32>,
      %parallel_loop3A_1216 = arith.constant 0 : i32
      %parallel_loop3A_1217 = arith.constant 0 : i32
      %parallel_loop3A_1218 = tpu.memref_slice %arg7[%parallel_loop3A_305, %parallel_loop3A_1216, %parallel_loop3A_1217] : memref<2x64x128xf32, #tpu.memory_space<vmem>> -> memref<1x64x128xf32, #tpu.memory_space<vmem>>
      %parallel_loop3A_1219 = tpu.memref_squeeze %parallel_loop3A_1218 : memref<1x64x128xf32, #tpu.memory_space<vmem>> -> memref<64x128xf32, #tpu.memory_space<vmem>>
      tpu.vector_store_idx %parallel_loop3A_1219[%parallel_loop3A_1210, %parallel_loop3A_1098], %parallel_loop3A_1215 : memref<64x128xf32, #tpu.memory_space<vmem>>[vector<16xi32>, vector<16xi32>], vector<16xf32>,
      %parallel_loop3A_1220 = vector.broadcast %parallel_loop3A_1096 : i32 to vector<16xi32>
      %parallel_loop3A_1221 = arith.addi %and3A_73, %parallel_loop3A_1220 : vector<16xi32>
      %parallel_loop3A_1222 = arith.constant 0 : i32
      %parallel_loop3A_1223 = arith.constant 0 : i32
      %parallel_loop3A_1224 = tpu.memref_slice %arg6[%parallel_loop3A_304, %parallel_loop3A_1222, %parallel_loop3A_1223] : memref<2x128x64xf32, #tpu.memory_space<vmem>> -> memref<1x128x64xf32, #tpu.memory_space<vmem>>
      %parallel_loop3A_1225 = tpu.memref_squeeze %parallel_loop3A_1224 : memref<1x128x64xf32, #tpu.memory_space<vmem>> -> memref<128x64xf32, #tpu.memory_space<vmem>>
      %parallel_loop3A_1226 = tpu.vector_load_idx %parallel_loop3A_1225[%parallel_loop3A_1098, %parallel_loop3A_1221] : memref<128x64xf32, #tpu.memory_space<vmem>>[vector<16xi32>, vector<16xi32>], vector<16xf32>,
      %parallel_loop3A_1227 = arith.constant 0 : i32
      %parallel_loop3A_1228 = arith.constant 0 : i32
      %parallel_loop3A_1229 = tpu.memref_slice %arg7[%parallel_loop3A_305, %parallel_loop3A_1227, %parallel_loop3A_1228] : memref<2x64x128xf32, #tpu.memory_space<vmem>> -> memref<1x64x128xf32, #tpu.memory_space<vmem>>
      %parallel_loop3A_1230 = tpu.memref_squeeze %parallel_loop3A_1229 : memref<1x64x128xf32, #tpu.memory_space<vmem>> -> memref<64x128xf32, #tpu.memory_space<vmem>>
      tpu.vector_store_idx %parallel_loop3A_1230[%parallel_loop3A_1221, %parallel_loop3A_1098], %parallel_loop3A_1226 : memref<64x128xf32, #tpu.memory_space<vmem>>[vector<16xi32>, vector<16xi32>], vector<16xf32>,
      %parallel_loop3A_1231 = vector.broadcast %parallel_loop3A_1096 : i32 to vector<16xi32>
      %parallel_loop3A_1232 = arith.addi %and3A_79, %parallel_loop3A_1231 : vector<16xi32>
      %parallel_loop3A_1233 = arith.constant 0 : i32
      %parallel_loop3A_1234 = arith.constant 0 : i32
      %parallel_loop3A_1235 = tpu.memref_slice %arg6[%parallel_loop3A_304, %parallel_loop3A_1233, %parallel_loop3A_1234] : memref<2x128x64xf32, #tpu.memory_space<vmem>> -> memref<1x128x64xf32, #tpu.memory_space<vmem>>
      %parallel_loop3A_1236 = tpu.memref_squeeze %parallel_loop3A_1235 : memref<1x128x64xf32, #tpu.memory_space<vmem>> -> memref<128x64xf32, #tpu.memory_space<vmem>>
      %parallel_loop3A_1237 = tpu.vector_load_idx %parallel_loop3A_1236[%parallel_loop3A_1098, %parallel_loop3A_1232] : memref<128x64xf32, #tpu.memory_space<vmem>>[vector<16xi32>, vector<16xi32>], vector<16xf32>,
      %parallel_loop3A_1238 = arith.constant 0 : i32
      %parallel_loop3A_1239 = arith.constant 0 : i32
      %parallel_loop3A_1240 = tpu.memref_slice %arg7[%parallel_loop3A_305, %parallel_loop3A_1238, %parallel_loop3A_1239] : memref<2x64x128xf32, #tpu.memory_space<vmem>> -> memref<1x64x128xf32, #tpu.memory_space<vmem>>
      %parallel_loop3A_1241 = tpu.memref_squeeze %parallel_loop3A_1240 : memref<1x64x128xf32, #tpu.memory_space<vmem>> -> memref<64x128xf32, #tpu.memory_space<vmem>>
      tpu.vector_store_idx %parallel_loop3A_1241[%parallel_loop3A_1232, %parallel_loop3A_1098], %parallel_loop3A_1237 : memref<64x128xf32, #tpu.memory_space<vmem>>[vector<16xi32>, vector<16xi32>], vector<16xf32>,
      %parallel_loop3A_1242 = vector.broadcast %parallel_loop3A_1096 : i32 to vector<16xi32>
      %parallel_loop3A_1243 = arith.addi %and3A_85, %parallel_loop3A_1242 : vector<16xi32>
      %parallel_loop3A_1244 = arith.constant 0 : i32
      %parallel_loop3A_1245 = arith.constant 0 : i32
      %parallel_loop3A_1246 = tpu.memref_slice %arg6[%parallel_loop3A_304, %parallel_loop3A_1244, %parallel_loop3A_1245] : memref<2x128x64xf32, #tpu.memory_space<vmem>> -> memref<1x128x64xf32, #tpu.memory_space<vmem>>
      %parallel_loop3A_1247 = tpu.memref_squeeze %parallel_loop3A_1246 : memref<1x128x64xf32, #tpu.memory_space<vmem>> -> memref<128x64xf32, #tpu.memory_space<vmem>>
      %parallel_loop3A_1248 = tpu.vector_load_idx %parallel_loop3A_1247[%parallel_loop3A_1098, %parallel_loop3A_1243] : memref<128x64xf32, #tpu.memory_space<vmem>>[vector<16xi32>, vector<16xi32>], vector<16xf32>,
      %parallel_loop3A_1249 = arith.constant 0 : i32
      %parallel_loop3A_1250 = arith.constant 0 : i32
      %parallel_loop3A_1251 = tpu.memref_slice %arg7[%parallel_loop3A_305, %parallel_loop3A_1249, %parallel_loop3A_1250] : memref<2x64x128xf32, #tpu.memory_space<vmem>> -> memref<1x64x128xf32, #tpu.memory_space<vmem>>
      %parallel_loop3A_1252 = tpu.memref_squeeze %parallel_loop3A_1251 : memref<1x64x128xf32, #tpu.memory_space<vmem>> -> memref<64x128xf32, #tpu.memory_space<vmem>>
      tpu.vector_store_idx %parallel_loop3A_1252[%parallel_loop3A_1243, %parallel_loop3A_1098], %parallel_loop3A_1248 : memref<64x128xf32, #tpu.memory_space<vmem>>[vector<16xi32>, vector<16xi32>], vector<16xf32>,
      %parallel_loop3A_1253 = vector.broadcast %parallel_loop3A_1096 : i32 to vector<16xi32>
      %parallel_loop3A_1254 = arith.addi %and3A_91, %parallel_loop3A_1253 : vector<16xi32>
      %parallel_loop3A_1255 = arith.constant 0 : i32
      %parallel_loop3A_1256 = arith.constant 0 : i32
      %parallel_loop3A_1257 = tpu.memref_slice %arg6[%parallel_loop3A_304, %parallel_loop3A_1255, %parallel_loop3A_1256] : memref<2x128x64xf32, #tpu.memory_space<vmem>> -> memref<1x128x64xf32, #tpu.memory_space<vmem>>
      %parallel_loop3A_1258 = tpu.memref_squeeze %parallel_loop3A_1257 : memref<1x128x64xf32, #tpu.memory_space<vmem>> -> memref<128x64xf32, #tpu.memory_space<vmem>>
      %parallel_loop3A_1259 = tpu.vector_load_idx %parallel_loop3A_1258[%parallel_loop3A_1098, %parallel_loop3A_1254] : memref<128x64xf32, #tpu.memory_space<vmem>>[vector<16xi32>, vector<16xi32>], vector<16xf32>,
      %parallel_loop3A_1260 = arith.constant 0 : i32
      %parallel_loop3A_1261 = arith.constant 0 : i32
      %parallel_loop3A_1262 = tpu.memref_slice %arg7[%parallel_loop3A_305, %parallel_loop3A_1260, %parallel_loop3A_1261] : memref<2x64x128xf32, #tpu.memory_space<vmem>> -> memref<1x64x128xf32, #tpu.memory_space<vmem>>
      %parallel_loop3A_1263 = tpu.memref_squeeze %parallel_loop3A_1262 : memref<1x64x128xf32, #tpu.memory_space<vmem>> -> memref<64x128xf32, #tpu.memory_space<vmem>>
      tpu.vector_store_idx %parallel_loop3A_1263[%parallel_loop3A_1254, %parallel_loop3A_1098], %parallel_loop3A_1259 : memref<64x128xf32, #tpu.memory_space<vmem>>[vector<16xi32>, vector<16xi32>], vector<16xf32>,
      %parallel_loop3A_1264 = vector.broadcast %parallel_loop3A_1096 : i32 to vector<16xi32>
      %parallel_loop3A_1265 = arith.addi %and3A_97, %parallel_loop3A_1264 : vector<16xi32>
      %parallel_loop3A_1266 = arith.constant 0 : i32
      %parallel_loop3A_1267 = arith.constant 0 : i32
      %parallel_loop3A_1268 = tpu.memref_slice %arg6[%parallel_loop3A_304, %parallel_loop3A_1266, %parallel_loop3A_1267] : memref<2x128x64xf32, #tpu.memory_space<vmem>> -> memref<1x128x64xf32, #tpu.memory_space<vmem>>
      %parallel_loop3A_1269 = tpu.memref_squeeze %parallel_loop3A_1268 : memref<1x128x64xf32, #tpu.memory_space<vmem>> -> memref<128x64xf32, #tpu.memory_space<vmem>>
      %parallel_loop3A_1270 = tpu.vector_load_idx %parallel_loop3A_1269[%parallel_loop3A_1098, %parallel_loop3A_1265] : memref<128x64xf32, #tpu.memory_space<vmem>>[vector<16xi32>, vector<16xi32>], vector<16xf32>,
      %parallel_loop3A_1271 = arith.constant 0 : i32
      %parallel_loop3A_1272 = arith.constant 0 : i32
      %parallel_loop3A_1273 = tpu.memref_slice %arg7[%parallel_loop3A_305, %parallel_loop3A_1271, %parallel_loop3A_1272] : memref<2x64x128xf32, #tpu.memory_space<vmem>> -> memref<1x64x128xf32, #tpu.memory_space<vmem>>
      %parallel_loop3A_1274 = tpu.memref_squeeze %parallel_loop3A_1273 : memref<1x64x128xf32, #tpu.memory_space<vmem>> -> memref<64x128xf32, #tpu.memory_space<vmem>>
      tpu.vector_store_idx %parallel_loop3A_1274[%parallel_loop3A_1265, %parallel_loop3A_1098], %parallel_loop3A_1270 : memref<64x128xf32, #tpu.memory_space<vmem>>[vector<16xi32>, vector<16xi32>], vector<16xf32>,
    } {sc.loop_unroll_factor = 2 : i64, sc.parallel_access}
    %dma_start3A_306 = arith.constant 0 : i32
    %dma_start3A_307 = arith.constant 198 : i32
    %dma_start3A_308 = arith.constant 0 : i32
    %dma_start3A_309 = arith.constant 0 : i32
    %dma_start3A_310 = arith.constant 0 : i32
    %dma_start3A_311 = tpu.memref_slice %arg7[%dma_start3A_306, %dma_start3A_309, %dma_start3A_310] : memref<2x64x128xf32, #tpu.memory_space<vmem>> -> memref<1x8x128xf32, #tpu.memory_space<vmem>>
    %dma_start3A_312 = tpu.memref_squeeze %dma_start3A_311 : memref<1x8x128xf32, #tpu.memory_space<vmem>> -> memref<8x128xf32, #tpu.memory_space<vmem>>
    %dma_start3A_313 = arith.constant 0 : i32
    %dma_start3A_314 = arith.constant 0 : i32
    %dma_start3A_315 = tpu.memref_slice %arg4[%dma_start3A_307, %dma_start3A_308, %add3A, %dma_start3A_313, %dma_start3A_314] : memref<200x8x32x8x128xf32, #tpu.memory_space<hbm>> -> memref<1x1x1x8x128xf32, #tpu.memory_space<hbm>>
    %dma_start3A_316 = tpu.memref_squeeze %dma_start3A_315 : memref<1x1x1x8x128xf32, #tpu.memory_space<hbm>> -> memref<8x128xf32, #tpu.memory_space<hbm>>
    %dma_start3A_317 = arith.constant 0 : i32
    %dma_start3A_318 = arith.constant 0 : i32
    %dma_start3A_319 = tpu.memref_slice %arg4[%dma_start3A_307, %dma_start3A_308, %add3A, %dma_start3A_317, %dma_start3A_318] : memref<200x8x32x8x128xf32, #tpu.memory_space<hbm>> -> memref<1x1x1x8x128xf32, #tpu.memory_space<hbm>>
    %dma_start3A_320 = tpu.memref_squeeze %dma_start3A_319 : memref<1x1x1x8x128xf32, #tpu.memory_space<hbm>> -> memref<8x128xf32, #tpu.memory_space<hbm>>
    %dma_start3A_321 = arith.constant 0 : i32
    %dma_start3A_322 = arith.constant 0 : i32
    %dma_start3A_323 = tpu.memref_slice %arg7[%dma_start3A_306, %dma_start3A_321, %dma_start3A_322] : memref<2x64x128xf32, #tpu.memory_space<vmem>> -> memref<1x8x128xf32, #tpu.memory_space<vmem>>
    %dma_start3A_324 = tpu.memref_squeeze %dma_start3A_323 : memref<1x8x128xf32, #tpu.memory_space<vmem>> -> memref<8x128xf32, #tpu.memory_space<vmem>>
    tpu.enqueue_dma source(%dma_start3A_324 : memref<8x128xf32, #tpu.memory_space<vmem>>) target(%dma_start3A_320 : memref<8x128xf32, #tpu.memory_space<hbm>>) target_semaphore(%arg10 : memref<!tpu.dma_semaphore, #tpu.memory_space<semaphore_mem>>)
    %dma_start3A_325 = arith.constant 0 : i32
    %dma_start3A_326 = arith.constant 198 : i32
    %dma_start3A_327 = arith.constant 1 : i32
    %dma_start3A_328 = arith.constant 8 : i32
    %dma_start3A_329 = arith.constant 0 : i32
    %dma_start3A_330 = tpu.memref_slice %arg7[%dma_start3A_325, %dma_start3A_328, %dma_start3A_329] : memref<2x64x128xf32, #tpu.memory_space<vmem>> -> memref<1x8x128xf32, #tpu.memory_space<vmem>>
    %dma_start3A_331 = tpu.memref_squeeze %dma_start3A_330 : memref<1x8x128xf32, #tpu.memory_space<vmem>> -> memref<8x128xf32, #tpu.memory_space<vmem>>
    %dma_start3A_332 = arith.constant 0 : i32
    %dma_start3A_333 = arith.constant 0 : i32
    %dma_start3A_334 = tpu.memref_slice %arg4[%dma_start3A_326, %dma_start3A_327, %add3A, %dma_start3A_332, %dma_start3A_333] : memref<200x8x32x8x128xf32, #tpu.memory_space<hbm>> -> memref<1x1x1x8x128xf32, #tpu.memory_space<hbm>>
    %dma_start3A_335 = tpu.memref_squeeze %dma_start3A_334 : memref<1x1x1x8x128xf32, #tpu.memory_space<hbm>> -> memref<8x128xf32, #tpu.memory_space<hbm>>
    %dma_start3A_336 = arith.constant 0 : i32
    %dma_start3A_337 = arith.constant 0 : i32
    %dma_start3A_338 = tpu.memref_slice %arg4[%dma_start3A_326, %dma_start3A_327, %add3A, %dma_start3A_336, %dma_start3A_337] : memref<200x8x32x8x128xf32, #tpu.memory_space<hbm>> -> memref<1x1x1x8x128xf32, #tpu.memory_space<hbm>>
    %dma_start3A_339 = tpu.memref_squeeze %dma_start3A_338 : memref<1x1x1x8x128xf32, #tpu.memory_space<hbm>> -> memref<8x128xf32, #tpu.memory_space<hbm>>
    %dma_start3A_340 = arith.constant 8 : i32
    %dma_start3A_341 = arith.constant 0 : i32
    %dma_start3A_342 = tpu.memref_slice %arg7[%dma_start3A_325, %dma_start3A_340, %dma_start3A_341] : memref<2x64x128xf32, #tpu.memory_space<vmem>> -> memref<1x8x128xf32, #tpu.memory_space<vmem>>
    %dma_start3A_343 = tpu.memref_squeeze %dma_start3A_342 : memref<1x8x128xf32, #tpu.memory_space<vmem>> -> memref<8x128xf32, #tpu.memory_space<vmem>>
    tpu.enqueue_dma source(%dma_start3A_343 : memref<8x128xf32, #tpu.memory_space<vmem>>) target(%dma_start3A_339 : memref<8x128xf32, #tpu.memory_space<hbm>>) target_semaphore(%arg10 : memref<!tpu.dma_semaphore, #tpu.memory_space<semaphore_mem>>)
    %dma_start3A_344 = arith.constant 0 : i32
    %dma_start3A_345 = arith.constant 198 : i32
    %dma_start3A_346 = arith.constant 2 : i32
    %dma_start3A_347 = arith.constant 16 : i32
    %dma_start3A_348 = arith.constant 0 : i32
    %dma_start3A_349 = tpu.memref_slice %arg7[%dma_start3A_344, %dma_start3A_347, %dma_start3A_348] : memref<2x64x128xf32, #tpu.memory_space<vmem>> -> memref<1x8x128xf32, #tpu.memory_space<vmem>>
    %dma_start3A_350 = tpu.memref_squeeze %dma_start3A_349 : memref<1x8x128xf32, #tpu.memory_space<vmem>> -> memref<8x128xf32, #tpu.memory_space<vmem>>
    %dma_start3A_351 = arith.constant 0 : i32
    %dma_start3A_352 = arith.constant 0 : i32
    %dma_start3A_353 = tpu.memref_slice %arg4[%dma_start3A_345, %dma_start3A_346, %add3A, %dma_start3A_351, %dma_start3A_352] : memref<200x8x32x8x128xf32, #tpu.memory_space<hbm>> -> memref<1x1x1x8x128xf32, #tpu.memory_space<hbm>>
    %dma_start3A_354 = tpu.memref_squeeze %dma_start3A_353 : memref<1x1x1x8x128xf32, #tpu.memory_space<hbm>> -> memref<8x128xf32, #tpu.memory_space<hbm>>
    %dma_start3A_355 = arith.constant 0 : i32
    %dma_start3A_356 = arith.constant 0 : i32
    %dma_start3A_357 = tpu.memref_slice %arg4[%dma_start3A_345, %dma_start3A_346, %add3A, %dma_start3A_355, %dma_start3A_356] : memref<200x8x32x8x128xf32, #tpu.memory_space<hbm>> -> memref<1x1x1x8x128xf32, #tpu.memory_space<hbm>>
    %dma_start3A_358 = tpu.memref_squeeze %dma_start3A_357 : memref<1x1x1x8x128xf32, #tpu.memory_space<hbm>> -> memref<8x128xf32, #tpu.memory_space<hbm>>
    %dma_start3A_359 = arith.constant 16 : i32
    %dma_start3A_360 = arith.constant 0 : i32
    %dma_start3A_361 = tpu.memref_slice %arg7[%dma_start3A_344, %dma_start3A_359, %dma_start3A_360] : memref<2x64x128xf32, #tpu.memory_space<vmem>> -> memref<1x8x128xf32, #tpu.memory_space<vmem>>
    %dma_start3A_362 = tpu.memref_squeeze %dma_start3A_361 : memref<1x8x128xf32, #tpu.memory_space<vmem>> -> memref<8x128xf32, #tpu.memory_space<vmem>>
    tpu.enqueue_dma source(%dma_start3A_362 : memref<8x128xf32, #tpu.memory_space<vmem>>) target(%dma_start3A_358 : memref<8x128xf32, #tpu.memory_space<hbm>>) target_semaphore(%arg10 : memref<!tpu.dma_semaphore, #tpu.memory_space<semaphore_mem>>)
    %dma_start3A_363 = arith.constant 0 : i32
    %dma_start3A_364 = arith.constant 198 : i32
    %dma_start3A_365 = arith.constant 3 : i32
    %dma_start3A_366 = arith.constant 24 : i32
    %dma_start3A_367 = arith.constant 0 : i32
    %dma_start3A_368 = tpu.memref_slice %arg7[%dma_start3A_363, %dma_start3A_366, %dma_start3A_367] : memref<2x64x128xf32, #tpu.memory_space<vmem>> -> memref<1x8x128xf32, #tpu.memory_space<vmem>>
    %dma_start3A_369 = tpu.memref_squeeze %dma_start3A_368 : memref<1x8x128xf32, #tpu.memory_space<vmem>> -> memref<8x128xf32, #tpu.memory_space<vmem>>
    %dma_start3A_370 = arith.constant 0 : i32
    %dma_start3A_371 = arith.constant 0 : i32
    %dma_start3A_372 = tpu.memref_slice %arg4[%dma_start3A_364, %dma_start3A_365, %add3A, %dma_start3A_370, %dma_start3A_371] : memref<200x8x32x8x128xf32, #tpu.memory_space<hbm>> -> memref<1x1x1x8x128xf32, #tpu.memory_space<hbm>>
    %dma_start3A_373 = tpu.memref_squeeze %dma_start3A_372 : memref<1x1x1x8x128xf32, #tpu.memory_space<hbm>> -> memref<8x128xf32, #tpu.memory_space<hbm>>
    %dma_start3A_374 = arith.constant 0 : i32
    %dma_start3A_375 = arith.constant 0 : i32
    %dma_start3A_376 = tpu.memref_slice %arg4[%dma_start3A_364, %dma_start3A_365, %add3A, %dma_start3A_374, %dma_start3A_375] : memref<200x8x32x8x128xf32, #tpu.memory_space<hbm>> -> memref<1x1x1x8x128xf32, #tpu.memory_space<hbm>>
    %dma_start3A_377 = tpu.memref_squeeze %dma_start3A_376 : memref<1x1x1x8x128xf32, #tpu.memory_space<hbm>> -> memref<8x128xf32, #tpu.memory_space<hbm>>
    %dma_start3A_378 = arith.constant 24 : i32
    %dma_start3A_379 = arith.constant 0 : i32
    %dma_start3A_380 = tpu.memref_slice %arg7[%dma_start3A_363, %dma_start3A_378, %dma_start3A_379] : memref<2x64x128xf32, #tpu.memory_space<vmem>> -> memref<1x8x128xf32, #tpu.memory_space<vmem>>
    %dma_start3A_381 = tpu.memref_squeeze %dma_start3A_380 : memref<1x8x128xf32, #tpu.memory_space<vmem>> -> memref<8x128xf32, #tpu.memory_space<vmem>>
    tpu.enqueue_dma source(%dma_start3A_381 : memref<8x128xf32, #tpu.memory_space<vmem>>) target(%dma_start3A_377 : memref<8x128xf32, #tpu.memory_space<hbm>>) target_semaphore(%arg10 : memref<!tpu.dma_semaphore, #tpu.memory_space<semaphore_mem>>)
    %dma_start3A_382 = arith.constant 0 : i32
    %dma_start3A_383 = arith.constant 198 : i32
    %dma_start3A_384 = arith.constant 4 : i32
    %dma_start3A_385 = arith.constant 32 : i32
    %dma_start3A_386 = arith.constant 0 : i32
    %dma_start3A_387 = tpu.memref_slice %arg7[%dma_start3A_382, %dma_start3A_385, %dma_start3A_386] : memref<2x64x128xf32, #tpu.memory_space<vmem>> -> memref<1x8x128xf32, #tpu.memory_space<vmem>>
    %dma_start3A_388 = tpu.memref_squeeze %dma_start3A_387 : memref<1x8x128xf32, #tpu.memory_space<vmem>> -> memref<8x128xf32, #tpu.memory_space<vmem>>
    %dma_start3A_389 = arith.constant 0 : i32
    %dma_start3A_390 = arith.constant 0 : i32
    %dma_start3A_391 = tpu.memref_slice %arg4[%dma_start3A_383, %dma_start3A_384, %add3A, %dma_start3A_389, %dma_start3A_390] : memref<200x8x32x8x128xf32, #tpu.memory_space<hbm>> -> memref<1x1x1x8x128xf32, #tpu.memory_space<hbm>>
    %dma_start3A_392 = tpu.memref_squeeze %dma_start3A_391 : memref<1x1x1x8x128xf32, #tpu.memory_space<hbm>> -> memref<8x128xf32, #tpu.memory_space<hbm>>
    %dma_start3A_393 = arith.constant 0 : i32
    %dma_start3A_394 = arith.constant 0 : i32
    %dma_start3A_395 = tpu.memref_slice %arg4[%dma_start3A_383, %dma_start3A_384, %add3A, %dma_start3A_393, %dma_start3A_394] : memref<200x8x32x8x128xf32, #tpu.memory_space<hbm>> -> memref<1x1x1x8x128xf32, #tpu.memory_space<hbm>>
    %dma_start3A_396 = tpu.memref_squeeze %dma_start3A_395 : memref<1x1x1x8x128xf32, #tpu.memory_space<hbm>> -> memref<8x128xf32, #tpu.memory_space<hbm>>
    %dma_start3A_397 = arith.constant 32 : i32
    %dma_start3A_398 = arith.constant 0 : i32
    %dma_start3A_399 = tpu.memref_slice %arg7[%dma_start3A_382, %dma_start3A_397, %dma_start3A_398] : memref<2x64x128xf32, #tpu.memory_space<vmem>> -> memref<1x8x128xf32, #tpu.memory_space<vmem>>
    %dma_start3A_400 = tpu.memref_squeeze %dma_start3A_399 : memref<1x8x128xf32, #tpu.memory_space<vmem>> -> memref<8x128xf32, #tpu.memory_space<vmem>>
    tpu.enqueue_dma source(%dma_start3A_400 : memref<8x128xf32, #tpu.memory_space<vmem>>) target(%dma_start3A_396 : memref<8x128xf32, #tpu.memory_space<hbm>>) target_semaphore(%arg10 : memref<!tpu.dma_semaphore, #tpu.memory_space<semaphore_mem>>)
    %dma_start3A_401 = arith.constant 0 : i32
    %dma_start3A_402 = arith.constant 198 : i32
    %dma_start3A_403 = arith.constant 5 : i32
    %dma_start3A_404 = arith.constant 40 : i32
    %dma_start3A_405 = arith.constant 0 : i32
    %dma_start3A_406 = tpu.memref_slice %arg7[%dma_start3A_401, %dma_start3A_404, %dma_start3A_405] : memref<2x64x128xf32, #tpu.memory_space<vmem>> -> memref<1x8x128xf32, #tpu.memory_space<vmem>>
    %dma_start3A_407 = tpu.memref_squeeze %dma_start3A_406 : memref<1x8x128xf32, #tpu.memory_space<vmem>> -> memref<8x128xf32, #tpu.memory_space<vmem>>
    %dma_start3A_408 = arith.constant 0 : i32
    %dma_start3A_409 = arith.constant 0 : i32
    %dma_start3A_410 = tpu.memref_slice %arg4[%dma_start3A_402, %dma_start3A_403, %add3A, %dma_start3A_408, %dma_start3A_409] : memref<200x8x32x8x128xf32, #tpu.memory_space<hbm>> -> memref<1x1x1x8x128xf32, #tpu.memory_space<hbm>>
    %dma_start3A_411 = tpu.memref_squeeze %dma_start3A_410 : memref<1x1x1x8x128xf32, #tpu.memory_space<hbm>> -> memref<8x128xf32, #tpu.memory_space<hbm>>
    %dma_start3A_412 = arith.constant 0 : i32
    %dma_start3A_413 = arith.constant 0 : i32
    %dma_start3A_414 = tpu.memref_slice %arg4[%dma_start3A_402, %dma_start3A_403, %add3A, %dma_start3A_412, %dma_start3A_413] : memref<200x8x32x8x128xf32, #tpu.memory_space<hbm>> -> memref<1x1x1x8x128xf32, #tpu.memory_space<hbm>>
    %dma_start3A_415 = tpu.memref_squeeze %dma_start3A_414 : memref<1x1x1x8x128xf32, #tpu.memory_space<hbm>> -> memref<8x128xf32, #tpu.memory_space<hbm>>
    %dma_start3A_416 = arith.constant 40 : i32
    %dma_start3A_417 = arith.constant 0 : i32
    %dma_start3A_418 = tpu.memref_slice %arg7[%dma_start3A_401, %dma_start3A_416, %dma_start3A_417] : memref<2x64x128xf32, #tpu.memory_space<vmem>> -> memref<1x8x128xf32, #tpu.memory_space<vmem>>
    %dma_start3A_419 = tpu.memref_squeeze %dma_start3A_418 : memref<1x8x128xf32, #tpu.memory_space<vmem>> -> memref<8x128xf32, #tpu.memory_space<vmem>>
    tpu.enqueue_dma source(%dma_start3A_419 : memref<8x128xf32, #tpu.memory_space<vmem>>) target(%dma_start3A_415 : memref<8x128xf32, #tpu.memory_space<hbm>>) target_semaphore(%arg10 : memref<!tpu.dma_semaphore, #tpu.memory_space<semaphore_mem>>)
    %dma_start3A_420 = arith.constant 0 : i32
    %dma_start3A_421 = arith.constant 198 : i32
    %dma_start3A_422 = arith.constant 6 : i32
    %dma_start3A_423 = arith.constant 48 : i32
    %dma_start3A_424 = arith.constant 0 : i32
    %dma_start3A_425 = tpu.memref_slice %arg7[%dma_start3A_420, %dma_start3A_423, %dma_start3A_424] : memref<2x64x128xf32, #tpu.memory_space<vmem>> -> memref<1x8x128xf32, #tpu.memory_space<vmem>>
    %dma_start3A_426 = tpu.memref_squeeze %dma_start3A_425 : memref<1x8x128xf32, #tpu.memory_space<vmem>> -> memref<8x128xf32, #tpu.memory_space<vmem>>
    %dma_start3A_427 = arith.constant 0 : i32
    %dma_start3A_428 = arith.constant 0 : i32
    %dma_start3A_429 = tpu.memref_slice %arg4[%dma_start3A_421, %dma_start3A_422, %add3A, %dma_start3A_427, %dma_start3A_428] : memref<200x8x32x8x128xf32, #tpu.memory_space<hbm>> -> memref<1x1x1x8x128xf32, #tpu.memory_space<hbm>>
    %dma_start3A_430 = tpu.memref_squeeze %dma_start3A_429 : memref<1x1x1x8x128xf32, #tpu.memory_space<hbm>> -> memref<8x128xf32, #tpu.memory_space<hbm>>
    %dma_start3A_431 = arith.constant 0 : i32
    %dma_start3A_432 = arith.constant 0 : i32
    %dma_start3A_433 = tpu.memref_slice %arg4[%dma_start3A_421, %dma_start3A_422, %add3A, %dma_start3A_431, %dma_start3A_432] : memref<200x8x32x8x128xf32, #tpu.memory_space<hbm>> -> memref<1x1x1x8x128xf32, #tpu.memory_space<hbm>>
    %dma_start3A_434 = tpu.memref_squeeze %dma_start3A_433 : memref<1x1x1x8x128xf32, #tpu.memory_space<hbm>> -> memref<8x128xf32, #tpu.memory_space<hbm>>
    %dma_start3A_435 = arith.constant 48 : i32
    %dma_start3A_436 = arith.constant 0 : i32
    %dma_start3A_437 = tpu.memref_slice %arg7[%dma_start3A_420, %dma_start3A_435, %dma_start3A_436] : memref<2x64x128xf32, #tpu.memory_space<vmem>> -> memref<1x8x128xf32, #tpu.memory_space<vmem>>
    %dma_start3A_438 = tpu.memref_squeeze %dma_start3A_437 : memref<1x8x128xf32, #tpu.memory_space<vmem>> -> memref<8x128xf32, #tpu.memory_space<vmem>>
    tpu.enqueue_dma source(%dma_start3A_438 : memref<8x128xf32, #tpu.memory_space<vmem>>) target(%dma_start3A_434 : memref<8x128xf32, #tpu.memory_space<hbm>>) target_semaphore(%arg10 : memref<!tpu.dma_semaphore, #tpu.memory_space<semaphore_mem>>)
    %dma_start3A_439 = arith.constant 0 : i32
    %dma_start3A_440 = arith.constant 198 : i32
    %dma_start3A_441 = arith.constant 7 : i32
    %dma_start3A_442 = arith.constant 56 : i32
    %dma_start3A_443 = arith.constant 0 : i32
    %dma_start3A_444 = tpu.memref_slice %arg7[%dma_start3A_439, %dma_start3A_442, %dma_start3A_443] : memref<2x64x128xf32, #tpu.memory_space<vmem>> -> memref<1x8x128xf32, #tpu.memory_space<vmem>>
    %dma_start3A_445 = tpu.memref_squeeze %dma_start3A_444 : memref<1x8x128xf32, #tpu.memory_space<vmem>> -> memref<8x128xf32, #tpu.memory_space<vmem>>
    %dma_start3A_446 = arith.constant 0 : i32
    %dma_start3A_447 = arith.constant 0 : i32
    %dma_start3A_448 = tpu.memref_slice %arg4[%dma_start3A_440, %dma_start3A_441, %add3A, %dma_start3A_446, %dma_start3A_447] : memref<200x8x32x8x128xf32, #tpu.memory_space<hbm>> -> memref<1x1x1x8x128xf32, #tpu.memory_space<hbm>>
    %dma_start3A_449 = tpu.memref_squeeze %dma_start3A_448 : memref<1x1x1x8x128xf32, #tpu.memory_space<hbm>> -> memref<8x128xf32, #tpu.memory_space<hbm>>
    %dma_start3A_450 = arith.constant 0 : i32
    %dma_start3A_451 = arith.constant 0 : i32
    %dma_start3A_452 = tpu.memref_slice %arg4[%dma_start3A_440, %dma_start3A_441, %add3A, %dma_start3A_450, %dma_start3A_451] : memref<200x8x32x8x128xf32, #tpu.memory_space<hbm>> -> memref<1x1x1x8x128xf32, #tpu.memory_space<hbm>>
    %dma_start3A_453 = tpu.memref_squeeze %dma_start3A_452 : memref<1x1x1x8x128xf32, #tpu.memory_space<hbm>> -> memref<8x128xf32, #tpu.memory_space<hbm>>
    %dma_start3A_454 = arith.constant 56 : i32
    %dma_start3A_455 = arith.constant 0 : i32
    %dma_start3A_456 = tpu.memref_slice %arg7[%dma_start3A_439, %dma_start3A_454, %dma_start3A_455] : memref<2x64x128xf32, #tpu.memory_space<vmem>> -> memref<1x8x128xf32, #tpu.memory_space<vmem>>
    %dma_start3A_457 = tpu.memref_squeeze %dma_start3A_456 : memref<1x8x128xf32, #tpu.memory_space<vmem>> -> memref<8x128xf32, #tpu.memory_space<vmem>>
    tpu.enqueue_dma source(%dma_start3A_457 : memref<8x128xf32, #tpu.memory_space<vmem>>) target(%dma_start3A_453 : memref<8x128xf32, #tpu.memory_space<hbm>>) target_semaphore(%arg10 : memref<!tpu.dma_semaphore, #tpu.memory_space<semaphore_mem>>)
    %div3A_458 = arith.constant 199 : i32
    %div3A_459 = arith.constant 8 : i32
    %div3A_460 = arith.divsi %div3A_458, %div3A_459 : i32
    %rem3A_461 = arith.constant 199 : i32
    %rem3A_462 = arith.constant 8 : i32
    %rem3A_463 = arith.remsi %rem3A_461, %rem3A_462 : i32
    %dma_wait3A_464 = arith.constant 1 : i32
    %dma_wait3A_465 = arith.constant 0 : i32
    %dma_wait3A_466 = arith.constant 0 : i32
    %dma_wait3A_467 = tpu.memref_slice %arg6[%dma_wait3A_464, %dma_wait3A_465, %dma_wait3A_466] : memref<2x128x64xf32, #tpu.memory_space<vmem>> -> memref<1x128x64xf32, #tpu.memory_space<vmem>>
    %dma_wait3A_468 = tpu.memref_squeeze %dma_wait3A_467 : memref<1x128x64xf32, #tpu.memory_space<vmem>> -> memref<128x64xf32, #tpu.memory_space<vmem>>
    %dma_wait3A_469 = arith.constant 0 : i32
    %dma_wait3A_470 = tpu.memref_slice %arg5[%div3A_460, %rem3A_463, %dma_wait3A_469] : memref<25x8x128xi32, #tpu.memory_space<vmem>> -> memref<1x1x128xi32, #tpu.memory_space<vmem>>
    %dma_wait3A_471 = tpu.memref_squeeze %dma_wait3A_470 : memref<1x1x128xi32, #tpu.memory_space<vmem>> -> memref<128xi32, #tpu.memory_space<vmem>>
    %dma_wait3A_472 = arith.constant 0 : i32
    %dma_wait3A_473 = arith.constant 0 : i32
    %dma_wait3A_474 = tpu.memref_slice %arg2[%dma_wait3A_472, %dma_wait3A_473] : memref<1007616x64xf32, #tpu.memory_space<hbm>> -> memref<1007616x64xf32, #tpu.memory_space<hbm>>
    tpu.wait_indirect_dma semaphore(%arg9 : memref<!tpu.dma_semaphore, #tpu.memory_space<semaphore_mem>>) src(%dma_wait3A_474 : memref<1007616x64xf32, #tpu.memory_space<hbm>>) dst(%dma_wait3A_468 : memref<128x64xf32, #tpu.memory_space<vmem>>)
    %dma_wait3A_475 = arith.constant 1 : i32
    %dma_wait3A_476 = arith.constant 199 : i32
    %dma_wait3A_477 = arith.constant 0 : i32
    %dma_wait3A_478 = arith.constant 0 : i32
    %dma_wait3A_479 = arith.constant 0 : i32
    %dma_wait3A_480 = tpu.memref_slice %arg7[%dma_wait3A_475, %dma_wait3A_478, %dma_wait3A_479] : memref<2x64x128xf32, #tpu.memory_space<vmem>> -> memref<1x8x128xf32, #tpu.memory_space<vmem>>
    %dma_wait3A_481 = tpu.memref_squeeze %dma_wait3A_480 : memref<1x8x128xf32, #tpu.memory_space<vmem>> -> memref<8x128xf32, #tpu.memory_space<vmem>>
    %dma_wait3A_482 = arith.constant 0 : i32
    %dma_wait3A_483 = arith.constant 0 : i32
    %dma_wait3A_484 = tpu.memref_slice %arg4[%dma_wait3A_476, %dma_wait3A_477, %add3A, %dma_wait3A_482, %dma_wait3A_483] : memref<200x8x32x8x128xf32, #tpu.memory_space<hbm>> -> memref<1x1x1x8x128xf32, #tpu.memory_space<hbm>>
    %dma_wait3A_485 = tpu.memref_squeeze %dma_wait3A_484 : memref<1x1x1x8x128xf32, #tpu.memory_space<hbm>> -> memref<8x128xf32, #tpu.memory_space<hbm>>
    %dma_wait3A_486 = arith.constant 0 : i32
    %dma_wait3A_487 = arith.constant 0 : i32
    %dma_wait3A_488 = tpu.memref_slice %arg4[%dma_wait3A_476, %dma_wait3A_477, %add3A, %dma_wait3A_486, %dma_wait3A_487] : memref<200x8x32x8x128xf32, #tpu.memory_space<hbm>> -> memref<1x1x1x8x128xf32, #tpu.memory_space<hbm>>
    %dma_wait3A_489 = tpu.memref_squeeze %dma_wait3A_488 : memref<1x1x1x8x128xf32, #tpu.memory_space<hbm>> -> memref<8x128xf32, #tpu.memory_space<hbm>>
    %dma_wait3A_490 = arith.constant 0 : i32
    %dma_wait3A_491 = arith.constant 0 : i32
    %dma_wait3A_492 = tpu.memref_slice %arg7[%dma_wait3A_475, %dma_wait3A_490, %dma_wait3A_491] : memref<2x64x128xf32, #tpu.memory_space<vmem>> -> memref<1x8x128xf32, #tpu.memory_space<vmem>>
    %dma_wait3A_493 = tpu.memref_squeeze %dma_wait3A_492 : memref<1x8x128xf32, #tpu.memory_space<vmem>> -> memref<8x128xf32, #tpu.memory_space<vmem>>
    tpu.wait_dma2 semaphore(%arg11 : memref<!tpu.dma_semaphore, #tpu.memory_space<semaphore_mem>>) src(%dma_wait3A_493 : memref<8x128xf32, #tpu.memory_space<vmem>>) dst(%dma_wait3A_489 : memref<8x128xf32, #tpu.memory_space<hbm>>)
    %dma_wait3A_494 = arith.constant 1 : i32
    %dma_wait3A_495 = arith.constant 199 : i32
    %dma_wait3A_496 = arith.constant 1 : i32
    %dma_wait3A_497 = arith.constant 8 : i32
    %dma_wait3A_498 = arith.constant 0 : i32
    %dma_wait3A_499 = tpu.memref_slice %arg7[%dma_wait3A_494, %dma_wait3A_497, %dma_wait3A_498] : memref<2x64x128xf32, #tpu.memory_space<vmem>> -> memref<1x8x128xf32, #tpu.memory_space<vmem>>
    %dma_wait3A_500 = tpu.memref_squeeze %dma_wait3A_499 : memref<1x8x128xf32, #tpu.memory_space<vmem>> -> memref<8x128xf32, #tpu.memory_space<vmem>>
    %dma_wait3A_501 = arith.constant 0 : i32
    %dma_wait3A_502 = arith.constant 0 : i32
    %dma_wait3A_503 = tpu.memref_slice %arg4[%dma_wait3A_495, %dma_wait3A_496, %add3A, %dma_wait3A_501, %dma_wait3A_502] : memref<200x8x32x8x128xf32, #tpu.memory_space<hbm>> -> memref<1x1x1x8x128xf32, #tpu.memory_space<hbm>>
    %dma_wait3A_504 = tpu.memref_squeeze %dma_wait3A_503 : memref<1x1x1x8x128xf32, #tpu.memory_space<hbm>> -> memref<8x128xf32, #tpu.memory_space<hbm>>
    %dma_wait3A_505 = arith.constant 0 : i32
    %dma_wait3A_506 = arith.constant 0 : i32
    %dma_wait3A_507 = tpu.memref_slice %arg4[%dma_wait3A_495, %dma_wait3A_496, %add3A, %dma_wait3A_505, %dma_wait3A_506] : memref<200x8x32x8x128xf32, #tpu.memory_space<hbm>> -> memref<1x1x1x8x128xf32, #tpu.memory_space<hbm>>
    %dma_wait3A_508 = tpu.memref_squeeze %dma_wait3A_507 : memref<1x1x1x8x128xf32, #tpu.memory_space<hbm>> -> memref<8x128xf32, #tpu.memory_space<hbm>>
    %dma_wait3A_509 = arith.constant 8 : i32
    %dma_wait3A_510 = arith.constant 0 : i32
    %dma_wait3A_511 = tpu.memref_slice %arg7[%dma_wait3A_494, %dma_wait3A_509, %dma_wait3A_510] : memref<2x64x128xf32, #tpu.memory_space<vmem>> -> memref<1x8x128xf32, #tpu.memory_space<vmem>>
    %dma_wait3A_512 = tpu.memref_squeeze %dma_wait3A_511 : memref<1x8x128xf32, #tpu.memory_space<vmem>> -> memref<8x128xf32, #tpu.memory_space<vmem>>
    tpu.wait_dma2 semaphore(%arg11 : memref<!tpu.dma_semaphore, #tpu.memory_space<semaphore_mem>>) src(%dma_wait3A_512 : memref<8x128xf32, #tpu.memory_space<vmem>>) dst(%dma_wait3A_508 : memref<8x128xf32, #tpu.memory_space<hbm>>)
    %dma_wait3A_513 = arith.constant 1 : i32
    %dma_wait3A_514 = arith.constant 199 : i32
    %dma_wait3A_515 = arith.constant 2 : i32
    %dma_wait3A_516 = arith.constant 16 : i32
    %dma_wait3A_517 = arith.constant 0 : i32
    %dma_wait3A_518 = tpu.memref_slice %arg7[%dma_wait3A_513, %dma_wait3A_516, %dma_wait3A_517] : memref<2x64x128xf32, #tpu.memory_space<vmem>> -> memref<1x8x128xf32, #tpu.memory_space<vmem>>
    %dma_wait3A_519 = tpu.memref_squeeze %dma_wait3A_518 : memref<1x8x128xf32, #tpu.memory_space<vmem>> -> memref<8x128xf32, #tpu.memory_space<vmem>>
    %dma_wait3A_520 = arith.constant 0 : i32
    %dma_wait3A_521 = arith.constant 0 : i32
    %dma_wait3A_522 = tpu.memref_slice %arg4[%dma_wait3A_514, %dma_wait3A_515, %add3A, %dma_wait3A_520, %dma_wait3A_521] : memref<200x8x32x8x128xf32, #tpu.memory_space<hbm>> -> memref<1x1x1x8x128xf32, #tpu.memory_space<hbm>>
    %dma_wait3A_523 = tpu.memref_squeeze %dma_wait3A_522 : memref<1x1x1x8x128xf32, #tpu.memory_space<hbm>> -> memref<8x128xf32, #tpu.memory_space<hbm>>
    %dma_wait3A_524 = arith.constant 0 : i32
    %dma_wait3A_525 = arith.constant 0 : i32
    %dma_wait3A_526 = tpu.memref_slice %arg4[%dma_wait3A_514, %dma_wait3A_515, %add3A, %dma_wait3A_524, %dma_wait3A_525] : memref<200x8x32x8x128xf32, #tpu.memory_space<hbm>> -> memref<1x1x1x8x128xf32, #tpu.memory_space<hbm>>
    %dma_wait3A_527 = tpu.memref_squeeze %dma_wait3A_526 : memref<1x1x1x8x128xf32, #tpu.memory_space<hbm>> -> memref<8x128xf32, #tpu.memory_space<hbm>>
    %dma_wait3A_528 = arith.constant 16 : i32
    %dma_wait3A_529 = arith.constant 0 : i32
    %dma_wait3A_530 = tpu.memref_slice %arg7[%dma_wait3A_513, %dma_wait3A_528, %dma_wait3A_529] : memref<2x64x128xf32, #tpu.memory_space<vmem>> -> memref<1x8x128xf32, #tpu.memory_space<vmem>>
    %dma_wait3A_531 = tpu.memref_squeeze %dma_wait3A_530 : memref<1x8x128xf32, #tpu.memory_space<vmem>> -> memref<8x128xf32, #tpu.memory_space<vmem>>
    tpu.wait_dma2 semaphore(%arg11 : memref<!tpu.dma_semaphore, #tpu.memory_space<semaphore_mem>>) src(%dma_wait3A_531 : memref<8x128xf32, #tpu.memory_space<vmem>>) dst(%dma_wait3A_527 : memref<8x128xf32, #tpu.memory_space<hbm>>)
    %dma_wait3A_532 = arith.constant 1 : i32
    %dma_wait3A_533 = arith.constant 199 : i32
    %dma_wait3A_534 = arith.constant 3 : i32
    %dma_wait3A_535 = arith.constant 24 : i32
    %dma_wait3A_536 = arith.constant 0 : i32
    %dma_wait3A_537 = tpu.memref_slice %arg7[%dma_wait3A_532, %dma_wait3A_535, %dma_wait3A_536] : memref<2x64x128xf32, #tpu.memory_space<vmem>> -> memref<1x8x128xf32, #tpu.memory_space<vmem>>
    %dma_wait3A_538 = tpu.memref_squeeze %dma_wait3A_537 : memref<1x8x128xf32, #tpu.memory_space<vmem>> -> memref<8x128xf32, #tpu.memory_space<vmem>>
    %dma_wait3A_539 = arith.constant 0 : i32
    %dma_wait3A_540 = arith.constant 0 : i32
    %dma_wait3A_541 = tpu.memref_slice %arg4[%dma_wait3A_533, %dma_wait3A_534, %add3A, %dma_wait3A_539, %dma_wait3A_540] : memref<200x8x32x8x128xf32, #tpu.memory_space<hbm>> -> memref<1x1x1x8x128xf32, #tpu.memory_space<hbm>>
    %dma_wait3A_542 = tpu.memref_squeeze %dma_wait3A_541 : memref<1x1x1x8x128xf32, #tpu.memory_space<hbm>> -> memref<8x128xf32, #tpu.memory_space<hbm>>
    %dma_wait3A_543 = arith.constant 0 : i32
    %dma_wait3A_544 = arith.constant 0 : i32
    %dma_wait3A_545 = tpu.memref_slice %arg4[%dma_wait3A_533, %dma_wait3A_534, %add3A, %dma_wait3A_543, %dma_wait3A_544] : memref<200x8x32x8x128xf32, #tpu.memory_space<hbm>> -> memref<1x1x1x8x128xf32, #tpu.memory_space<hbm>>
    %dma_wait3A_546 = tpu.memref_squeeze %dma_wait3A_545 : memref<1x1x1x8x128xf32, #tpu.memory_space<hbm>> -> memref<8x128xf32, #tpu.memory_space<hbm>>
    %dma_wait3A_547 = arith.constant 24 : i32
    %dma_wait3A_548 = arith.constant 0 : i32
    %dma_wait3A_549 = tpu.memref_slice %arg7[%dma_wait3A_532, %dma_wait3A_547, %dma_wait3A_548] : memref<2x64x128xf32, #tpu.memory_space<vmem>> -> memref<1x8x128xf32, #tpu.memory_space<vmem>>
    %dma_wait3A_550 = tpu.memref_squeeze %dma_wait3A_549 : memref<1x8x128xf32, #tpu.memory_space<vmem>> -> memref<8x128xf32, #tpu.memory_space<vmem>>
    tpu.wait_dma2 semaphore(%arg11 : memref<!tpu.dma_semaphore, #tpu.memory_space<semaphore_mem>>) src(%dma_wait3A_550 : memref<8x128xf32, #tpu.memory_space<vmem>>) dst(%dma_wait3A_546 : memref<8x128xf32, #tpu.memory_space<hbm>>)
    %dma_wait3A_551 = arith.constant 1 : i32
    %dma_wait3A_552 = arith.constant 199 : i32
    %dma_wait3A_553 = arith.constant 4 : i32
    %dma_wait3A_554 = arith.constant 32 : i32
    %dma_wait3A_555 = arith.constant 0 : i32
    %dma_wait3A_556 = tpu.memref_slice %arg7[%dma_wait3A_551, %dma_wait3A_554, %dma_wait3A_555] : memref<2x64x128xf32, #tpu.memory_space<vmem>> -> memref<1x8x128xf32, #tpu.memory_space<vmem>>
    %dma_wait3A_557 = tpu.memref_squeeze %dma_wait3A_556 : memref<1x8x128xf32, #tpu.memory_space<vmem>> -> memref<8x128xf32, #tpu.memory_space<vmem>>
    %dma_wait3A_558 = arith.constant 0 : i32
    %dma_wait3A_559 = arith.constant 0 : i32
    %dma_wait3A_560 = tpu.memref_slice %arg4[%dma_wait3A_552, %dma_wait3A_553, %add3A, %dma_wait3A_558, %dma_wait3A_559] : memref<200x8x32x8x128xf32, #tpu.memory_space<hbm>> -> memref<1x1x1x8x128xf32, #tpu.memory_space<hbm>>
    %dma_wait3A_561 = tpu.memref_squeeze %dma_wait3A_560 : memref<1x1x1x8x128xf32, #tpu.memory_space<hbm>> -> memref<8x128xf32, #tpu.memory_space<hbm>>
    %dma_wait3A_562 = arith.constant 0 : i32
    %dma_wait3A_563 = arith.constant 0 : i32
    %dma_wait3A_564 = tpu.memref_slice %arg4[%dma_wait3A_552, %dma_wait3A_553, %add3A, %dma_wait3A_562, %dma_wait3A_563] : memref<200x8x32x8x128xf32, #tpu.memory_space<hbm>> -> memref<1x1x1x8x128xf32, #tpu.memory_space<hbm>>
    %dma_wait3A_565 = tpu.memref_squeeze %dma_wait3A_564 : memref<1x1x1x8x128xf32, #tpu.memory_space<hbm>> -> memref<8x128xf32, #tpu.memory_space<hbm>>
    %dma_wait3A_566 = arith.constant 32 : i32
    %dma_wait3A_567 = arith.constant 0 : i32
    %dma_wait3A_568 = tpu.memref_slice %arg7[%dma_wait3A_551, %dma_wait3A_566, %dma_wait3A_567] : memref<2x64x128xf32, #tpu.memory_space<vmem>> -> memref<1x8x128xf32, #tpu.memory_space<vmem>>
    %dma_wait3A_569 = tpu.memref_squeeze %dma_wait3A_568 : memref<1x8x128xf32, #tpu.memory_space<vmem>> -> memref<8x128xf32, #tpu.memory_space<vmem>>
    tpu.wait_dma2 semaphore(%arg11 : memref<!tpu.dma_semaphore, #tpu.memory_space<semaphore_mem>>) src(%dma_wait3A_569 : memref<8x128xf32, #tpu.memory_space<vmem>>) dst(%dma_wait3A_565 : memref<8x128xf32, #tpu.memory_space<hbm>>)
    %dma_wait3A_570 = arith.constant 1 : i32
    %dma_wait3A_571 = arith.constant 199 : i32
    %dma_wait3A_572 = arith.constant 5 : i32
    %dma_wait3A_573 = arith.constant 40 : i32
    %dma_wait3A_574 = arith.constant 0 : i32
    %dma_wait3A_575 = tpu.memref_slice %arg7[%dma_wait3A_570, %dma_wait3A_573, %dma_wait3A_574] : memref<2x64x128xf32, #tpu.memory_space<vmem>> -> memref<1x8x128xf32, #tpu.memory_space<vmem>>
    %dma_wait3A_576 = tpu.memref_squeeze %dma_wait3A_575 : memref<1x8x128xf32, #tpu.memory_space<vmem>> -> memref<8x128xf32, #tpu.memory_space<vmem>>
    %dma_wait3A_577 = arith.constant 0 : i32
    %dma_wait3A_578 = arith.constant 0 : i32
    %dma_wait3A_579 = tpu.memref_slice %arg4[%dma_wait3A_571, %dma_wait3A_572, %add3A, %dma_wait3A_577, %dma_wait3A_578] : memref<200x8x32x8x128xf32, #tpu.memory_space<hbm>> -> memref<1x1x1x8x128xf32, #tpu.memory_space<hbm>>
    %dma_wait3A_580 = tpu.memref_squeeze %dma_wait3A_579 : memref<1x1x1x8x128xf32, #tpu.memory_space<hbm>> -> memref<8x128xf32, #tpu.memory_space<hbm>>
    %dma_wait3A_581 = arith.constant 0 : i32
    %dma_wait3A_582 = arith.constant 0 : i32
    %dma_wait3A_583 = tpu.memref_slice %arg4[%dma_wait3A_571, %dma_wait3A_572, %add3A, %dma_wait3A_581, %dma_wait3A_582] : memref<200x8x32x8x128xf32, #tpu.memory_space<hbm>> -> memref<1x1x1x8x128xf32, #tpu.memory_space<hbm>>
    %dma_wait3A_584 = tpu.memref_squeeze %dma_wait3A_583 : memref<1x1x1x8x128xf32, #tpu.memory_space<hbm>> -> memref<8x128xf32, #tpu.memory_space<hbm>>
    %dma_wait3A_585 = arith.constant 40 : i32
    %dma_wait3A_586 = arith.constant 0 : i32
    %dma_wait3A_587 = tpu.memref_slice %arg7[%dma_wait3A_570, %dma_wait3A_585, %dma_wait3A_586] : memref<2x64x128xf32, #tpu.memory_space<vmem>> -> memref<1x8x128xf32, #tpu.memory_space<vmem>>
    %dma_wait3A_588 = tpu.memref_squeeze %dma_wait3A_587 : memref<1x8x128xf32, #tpu.memory_space<vmem>> -> memref<8x128xf32, #tpu.memory_space<vmem>>
    tpu.wait_dma2 semaphore(%arg11 : memref<!tpu.dma_semaphore, #tpu.memory_space<semaphore_mem>>) src(%dma_wait3A_588 : memref<8x128xf32, #tpu.memory_space<vmem>>) dst(%dma_wait3A_584 : memref<8x128xf32, #tpu.memory_space<hbm>>)
    %dma_wait3A_589 = arith.constant 1 : i32
    %dma_wait3A_590 = arith.constant 199 : i32
    %dma_wait3A_591 = arith.constant 6 : i32
    %dma_wait3A_592 = arith.constant 48 : i32
    %dma_wait3A_593 = arith.constant 0 : i32
    %dma_wait3A_594 = tpu.memref_slice %arg7[%dma_wait3A_589, %dma_wait3A_592, %dma_wait3A_593] : memref<2x64x128xf32, #tpu.memory_space<vmem>> -> memref<1x8x128xf32, #tpu.memory_space<vmem>>
    %dma_wait3A_595 = tpu.memref_squeeze %dma_wait3A_594 : memref<1x8x128xf32, #tpu.memory_space<vmem>> -> memref<8x128xf32, #tpu.memory_space<vmem>>
    %dma_wait3A_596 = arith.constant 0 : i32
    %dma_wait3A_597 = arith.constant 0 : i32
    %dma_wait3A_598 = tpu.memref_slice %arg4[%dma_wait3A_590, %dma_wait3A_591, %add3A, %dma_wait3A_596, %dma_wait3A_597] : memref<200x8x32x8x128xf32, #tpu.memory_space<hbm>> -> memref<1x1x1x8x128xf32, #tpu.memory_space<hbm>>
    %dma_wait3A_599 = tpu.memref_squeeze %dma_wait3A_598 : memref<1x1x1x8x128xf32, #tpu.memory_space<hbm>> -> memref<8x128xf32, #tpu.memory_space<hbm>>
    %dma_wait3A_600 = arith.constant 0 : i32
    %dma_wait3A_601 = arith.constant 0 : i32
    %dma_wait3A_602 = tpu.memref_slice %arg4[%dma_wait3A_590, %dma_wait3A_591, %add3A, %dma_wait3A_600, %dma_wait3A_601] : memref<200x8x32x8x128xf32, #tpu.memory_space<hbm>> -> memref<1x1x1x8x128xf32, #tpu.memory_space<hbm>>
    %dma_wait3A_603 = tpu.memref_squeeze %dma_wait3A_602 : memref<1x1x1x8x128xf32, #tpu.memory_space<hbm>> -> memref<8x128xf32, #tpu.memory_space<hbm>>
    %dma_wait3A_604 = arith.constant 48 : i32
    %dma_wait3A_605 = arith.constant 0 : i32
    %dma_wait3A_606 = tpu.memref_slice %arg7[%dma_wait3A_589, %dma_wait3A_604, %dma_wait3A_605] : memref<2x64x128xf32, #tpu.memory_space<vmem>> -> memref<1x8x128xf32, #tpu.memory_space<vmem>>
    %dma_wait3A_607 = tpu.memref_squeeze %dma_wait3A_606 : memref<1x8x128xf32, #tpu.memory_space<vmem>> -> memref<8x128xf32, #tpu.memory_space<vmem>>
    tpu.wait_dma2 semaphore(%arg11 : memref<!tpu.dma_semaphore, #tpu.memory_space<semaphore_mem>>) src(%dma_wait3A_607 : memref<8x128xf32, #tpu.memory_space<vmem>>) dst(%dma_wait3A_603 : memref<8x128xf32, #tpu.memory_space<hbm>>)
    %dma_wait3A_608 = arith.constant 1 : i32
    %dma_wait3A_609 = arith.constant 199 : i32
    %dma_wait3A_610 = arith.constant 7 : i32
    %dma_wait3A_611 = arith.constant 56 : i32
    %dma_wait3A_612 = arith.constant 0 : i32
    %dma_wait3A_613 = tpu.memref_slice %arg7[%dma_wait3A_608, %dma_wait3A_611, %dma_wait3A_612] : memref<2x64x128xf32, #tpu.memory_space<vmem>> -> memref<1x8x128xf32, #tpu.memory_space<vmem>>
    %dma_wait3A_614 = tpu.memref_squeeze %dma_wait3A_613 : memref<1x8x128xf32, #tpu.memory_space<vmem>> -> memref<8x128xf32, #tpu.memory_space<vmem>>
    %dma_wait3A_615 = arith.constant 0 : i32
    %dma_wait3A_616 = arith.constant 0 : i32
    %dma_wait3A_617 = tpu.memref_slice %arg4[%dma_wait3A_609, %dma_wait3A_610, %add3A, %dma_wait3A_615, %dma_wait3A_616] : memref<200x8x32x8x128xf32, #tpu.memory_space<hbm>> -> memref<1x1x1x8x128xf32, #tpu.memory_space<hbm>>
    %dma_wait3A_618 = tpu.memref_squeeze %dma_wait3A_617 : memref<1x1x1x8x128xf32, #tpu.memory_space<hbm>> -> memref<8x128xf32, #tpu.memory_space<hbm>>
    %dma_wait3A_619 = arith.constant 0 : i32
    %dma_wait3A_620 = arith.constant 0 : i32
    %dma_wait3A_621 = tpu.memref_slice %arg4[%dma_wait3A_609, %dma_wait3A_610, %add3A, %dma_wait3A_619, %dma_wait3A_620] : memref<200x8x32x8x128xf32, #tpu.memory_space<hbm>> -> memref<1x1x1x8x128xf32, #tpu.memory_space<hbm>>
    %dma_wait3A_622 = tpu.memref_squeeze %dma_wait3A_621 : memref<1x1x1x8x128xf32, #tpu.memory_space<hbm>> -> memref<8x128xf32, #tpu.memory_space<hbm>>
    %dma_wait3A_623 = arith.constant 56 : i32
    %dma_wait3A_624 = arith.constant 0 : i32
    %dma_wait3A_625 = tpu.memref_slice %arg7[%dma_wait3A_608, %dma_wait3A_623, %dma_wait3A_624] : memref<2x64x128xf32, #tpu.memory_space<vmem>> -> memref<1x8x128xf32, #tpu.memory_space<vmem>>
    %dma_wait3A_626 = tpu.memref_squeeze %dma_wait3A_625 : memref<1x8x128xf32, #tpu.memory_space<vmem>> -> memref<8x128xf32, #tpu.memory_space<vmem>>
    tpu.wait_dma2 semaphore(%arg11 : memref<!tpu.dma_semaphore, #tpu.memory_space<semaphore_mem>>) src(%dma_wait3A_626 : memref<8x128xf32, #tpu.memory_space<vmem>>) dst(%dma_wait3A_622 : memref<8x128xf32, #tpu.memory_space<hbm>>)
    %parallel_loop3A_627 = arith.constant 0 : i32
    %parallel_loop3A_628 = arith.constant 32 : i32
    %parallel_loop3A_629 = arith.constant 1 : i32
    %parallel_loop3A_630 = arith.constant 1 : i32
    %parallel_loop3A_631 = arith.constant 1 : i32
    scf.for %parallel_loop3A_1088 = %parallel_loop3A_627 to %parallel_loop3A_628 step %parallel_loop3A_629  : i32 {
      %parallel_loop3A_1089 = arith.constant 7 : i32
      %parallel_loop3A_1090 = arith.andi %parallel_loop3A_1088, %parallel_loop3A_1089 : i32
      %parallel_loop3A_1091 = arith.constant 16 : i32
      %parallel_loop3A_1092 = arith.muli %parallel_loop3A_1090, %parallel_loop3A_1091 : i32
      %parallel_loop3A_1093 = arith.constant 3 : i32
      %parallel_loop3A_1094 = arith.shrui %parallel_loop3A_1088, %parallel_loop3A_1093 : i32
      %parallel_loop3A_1095 = arith.constant 16 : i32
      %parallel_loop3A_1096 = arith.muli %parallel_loop3A_1094, %parallel_loop3A_1095 : i32
      %parallel_loop3A_1097 = vector.broadcast %parallel_loop3A_1092 : i32 to vector<16xi32>
      %parallel_loop3A_1098 = arith.addi %iota3A, %parallel_loop3A_1097 : vector<16xi32>
      %parallel_loop3A_1099 = vector.broadcast %parallel_loop3A_1096 : i32 to vector<16xi32>
      %parallel_loop3A_1100 = arith.addi %and3A_7, %parallel_loop3A_1099 : vector<16xi32>
      %parallel_loop3A_1101 = arith.constant 0 : i32
      %parallel_loop3A_1102 = arith.constant 0 : i32
      %parallel_loop3A_1103 = tpu.memref_slice %arg6[%parallel_loop3A_630, %parallel_loop3A_1101, %parallel_loop3A_1102] : memref<2x128x64xf32, #tpu.memory_space<vmem>> -> memref<1x128x64xf32, #tpu.memory_space<vmem>>
      %parallel_loop3A_1104 = tpu.memref_squeeze %parallel_loop3A_1103 : memref<1x128x64xf32, #tpu.memory_space<vmem>> -> memref<128x64xf32, #tpu.memory_space<vmem>>
      %parallel_loop3A_1105 = tpu.vector_load_idx %parallel_loop3A_1104[%parallel_loop3A_1098, %parallel_loop3A_1100] : memref<128x64xf32, #tpu.memory_space<vmem>>[vector<16xi32>, vector<16xi32>], vector<16xf32>,
      %parallel_loop3A_1106 = arith.constant 0 : i32
      %parallel_loop3A_1107 = arith.constant 0 : i32
      %parallel_loop3A_1108 = tpu.memref_slice %arg7[%parallel_loop3A_631, %parallel_loop3A_1106, %parallel_loop3A_1107] : memref<2x64x128xf32, #tpu.memory_space<vmem>> -> memref<1x64x128xf32, #tpu.memory_space<vmem>>
      %parallel_loop3A_1109 = tpu.memref_squeeze %parallel_loop3A_1108 : memref<1x64x128xf32, #tpu.memory_space<vmem>> -> memref<64x128xf32, #tpu.memory_space<vmem>>
      tpu.vector_store_idx %parallel_loop3A_1109[%parallel_loop3A_1100, %parallel_loop3A_1098], %parallel_loop3A_1105 : memref<64x128xf32, #tpu.memory_space<vmem>>[vector<16xi32>, vector<16xi32>], vector<16xf32>,
      %parallel_loop3A_1110 = vector.broadcast %parallel_loop3A_1096 : i32 to vector<16xi32>
      %parallel_loop3A_1111 = arith.addi %and3A_13, %parallel_loop3A_1110 : vector<16xi32>
      %parallel_loop3A_1112 = arith.constant 0 : i32
      %parallel_loop3A_1113 = arith.constant 0 : i32
      %parallel_loop3A_1114 = tpu.memref_slice %arg6[%parallel_loop3A_630, %parallel_loop3A_1112, %parallel_loop3A_1113] : memref<2x128x64xf32, #tpu.memory_space<vmem>> -> memref<1x128x64xf32, #tpu.memory_space<vmem>>
      %parallel_loop3A_1115 = tpu.memref_squeeze %parallel_loop3A_1114 : memref<1x128x64xf32, #tpu.memory_space<vmem>> -> memref<128x64xf32, #tpu.memory_space<vmem>>
      %parallel_loop3A_1116 = tpu.vector_load_idx %parallel_loop3A_1115[%parallel_loop3A_1098, %parallel_loop3A_1111] : memref<128x64xf32, #tpu.memory_space<vmem>>[vector<16xi32>, vector<16xi32>], vector<16xf32>,
      %parallel_loop3A_1117 = arith.constant 0 : i32
      %parallel_loop3A_1118 = arith.constant 0 : i32
      %parallel_loop3A_1119 = tpu.memref_slice %arg7[%parallel_loop3A_631, %parallel_loop3A_1117, %parallel_loop3A_1118] : memref<2x64x128xf32, #tpu.memory_space<vmem>> -> memref<1x64x128xf32, #tpu.memory_space<vmem>>
      %parallel_loop3A_1120 = tpu.memref_squeeze %parallel_loop3A_1119 : memref<1x64x128xf32, #tpu.memory_space<vmem>> -> memref<64x128xf32, #tpu.memory_space<vmem>>
      tpu.vector_store_idx %parallel_loop3A_1120[%parallel_loop3A_1111, %parallel_loop3A_1098], %parallel_loop3A_1116 : memref<64x128xf32, #tpu.memory_space<vmem>>[vector<16xi32>, vector<16xi32>], vector<16xf32>,
      %parallel_loop3A_1121 = vector.broadcast %parallel_loop3A_1096 : i32 to vector<16xi32>
      %parallel_loop3A_1122 = arith.addi %and3A_19, %parallel_loop3A_1121 : vector<16xi32>
      %parallel_loop3A_1123 = arith.constant 0 : i32
      %parallel_loop3A_1124 = arith.constant 0 : i32
      %parallel_loop3A_1125 = tpu.memref_slice %arg6[%parallel_loop3A_630, %parallel_loop3A_1123, %parallel_loop3A_1124] : memref<2x128x64xf32, #tpu.memory_space<vmem>> -> memref<1x128x64xf32, #tpu.memory_space<vmem>>
      %parallel_loop3A_1126 = tpu.memref_squeeze %parallel_loop3A_1125 : memref<1x128x64xf32, #tpu.memory_space<vmem>> -> memref<128x64xf32, #tpu.memory_space<vmem>>
      %parallel_loop3A_1127 = tpu.vector_load_idx %parallel_loop3A_1126[%parallel_loop3A_1098, %parallel_loop3A_1122] : memref<128x64xf32, #tpu.memory_space<vmem>>[vector<16xi32>, vector<16xi32>], vector<16xf32>,
      %parallel_loop3A_1128 = arith.constant 0 : i32
      %parallel_loop3A_1129 = arith.constant 0 : i32
      %parallel_loop3A_1130 = tpu.memref_slice %arg7[%parallel_loop3A_631, %parallel_loop3A_1128, %parallel_loop3A_1129] : memref<2x64x128xf32, #tpu.memory_space<vmem>> -> memref<1x64x128xf32, #tpu.memory_space<vmem>>
      %parallel_loop3A_1131 = tpu.memref_squeeze %parallel_loop3A_1130 : memref<1x64x128xf32, #tpu.memory_space<vmem>> -> memref<64x128xf32, #tpu.memory_space<vmem>>
      tpu.vector_store_idx %parallel_loop3A_1131[%parallel_loop3A_1122, %parallel_loop3A_1098], %parallel_loop3A_1127 : memref<64x128xf32, #tpu.memory_space<vmem>>[vector<16xi32>, vector<16xi32>], vector<16xf32>,
      %parallel_loop3A_1132 = vector.broadcast %parallel_loop3A_1096 : i32 to vector<16xi32>
      %parallel_loop3A_1133 = arith.addi %and3A_25, %parallel_loop3A_1132 : vector<16xi32>
      %parallel_loop3A_1134 = arith.constant 0 : i32
      %parallel_loop3A_1135 = arith.constant 0 : i32
      %parallel_loop3A_1136 = tpu.memref_slice %arg6[%parallel_loop3A_630, %parallel_loop3A_1134, %parallel_loop3A_1135] : memref<2x128x64xf32, #tpu.memory_space<vmem>> -> memref<1x128x64xf32, #tpu.memory_space<vmem>>
      %parallel_loop3A_1137 = tpu.memref_squeeze %parallel_loop3A_1136 : memref<1x128x64xf32, #tpu.memory_space<vmem>> -> memref<128x64xf32, #tpu.memory_space<vmem>>
      %parallel_loop3A_1138 = tpu.vector_load_idx %parallel_loop3A_1137[%parallel_loop3A_1098, %parallel_loop3A_1133] : memref<128x64xf32, #tpu.memory_space<vmem>>[vector<16xi32>, vector<16xi32>], vector<16xf32>,
      %parallel_loop3A_1139 = arith.constant 0 : i32
      %parallel_loop3A_1140 = arith.constant 0 : i32
      %parallel_loop3A_1141 = tpu.memref_slice %arg7[%parallel_loop3A_631, %parallel_loop3A_1139, %parallel_loop3A_1140] : memref<2x64x128xf32, #tpu.memory_space<vmem>> -> memref<1x64x128xf32, #tpu.memory_space<vmem>>
      %parallel_loop3A_1142 = tpu.memref_squeeze %parallel_loop3A_1141 : memref<1x64x128xf32, #tpu.memory_space<vmem>> -> memref<64x128xf32, #tpu.memory_space<vmem>>
      tpu.vector_store_idx %parallel_loop3A_1142[%parallel_loop3A_1133, %parallel_loop3A_1098], %parallel_loop3A_1138 : memref<64x128xf32, #tpu.memory_space<vmem>>[vector<16xi32>, vector<16xi32>], vector<16xf32>,
      %parallel_loop3A_1143 = vector.broadcast %parallel_loop3A_1096 : i32 to vector<16xi32>
      %parallel_loop3A_1144 = arith.addi %and3A_31, %parallel_loop3A_1143 : vector<16xi32>
      %parallel_loop3A_1145 = arith.constant 0 : i32
      %parallel_loop3A_1146 = arith.constant 0 : i32
      %parallel_loop3A_1147 = tpu.memref_slice %arg6[%parallel_loop3A_630, %parallel_loop3A_1145, %parallel_loop3A_1146] : memref<2x128x64xf32, #tpu.memory_space<vmem>> -> memref<1x128x64xf32, #tpu.memory_space<vmem>>
      %parallel_loop3A_1148 = tpu.memref_squeeze %parallel_loop3A_1147 : memref<1x128x64xf32, #tpu.memory_space<vmem>> -> memref<128x64xf32, #tpu.memory_space<vmem>>
      %parallel_loop3A_1149 = tpu.vector_load_idx %parallel_loop3A_1148[%parallel_loop3A_1098, %parallel_loop3A_1144] : memref<128x64xf32, #tpu.memory_space<vmem>>[vector<16xi32>, vector<16xi32>], vector<16xf32>,
      %parallel_loop3A_1150 = arith.constant 0 : i32
      %parallel_loop3A_1151 = arith.constant 0 : i32
      %parallel_loop3A_1152 = tpu.memref_slice %arg7[%parallel_loop3A_631, %parallel_loop3A_1150, %parallel_loop3A_1151] : memref<2x64x128xf32, #tpu.memory_space<vmem>> -> memref<1x64x128xf32, #tpu.memory_space<vmem>>
      %parallel_loop3A_1153 = tpu.memref_squeeze %parallel_loop3A_1152 : memref<1x64x128xf32, #tpu.memory_space<vmem>> -> memref<64x128xf32, #tpu.memory_space<vmem>>
      tpu.vector_store_idx %parallel_loop3A_1153[%parallel_loop3A_1144, %parallel_loop3A_1098], %parallel_loop3A_1149 : memref<64x128xf32, #tpu.memory_space<vmem>>[vector<16xi32>, vector<16xi32>], vector<16xf32>,
      %parallel_loop3A_1154 = vector.broadcast %parallel_loop3A_1096 : i32 to vector<16xi32>
      %parallel_loop3A_1155 = arith.addi %and3A_37, %parallel_loop3A_1154 : vector<16xi32>
      %parallel_loop3A_1156 = arith.constant 0 : i32
      %parallel_loop3A_1157 = arith.constant 0 : i32
      %parallel_loop3A_1158 = tpu.memref_slice %arg6[%parallel_loop3A_630, %parallel_loop3A_1156, %parallel_loop3A_1157] : memref<2x128x64xf32, #tpu.memory_space<vmem>> -> memref<1x128x64xf32, #tpu.memory_space<vmem>>
      %parallel_loop3A_1159 = tpu.memref_squeeze %parallel_loop3A_1158 : memref<1x128x64xf32, #tpu.memory_space<vmem>> -> memref<128x64xf32, #tpu.memory_space<vmem>>
      %parallel_loop3A_1160 = tpu.vector_load_idx %parallel_loop3A_1159[%parallel_loop3A_1098, %parallel_loop3A_1155] : memref<128x64xf32, #tpu.memory_space<vmem>>[vector<16xi32>, vector<16xi32>], vector<16xf32>,
      %parallel_loop3A_1161 = arith.constant 0 : i32
      %parallel_loop3A_1162 = arith.constant 0 : i32
      %parallel_loop3A_1163 = tpu.memref_slice %arg7[%parallel_loop3A_631, %parallel_loop3A_1161, %parallel_loop3A_1162] : memref<2x64x128xf32, #tpu.memory_space<vmem>> -> memref<1x64x128xf32, #tpu.memory_space<vmem>>
      %parallel_loop3A_1164 = tpu.memref_squeeze %parallel_loop3A_1163 : memref<1x64x128xf32, #tpu.memory_space<vmem>> -> memref<64x128xf32, #tpu.memory_space<vmem>>
      tpu.vector_store_idx %parallel_loop3A_1164[%parallel_loop3A_1155, %parallel_loop3A_1098], %parallel_loop3A_1160 : memref<64x128xf32, #tpu.memory_space<vmem>>[vector<16xi32>, vector<16xi32>], vector<16xf32>,
      %parallel_loop3A_1165 = vector.broadcast %parallel_loop3A_1096 : i32 to vector<16xi32>
      %parallel_loop3A_1166 = arith.addi %and3A_43, %parallel_loop3A_1165 : vector<16xi32>
      %parallel_loop3A_1167 = arith.constant 0 : i32
      %parallel_loop3A_1168 = arith.constant 0 : i32
      %parallel_loop3A_1169 = tpu.memref_slice %arg6[%parallel_loop3A_630, %parallel_loop3A_1167, %parallel_loop3A_1168] : memref<2x128x64xf32, #tpu.memory_space<vmem>> -> memref<1x128x64xf32, #tpu.memory_space<vmem>>
      %parallel_loop3A_1170 = tpu.memref_squeeze %parallel_loop3A_1169 : memref<1x128x64xf32, #tpu.memory_space<vmem>> -> memref<128x64xf32, #tpu.memory_space<vmem>>
      %parallel_loop3A_1171 = tpu.vector_load_idx %parallel_loop3A_1170[%parallel_loop3A_1098, %parallel_loop3A_1166] : memref<128x64xf32, #tpu.memory_space<vmem>>[vector<16xi32>, vector<16xi32>], vector<16xf32>,
      %parallel_loop3A_1172 = arith.constant 0 : i32
      %parallel_loop3A_1173 = arith.constant 0 : i32
      %parallel_loop3A_1174 = tpu.memref_slice %arg7[%parallel_loop3A_631, %parallel_loop3A_1172, %parallel_loop3A_1173] : memref<2x64x128xf32, #tpu.memory_space<vmem>> -> memref<1x64x128xf32, #tpu.memory_space<vmem>>
      %parallel_loop3A_1175 = tpu.memref_squeeze %parallel_loop3A_1174 : memref<1x64x128xf32, #tpu.memory_space<vmem>> -> memref<64x128xf32, #tpu.memory_space<vmem>>
      tpu.vector_store_idx %parallel_loop3A_1175[%parallel_loop3A_1166, %parallel_loop3A_1098], %parallel_loop3A_1171 : memref<64x128xf32, #tpu.memory_space<vmem>>[vector<16xi32>, vector<16xi32>], vector<16xf32>,
      %parallel_loop3A_1176 = vector.broadcast %parallel_loop3A_1096 : i32 to vector<16xi32>
      %parallel_loop3A_1177 = arith.addi %and3A_49, %parallel_loop3A_1176 : vector<16xi32>
      %parallel_loop3A_1178 = arith.constant 0 : i32
      %parallel_loop3A_1179 = arith.constant 0 : i32
      %parallel_loop3A_1180 = tpu.memref_slice %arg6[%parallel_loop3A_630, %parallel_loop3A_1178, %parallel_loop3A_1179] : memref<2x128x64xf32, #tpu.memory_space<vmem>> -> memref<1x128x64xf32, #tpu.memory_space<vmem>>
      %parallel_loop3A_1181 = tpu.memref_squeeze %parallel_loop3A_1180 : memref<1x128x64xf32, #tpu.memory_space<vmem>> -> memref<128x64xf32, #tpu.memory_space<vmem>>
      %parallel_loop3A_1182 = tpu.vector_load_idx %parallel_loop3A_1181[%parallel_loop3A_1098, %parallel_loop3A_1177] : memref<128x64xf32, #tpu.memory_space<vmem>>[vector<16xi32>, vector<16xi32>], vector<16xf32>,
      %parallel_loop3A_1183 = arith.constant 0 : i32
      %parallel_loop3A_1184 = arith.constant 0 : i32
      %parallel_loop3A_1185 = tpu.memref_slice %arg7[%parallel_loop3A_631, %parallel_loop3A_1183, %parallel_loop3A_1184] : memref<2x64x128xf32, #tpu.memory_space<vmem>> -> memref<1x64x128xf32, #tpu.memory_space<vmem>>
      %parallel_loop3A_1186 = tpu.memref_squeeze %parallel_loop3A_1185 : memref<1x64x128xf32, #tpu.memory_space<vmem>> -> memref<64x128xf32, #tpu.memory_space<vmem>>
      tpu.vector_store_idx %parallel_loop3A_1186[%parallel_loop3A_1177, %parallel_loop3A_1098], %parallel_loop3A_1182 : memref<64x128xf32, #tpu.memory_space<vmem>>[vector<16xi32>, vector<16xi32>], vector<16xf32>,
      %parallel_loop3A_1187 = vector.broadcast %parallel_loop3A_1096 : i32 to vector<16xi32>
      %parallel_loop3A_1188 = arith.addi %and3A_55, %parallel_loop3A_1187 : vector<16xi32>
      %parallel_loop3A_1189 = arith.constant 0 : i32
      %parallel_loop3A_1190 = arith.constant 0 : i32
      %parallel_loop3A_1191 = tpu.memref_slice %arg6[%parallel_loop3A_630, %parallel_loop3A_1189, %parallel_loop3A_1190] : memref<2x128x64xf32, #tpu.memory_space<vmem>> -> memref<1x128x64xf32, #tpu.memory_space<vmem>>
      %parallel_loop3A_1192 = tpu.memref_squeeze %parallel_loop3A_1191 : memref<1x128x64xf32, #tpu.memory_space<vmem>> -> memref<128x64xf32, #tpu.memory_space<vmem>>
      %parallel_loop3A_1193 = tpu.vector_load_idx %parallel_loop3A_1192[%parallel_loop3A_1098, %parallel_loop3A_1188] : memref<128x64xf32, #tpu.memory_space<vmem>>[vector<16xi32>, vector<16xi32>], vector<16xf32>,
      %parallel_loop3A_1194 = arith.constant 0 : i32
      %parallel_loop3A_1195 = arith.constant 0 : i32
      %parallel_loop3A_1196 = tpu.memref_slice %arg7[%parallel_loop3A_631, %parallel_loop3A_1194, %parallel_loop3A_1195] : memref<2x64x128xf32, #tpu.memory_space<vmem>> -> memref<1x64x128xf32, #tpu.memory_space<vmem>>
      %parallel_loop3A_1197 = tpu.memref_squeeze %parallel_loop3A_1196 : memref<1x64x128xf32, #tpu.memory_space<vmem>> -> memref<64x128xf32, #tpu.memory_space<vmem>>
      tpu.vector_store_idx %parallel_loop3A_1197[%parallel_loop3A_1188, %parallel_loop3A_1098], %parallel_loop3A_1193 : memref<64x128xf32, #tpu.memory_space<vmem>>[vector<16xi32>, vector<16xi32>], vector<16xf32>,
      %parallel_loop3A_1198 = vector.broadcast %parallel_loop3A_1096 : i32 to vector<16xi32>
      %parallel_loop3A_1199 = arith.addi %and3A_61, %parallel_loop3A_1198 : vector<16xi32>
      %parallel_loop3A_1200 = arith.constant 0 : i32
      %parallel_loop3A_1201 = arith.constant 0 : i32
      %parallel_loop3A_1202 = tpu.memref_slice %arg6[%parallel_loop3A_630, %parallel_loop3A_1200, %parallel_loop3A_1201] : memref<2x128x64xf32, #tpu.memory_space<vmem>> -> memref<1x128x64xf32, #tpu.memory_space<vmem>>
      %parallel_loop3A_1203 = tpu.memref_squeeze %parallel_loop3A_1202 : memref<1x128x64xf32, #tpu.memory_space<vmem>> -> memref<128x64xf32, #tpu.memory_space<vmem>>
      %parallel_loop3A_1204 = tpu.vector_load_idx %parallel_loop3A_1203[%parallel_loop3A_1098, %parallel_loop3A_1199] : memref<128x64xf32, #tpu.memory_space<vmem>>[vector<16xi32>, vector<16xi32>], vector<16xf32>,
      %parallel_loop3A_1205 = arith.constant 0 : i32
      %parallel_loop3A_1206 = arith.constant 0 : i32
      %parallel_loop3A_1207 = tpu.memref_slice %arg7[%parallel_loop3A_631, %parallel_loop3A_1205, %parallel_loop3A_1206] : memref<2x64x128xf32, #tpu.memory_space<vmem>> -> memref<1x64x128xf32, #tpu.memory_space<vmem>>
      %parallel_loop3A_1208 = tpu.memref_squeeze %parallel_loop3A_1207 : memref<1x64x128xf32, #tpu.memory_space<vmem>> -> memref<64x128xf32, #tpu.memory_space<vmem>>
      tpu.vector_store_idx %parallel_loop3A_1208[%parallel_loop3A_1199, %parallel_loop3A_1098], %parallel_loop3A_1204 : memref<64x128xf32, #tpu.memory_space<vmem>>[vector<16xi32>, vector<16xi32>], vector<16xf32>,
      %parallel_loop3A_1209 = vector.broadcast %parallel_loop3A_1096 : i32 to vector<16xi32>
      %parallel_loop3A_1210 = arith.addi %and3A_67, %parallel_loop3A_1209 : vector<16xi32>
      %parallel_loop3A_1211 = arith.constant 0 : i32
      %parallel_loop3A_1212 = arith.constant 0 : i32
      %parallel_loop3A_1213 = tpu.memref_slice %arg6[%parallel_loop3A_630, %parallel_loop3A_1211, %parallel_loop3A_1212] : memref<2x128x64xf32, #tpu.memory_space<vmem>> -> memref<1x128x64xf32, #tpu.memory_space<vmem>>
      %parallel_loop3A_1214 = tpu.memref_squeeze %parallel_loop3A_1213 : memref<1x128x64xf32, #tpu.memory_space<vmem>> -> memref<128x64xf32, #tpu.memory_space<vmem>>
      %parallel_loop3A_1215 = tpu.vector_load_idx %parallel_loop3A_1214[%parallel_loop3A_1098, %parallel_loop3A_1210] : memref<128x64xf32, #tpu.memory_space<vmem>>[vector<16xi32>, vector<16xi32>], vector<16xf32>,
      %parallel_loop3A_1216 = arith.constant 0 : i32
      %parallel_loop3A_1217 = arith.constant 0 : i32
      %parallel_loop3A_1218 = tpu.memref_slice %arg7[%parallel_loop3A_631, %parallel_loop3A_1216, %parallel_loop3A_1217] : memref<2x64x128xf32, #tpu.memory_space<vmem>> -> memref<1x64x128xf32, #tpu.memory_space<vmem>>
      %parallel_loop3A_1219 = tpu.memref_squeeze %parallel_loop3A_1218 : memref<1x64x128xf32, #tpu.memory_space<vmem>> -> memref<64x128xf32, #tpu.memory_space<vmem>>
      tpu.vector_store_idx %parallel_loop3A_1219[%parallel_loop3A_1210, %parallel_loop3A_1098], %parallel_loop3A_1215 : memref<64x128xf32, #tpu.memory_space<vmem>>[vector<16xi32>, vector<16xi32>], vector<16xf32>,
      %parallel_loop3A_1220 = vector.broadcast %parallel_loop3A_1096 : i32 to vector<16xi32>
      %parallel_loop3A_1221 = arith.addi %and3A_73, %parallel_loop3A_1220 : vector<16xi32>
      %parallel_loop3A_1222 = arith.constant 0 : i32
      %parallel_loop3A_1223 = arith.constant 0 : i32
      %parallel_loop3A_1224 = tpu.memref_slice %arg6[%parallel_loop3A_630, %parallel_loop3A_1222, %parallel_loop3A_1223] : memref<2x128x64xf32, #tpu.memory_space<vmem>> -> memref<1x128x64xf32, #tpu.memory_space<vmem>>
      %parallel_loop3A_1225 = tpu.memref_squeeze %parallel_loop3A_1224 : memref<1x128x64xf32, #tpu.memory_space<vmem>> -> memref<128x64xf32, #tpu.memory_space<vmem>>
      %parallel_loop3A_1226 = tpu.vector_load_idx %parallel_loop3A_1225[%parallel_loop3A_1098, %parallel_loop3A_1221] : memref<128x64xf32, #tpu.memory_space<vmem>>[vector<16xi32>, vector<16xi32>], vector<16xf32>,
      %parallel_loop3A_1227 = arith.constant 0 : i32
      %parallel_loop3A_1228 = arith.constant 0 : i32
      %parallel_loop3A_1229 = tpu.memref_slice %arg7[%parallel_loop3A_631, %parallel_loop3A_1227, %parallel_loop3A_1228] : memref<2x64x128xf32, #tpu.memory_space<vmem>> -> memref<1x64x128xf32, #tpu.memory_space<vmem>>
      %parallel_loop3A_1230 = tpu.memref_squeeze %parallel_loop3A_1229 : memref<1x64x128xf32, #tpu.memory_space<vmem>> -> memref<64x128xf32, #tpu.memory_space<vmem>>
      tpu.vector_store_idx %parallel_loop3A_1230[%parallel_loop3A_1221, %parallel_loop3A_1098], %parallel_loop3A_1226 : memref<64x128xf32, #tpu.memory_space<vmem>>[vector<16xi32>, vector<16xi32>], vector<16xf32>,
      %parallel_loop3A_1231 = vector.broadcast %parallel_loop3A_1096 : i32 to vector<16xi32>
      %parallel_loop3A_1232 = arith.addi %and3A_79, %parallel_loop3A_1231 : vector<16xi32>
      %parallel_loop3A_1233 = arith.constant 0 : i32
      %parallel_loop3A_1234 = arith.constant 0 : i32
      %parallel_loop3A_1235 = tpu.memref_slice %arg6[%parallel_loop3A_630, %parallel_loop3A_1233, %parallel_loop3A_1234] : memref<2x128x64xf32, #tpu.memory_space<vmem>> -> memref<1x128x64xf32, #tpu.memory_space<vmem>>
      %parallel_loop3A_1236 = tpu.memref_squeeze %parallel_loop3A_1235 : memref<1x128x64xf32, #tpu.memory_space<vmem>> -> memref<128x64xf32, #tpu.memory_space<vmem>>
      %parallel_loop3A_1237 = tpu.vector_load_idx %parallel_loop3A_1236[%parallel_loop3A_1098, %parallel_loop3A_1232] : memref<128x64xf32, #tpu.memory_space<vmem>>[vector<16xi32>, vector<16xi32>], vector<16xf32>,
      %parallel_loop3A_1238 = arith.constant 0 : i32
      %parallel_loop3A_1239 = arith.constant 0 : i32
      %parallel_loop3A_1240 = tpu.memref_slice %arg7[%parallel_loop3A_631, %parallel_loop3A_1238, %parallel_loop3A_1239] : memref<2x64x128xf32, #tpu.memory_space<vmem>> -> memref<1x64x128xf32, #tpu.memory_space<vmem>>
      %parallel_loop3A_1241 = tpu.memref_squeeze %parallel_loop3A_1240 : memref<1x64x128xf32, #tpu.memory_space<vmem>> -> memref<64x128xf32, #tpu.memory_space<vmem>>
      tpu.vector_store_idx %parallel_loop3A_1241[%parallel_loop3A_1232, %parallel_loop3A_1098], %parallel_loop3A_1237 : memref<64x128xf32, #tpu.memory_space<vmem>>[vector<16xi32>, vector<16xi32>], vector<16xf32>,
      %parallel_loop3A_1242 = vector.broadcast %parallel_loop3A_1096 : i32 to vector<16xi32>
      %parallel_loop3A_1243 = arith.addi %and3A_85, %parallel_loop3A_1242 : vector<16xi32>
      %parallel_loop3A_1244 = arith.constant 0 : i32
      %parallel_loop3A_1245 = arith.constant 0 : i32
      %parallel_loop3A_1246 = tpu.memref_slice %arg6[%parallel_loop3A_630, %parallel_loop3A_1244, %parallel_loop3A_1245] : memref<2x128x64xf32, #tpu.memory_space<vmem>> -> memref<1x128x64xf32, #tpu.memory_space<vmem>>
      %parallel_loop3A_1247 = tpu.memref_squeeze %parallel_loop3A_1246 : memref<1x128x64xf32, #tpu.memory_space<vmem>> -> memref<128x64xf32, #tpu.memory_space<vmem>>
      %parallel_loop3A_1248 = tpu.vector_load_idx %parallel_loop3A_1247[%parallel_loop3A_1098, %parallel_loop3A_1243] : memref<128x64xf32, #tpu.memory_space<vmem>>[vector<16xi32>, vector<16xi32>], vector<16xf32>,
      %parallel_loop3A_1249 = arith.constant 0 : i32
      %parallel_loop3A_1250 = arith.constant 0 : i32
      %parallel_loop3A_1251 = tpu.memref_slice %arg7[%parallel_loop3A_631, %parallel_loop3A_1249, %parallel_loop3A_1250] : memref<2x64x128xf32, #tpu.memory_space<vmem>> -> memref<1x64x128xf32, #tpu.memory_space<vmem>>
      %parallel_loop3A_1252 = tpu.memref_squeeze %parallel_loop3A_1251 : memref<1x64x128xf32, #tpu.memory_space<vmem>> -> memref<64x128xf32, #tpu.memory_space<vmem>>
      tpu.vector_store_idx %parallel_loop3A_1252[%parallel_loop3A_1243, %parallel_loop3A_1098], %parallel_loop3A_1248 : memref<64x128xf32, #tpu.memory_space<vmem>>[vector<16xi32>, vector<16xi32>], vector<16xf32>,
      %parallel_loop3A_1253 = vector.broadcast %parallel_loop3A_1096 : i32 to vector<16xi32>
      %parallel_loop3A_1254 = arith.addi %and3A_91, %parallel_loop3A_1253 : vector<16xi32>
      %parallel_loop3A_1255 = arith.constant 0 : i32
      %parallel_loop3A_1256 = arith.constant 0 : i32
      %parallel_loop3A_1257 = tpu.memref_slice %arg6[%parallel_loop3A_630, %parallel_loop3A_1255, %parallel_loop3A_1256] : memref<2x128x64xf32, #tpu.memory_space<vmem>> -> memref<1x128x64xf32, #tpu.memory_space<vmem>>
      %parallel_loop3A_1258 = tpu.memref_squeeze %parallel_loop3A_1257 : memref<1x128x64xf32, #tpu.memory_space<vmem>> -> memref<128x64xf32, #tpu.memory_space<vmem>>
      %parallel_loop3A_1259 = tpu.vector_load_idx %parallel_loop3A_1258[%parallel_loop3A_1098, %parallel_loop3A_1254] : memref<128x64xf32, #tpu.memory_space<vmem>>[vector<16xi32>, vector<16xi32>], vector<16xf32>,
      %parallel_loop3A_1260 = arith.constant 0 : i32
      %parallel_loop3A_1261 = arith.constant 0 : i32
      %parallel_loop3A_1262 = tpu.memref_slice %arg7[%parallel_loop3A_631, %parallel_loop3A_1260, %parallel_loop3A_1261] : memref<2x64x128xf32, #tpu.memory_space<vmem>> -> memref<1x64x128xf32, #tpu.memory_space<vmem>>
      %parallel_loop3A_1263 = tpu.memref_squeeze %parallel_loop3A_1262 : memref<1x64x128xf32, #tpu.memory_space<vmem>> -> memref<64x128xf32, #tpu.memory_space<vmem>>
      tpu.vector_store_idx %parallel_loop3A_1263[%parallel_loop3A_1254, %parallel_loop3A_1098], %parallel_loop3A_1259 : memref<64x128xf32, #tpu.memory_space<vmem>>[vector<16xi32>, vector<16xi32>], vector<16xf32>,
      %parallel_loop3A_1264 = vector.broadcast %parallel_loop3A_1096 : i32 to vector<16xi32>
      %parallel_loop3A_1265 = arith.addi %and3A_97, %parallel_loop3A_1264 : vector<16xi32>
      %parallel_loop3A_1266 = arith.constant 0 : i32
      %parallel_loop3A_1267 = arith.constant 0 : i32
      %parallel_loop3A_1268 = tpu.memref_slice %arg6[%parallel_loop3A_630, %parallel_loop3A_1266, %parallel_loop3A_1267] : memref<2x128x64xf32, #tpu.memory_space<vmem>> -> memref<1x128x64xf32, #tpu.memory_space<vmem>>
      %parallel_loop3A_1269 = tpu.memref_squeeze %parallel_loop3A_1268 : memref<1x128x64xf32, #tpu.memory_space<vmem>> -> memref<128x64xf32, #tpu.memory_space<vmem>>
      %parallel_loop3A_1270 = tpu.vector_load_idx %parallel_loop3A_1269[%parallel_loop3A_1098, %parallel_loop3A_1265] : memref<128x64xf32, #tpu.memory_space<vmem>>[vector<16xi32>, vector<16xi32>], vector<16xf32>,
      %parallel_loop3A_1271 = arith.constant 0 : i32
      %parallel_loop3A_1272 = arith.constant 0 : i32
      %parallel_loop3A_1273 = tpu.memref_slice %arg7[%parallel_loop3A_631, %parallel_loop3A_1271, %parallel_loop3A_1272] : memref<2x64x128xf32, #tpu.memory_space<vmem>> -> memref<1x64x128xf32, #tpu.memory_space<vmem>>
      %parallel_loop3A_1274 = tpu.memref_squeeze %parallel_loop3A_1273 : memref<1x64x128xf32, #tpu.memory_space<vmem>> -> memref<64x128xf32, #tpu.memory_space<vmem>>
      tpu.vector_store_idx %parallel_loop3A_1274[%parallel_loop3A_1265, %parallel_loop3A_1098], %parallel_loop3A_1270 : memref<64x128xf32, #tpu.memory_space<vmem>>[vector<16xi32>, vector<16xi32>], vector<16xf32>,
    } {sc.loop_unroll_factor = 2 : i64, sc.parallel_access}
    %dma_start3A_632 = arith.constant 1 : i32
    %dma_start3A_633 = arith.constant 199 : i32
    %dma_start3A_634 = arith.constant 0 : i32
    %dma_start3A_635 = arith.constant 0 : i32
    %dma_start3A_636 = arith.constant 0 : i32
    %dma_start3A_637 = tpu.memref_slice %arg7[%dma_start3A_632, %dma_start3A_635, %dma_start3A_636] : memref<2x64x128xf32, #tpu.memory_space<vmem>> -> memref<1x8x128xf32, #tpu.memory_space<vmem>>
    %dma_start3A_638 = tpu.memref_squeeze %dma_start3A_637 : memref<1x8x128xf32, #tpu.memory_space<vmem>> -> memref<8x128xf32, #tpu.memory_space<vmem>>
    %dma_start3A_639 = arith.constant 0 : i32
    %dma_start3A_640 = arith.constant 0 : i32
    %dma_start3A_641 = tpu.memref_slice %arg4[%dma_start3A_633, %dma_start3A_634, %add3A, %dma_start3A_639, %dma_start3A_640] : memref<200x8x32x8x128xf32, #tpu.memory_space<hbm>> -> memref<1x1x1x8x128xf32, #tpu.memory_space<hbm>>
    %dma_start3A_642 = tpu.memref_squeeze %dma_start3A_641 : memref<1x1x1x8x128xf32, #tpu.memory_space<hbm>> -> memref<8x128xf32, #tpu.memory_space<hbm>>
    %dma_start3A_643 = arith.constant 0 : i32
    %dma_start3A_644 = arith.constant 0 : i32
    %dma_start3A_645 = tpu.memref_slice %arg4[%dma_start3A_633, %dma_start3A_634, %add3A, %dma_start3A_643, %dma_start3A_644] : memref<200x8x32x8x128xf32, #tpu.memory_space<hbm>> -> memref<1x1x1x8x128xf32, #tpu.memory_space<hbm>>
    %dma_start3A_646 = tpu.memref_squeeze %dma_start3A_645 : memref<1x1x1x8x128xf32, #tpu.memory_space<hbm>> -> memref<8x128xf32, #tpu.memory_space<hbm>>
    %dma_start3A_647 = arith.constant 0 : i32
    %dma_start3A_648 = arith.constant 0 : i32
    %dma_start3A_649 = tpu.memref_slice %arg7[%dma_start3A_632, %dma_start3A_647, %dma_start3A_648] : memref<2x64x128xf32, #tpu.memory_space<vmem>> -> memref<1x8x128xf32, #tpu.memory_space<vmem>>
    %dma_start3A_650 = tpu.memref_squeeze %dma_start3A_649 : memref<1x8x128xf32, #tpu.memory_space<vmem>> -> memref<8x128xf32, #tpu.memory_space<vmem>>
    tpu.enqueue_dma source(%dma_start3A_650 : memref<8x128xf32, #tpu.memory_space<vmem>>) target(%dma_start3A_646 : memref<8x128xf32, #tpu.memory_space<hbm>>) target_semaphore(%arg11 : memref<!tpu.dma_semaphore, #tpu.memory_space<semaphore_mem>>)
    %dma_start3A_651 = arith.constant 1 : i32
    %dma_start3A_652 = arith.constant 199 : i32
    %dma_start3A_653 = arith.constant 1 : i32
    %dma_start3A_654 = arith.constant 8 : i32
    %dma_start3A_655 = arith.constant 0 : i32
    %dma_start3A_656 = tpu.memref_slice %arg7[%dma_start3A_651, %dma_start3A_654, %dma_start3A_655] : memref<2x64x128xf32, #tpu.memory_space<vmem>> -> memref<1x8x128xf32, #tpu.memory_space<vmem>>
    %dma_start3A_657 = tpu.memref_squeeze %dma_start3A_656 : memref<1x8x128xf32, #tpu.memory_space<vmem>> -> memref<8x128xf32, #tpu.memory_space<vmem>>
    %dma_start3A_658 = arith.constant 0 : i32
    %dma_start3A_659 = arith.constant 0 : i32
    %dma_start3A_660 = tpu.memref_slice %arg4[%dma_start3A_652, %dma_start3A_653, %add3A, %dma_start3A_658, %dma_start3A_659] : memref<200x8x32x8x128xf32, #tpu.memory_space<hbm>> -> memref<1x1x1x8x128xf32, #tpu.memory_space<hbm>>
    %dma_start3A_661 = tpu.memref_squeeze %dma_start3A_660 : memref<1x1x1x8x128xf32, #tpu.memory_space<hbm>> -> memref<8x128xf32, #tpu.memory_space<hbm>>
    %dma_start3A_662 = arith.constant 0 : i32
    %dma_start3A_663 = arith.constant 0 : i32
    %dma_start3A_664 = tpu.memref_slice %arg4[%dma_start3A_652, %dma_start3A_653, %add3A, %dma_start3A_662, %dma_start3A_663] : memref<200x8x32x8x128xf32, #tpu.memory_space<hbm>> -> memref<1x1x1x8x128xf32, #tpu.memory_space<hbm>>
    %dma_start3A_665 = tpu.memref_squeeze %dma_start3A_664 : memref<1x1x1x8x128xf32, #tpu.memory_space<hbm>> -> memref<8x128xf32, #tpu.memory_space<hbm>>
    %dma_start3A_666 = arith.constant 8 : i32
    %dma_start3A_667 = arith.constant 0 : i32
    %dma_start3A_668 = tpu.memref_slice %arg7[%dma_start3A_651, %dma_start3A_666, %dma_start3A_667] : memref<2x64x128xf32, #tpu.memory_space<vmem>> -> memref<1x8x128xf32, #tpu.memory_space<vmem>>
    %dma_start3A_669 = tpu.memref_squeeze %dma_start3A_668 : memref<1x8x128xf32, #tpu.memory_space<vmem>> -> memref<8x128xf32, #tpu.memory_space<vmem>>
    tpu.enqueue_dma source(%dma_start3A_669 : memref<8x128xf32, #tpu.memory_space<vmem>>) target(%dma_start3A_665 : memref<8x128xf32, #tpu.memory_space<hbm>>) target_semaphore(%arg11 : memref<!tpu.dma_semaphore, #tpu.memory_space<semaphore_mem>>)
    %dma_start3A_670 = arith.constant 1 : i32
    %dma_start3A_671 = arith.constant 199 : i32
    %dma_start3A_672 = arith.constant 2 : i32
    %dma_start3A_673 = arith.constant 16 : i32
    %dma_start3A_674 = arith.constant 0 : i32
    %dma_start3A_675 = tpu.memref_slice %arg7[%dma_start3A_670, %dma_start3A_673, %dma_start3A_674] : memref<2x64x128xf32, #tpu.memory_space<vmem>> -> memref<1x8x128xf32, #tpu.memory_space<vmem>>
    %dma_start3A_676 = tpu.memref_squeeze %dma_start3A_675 : memref<1x8x128xf32, #tpu.memory_space<vmem>> -> memref<8x128xf32, #tpu.memory_space<vmem>>
    %dma_start3A_677 = arith.constant 0 : i32
    %dma_start3A_678 = arith.constant 0 : i32
    %dma_start3A_679 = tpu.memref_slice %arg4[%dma_start3A_671, %dma_start3A_672, %add3A, %dma_start3A_677, %dma_start3A_678] : memref<200x8x32x8x128xf32, #tpu.memory_space<hbm>> -> memref<1x1x1x8x128xf32, #tpu.memory_space<hbm>>
    %dma_start3A_680 = tpu.memref_squeeze %dma_start3A_679 : memref<1x1x1x8x128xf32, #tpu.memory_space<hbm>> -> memref<8x128xf32, #tpu.memory_space<hbm>>
    %dma_start3A_681 = arith.constant 0 : i32
    %dma_start3A_682 = arith.constant 0 : i32
    %dma_start3A_683 = tpu.memref_slice %arg4[%dma_start3A_671, %dma_start3A_672, %add3A, %dma_start3A_681, %dma_start3A_682] : memref<200x8x32x8x128xf32, #tpu.memory_space<hbm>> -> memref<1x1x1x8x128xf32, #tpu.memory_space<hbm>>
    %dma_start3A_684 = tpu.memref_squeeze %dma_start3A_683 : memref<1x1x1x8x128xf32, #tpu.memory_space<hbm>> -> memref<8x128xf32, #tpu.memory_space<hbm>>
    %dma_start3A_685 = arith.constant 16 : i32
    %dma_start3A_686 = arith.constant 0 : i32
    %dma_start3A_687 = tpu.memref_slice %arg7[%dma_start3A_670, %dma_start3A_685, %dma_start3A_686] : memref<2x64x128xf32, #tpu.memory_space<vmem>> -> memref<1x8x128xf32, #tpu.memory_space<vmem>>
    %dma_start3A_688 = tpu.memref_squeeze %dma_start3A_687 : memref<1x8x128xf32, #tpu.memory_space<vmem>> -> memref<8x128xf32, #tpu.memory_space<vmem>>
    tpu.enqueue_dma source(%dma_start3A_688 : memref<8x128xf32, #tpu.memory_space<vmem>>) target(%dma_start3A_684 : memref<8x128xf32, #tpu.memory_space<hbm>>) target_semaphore(%arg11 : memref<!tpu.dma_semaphore, #tpu.memory_space<semaphore_mem>>)
    %dma_start3A_689 = arith.constant 1 : i32
    %dma_start3A_690 = arith.constant 199 : i32
    %dma_start3A_691 = arith.constant 3 : i32
    %dma_start3A_692 = arith.constant 24 : i32
    %dma_start3A_693 = arith.constant 0 : i32
    %dma_start3A_694 = tpu.memref_slice %arg7[%dma_start3A_689, %dma_start3A_692, %dma_start3A_693] : memref<2x64x128xf32, #tpu.memory_space<vmem>> -> memref<1x8x128xf32, #tpu.memory_space<vmem>>
    %dma_start3A_695 = tpu.memref_squeeze %dma_start3A_694 : memref<1x8x128xf32, #tpu.memory_space<vmem>> -> memref<8x128xf32, #tpu.memory_space<vmem>>
    %dma_start3A_696 = arith.constant 0 : i32
    %dma_start3A_697 = arith.constant 0 : i32
    %dma_start3A_698 = tpu.memref_slice %arg4[%dma_start3A_690, %dma_start3A_691, %add3A, %dma_start3A_696, %dma_start3A_697] : memref<200x8x32x8x128xf32, #tpu.memory_space<hbm>> -> memref<1x1x1x8x128xf32, #tpu.memory_space<hbm>>
    %dma_start3A_699 = tpu.memref_squeeze %dma_start3A_698 : memref<1x1x1x8x128xf32, #tpu.memory_space<hbm>> -> memref<8x128xf32, #tpu.memory_space<hbm>>
    %dma_start3A_700 = arith.constant 0 : i32
    %dma_start3A_701 = arith.constant 0 : i32
    %dma_start3A_702 = tpu.memref_slice %arg4[%dma_start3A_690, %dma_start3A_691, %add3A, %dma_start3A_700, %dma_start3A_701] : memref<200x8x32x8x128xf32, #tpu.memory_space<hbm>> -> memref<1x1x1x8x128xf32, #tpu.memory_space<hbm>>
    %dma_start3A_703 = tpu.memref_squeeze %dma_start3A_702 : memref<1x1x1x8x128xf32, #tpu.memory_space<hbm>> -> memref<8x128xf32, #tpu.memory_space<hbm>>
    %dma_start3A_704 = arith.constant 24 : i32
    %dma_start3A_705 = arith.constant 0 : i32
    %dma_start3A_706 = tpu.memref_slice %arg7[%dma_start3A_689, %dma_start3A_704, %dma_start3A_705] : memref<2x64x128xf32, #tpu.memory_space<vmem>> -> memref<1x8x128xf32, #tpu.memory_space<vmem>>
    %dma_start3A_707 = tpu.memref_squeeze %dma_start3A_706 : memref<1x8x128xf32, #tpu.memory_space<vmem>> -> memref<8x128xf32, #tpu.memory_space<vmem>>
    tpu.enqueue_dma source(%dma_start3A_707 : memref<8x128xf32, #tpu.memory_space<vmem>>) target(%dma_start3A_703 : memref<8x128xf32, #tpu.memory_space<hbm>>) target_semaphore(%arg11 : memref<!tpu.dma_semaphore, #tpu.memory_space<semaphore_mem>>)
    %dma_start3A_708 = arith.constant 1 : i32
    %dma_start3A_709 = arith.constant 199 : i32
    %dma_start3A_710 = arith.constant 4 : i32
    %dma_start3A_711 = arith.constant 32 : i32
    %dma_start3A_712 = arith.constant 0 : i32
    %dma_start3A_713 = tpu.memref_slice %arg7[%dma_start3A_708, %dma_start3A_711, %dma_start3A_712] : memref<2x64x128xf32, #tpu.memory_space<vmem>> -> memref<1x8x128xf32, #tpu.memory_space<vmem>>
    %dma_start3A_714 = tpu.memref_squeeze %dma_start3A_713 : memref<1x8x128xf32, #tpu.memory_space<vmem>> -> memref<8x128xf32, #tpu.memory_space<vmem>>
    %dma_start3A_715 = arith.constant 0 : i32
    %dma_start3A_716 = arith.constant 0 : i32
    %dma_start3A_717 = tpu.memref_slice %arg4[%dma_start3A_709, %dma_start3A_710, %add3A, %dma_start3A_715, %dma_start3A_716] : memref<200x8x32x8x128xf32, #tpu.memory_space<hbm>> -> memref<1x1x1x8x128xf32, #tpu.memory_space<hbm>>
    %dma_start3A_718 = tpu.memref_squeeze %dma_start3A_717 : memref<1x1x1x8x128xf32, #tpu.memory_space<hbm>> -> memref<8x128xf32, #tpu.memory_space<hbm>>
    %dma_start3A_719 = arith.constant 0 : i32
    %dma_start3A_720 = arith.constant 0 : i32
    %dma_start3A_721 = tpu.memref_slice %arg4[%dma_start3A_709, %dma_start3A_710, %add3A, %dma_start3A_719, %dma_start3A_720] : memref<200x8x32x8x128xf32, #tpu.memory_space<hbm>> -> memref<1x1x1x8x128xf32, #tpu.memory_space<hbm>>
    %dma_start3A_722 = tpu.memref_squeeze %dma_start3A_721 : memref<1x1x1x8x128xf32, #tpu.memory_space<hbm>> -> memref<8x128xf32, #tpu.memory_space<hbm>>
    %dma_start3A_723 = arith.constant 32 : i32
    %dma_start3A_724 = arith.constant 0 : i32
    %dma_start3A_725 = tpu.memref_slice %arg7[%dma_start3A_708, %dma_start3A_723, %dma_start3A_724] : memref<2x64x128xf32, #tpu.memory_space<vmem>> -> memref<1x8x128xf32, #tpu.memory_space<vmem>>
    %dma_start3A_726 = tpu.memref_squeeze %dma_start3A_725 : memref<1x8x128xf32, #tpu.memory_space<vmem>> -> memref<8x128xf32, #tpu.memory_space<vmem>>
    tpu.enqueue_dma source(%dma_start3A_726 : memref<8x128xf32, #tpu.memory_space<vmem>>) target(%dma_start3A_722 : memref<8x128xf32, #tpu.memory_space<hbm>>) target_semaphore(%arg11 : memref<!tpu.dma_semaphore, #tpu.memory_space<semaphore_mem>>)
    %dma_start3A_727 = arith.constant 1 : i32
    %dma_start3A_728 = arith.constant 199 : i32
    %dma_start3A_729 = arith.constant 5 : i32
    %dma_start3A_730 = arith.constant 40 : i32
    %dma_start3A_731 = arith.constant 0 : i32
    %dma_start3A_732 = tpu.memref_slice %arg7[%dma_start3A_727, %dma_start3A_730, %dma_start3A_731] : memref<2x64x128xf32, #tpu.memory_space<vmem>> -> memref<1x8x128xf32, #tpu.memory_space<vmem>>
    %dma_start3A_733 = tpu.memref_squeeze %dma_start3A_732 : memref<1x8x128xf32, #tpu.memory_space<vmem>> -> memref<8x128xf32, #tpu.memory_space<vmem>>
    %dma_start3A_734 = arith.constant 0 : i32
    %dma_start3A_735 = arith.constant 0 : i32
    %dma_start3A_736 = tpu.memref_slice %arg4[%dma_start3A_728, %dma_start3A_729, %add3A, %dma_start3A_734, %dma_start3A_735] : memref<200x8x32x8x128xf32, #tpu.memory_space<hbm>> -> memref<1x1x1x8x128xf32, #tpu.memory_space<hbm>>
    %dma_start3A_737 = tpu.memref_squeeze %dma_start3A_736 : memref<1x1x1x8x128xf32, #tpu.memory_space<hbm>> -> memref<8x128xf32, #tpu.memory_space<hbm>>
    %dma_start3A_738 = arith.constant 0 : i32
    %dma_start3A_739 = arith.constant 0 : i32
    %dma_start3A_740 = tpu.memref_slice %arg4[%dma_start3A_728, %dma_start3A_729, %add3A, %dma_start3A_738, %dma_start3A_739] : memref<200x8x32x8x128xf32, #tpu.memory_space<hbm>> -> memref<1x1x1x8x128xf32, #tpu.memory_space<hbm>>
    %dma_start3A_741 = tpu.memref_squeeze %dma_start3A_740 : memref<1x1x1x8x128xf32, #tpu.memory_space<hbm>> -> memref<8x128xf32, #tpu.memory_space<hbm>>
    %dma_start3A_742 = arith.constant 40 : i32
    %dma_start3A_743 = arith.constant 0 : i32
    %dma_start3A_744 = tpu.memref_slice %arg7[%dma_start3A_727, %dma_start3A_742, %dma_start3A_743] : memref<2x64x128xf32, #tpu.memory_space<vmem>> -> memref<1x8x128xf32, #tpu.memory_space<vmem>>
    %dma_start3A_745 = tpu.memref_squeeze %dma_start3A_744 : memref<1x8x128xf32, #tpu.memory_space<vmem>> -> memref<8x128xf32, #tpu.memory_space<vmem>>
    tpu.enqueue_dma source(%dma_start3A_745 : memref<8x128xf32, #tpu.memory_space<vmem>>) target(%dma_start3A_741 : memref<8x128xf32, #tpu.memory_space<hbm>>) target_semaphore(%arg11 : memref<!tpu.dma_semaphore, #tpu.memory_space<semaphore_mem>>)
    %dma_start3A_746 = arith.constant 1 : i32
    %dma_start3A_747 = arith.constant 199 : i32
    %dma_start3A_748 = arith.constant 6 : i32
    %dma_start3A_749 = arith.constant 48 : i32
    %dma_start3A_750 = arith.constant 0 : i32
    %dma_start3A_751 = tpu.memref_slice %arg7[%dma_start3A_746, %dma_start3A_749, %dma_start3A_750] : memref<2x64x128xf32, #tpu.memory_space<vmem>> -> memref<1x8x128xf32, #tpu.memory_space<vmem>>
    %dma_start3A_752 = tpu.memref_squeeze %dma_start3A_751 : memref<1x8x128xf32, #tpu.memory_space<vmem>> -> memref<8x128xf32, #tpu.memory_space<vmem>>
    %dma_start3A_753 = arith.constant 0 : i32
    %dma_start3A_754 = arith.constant 0 : i32
    %dma_start3A_755 = tpu.memref_slice %arg4[%dma_start3A_747, %dma_start3A_748, %add3A, %dma_start3A_753, %dma_start3A_754] : memref<200x8x32x8x128xf32, #tpu.memory_space<hbm>> -> memref<1x1x1x8x128xf32, #tpu.memory_space<hbm>>
    %dma_start3A_756 = tpu.memref_squeeze %dma_start3A_755 : memref<1x1x1x8x128xf32, #tpu.memory_space<hbm>> -> memref<8x128xf32, #tpu.memory_space<hbm>>
    %dma_start3A_757 = arith.constant 0 : i32
    %dma_start3A_758 = arith.constant 0 : i32
    %dma_start3A_759 = tpu.memref_slice %arg4[%dma_start3A_747, %dma_start3A_748, %add3A, %dma_start3A_757, %dma_start3A_758] : memref<200x8x32x8x128xf32, #tpu.memory_space<hbm>> -> memref<1x1x1x8x128xf32, #tpu.memory_space<hbm>>
    %dma_start3A_760 = tpu.memref_squeeze %dma_start3A_759 : memref<1x1x1x8x128xf32, #tpu.memory_space<hbm>> -> memref<8x128xf32, #tpu.memory_space<hbm>>
    %dma_start3A_761 = arith.constant 48 : i32
    %dma_start3A_762 = arith.constant 0 : i32
    %dma_start3A_763 = tpu.memref_slice %arg7[%dma_start3A_746, %dma_start3A_761, %dma_start3A_762] : memref<2x64x128xf32, #tpu.memory_space<vmem>> -> memref<1x8x128xf32, #tpu.memory_space<vmem>>
    %dma_start3A_764 = tpu.memref_squeeze %dma_start3A_763 : memref<1x8x128xf32, #tpu.memory_space<vmem>> -> memref<8x128xf32, #tpu.memory_space<vmem>>
    tpu.enqueue_dma source(%dma_start3A_764 : memref<8x128xf32, #tpu.memory_space<vmem>>) target(%dma_start3A_760 : memref<8x128xf32, #tpu.memory_space<hbm>>) target_semaphore(%arg11 : memref<!tpu.dma_semaphore, #tpu.memory_space<semaphore_mem>>)
    %dma_start3A_765 = arith.constant 1 : i32
    %dma_start3A_766 = arith.constant 199 : i32
    %dma_start3A_767 = arith.constant 7 : i32
    %dma_start3A_768 = arith.constant 56 : i32
    %dma_start3A_769 = arith.constant 0 : i32
    %dma_start3A_770 = tpu.memref_slice %arg7[%dma_start3A_765, %dma_start3A_768, %dma_start3A_769] : memref<2x64x128xf32, #tpu.memory_space<vmem>> -> memref<1x8x128xf32, #tpu.memory_space<vmem>>
    %dma_start3A_771 = tpu.memref_squeeze %dma_start3A_770 : memref<1x8x128xf32, #tpu.memory_space<vmem>> -> memref<8x128xf32, #tpu.memory_space<vmem>>
    %dma_start3A_772 = arith.constant 0 : i32
    %dma_start3A_773 = arith.constant 0 : i32
    %dma_start3A_774 = tpu.memref_slice %arg4[%dma_start3A_766, %dma_start3A_767, %add3A, %dma_start3A_772, %dma_start3A_773] : memref<200x8x32x8x128xf32, #tpu.memory_space<hbm>> -> memref<1x1x1x8x128xf32, #tpu.memory_space<hbm>>
    %dma_start3A_775 = tpu.memref_squeeze %dma_start3A_774 : memref<1x1x1x8x128xf32, #tpu.memory_space<hbm>> -> memref<8x128xf32, #tpu.memory_space<hbm>>
    %dma_start3A_776 = arith.constant 0 : i32
    %dma_start3A_777 = arith.constant 0 : i32
    %dma_start3A_778 = tpu.memref_slice %arg4[%dma_start3A_766, %dma_start3A_767, %add3A, %dma_start3A_776, %dma_start3A_777] : memref<200x8x32x8x128xf32, #tpu.memory_space<hbm>> -> memref<1x1x1x8x128xf32, #tpu.memory_space<hbm>>
    %dma_start3A_779 = tpu.memref_squeeze %dma_start3A_778 : memref<1x1x1x8x128xf32, #tpu.memory_space<hbm>> -> memref<8x128xf32, #tpu.memory_space<hbm>>
    %dma_start3A_780 = arith.constant 56 : i32
    %dma_start3A_781 = arith.constant 0 : i32
    %dma_start3A_782 = tpu.memref_slice %arg7[%dma_start3A_765, %dma_start3A_780, %dma_start3A_781] : memref<2x64x128xf32, #tpu.memory_space<vmem>> -> memref<1x8x128xf32, #tpu.memory_space<vmem>>
    %dma_start3A_783 = tpu.memref_squeeze %dma_start3A_782 : memref<1x8x128xf32, #tpu.memory_space<vmem>> -> memref<8x128xf32, #tpu.memory_space<vmem>>
    tpu.enqueue_dma source(%dma_start3A_783 : memref<8x128xf32, #tpu.memory_space<vmem>>) target(%dma_start3A_779 : memref<8x128xf32, #tpu.memory_space<hbm>>) target_semaphore(%arg11 : memref<!tpu.dma_semaphore, #tpu.memory_space<semaphore_mem>>)
    %dma_wait3A_784 = arith.constant 0 : i32
    %dma_wait3A_785 = arith.constant 198 : i32
    %dma_wait3A_786 = arith.constant 0 : i32
    %dma_wait3A_787 = arith.constant 0 : i32
    %dma_wait3A_788 = arith.constant 0 : i32
    %dma_wait3A_789 = tpu.memref_slice %arg7[%dma_wait3A_784, %dma_wait3A_787, %dma_wait3A_788] : memref<2x64x128xf32, #tpu.memory_space<vmem>> -> memref<1x8x128xf32, #tpu.memory_space<vmem>>
    %dma_wait3A_790 = tpu.memref_squeeze %dma_wait3A_789 : memref<1x8x128xf32, #tpu.memory_space<vmem>> -> memref<8x128xf32, #tpu.memory_space<vmem>>
    %dma_wait3A_791 = arith.constant 0 : i32
    %dma_wait3A_792 = arith.constant 0 : i32
    %dma_wait3A_793 = tpu.memref_slice %arg4[%dma_wait3A_785, %dma_wait3A_786, %add3A, %dma_wait3A_791, %dma_wait3A_792] : memref<200x8x32x8x128xf32, #tpu.memory_space<hbm>> -> memref<1x1x1x8x128xf32, #tpu.memory_space<hbm>>
    %dma_wait3A_794 = tpu.memref_squeeze %dma_wait3A_793 : memref<1x1x1x8x128xf32, #tpu.memory_space<hbm>> -> memref<8x128xf32, #tpu.memory_space<hbm>>
    %dma_wait3A_795 = arith.constant 0 : i32
    %dma_wait3A_796 = arith.constant 0 : i32
    %dma_wait3A_797 = tpu.memref_slice %arg4[%dma_wait3A_785, %dma_wait3A_786, %add3A, %dma_wait3A_795, %dma_wait3A_796] : memref<200x8x32x8x128xf32, #tpu.memory_space<hbm>> -> memref<1x1x1x8x128xf32, #tpu.memory_space<hbm>>
    %dma_wait3A_798 = tpu.memref_squeeze %dma_wait3A_797 : memref<1x1x1x8x128xf32, #tpu.memory_space<hbm>> -> memref<8x128xf32, #tpu.memory_space<hbm>>
    %dma_wait3A_799 = arith.constant 0 : i32
    %dma_wait3A_800 = arith.constant 0 : i32
    %dma_wait3A_801 = tpu.memref_slice %arg7[%dma_wait3A_784, %dma_wait3A_799, %dma_wait3A_800] : memref<2x64x128xf32, #tpu.memory_space<vmem>> -> memref<1x8x128xf32, #tpu.memory_space<vmem>>
    %dma_wait3A_802 = tpu.memref_squeeze %dma_wait3A_801 : memref<1x8x128xf32, #tpu.memory_space<vmem>> -> memref<8x128xf32, #tpu.memory_space<vmem>>
    tpu.wait_dma2 semaphore(%arg10 : memref<!tpu.dma_semaphore, #tpu.memory_space<semaphore_mem>>) src(%dma_wait3A_802 : memref<8x128xf32, #tpu.memory_space<vmem>>) dst(%dma_wait3A_798 : memref<8x128xf32, #tpu.memory_space<hbm>>)
    %dma_wait3A_803 = arith.constant 0 : i32
    %dma_wait3A_804 = arith.constant 198 : i32
    %dma_wait3A_805 = arith.constant 1 : i32
    %dma_wait3A_806 = arith.constant 8 : i32
    %dma_wait3A_807 = arith.constant 0 : i32
    %dma_wait3A_808 = tpu.memref_slice %arg7[%dma_wait3A_803, %dma_wait3A_806, %dma_wait3A_807] : memref<2x64x128xf32, #tpu.memory_space<vmem>> -> memref<1x8x128xf32, #tpu.memory_space<vmem>>
    %dma_wait3A_809 = tpu.memref_squeeze %dma_wait3A_808 : memref<1x8x128xf32, #tpu.memory_space<vmem>> -> memref<8x128xf32, #tpu.memory_space<vmem>>
    %dma_wait3A_810 = arith.constant 0 : i32
    %dma_wait3A_811 = arith.constant 0 : i32
    %dma_wait3A_812 = tpu.memref_slice %arg4[%dma_wait3A_804, %dma_wait3A_805, %add3A, %dma_wait3A_810, %dma_wait3A_811] : memref<200x8x32x8x128xf32, #tpu.memory_space<hbm>> -> memref<1x1x1x8x128xf32, #tpu.memory_space<hbm>>
    %dma_wait3A_813 = tpu.memref_squeeze %dma_wait3A_812 : memref<1x1x1x8x128xf32, #tpu.memory_space<hbm>> -> memref<8x128xf32, #tpu.memory_space<hbm>>
    %dma_wait3A_814 = arith.constant 0 : i32
    %dma_wait3A_815 = arith.constant 0 : i32
    %dma_wait3A_816 = tpu.memref_slice %arg4[%dma_wait3A_804, %dma_wait3A_805, %add3A, %dma_wait3A_814, %dma_wait3A_815] : memref<200x8x32x8x128xf32, #tpu.memory_space<hbm>> -> memref<1x1x1x8x128xf32, #tpu.memory_space<hbm>>
    %dma_wait3A_817 = tpu.memref_squeeze %dma_wait3A_816 : memref<1x1x1x8x128xf32, #tpu.memory_space<hbm>> -> memref<8x128xf32, #tpu.memory_space<hbm>>
    %dma_wait3A_818 = arith.constant 8 : i32
    %dma_wait3A_819 = arith.constant 0 : i32
    %dma_wait3A_820 = tpu.memref_slice %arg7[%dma_wait3A_803, %dma_wait3A_818, %dma_wait3A_819] : memref<2x64x128xf32, #tpu.memory_space<vmem>> -> memref<1x8x128xf32, #tpu.memory_space<vmem>>
    %dma_wait3A_821 = tpu.memref_squeeze %dma_wait3A_820 : memref<1x8x128xf32, #tpu.memory_space<vmem>> -> memref<8x128xf32, #tpu.memory_space<vmem>>
    tpu.wait_dma2 semaphore(%arg10 : memref<!tpu.dma_semaphore, #tpu.memory_space<semaphore_mem>>) src(%dma_wait3A_821 : memref<8x128xf32, #tpu.memory_space<vmem>>) dst(%dma_wait3A_817 : memref<8x128xf32, #tpu.memory_space<hbm>>)
    %dma_wait3A_822 = arith.constant 0 : i32
    %dma_wait3A_823 = arith.constant 198 : i32
    %dma_wait3A_824 = arith.constant 2 : i32
    %dma_wait3A_825 = arith.constant 16 : i32
    %dma_wait3A_826 = arith.constant 0 : i32
    %dma_wait3A_827 = tpu.memref_slice %arg7[%dma_wait3A_822, %dma_wait3A_825, %dma_wait3A_826] : memref<2x64x128xf32, #tpu.memory_space<vmem>> -> memref<1x8x128xf32, #tpu.memory_space<vmem>>
    %dma_wait3A_828 = tpu.memref_squeeze %dma_wait3A_827 : memref<1x8x128xf32, #tpu.memory_space<vmem>> -> memref<8x128xf32, #tpu.memory_space<vmem>>
    %dma_wait3A_829 = arith.constant 0 : i32
    %dma_wait3A_830 = arith.constant 0 : i32
    %dma_wait3A_831 = tpu.memref_slice %arg4[%dma_wait3A_823, %dma_wait3A_824, %add3A, %dma_wait3A_829, %dma_wait3A_830] : memref<200x8x32x8x128xf32, #tpu.memory_space<hbm>> -> memref<1x1x1x8x128xf32, #tpu.memory_space<hbm>>
    %dma_wait3A_832 = tpu.memref_squeeze %dma_wait3A_831 : memref<1x1x1x8x128xf32, #tpu.memory_space<hbm>> -> memref<8x128xf32, #tpu.memory_space<hbm>>
    %dma_wait3A_833 = arith.constant 0 : i32
    %dma_wait3A_834 = arith.constant 0 : i32
    %dma_wait3A_835 = tpu.memref_slice %arg4[%dma_wait3A_823, %dma_wait3A_824, %add3A, %dma_wait3A_833, %dma_wait3A_834] : memref<200x8x32x8x128xf32, #tpu.memory_space<hbm>> -> memref<1x1x1x8x128xf32, #tpu.memory_space<hbm>>
    %dma_wait3A_836 = tpu.memref_squeeze %dma_wait3A_835 : memref<1x1x1x8x128xf32, #tpu.memory_space<hbm>> -> memref<8x128xf32, #tpu.memory_space<hbm>>
    %dma_wait3A_837 = arith.constant 16 : i32
    %dma_wait3A_838 = arith.constant 0 : i32
    %dma_wait3A_839 = tpu.memref_slice %arg7[%dma_wait3A_822, %dma_wait3A_837, %dma_wait3A_838] : memref<2x64x128xf32, #tpu.memory_space<vmem>> -> memref<1x8x128xf32, #tpu.memory_space<vmem>>
    %dma_wait3A_840 = tpu.memref_squeeze %dma_wait3A_839 : memref<1x8x128xf32, #tpu.memory_space<vmem>> -> memref<8x128xf32, #tpu.memory_space<vmem>>
    tpu.wait_dma2 semaphore(%arg10 : memref<!tpu.dma_semaphore, #tpu.memory_space<semaphore_mem>>) src(%dma_wait3A_840 : memref<8x128xf32, #tpu.memory_space<vmem>>) dst(%dma_wait3A_836 : memref<8x128xf32, #tpu.memory_space<hbm>>)
    %dma_wait3A_841 = arith.constant 0 : i32
    %dma_wait3A_842 = arith.constant 198 : i32
    %dma_wait3A_843 = arith.constant 3 : i32
    %dma_wait3A_844 = arith.constant 24 : i32
    %dma_wait3A_845 = arith.constant 0 : i32
    %dma_wait3A_846 = tpu.memref_slice %arg7[%dma_wait3A_841, %dma_wait3A_844, %dma_wait3A_845] : memref<2x64x128xf32, #tpu.memory_space<vmem>> -> memref<1x8x128xf32, #tpu.memory_space<vmem>>
    %dma_wait3A_847 = tpu.memref_squeeze %dma_wait3A_846 : memref<1x8x128xf32, #tpu.memory_space<vmem>> -> memref<8x128xf32, #tpu.memory_space<vmem>>
    %dma_wait3A_848 = arith.constant 0 : i32
    %dma_wait3A_849 = arith.constant 0 : i32
    %dma_wait3A_850 = tpu.memref_slice %arg4[%dma_wait3A_842, %dma_wait3A_843, %add3A, %dma_wait3A_848, %dma_wait3A_849] : memref<200x8x32x8x128xf32, #tpu.memory_space<hbm>> -> memref<1x1x1x8x128xf32, #tpu.memory_space<hbm>>
    %dma_wait3A_851 = tpu.memref_squeeze %dma_wait3A_850 : memref<1x1x1x8x128xf32, #tpu.memory_space<hbm>> -> memref<8x128xf32, #tpu.memory_space<hbm>>
    %dma_wait3A_852 = arith.constant 0 : i32
    %dma_wait3A_853 = arith.constant 0 : i32
    %dma_wait3A_854 = tpu.memref_slice %arg4[%dma_wait3A_842, %dma_wait3A_843, %add3A, %dma_wait3A_852, %dma_wait3A_853] : memref<200x8x32x8x128xf32, #tpu.memory_space<hbm>> -> memref<1x1x1x8x128xf32, #tpu.memory_space<hbm>>
    %dma_wait3A_855 = tpu.memref_squeeze %dma_wait3A_854 : memref<1x1x1x8x128xf32, #tpu.memory_space<hbm>> -> memref<8x128xf32, #tpu.memory_space<hbm>>
    %dma_wait3A_856 = arith.constant 24 : i32
    %dma_wait3A_857 = arith.constant 0 : i32
    %dma_wait3A_858 = tpu.memref_slice %arg7[%dma_wait3A_841, %dma_wait3A_856, %dma_wait3A_857] : memref<2x64x128xf32, #tpu.memory_space<vmem>> -> memref<1x8x128xf32, #tpu.memory_space<vmem>>
    %dma_wait3A_859 = tpu.memref_squeeze %dma_wait3A_858 : memref<1x8x128xf32, #tpu.memory_space<vmem>> -> memref<8x128xf32, #tpu.memory_space<vmem>>
    tpu.wait_dma2 semaphore(%arg10 : memref<!tpu.dma_semaphore, #tpu.memory_space<semaphore_mem>>) src(%dma_wait3A_859 : memref<8x128xf32, #tpu.memory_space<vmem>>) dst(%dma_wait3A_855 : memref<8x128xf32, #tpu.memory_space<hbm>>)
    %dma_wait3A_860 = arith.constant 0 : i32
    %dma_wait3A_861 = arith.constant 198 : i32
    %dma_wait3A_862 = arith.constant 4 : i32
    %dma_wait3A_863 = arith.constant 32 : i32
    %dma_wait3A_864 = arith.constant 0 : i32
    %dma_wait3A_865 = tpu.memref_slice %arg7[%dma_wait3A_860, %dma_wait3A_863, %dma_wait3A_864] : memref<2x64x128xf32, #tpu.memory_space<vmem>> -> memref<1x8x128xf32, #tpu.memory_space<vmem>>
    %dma_wait3A_866 = tpu.memref_squeeze %dma_wait3A_865 : memref<1x8x128xf32, #tpu.memory_space<vmem>> -> memref<8x128xf32, #tpu.memory_space<vmem>>
    %dma_wait3A_867 = arith.constant 0 : i32
    %dma_wait3A_868 = arith.constant 0 : i32
    %dma_wait3A_869 = tpu.memref_slice %arg4[%dma_wait3A_861, %dma_wait3A_862, %add3A, %dma_wait3A_867, %dma_wait3A_868] : memref<200x8x32x8x128xf32, #tpu.memory_space<hbm>> -> memref<1x1x1x8x128xf32, #tpu.memory_space<hbm>>
    %dma_wait3A_870 = tpu.memref_squeeze %dma_wait3A_869 : memref<1x1x1x8x128xf32, #tpu.memory_space<hbm>> -> memref<8x128xf32, #tpu.memory_space<hbm>>
    %dma_wait3A_871 = arith.constant 0 : i32
    %dma_wait3A_872 = arith.constant 0 : i32
    %dma_wait3A_873 = tpu.memref_slice %arg4[%dma_wait3A_861, %dma_wait3A_862, %add3A, %dma_wait3A_871, %dma_wait3A_872] : memref<200x8x32x8x128xf32, #tpu.memory_space<hbm>> -> memref<1x1x1x8x128xf32, #tpu.memory_space<hbm>>
    %dma_wait3A_874 = tpu.memref_squeeze %dma_wait3A_873 : memref<1x1x1x8x128xf32, #tpu.memory_space<hbm>> -> memref<8x128xf32, #tpu.memory_space<hbm>>
    %dma_wait3A_875 = arith.constant 32 : i32
    %dma_wait3A_876 = arith.constant 0 : i32
    %dma_wait3A_877 = tpu.memref_slice %arg7[%dma_wait3A_860, %dma_wait3A_875, %dma_wait3A_876] : memref<2x64x128xf32, #tpu.memory_space<vmem>> -> memref<1x8x128xf32, #tpu.memory_space<vmem>>
    %dma_wait3A_878 = tpu.memref_squeeze %dma_wait3A_877 : memref<1x8x128xf32, #tpu.memory_space<vmem>> -> memref<8x128xf32, #tpu.memory_space<vmem>>
    tpu.wait_dma2 semaphore(%arg10 : memref<!tpu.dma_semaphore, #tpu.memory_space<semaphore_mem>>) src(%dma_wait3A_878 : memref<8x128xf32, #tpu.memory_space<vmem>>) dst(%dma_wait3A_874 : memref<8x128xf32, #tpu.memory_space<hbm>>)
    %dma_wait3A_879 = arith.constant 0 : i32
    %dma_wait3A_880 = arith.constant 198 : i32
    %dma_wait3A_881 = arith.constant 5 : i32
    %dma_wait3A_882 = arith.constant 40 : i32
    %dma_wait3A_883 = arith.constant 0 : i32
    %dma_wait3A_884 = tpu.memref_slice %arg7[%dma_wait3A_879, %dma_wait3A_882, %dma_wait3A_883] : memref<2x64x128xf32, #tpu.memory_space<vmem>> -> memref<1x8x128xf32, #tpu.memory_space<vmem>>
    %dma_wait3A_885 = tpu.memref_squeeze %dma_wait3A_884 : memref<1x8x128xf32, #tpu.memory_space<vmem>> -> memref<8x128xf32, #tpu.memory_space<vmem>>
    %dma_wait3A_886 = arith.constant 0 : i32
    %dma_wait3A_887 = arith.constant 0 : i32
    %dma_wait3A_888 = tpu.memref_slice %arg4[%dma_wait3A_880, %dma_wait3A_881, %add3A, %dma_wait3A_886, %dma_wait3A_887] : memref<200x8x32x8x128xf32, #tpu.memory_space<hbm>> -> memref<1x1x1x8x128xf32, #tpu.memory_space<hbm>>
    %dma_wait3A_889 = tpu.memref_squeeze %dma_wait3A_888 : memref<1x1x1x8x128xf32, #tpu.memory_space<hbm>> -> memref<8x128xf32, #tpu.memory_space<hbm>>
    %dma_wait3A_890 = arith.constant 0 : i32
    %dma_wait3A_891 = arith.constant 0 : i32
    %dma_wait3A_892 = tpu.memref_slice %arg4[%dma_wait3A_880, %dma_wait3A_881, %add3A, %dma_wait3A_890, %dma_wait3A_891] : memref<200x8x32x8x128xf32, #tpu.memory_space<hbm>> -> memref<1x1x1x8x128xf32, #tpu.memory_space<hbm>>
    %dma_wait3A_893 = tpu.memref_squeeze %dma_wait3A_892 : memref<1x1x1x8x128xf32, #tpu.memory_space<hbm>> -> memref<8x128xf32, #tpu.memory_space<hbm>>
    %dma_wait3A_894 = arith.constant 40 : i32
    %dma_wait3A_895 = arith.constant 0 : i32
    %dma_wait3A_896 = tpu.memref_slice %arg7[%dma_wait3A_879, %dma_wait3A_894, %dma_wait3A_895] : memref<2x64x128xf32, #tpu.memory_space<vmem>> -> memref<1x8x128xf32, #tpu.memory_space<vmem>>
    %dma_wait3A_897 = tpu.memref_squeeze %dma_wait3A_896 : memref<1x8x128xf32, #tpu.memory_space<vmem>> -> memref<8x128xf32, #tpu.memory_space<vmem>>
    tpu.wait_dma2 semaphore(%arg10 : memref<!tpu.dma_semaphore, #tpu.memory_space<semaphore_mem>>) src(%dma_wait3A_897 : memref<8x128xf32, #tpu.memory_space<vmem>>) dst(%dma_wait3A_893 : memref<8x128xf32, #tpu.memory_space<hbm>>)
    %dma_wait3A_898 = arith.constant 0 : i32
    %dma_wait3A_899 = arith.constant 198 : i32
    %dma_wait3A_900 = arith.constant 6 : i32
    %dma_wait3A_901 = arith.constant 48 : i32
    %dma_wait3A_902 = arith.constant 0 : i32
    %dma_wait3A_903 = tpu.memref_slice %arg7[%dma_wait3A_898, %dma_wait3A_901, %dma_wait3A_902] : memref<2x64x128xf32, #tpu.memory_space<vmem>> -> memref<1x8x128xf32, #tpu.memory_space<vmem>>
    %dma_wait3A_904 = tpu.memref_squeeze %dma_wait3A_903 : memref<1x8x128xf32, #tpu.memory_space<vmem>> -> memref<8x128xf32, #tpu.memory_space<vmem>>
    %dma_wait3A_905 = arith.constant 0 : i32
    %dma_wait3A_906 = arith.constant 0 : i32
    %dma_wait3A_907 = tpu.memref_slice %arg4[%dma_wait3A_899, %dma_wait3A_900, %add3A, %dma_wait3A_905, %dma_wait3A_906] : memref<200x8x32x8x128xf32, #tpu.memory_space<hbm>> -> memref<1x1x1x8x128xf32, #tpu.memory_space<hbm>>
    %dma_wait3A_908 = tpu.memref_squeeze %dma_wait3A_907 : memref<1x1x1x8x128xf32, #tpu.memory_space<hbm>> -> memref<8x128xf32, #tpu.memory_space<hbm>>
    %dma_wait3A_909 = arith.constant 0 : i32
    %dma_wait3A_910 = arith.constant 0 : i32
    %dma_wait3A_911 = tpu.memref_slice %arg4[%dma_wait3A_899, %dma_wait3A_900, %add3A, %dma_wait3A_909, %dma_wait3A_910] : memref<200x8x32x8x128xf32, #tpu.memory_space<hbm>> -> memref<1x1x1x8x128xf32, #tpu.memory_space<hbm>>
    %dma_wait3A_912 = tpu.memref_squeeze %dma_wait3A_911 : memref<1x1x1x8x128xf32, #tpu.memory_space<hbm>> -> memref<8x128xf32, #tpu.memory_space<hbm>>
    %dma_wait3A_913 = arith.constant 48 : i32
    %dma_wait3A_914 = arith.constant 0 : i32
    %dma_wait3A_915 = tpu.memref_slice %arg7[%dma_wait3A_898, %dma_wait3A_913, %dma_wait3A_914] : memref<2x64x128xf32, #tpu.memory_space<vmem>> -> memref<1x8x128xf32, #tpu.memory_space<vmem>>
    %dma_wait3A_916 = tpu.memref_squeeze %dma_wait3A_915 : memref<1x8x128xf32, #tpu.memory_space<vmem>> -> memref<8x128xf32, #tpu.memory_space<vmem>>
    tpu.wait_dma2 semaphore(%arg10 : memref<!tpu.dma_semaphore, #tpu.memory_space<semaphore_mem>>) src(%dma_wait3A_916 : memref<8x128xf32, #tpu.memory_space<vmem>>) dst(%dma_wait3A_912 : memref<8x128xf32, #tpu.memory_space<hbm>>)
    %dma_wait3A_917 = arith.constant 0 : i32
    %dma_wait3A_918 = arith.constant 198 : i32
    %dma_wait3A_919 = arith.constant 7 : i32
    %dma_wait3A_920 = arith.constant 56 : i32
    %dma_wait3A_921 = arith.constant 0 : i32
    %dma_wait3A_922 = tpu.memref_slice %arg7[%dma_wait3A_917, %dma_wait3A_920, %dma_wait3A_921] : memref<2x64x128xf32, #tpu.memory_space<vmem>> -> memref<1x8x128xf32, #tpu.memory_space<vmem>>
    %dma_wait3A_923 = tpu.memref_squeeze %dma_wait3A_922 : memref<1x8x128xf32, #tpu.memory_space<vmem>> -> memref<8x128xf32, #tpu.memory_space<vmem>>
    %dma_wait3A_924 = arith.constant 0 : i32
    %dma_wait3A_925 = arith.constant 0 : i32
    %dma_wait3A_926 = tpu.memref_slice %arg4[%dma_wait3A_918, %dma_wait3A_919, %add3A, %dma_wait3A_924, %dma_wait3A_925] : memref<200x8x32x8x128xf32, #tpu.memory_space<hbm>> -> memref<1x1x1x8x128xf32, #tpu.memory_space<hbm>>
    %dma_wait3A_927 = tpu.memref_squeeze %dma_wait3A_926 : memref<1x1x1x8x128xf32, #tpu.memory_space<hbm>> -> memref<8x128xf32, #tpu.memory_space<hbm>>
    %dma_wait3A_928 = arith.constant 0 : i32
    %dma_wait3A_929 = arith.constant 0 : i32
    %dma_wait3A_930 = tpu.memref_slice %arg4[%dma_wait3A_918, %dma_wait3A_919, %add3A, %dma_wait3A_928, %dma_wait3A_929] : memref<200x8x32x8x128xf32, #tpu.memory_space<hbm>> -> memref<1x1x1x8x128xf32, #tpu.memory_space<hbm>>
    %dma_wait3A_931 = tpu.memref_squeeze %dma_wait3A_930 : memref<1x1x1x8x128xf32, #tpu.memory_space<hbm>> -> memref<8x128xf32, #tpu.memory_space<hbm>>
    %dma_wait3A_932 = arith.constant 56 : i32
    %dma_wait3A_933 = arith.constant 0 : i32
    %dma_wait3A_934 = tpu.memref_slice %arg7[%dma_wait3A_917, %dma_wait3A_932, %dma_wait3A_933] : memref<2x64x128xf32, #tpu.memory_space<vmem>> -> memref<1x8x128xf32, #tpu.memory_space<vmem>>
    %dma_wait3A_935 = tpu.memref_squeeze %dma_wait3A_934 : memref<1x8x128xf32, #tpu.memory_space<vmem>> -> memref<8x128xf32, #tpu.memory_space<vmem>>
    tpu.wait_dma2 semaphore(%arg10 : memref<!tpu.dma_semaphore, #tpu.memory_space<semaphore_mem>>) src(%dma_wait3A_935 : memref<8x128xf32, #tpu.memory_space<vmem>>) dst(%dma_wait3A_931 : memref<8x128xf32, #tpu.memory_space<hbm>>)
    %dma_wait3A_936 = arith.constant 1 : i32
    %dma_wait3A_937 = arith.constant 199 : i32
    %dma_wait3A_938 = arith.constant 0 : i32
    %dma_wait3A_939 = arith.constant 0 : i32
    %dma_wait3A_940 = arith.constant 0 : i32
    %dma_wait3A_941 = tpu.memref_slice %arg7[%dma_wait3A_936, %dma_wait3A_939, %dma_wait3A_940] : memref<2x64x128xf32, #tpu.memory_space<vmem>> -> memref<1x8x128xf32, #tpu.memory_space<vmem>>
    %dma_wait3A_942 = tpu.memref_squeeze %dma_wait3A_941 : memref<1x8x128xf32, #tpu.memory_space<vmem>> -> memref<8x128xf32, #tpu.memory_space<vmem>>
    %dma_wait3A_943 = arith.constant 0 : i32
    %dma_wait3A_944 = arith.constant 0 : i32
    %dma_wait3A_945 = tpu.memref_slice %arg4[%dma_wait3A_937, %dma_wait3A_938, %add3A, %dma_wait3A_943, %dma_wait3A_944] : memref<200x8x32x8x128xf32, #tpu.memory_space<hbm>> -> memref<1x1x1x8x128xf32, #tpu.memory_space<hbm>>
    %dma_wait3A_946 = tpu.memref_squeeze %dma_wait3A_945 : memref<1x1x1x8x128xf32, #tpu.memory_space<hbm>> -> memref<8x128xf32, #tpu.memory_space<hbm>>
    %dma_wait3A_947 = arith.constant 0 : i32
    %dma_wait3A_948 = arith.constant 0 : i32
    %dma_wait3A_949 = tpu.memref_slice %arg4[%dma_wait3A_937, %dma_wait3A_938, %add3A, %dma_wait3A_947, %dma_wait3A_948] : memref<200x8x32x8x128xf32, #tpu.memory_space<hbm>> -> memref<1x1x1x8x128xf32, #tpu.memory_space<hbm>>
    %dma_wait3A_950 = tpu.memref_squeeze %dma_wait3A_949 : memref<1x1x1x8x128xf32, #tpu.memory_space<hbm>> -> memref<8x128xf32, #tpu.memory_space<hbm>>
    %dma_wait3A_951 = arith.constant 0 : i32
    %dma_wait3A_952 = arith.constant 0 : i32
    %dma_wait3A_953 = tpu.memref_slice %arg7[%dma_wait3A_936, %dma_wait3A_951, %dma_wait3A_952] : memref<2x64x128xf32, #tpu.memory_space<vmem>> -> memref<1x8x128xf32, #tpu.memory_space<vmem>>
    %dma_wait3A_954 = tpu.memref_squeeze %dma_wait3A_953 : memref<1x8x128xf32, #tpu.memory_space<vmem>> -> memref<8x128xf32, #tpu.memory_space<vmem>>
    tpu.wait_dma2 semaphore(%arg11 : memref<!tpu.dma_semaphore, #tpu.memory_space<semaphore_mem>>) src(%dma_wait3A_954 : memref<8x128xf32, #tpu.memory_space<vmem>>) dst(%dma_wait3A_950 : memref<8x128xf32, #tpu.memory_space<hbm>>)
    %dma_wait3A_955 = arith.constant 1 : i32
    %dma_wait3A_956 = arith.constant 199 : i32
    %dma_wait3A_957 = arith.constant 1 : i32
    %dma_wait3A_958 = arith.constant 8 : i32
    %dma_wait3A_959 = arith.constant 0 : i32
    %dma_wait3A_960 = tpu.memref_slice %arg7[%dma_wait3A_955, %dma_wait3A_958, %dma_wait3A_959] : memref<2x64x128xf32, #tpu.memory_space<vmem>> -> memref<1x8x128xf32, #tpu.memory_space<vmem>>
    %dma_wait3A_961 = tpu.memref_squeeze %dma_wait3A_960 : memref<1x8x128xf32, #tpu.memory_space<vmem>> -> memref<8x128xf32, #tpu.memory_space<vmem>>
    %dma_wait3A_962 = arith.constant 0 : i32
    %dma_wait3A_963 = arith.constant 0 : i32
    %dma_wait3A_964 = tpu.memref_slice %arg4[%dma_wait3A_956, %dma_wait3A_957, %add3A, %dma_wait3A_962, %dma_wait3A_963] : memref<200x8x32x8x128xf32, #tpu.memory_space<hbm>> -> memref<1x1x1x8x128xf32, #tpu.memory_space<hbm>>
    %dma_wait3A_965 = tpu.memref_squeeze %dma_wait3A_964 : memref<1x1x1x8x128xf32, #tpu.memory_space<hbm>> -> memref<8x128xf32, #tpu.memory_space<hbm>>
    %dma_wait3A_966 = arith.constant 0 : i32
    %dma_wait3A_967 = arith.constant 0 : i32
    %dma_wait3A_968 = tpu.memref_slice %arg4[%dma_wait3A_956, %dma_wait3A_957, %add3A, %dma_wait3A_966, %dma_wait3A_967] : memref<200x8x32x8x128xf32, #tpu.memory_space<hbm>> -> memref<1x1x1x8x128xf32, #tpu.memory_space<hbm>>
    %dma_wait3A_969 = tpu.memref_squeeze %dma_wait3A_968 : memref<1x1x1x8x128xf32, #tpu.memory_space<hbm>> -> memref<8x128xf32, #tpu.memory_space<hbm>>
    %dma_wait3A_970 = arith.constant 8 : i32
    %dma_wait3A_971 = arith.constant 0 : i32
    %dma_wait3A_972 = tpu.memref_slice %arg7[%dma_wait3A_955, %dma_wait3A_970, %dma_wait3A_971] : memref<2x64x128xf32, #tpu.memory_space<vmem>> -> memref<1x8x128xf32, #tpu.memory_space<vmem>>
    %dma_wait3A_973 = tpu.memref_squeeze %dma_wait3A_972 : memref<1x8x128xf32, #tpu.memory_space<vmem>> -> memref<8x128xf32, #tpu.memory_space<vmem>>
    tpu.wait_dma2 semaphore(%arg11 : memref<!tpu.dma_semaphore, #tpu.memory_space<semaphore_mem>>) src(%dma_wait3A_973 : memref<8x128xf32, #tpu.memory_space<vmem>>) dst(%dma_wait3A_969 : memref<8x128xf32, #tpu.memory_space<hbm>>)
    %dma_wait3A_974 = arith.constant 1 : i32
    %dma_wait3A_975 = arith.constant 199 : i32
    %dma_wait3A_976 = arith.constant 2 : i32
    %dma_wait3A_977 = arith.constant 16 : i32
    %dma_wait3A_978 = arith.constant 0 : i32
    %dma_wait3A_979 = tpu.memref_slice %arg7[%dma_wait3A_974, %dma_wait3A_977, %dma_wait3A_978] : memref<2x64x128xf32, #tpu.memory_space<vmem>> -> memref<1x8x128xf32, #tpu.memory_space<vmem>>
    %dma_wait3A_980 = tpu.memref_squeeze %dma_wait3A_979 : memref<1x8x128xf32, #tpu.memory_space<vmem>> -> memref<8x128xf32, #tpu.memory_space<vmem>>
    %dma_wait3A_981 = arith.constant 0 : i32
    %dma_wait3A_982 = arith.constant 0 : i32
    %dma_wait3A_983 = tpu.memref_slice %arg4[%dma_wait3A_975, %dma_wait3A_976, %add3A, %dma_wait3A_981, %dma_wait3A_982] : memref<200x8x32x8x128xf32, #tpu.memory_space<hbm>> -> memref<1x1x1x8x128xf32, #tpu.memory_space<hbm>>
    %dma_wait3A_984 = tpu.memref_squeeze %dma_wait3A_983 : memref<1x1x1x8x128xf32, #tpu.memory_space<hbm>> -> memref<8x128xf32, #tpu.memory_space<hbm>>
    %dma_wait3A_985 = arith.constant 0 : i32
    %dma_wait3A_986 = arith.constant 0 : i32
    %dma_wait3A_987 = tpu.memref_slice %arg4[%dma_wait3A_975, %dma_wait3A_976, %add3A, %dma_wait3A_985, %dma_wait3A_986] : memref<200x8x32x8x128xf32, #tpu.memory_space<hbm>> -> memref<1x1x1x8x128xf32, #tpu.memory_space<hbm>>
    %dma_wait3A_988 = tpu.memref_squeeze %dma_wait3A_987 : memref<1x1x1x8x128xf32, #tpu.memory_space<hbm>> -> memref<8x128xf32, #tpu.memory_space<hbm>>
    %dma_wait3A_989 = arith.constant 16 : i32
    %dma_wait3A_990 = arith.constant 0 : i32
    %dma_wait3A_991 = tpu.memref_slice %arg7[%dma_wait3A_974, %dma_wait3A_989, %dma_wait3A_990] : memref<2x64x128xf32, #tpu.memory_space<vmem>> -> memref<1x8x128xf32, #tpu.memory_space<vmem>>
    %dma_wait3A_992 = tpu.memref_squeeze %dma_wait3A_991 : memref<1x8x128xf32, #tpu.memory_space<vmem>> -> memref<8x128xf32, #tpu.memory_space<vmem>>
    tpu.wait_dma2 semaphore(%arg11 : memref<!tpu.dma_semaphore, #tpu.memory_space<semaphore_mem>>) src(%dma_wait3A_992 : memref<8x128xf32, #tpu.memory_space<vmem>>) dst(%dma_wait3A_988 : memref<8x128xf32, #tpu.memory_space<hbm>>)
    %dma_wait3A_993 = arith.constant 1 : i32
    %dma_wait3A_994 = arith.constant 199 : i32
    %dma_wait3A_995 = arith.constant 3 : i32
    %dma_wait3A_996 = arith.constant 24 : i32
    %dma_wait3A_997 = arith.constant 0 : i32
    %dma_wait3A_998 = tpu.memref_slice %arg7[%dma_wait3A_993, %dma_wait3A_996, %dma_wait3A_997] : memref<2x64x128xf32, #tpu.memory_space<vmem>> -> memref<1x8x128xf32, #tpu.memory_space<vmem>>
    %dma_wait3A_999 = tpu.memref_squeeze %dma_wait3A_998 : memref<1x8x128xf32, #tpu.memory_space<vmem>> -> memref<8x128xf32, #tpu.memory_space<vmem>>
    %dma_wait3A_1000 = arith.constant 0 : i32
    %dma_wait3A_1001 = arith.constant 0 : i32
    %dma_wait3A_1002 = tpu.memref_slice %arg4[%dma_wait3A_994, %dma_wait3A_995, %add3A, %dma_wait3A_1000, %dma_wait3A_1001] : memref<200x8x32x8x128xf32, #tpu.memory_space<hbm>> -> memref<1x1x1x8x128xf32, #tpu.memory_space<hbm>>
    %dma_wait3A_1003 = tpu.memref_squeeze %dma_wait3A_1002 : memref<1x1x1x8x128xf32, #tpu.memory_space<hbm>> -> memref<8x128xf32, #tpu.memory_space<hbm>>
    %dma_wait3A_1004 = arith.constant 0 : i32
    %dma_wait3A_1005 = arith.constant 0 : i32
    %dma_wait3A_1006 = tpu.memref_slice %arg4[%dma_wait3A_994, %dma_wait3A_995, %add3A, %dma_wait3A_1004, %dma_wait3A_1005] : memref<200x8x32x8x128xf32, #tpu.memory_space<hbm>> -> memref<1x1x1x8x128xf32, #tpu.memory_space<hbm>>
    %dma_wait3A_1007 = tpu.memref_squeeze %dma_wait3A_1006 : memref<1x1x1x8x128xf32, #tpu.memory_space<hbm>> -> memref<8x128xf32, #tpu.memory_space<hbm>>
    %dma_wait3A_1008 = arith.constant 24 : i32
    %dma_wait3A_1009 = arith.constant 0 : i32
    %dma_wait3A_1010 = tpu.memref_slice %arg7[%dma_wait3A_993, %dma_wait3A_1008, %dma_wait3A_1009] : memref<2x64x128xf32, #tpu.memory_space<vmem>> -> memref<1x8x128xf32, #tpu.memory_space<vmem>>
    %dma_wait3A_1011 = tpu.memref_squeeze %dma_wait3A_1010 : memref<1x8x128xf32, #tpu.memory_space<vmem>> -> memref<8x128xf32, #tpu.memory_space<vmem>>
    tpu.wait_dma2 semaphore(%arg11 : memref<!tpu.dma_semaphore, #tpu.memory_space<semaphore_mem>>) src(%dma_wait3A_1011 : memref<8x128xf32, #tpu.memory_space<vmem>>) dst(%dma_wait3A_1007 : memref<8x128xf32, #tpu.memory_space<hbm>>)
    %dma_wait3A_1012 = arith.constant 1 : i32
    %dma_wait3A_1013 = arith.constant 199 : i32
    %dma_wait3A_1014 = arith.constant 4 : i32
    %dma_wait3A_1015 = arith.constant 32 : i32
    %dma_wait3A_1016 = arith.constant 0 : i32
    %dma_wait3A_1017 = tpu.memref_slice %arg7[%dma_wait3A_1012, %dma_wait3A_1015, %dma_wait3A_1016] : memref<2x64x128xf32, #tpu.memory_space<vmem>> -> memref<1x8x128xf32, #tpu.memory_space<vmem>>
    %dma_wait3A_1018 = tpu.memref_squeeze %dma_wait3A_1017 : memref<1x8x128xf32, #tpu.memory_space<vmem>> -> memref<8x128xf32, #tpu.memory_space<vmem>>
    %dma_wait3A_1019 = arith.constant 0 : i32
    %dma_wait3A_1020 = arith.constant 0 : i32
    %dma_wait3A_1021 = tpu.memref_slice %arg4[%dma_wait3A_1013, %dma_wait3A_1014, %add3A, %dma_wait3A_1019, %dma_wait3A_1020] : memref<200x8x32x8x128xf32, #tpu.memory_space<hbm>> -> memref<1x1x1x8x128xf32, #tpu.memory_space<hbm>>
    %dma_wait3A_1022 = tpu.memref_squeeze %dma_wait3A_1021 : memref<1x1x1x8x128xf32, #tpu.memory_space<hbm>> -> memref<8x128xf32, #tpu.memory_space<hbm>>
    %dma_wait3A_1023 = arith.constant 0 : i32
    %dma_wait3A_1024 = arith.constant 0 : i32
    %dma_wait3A_1025 = tpu.memref_slice %arg4[%dma_wait3A_1013, %dma_wait3A_1014, %add3A, %dma_wait3A_1023, %dma_wait3A_1024] : memref<200x8x32x8x128xf32, #tpu.memory_space<hbm>> -> memref<1x1x1x8x128xf32, #tpu.memory_space<hbm>>
    %dma_wait3A_1026 = tpu.memref_squeeze %dma_wait3A_1025 : memref<1x1x1x8x128xf32, #tpu.memory_space<hbm>> -> memref<8x128xf32, #tpu.memory_space<hbm>>
    %dma_wait3A_1027 = arith.constant 32 : i32
    %dma_wait3A_1028 = arith.constant 0 : i32
    %dma_wait3A_1029 = tpu.memref_slice %arg7[%dma_wait3A_1012, %dma_wait3A_1027, %dma_wait3A_1028] : memref<2x64x128xf32, #tpu.memory_space<vmem>> -> memref<1x8x128xf32, #tpu.memory_space<vmem>>
    %dma_wait3A_1030 = tpu.memref_squeeze %dma_wait3A_1029 : memref<1x8x128xf32, #tpu.memory_space<vmem>> -> memref<8x128xf32, #tpu.memory_space<vmem>>
    tpu.wait_dma2 semaphore(%arg11 : memref<!tpu.dma_semaphore, #tpu.memory_space<semaphore_mem>>) src(%dma_wait3A_1030 : memref<8x128xf32, #tpu.memory_space<vmem>>) dst(%dma_wait3A_1026 : memref<8x128xf32, #tpu.memory_space<hbm>>)
    %dma_wait3A_1031 = arith.constant 1 : i32
    %dma_wait3A_1032 = arith.constant 199 : i32
    %dma_wait3A_1033 = arith.constant 5 : i32
    %dma_wait3A_1034 = arith.constant 40 : i32
    %dma_wait3A_1035 = arith.constant 0 : i32
    %dma_wait3A_1036 = tpu.memref_slice %arg7[%dma_wait3A_1031, %dma_wait3A_1034, %dma_wait3A_1035] : memref<2x64x128xf32, #tpu.memory_space<vmem>> -> memref<1x8x128xf32, #tpu.memory_space<vmem>>
    %dma_wait3A_1037 = tpu.memref_squeeze %dma_wait3A_1036 : memref<1x8x128xf32, #tpu.memory_space<vmem>> -> memref<8x128xf32, #tpu.memory_space<vmem>>
    %dma_wait3A_1038 = arith.constant 0 : i32
    %dma_wait3A_1039 = arith.constant 0 : i32
    %dma_wait3A_1040 = tpu.memref_slice %arg4[%dma_wait3A_1032, %dma_wait3A_1033, %add3A, %dma_wait3A_1038, %dma_wait3A_1039] : memref<200x8x32x8x128xf32, #tpu.memory_space<hbm>> -> memref<1x1x1x8x128xf32, #tpu.memory_space<hbm>>
    %dma_wait3A_1041 = tpu.memref_squeeze %dma_wait3A_1040 : memref<1x1x1x8x128xf32, #tpu.memory_space<hbm>> -> memref<8x128xf32, #tpu.memory_space<hbm>>
    %dma_wait3A_1042 = arith.constant 0 : i32
    %dma_wait3A_1043 = arith.constant 0 : i32
    %dma_wait3A_1044 = tpu.memref_slice %arg4[%dma_wait3A_1032, %dma_wait3A_1033, %add3A, %dma_wait3A_1042, %dma_wait3A_1043] : memref<200x8x32x8x128xf32, #tpu.memory_space<hbm>> -> memref<1x1x1x8x128xf32, #tpu.memory_space<hbm>>
    %dma_wait3A_1045 = tpu.memref_squeeze %dma_wait3A_1044 : memref<1x1x1x8x128xf32, #tpu.memory_space<hbm>> -> memref<8x128xf32, #tpu.memory_space<hbm>>
    %dma_wait3A_1046 = arith.constant 40 : i32
    %dma_wait3A_1047 = arith.constant 0 : i32
    %dma_wait3A_1048 = tpu.memref_slice %arg7[%dma_wait3A_1031, %dma_wait3A_1046, %dma_wait3A_1047] : memref<2x64x128xf32, #tpu.memory_space<vmem>> -> memref<1x8x128xf32, #tpu.memory_space<vmem>>
    %dma_wait3A_1049 = tpu.memref_squeeze %dma_wait3A_1048 : memref<1x8x128xf32, #tpu.memory_space<vmem>> -> memref<8x128xf32, #tpu.memory_space<vmem>>
    tpu.wait_dma2 semaphore(%arg11 : memref<!tpu.dma_semaphore, #tpu.memory_space<semaphore_mem>>) src(%dma_wait3A_1049 : memref<8x128xf32, #tpu.memory_space<vmem>>) dst(%dma_wait3A_1045 : memref<8x128xf32, #tpu.memory_space<hbm>>)
    %dma_wait3A_1050 = arith.constant 1 : i32
    %dma_wait3A_1051 = arith.constant 199 : i32
    %dma_wait3A_1052 = arith.constant 6 : i32
    %dma_wait3A_1053 = arith.constant 48 : i32
    %dma_wait3A_1054 = arith.constant 0 : i32
    %dma_wait3A_1055 = tpu.memref_slice %arg7[%dma_wait3A_1050, %dma_wait3A_1053, %dma_wait3A_1054] : memref<2x64x128xf32, #tpu.memory_space<vmem>> -> memref<1x8x128xf32, #tpu.memory_space<vmem>>
    %dma_wait3A_1056 = tpu.memref_squeeze %dma_wait3A_1055 : memref<1x8x128xf32, #tpu.memory_space<vmem>> -> memref<8x128xf32, #tpu.memory_space<vmem>>
    %dma_wait3A_1057 = arith.constant 0 : i32
    %dma_wait3A_1058 = arith.constant 0 : i32
    %dma_wait3A_1059 = tpu.memref_slice %arg4[%dma_wait3A_1051, %dma_wait3A_1052, %add3A, %dma_wait3A_1057, %dma_wait3A_1058] : memref<200x8x32x8x128xf32, #tpu.memory_space<hbm>> -> memref<1x1x1x8x128xf32, #tpu.memory_space<hbm>>
    %dma_wait3A_1060 = tpu.memref_squeeze %dma_wait3A_1059 : memref<1x1x1x8x128xf32, #tpu.memory_space<hbm>> -> memref<8x128xf32, #tpu.memory_space<hbm>>
    %dma_wait3A_1061 = arith.constant 0 : i32
    %dma_wait3A_1062 = arith.constant 0 : i32
    %dma_wait3A_1063 = tpu.memref_slice %arg4[%dma_wait3A_1051, %dma_wait3A_1052, %add3A, %dma_wait3A_1061, %dma_wait3A_1062] : memref<200x8x32x8x128xf32, #tpu.memory_space<hbm>> -> memref<1x1x1x8x128xf32, #tpu.memory_space<hbm>>
    %dma_wait3A_1064 = tpu.memref_squeeze %dma_wait3A_1063 : memref<1x1x1x8x128xf32, #tpu.memory_space<hbm>> -> memref<8x128xf32, #tpu.memory_space<hbm>>
    %dma_wait3A_1065 = arith.constant 48 : i32
    %dma_wait3A_1066 = arith.constant 0 : i32
    %dma_wait3A_1067 = tpu.memref_slice %arg7[%dma_wait3A_1050, %dma_wait3A_1065, %dma_wait3A_1066] : memref<2x64x128xf32, #tpu.memory_space<vmem>> -> memref<1x8x128xf32, #tpu.memory_space<vmem>>
    %dma_wait3A_1068 = tpu.memref_squeeze %dma_wait3A_1067 : memref<1x8x128xf32, #tpu.memory_space<vmem>> -> memref<8x128xf32, #tpu.memory_space<vmem>>
    tpu.wait_dma2 semaphore(%arg11 : memref<!tpu.dma_semaphore, #tpu.memory_space<semaphore_mem>>) src(%dma_wait3A_1068 : memref<8x128xf32, #tpu.memory_space<vmem>>) dst(%dma_wait3A_1064 : memref<8x128xf32, #tpu.memory_space<hbm>>)
    %dma_wait3A_1069 = arith.constant 1 : i32
    %dma_wait3A_1070 = arith.constant 199 : i32
    %dma_wait3A_1071 = arith.constant 7 : i32
    %dma_wait3A_1072 = arith.constant 56 : i32
    %dma_wait3A_1073 = arith.constant 0 : i32
    %dma_wait3A_1074 = tpu.memref_slice %arg7[%dma_wait3A_1069, %dma_wait3A_1072, %dma_wait3A_1073] : memref<2x64x128xf32, #tpu.memory_space<vmem>> -> memref<1x8x128xf32, #tpu.memory_space<vmem>>
    %dma_wait3A_1075 = tpu.memref_squeeze %dma_wait3A_1074 : memref<1x8x128xf32, #tpu.memory_space<vmem>> -> memref<8x128xf32, #tpu.memory_space<vmem>>
    %dma_wait3A_1076 = arith.constant 0 : i32
    %dma_wait3A_1077 = arith.constant 0 : i32
    %dma_wait3A_1078 = tpu.memref_slice %arg4[%dma_wait3A_1070, %dma_wait3A_1071, %add3A, %dma_wait3A_1076, %dma_wait3A_1077] : memref<200x8x32x8x128xf32, #tpu.memory_space<hbm>> -> memref<1x1x1x8x128xf32, #tpu.memory_space<hbm>>
    %dma_wait3A_1079 = tpu.memref_squeeze %dma_wait3A_1078 : memref<1x1x1x8x128xf32, #tpu.memory_space<hbm>> -> memref<8x128xf32, #tpu.memory_space<hbm>>
    %dma_wait3A_1080 = arith.constant 0 : i32
    %dma_wait3A_1081 = arith.constant 0 : i32
    %dma_wait3A_1082 = tpu.memref_slice %arg4[%dma_wait3A_1070, %dma_wait3A_1071, %add3A, %dma_wait3A_1080, %dma_wait3A_1081] : memref<200x8x32x8x128xf32, #tpu.memory_space<hbm>> -> memref<1x1x1x8x128xf32, #tpu.memory_space<hbm>>
    %dma_wait3A_1083 = tpu.memref_squeeze %dma_wait3A_1082 : memref<1x1x1x8x128xf32, #tpu.memory_space<hbm>> -> memref<8x128xf32, #tpu.memory_space<hbm>>
    %dma_wait3A_1084 = arith.constant 56 : i32
    %dma_wait3A_1085 = arith.constant 0 : i32
    %dma_wait3A_1086 = tpu.memref_slice %arg7[%dma_wait3A_1069, %dma_wait3A_1084, %dma_wait3A_1085] : memref<2x64x128xf32, #tpu.memory_space<vmem>> -> memref<1x8x128xf32, #tpu.memory_space<vmem>>
    %dma_wait3A_1087 = tpu.memref_squeeze %dma_wait3A_1086 : memref<1x8x128xf32, #tpu.memory_space<vmem>> -> memref<8x128xf32, #tpu.memory_space<vmem>>
    tpu.wait_dma2 semaphore(%arg11 : memref<!tpu.dma_semaphore, #tpu.memory_space<semaphore_mem>>) src(%dma_wait3A_1087 : memref<8x128xf32, #tpu.memory_space<vmem>>) dst(%dma_wait3A_1083 : memref<8x128xf32, #tpu.memory_space<hbm>>)
    return
  }
}

module attributes {stable_mosaic.version = 14 : i64} {
  func.func @body(%arg0: i32, %arg1: memref<64x4096xf32, #tpu.memory_space<vmem>>, %arg2: memref<64x4096xf32, #tpu.memory_space<vmem>>, %arg3: memref<4096x128xf32, #tpu.memory_space<vmem>>) attributes {dimension_semantics = [#tpu.dimension_semantics<arbitrary>], iteration_bounds = array<i64: 123>, scalar_prefetch = 0 : i64, scratch_operands = 0 : i64, tpu.core_type = #tpu.core_type<tc>, window_params = [{transform_indices = @transform_0, window_bounds = array<i64: 64, 4096>}, {transform_indices = @transform_1, window_bounds = array<i64: 64, 4096>}, {transform_indices = @transform_2, window_bounds = array<i64: 4096, 128>}]} {
    %get3A = arith.constant 0 : index
    %get3A_0 = arith.constant 0 : index
    %get3A_1 = vector.load %arg1[%get3A, %get3A_0] : memref<64x4096xf32, #tpu.memory_space<vmem>>, vector<64x4096xf32>
    %transpose3A = tpu.transpose %get3A_1, [1, 0] : vector<64x4096xf32> -> vector<4096x64xf32>
    %swap3A = arith.constant 0 : index
    %swap3A_2 = arith.constant 0 : index
    %swap3A_3 = vector.load %arg3[%swap3A, %swap3A_2] : memref<4096x128xf32, #tpu.memory_space<vmem>>, vector<4096x64xf32>
    tpu.vector_store %arg3[%swap3A, %swap3A_2], %transpose3A {strides = array<i32>} : memref<4096x128xf32, #tpu.memory_space<vmem>>, vector<4096x64xf32>,
    %get3A_4 = arith.constant 0 : index
    %get3A_5 = arith.constant 0 : index
    %get3A_6 = vector.load %arg2[%get3A_4, %get3A_5] : memref<64x4096xf32, #tpu.memory_space<vmem>>, vector<64x4096xf32>
    %transpose3A_7 = tpu.transpose %get3A_6, [1, 0] : vector<64x4096xf32> -> vector<4096x64xf32>
    %swap3A_8 = arith.constant 0 : index
    %swap3A_9 = arith.constant 64 : index
    %swap3A_10 = vector.load %arg3[%swap3A_8, %swap3A_9] : memref<4096x128xf32, #tpu.memory_space<vmem>>, vector<4096x64xf32>
    tpu.vector_store %arg3[%swap3A_8, %swap3A_9], %transpose3A_7 {strides = array<i32>} : memref<4096x128xf32, #tpu.memory_space<vmem>>, vector<4096x64xf32>,
    return
  }
  func.func @transform_0(%arg0: i32) -> (i32, i32) {
    %mul3A = arith.constant 2 : i32
    %mul3A_0 = arith.muli %mul3A, %arg0 : i32
    %c0_i32 = arith.constant 0 : i32
    %c0_i32_1 = arith.constant 0 : i32
    return %c0_i32, %mul3A_0 : i32, i32
  }
  func.func @transform_1(%arg0: i32) -> (i32, i32) {
    %mul3A = arith.constant 2 : i32
    %mul3A_0 = arith.muli %mul3A, %arg0 : i32
    %add3A = arith.constant 1 : i32
    %add3A_1 = arith.addi %mul3A_0, %add3A : i32
    %min3A = arith.constant 244 : i32
    %min3A_2 = arith.minsi %add3A_1, %min3A : i32
    %c0_i32 = arith.constant 0 : i32
    %c0_i32_3 = arith.constant 0 : i32
    return %c0_i32, %min3A_2 : i32, i32
  }
  func.func @transform_2(%arg0: i32) -> (i32, i32) {
    %c0_i32 = arith.constant 0 : i32
    %c0_i32_0 = arith.constant 0 : i32
    return %arg0, %c0_i32 : i32, i32
  }
}

</mosaic_0001>

<sc_bundles>
// kernel: kernel.4.cloned.1.call-start
scs
__scs_entry_jumppad:
0x0: {  	(pc) =	sbr.rel $0x88, $3  }
0x1: {  	(tag) =	ssettag $0x0;
	lr =	simm.s32 $0x1  }
0x2: {  	[smem:$0x3F9F] =	sst lr;
	_ =	strace $0xD0000000  }
0x3: {  	_ = 	snop  }
0x4: {  	_ = 	snop  }
0x5: {  	_ = 	snop  }
0x6: {  	_ = 	snop  }
0x7: {  	_ = 	snop  }
__scs_overlays_trampoline_lowered:
0x8: {  	[smem:$0x3FAE] =	sst s0  }
0x9: {  	[smem:$0x3FAF] =	sst s1  }
0xa: {  	[smem:$0x3FB0] =	sst s2  }
0xb: {  	[smem:$0x3FB1] =	sst s3  }
0xc: {  	[smem:$0x3FB2] =	sst s4  }
0xd: {  	[smem:$0x3FB3] =	sst s5  }
0xe: {  	[smem:$0x3FB4] =	sst s6  }
0xf: {  	[smem:$0x3FB5] =	sst s7  }
0x10: {  	[smem:$0x3FB6] =	sst s8  }
0x11: {  	[smem:$0x3FB7] =	sst s9;
	s0 =	simm.s32 @!p0 $0x0  }
0x12: {  	s1 =	sld [smem:$0x3F9D];
	s0 =	simm.s32 @p0 $0x1  }
0x13: {  	[smem:$0x3FB8] =	sst s0;
	s0 =	simm.s32 @!p1 $0x0  }
0x14: {  	s2 =	sld [smem:$0x3F9C];
	s0 =	simm.s32 @p1 $0x1  }
0x15: {  	[smem:$0x3FB9] =	sst s0;
	s0 =	simm.s32 @!p2 $0x0  }
0x16: {  	s3 =	sld [smem:$0x3FDB];
	s0 =	simm.s32 @p2 $0x1  }
0x17: {  	s4 =	simm.s32 $0x1BF5;
	[smem:$0x3FBB] =	sst s0  }
0x18: {  	s0 =	sld [smem:$0x3F9E];
	_ =	swait.ge [sflag:s4], $0x0  }
0x19: {  	s7 =	sld [smem:$0x3F9F]  }
0x1a: {  	s8 =	sadd.s32 $0xFFFFE003, lr  }
0x1b: {  	s9 =	sadd.s32 $0xFFFFFEF7, lr;
	s5 =	simm.s32 $0xFFFFFFFF;
	p2 =	slt.u32 s8, $0xFFFFF086  }
0x1c: {  	p1 =	slt.u32 s9, $0xF7A;
	s5 =	simm.s32 @!p2 $0x0  }
0x1d: {  	s5 =	simm.s32 @p1 $0x1;
	p0 =	seq.s32 s7, s2  }
0x1e: {  	s7 =	smul.u32 @!p0 $0xF7A, s2;
	p2 =	seq.s32 @!p0 s5, $0x0  }
0x1f: {  	s9 =	smul.u32 $0xF7A, s1;
	s8 =	simm.s32 @!p0 $0x1BF5;
	p2 =	por !p2, p0  }
0x20: {  	[sflag:s8] =	ssyncset.s32 @!p0 $0xFFFFF086;
	s6 =	sadd.s32 @!p0 s3, s7;
	s7 =	simm.s32 @!p0 $0x108  }
0x21: {  	s3 =	sadd.s32 s3, s9;
	s6 =	sadd.s32 @!p0 $0x88, s6;
	s7 =	simm.s32 @p2 $0x1082  }
0x22: {  	[simem:s7], [sflag:s8] =	dma.local @!p0 [hbm:s6], $0xF7A  }
0x23: {  	s9 =	sor.u32 $0xD0000000, s2;
	s6 =	simm.s32 $0x108;
	_ =	swait.ge @!p0 [sflag:s8], $0x0  }
0x24: {  	s3 =	sadd.s32 $0x88, s3;
	s6 =	simm.s32 @!p1 $0x1082;
	[sflag:s4] =	ssyncset.s32 $0xFFFFF086  }
0x25: {  	[simem:s6], [sflag:s4] =	dma.local [hbm:s3], $0xF7A  }
0x26: {  	[smem:$0x3F9F] =	sst s1;
	(tag) =	ssettag s2;
	_ =	strace s9  }
0x27: {  	s1 =	sld [smem:$0x3FAF]  }
0x28: {  	s2 =	sld [smem:$0x3FB0]  }
0x29: {  	s4 =	sld [smem:$0x3FB2]  }
0x2a: {  	p0 =	seq.s32 s5, $0x0;
	s5 =	sld [smem:$0x3FB3]  }
0x2b: {  	s6 =	sld [smem:$0x3FB4]  }
0x2c: {  	s7 =	sld [smem:$0x3FB5]  }
0x2d: {  	s3 =	simm.s32 $0x108;
	s8 =	sld [smem:$0x3FB6]  }
0x2e: {  	s3 =	simm.s32 @!p0 $0x1082;
	s9 =	sld [smem:$0x3FB7]  }
0x2f: {  	lr =	sadd.s32 s0, s3;
	s0 =	sld [smem:$0x3FAE]  }
0x30: {  	s3 =	sld [smem:$0x3FB1]  }
0x31: {  	[smem:$0x3FBA] =	sst s10  }
0x32: {  	s10 =	sld [smem:$0x3FB8];
	_ =	sdelay $0x3  }
0x33: {  	p0 =	seq.s32 s10, $0x1;
	s10 =	sld [smem:$0x3FBA];
	_ =	sdelay $0x3  }
0x34: {  	[smem:$0x3FBA] =	sst s10  }
0x35: {  	s10 =	sld [smem:$0x3FB9];
	_ =	sdelay $0x3  }
0x36: {  	p1 =	seq.s32 s10, $0x1;
	s10 =	sld [smem:$0x3FBA];
	_ =	sdelay $0x3  }
0x37: {  	[smem:$0x3FBA] =	sst s10  }
0x38: {  	s10 =	sld [smem:$0x3FBB]  }
0x39: {  	_ = 	snop;
	(pc) =	sbr.ind lr, $3  }
0x3a: {  	_ = 	snop  }
0x3b: {  	_ = 	snop  }
0x3c: {  	p2 =	seq.s32 s10, $0x1;
	s10 =	sld [smem:$0x3FBA]  }
0x3d: {  	_ =	shalt  }
0x3e: {  	_ =	shalt  }
0x3f: {  	_ =	shalt  }
0x40: {  	_ =	shalt  }
0x41: {  	_ =	shalt  }
0x42: {  	_ =	shalt  }
0x43: {  	_ =	shalt  }
0x44: {  	_ =	shalt  }
0x45: {  	_ =	shalt  }
0x46: {  	_ =	shalt  }
0x47: {  	_ =	shalt  }
0x48: {  	_ =	shalt  }
0x49: {  	_ =	shalt  }
0x4a: {  	_ =	shalt  }
0x4b: {  	_ =	shalt  }
0x4c: {  	_ =	shalt  }
0x4d: {  	_ =	shalt  }
0x4e: {  	_ =	shalt  }
0x4f: {  	_ =	shalt  }
0x50: {  	_ =	shalt  }
0x51: {  	_ =	shalt  }
0x52: {  	_ =	shalt  }
0x53: {  	_ =	shalt  }
0x54: {  	_ =	shalt  }
0x55: {  	_ =	shalt  }
0x56: {  	_ =	shalt  }
0x57: {  	_ =	shalt  }
0x58: {  	_ =	shalt  }
0x59: {  	_ =	shalt  }
0x5a: {  	_ =	shalt  }
0x5b: {  	_ =	shalt  }
0x5c: {  	_ =	shalt  }
0x5d: {  	_ =	shalt  }
0x5e: {  	_ =	shalt  }
0x5f: {  	_ =	shalt  }
0x60: {  	_ =	shalt  }
0x61: {  	_ =	shalt  }
0x62: {  	_ =	shalt  }
0x63: {  	_ =	shalt  }
0x64: {  	_ =	shalt  }
0x65: {  	_ =	shalt  }
0x66: {  	_ =	shalt  }
0x67: {  	_ =	shalt  }
0x68: {  	_ =	shalt  }
0x69: {  	_ =	shalt  }
0x6a: {  	_ =	shalt  }
0x6b: {  	_ =	shalt  }
0x6c: {  	_ =	shalt  }
0x6d: {  	_ =	shalt  }
0x6e: {  	_ =	shalt  }
0x6f: {  	_ =	shalt  }
0x70: {  	_ =	shalt  }
0x71: {  	_ =	shalt  }
0x72: {  	_ =	shalt  }
0x73: {  	_ =	shalt  }
0x74: {  	_ =	shalt  }
0x75: {  	_ =	shalt  }
0x76: {  	_ =	shalt  }
0x77: {  	_ =	shalt  }
0x78: {  	_ =	shalt  }
0x79: {  	_ =	shalt  }
0x7a: {  	_ =	shalt  }
0x7b: {  	_ =	shalt  }
0x7c: {  	_ =	shalt  }
0x7d: {  	_ =	shalt  }
0x7e: {  	_ =	shalt  }
0x7f: {  	_ =	shalt  }
0x80: {  	_ =	shalt  }
0x81: {  	_ =	shalt  }
0x82: {  	_ =	shalt  }
0x83: {  	_ =	shalt  }
0x84: {  	_ =	shalt  }
0x85: {  	_ =	shalt  }
0x86: {  	_ =	shalt  }
0x87: {  	_ =	shalt  }
.Lfunc_end0:
.L_simem_size_0:
called_computation_lowered:
.L_overlay_start_0:
0x88: {  	s2 =	sld [smem:$0x3FD9]  }
0x89: {  	s3 =	sld [smem:$0x3FFE];
	_ =	sdelay $0x1  }
0x8a: {  	s1 =	srdreg.scid  }
0x8b: {  	s0 =	sand.u32 $0x1, s1  }
0x8c: {  	s17 =	sshll.u32 s0, $0xA;
	s2 =	sadd.s32 s3, s2  }
0x8d: {  	s2 =	sadd.s32 s2, s17  }
0x8e: {  	[smem:$0x3FC6] =	sst s2  }
0x8f: {  	_ = 	snop  }
0x90: {  	s2 =	sld [smem:$0x3FC9]  }
0x91: {  	s18 =	sld [smem:$0x3FD0];
	(tm) =	ssettm $0x1  }
0x92: {  	s4 =	sld [smem:$0x3FFB];
	_ =	sdelay $0x3  }
0x93: {  	_ =	strace s4  }
0x94: {  	s4 =	sld [smem:$0x3FFC];
	_ =	sdelay $0x3  }
0x95: {  	_ =	strace s4  }
0x96: {  	s4 =	sld [smem:$0x3FFD];
	_ =	sdelay $0x3  }
0x97: {  	_ =	strace s4  }
0x98: {  	_ =	strace $0x8FFFFFFF  }
0x99: {  	s19 =	sld [smem:$0x3FDB];
	_ =	sdelay $0x1  }
0x9a: {  	s5 =	simm.s32 $_scs_section_size  }
0x9b: {  	s6 =	simm.s32 $_size__tile_overlayer_lowered;
	s7 =	simm.s32 $_tile_overlayer_lowered  }
0x9c: {  	s22 =	simm.s32 $0x1BFF;
	s21 =	sshll.u32 s7, $0x1;
	s4 =	sadd.s32 s5, s19  }
0x9d: {  	s8 =	simm.s32 $0x0;
	s20 =	sshll.u32 s6, $0x1;
	s6 =	sadd.s32 s21, s4  }
0x9e: {  	[timem:s8], [sflag:s22] =	dma.local [hbm:s6], s20  }
0x9f: {  	_ =	swait.ge [sflag:s22], s20  }
0xa0: {  	s5 =	ssub.s32 $0x0, s20;
	[sflag:s22] =	ssyncset.done $0x0  }
0xa1: {  	[sflag:s22] =	ssyncadd.s32 s5;
	_ =	sdelay $0x1  }
0xa2: {  	s23 =	simm.s32 $0x1B8B  }
0xa3: {  	_ =	swait.ge [sflag:s23], $0x1  }
0xa4: {  	[sflag:s23] =	ssyncset.done $0x0  }
0xa5: {  	s25 =	simm.s32 $0x1B8E;
	s24 =	sld [smem:$0x3FFE];
	[sflag:s23] =	ssyncadd.s32 $0xFFFFFFFF  }
0xa6: {  	s26 =	simm.s32 $execute0_lowered;
	[smem:$0x3FD2] =	sst s25  }
0xa7: {  	s6 =	sshll.u32 s26, $0x1;
	_ =	strace $0x80000046;
	[dreg:$0x1] =	wrdreg $0xFFFFFFFF  }
0xa8: {  	s28 =	simm.s32 $_size_execute0_lowered;
	s4 =	sadd.s32 s4, s6;
	[dreg:$0x0] =	wrdreg $0x0  }
0xa9: {  	s6 =	sshll.u32 s28, $0x1;
	[dreg:$0x2] =	wrdreg s4  }
0xaa: {  	[dreg:$0x3] =	wrdreg s6  }
0xab: {  	[dreg:$0x4] =	wrdreg $0xC0  }
0xac: {  	_ =	task [dreg:s8], $0x5FFFF  }
0xad: {  	[dreg:$0x1] =	wrdreg $0xFFFFFFFF  }
0xae: {  	[dreg:$0x0] =	wrdreg $0x60  }
0xaf: {  	[dreg:$0x2] =	wrdreg s24  }
0xb0: {  	[dreg:$0x3] =	wrdreg s2  }
0xb1: {  	[dreg:$0x4] =	wrdreg s18  }
0xb2: {  	[dreg:$0x5] =	wrdreg $0x9  }
0xb3: {  	_ =	task.clear_ibuf [dreg:s8], $0x6FFFF;
	_ =	strace $0x90000046  }
0xb4: {  	s29 =	simm.s32 $0x9;
	_ =	strace $0x80000048  }
0xb5: {  	_ =	swait.ge [sflag:s29], $0x1  }
0xb6: {  	[sflag:s29] =	ssyncadd.s32 $0xFFFFFFFF  }
0xb7: {  	_ =	strace $0x90000048  }
0xb8: {  	_ =	sfence  }
0xb9: {  	s30 =	sld [smem:$0x0];
	_ =	sdelay $0x2  }
0xba: {  	s31 =	sshll.u32 s1, $0xD;
	s1 =	sshrl.u32 s1, $0x2  }
0xbb: {  	s3 =	sand.u32 $0x4000, s31;
	s1 =	sadd.s32 s1, s30  }
0xbc: {  	s0 =	sor.u32 s3, s0;
	s1 =	sshll.u32 s1, $0x11  }
0xbd: {  	s0 =	sor.u32 s1, s0  }
0xbe: {  	s0 =	sadd.s32 $0x8F2B, s0  }
0xbf: {  	[sflag:s0] =	ssyncadd.remote.s32 $0x1  }
0xc0: {  	_ =	sfence.sel $0xFFFF  }
0xc1: {  	[dreg:$0x0] =	wrdreg $0xFFFFFFFF;
	(pc) =	sbr.abs _section_cstart, $3  }
0xc2: {  	[dreg:$0x1] =	wrdreg $0xFFFFFFFF  }
0xc3: {  	_ =	task.clear_ibuf [dreg:s8], $0x2FFFF;
	_ =	strace $0x9FFFFFFF  }
0xc4: {  	(tm) =	ssettm $0x7FFFFFFF  }
0xc5: {  	_ =	shalt  }
tec
execute0_lowered:
.L_overlay_start_1:
0x0: {  	(tag) =	ssettag $0x1  }
0x1: {  	v0 =	vimm.s32 $0xFEDCBA9;
	v1 =	vimm.s32 $0x87654321  }
0x2: {  	v4 =	vimm.s32 $0x10FEDCBA;
	v5 =	vimm.s32 $0x98765432;
	vm0 =	vcmask $0x1F10  }
0x3: {  	v6 =	vimm.s32 $0x3C3B3A39;
	v7 =	vimm.s32 $0x383F3E3D;
	v21 =	vimm.s32 $0x3D3C3B3A  }
0x4: {  	v22 =	vimm.s32 $0x39383F3E;
	v23 =	vimm.s32 $0x210FEDCB;
	v28 =	vimm.s32 $0xA9876543  }
0x5: {  	v30 =	vimm.s32 $0x3210FEDC;
	v31 =	vimm.s32 $0x3E3D3C3B;
	v32 =	vimm.s32 $0x3A39383F  }
0x6: {  	v33 =	vimm.s32 $0xBA987654;
	v34 =	vimm.s32 $0x43210FED;
	v10 =	vimm.s32 $0xCBA98765  }
0x7: {  	v11 =	vimm.s32 $0x3F3E3D3C;
	v35 =	vimm.s32 $0x3B3A3938;
	v45 =	vimm.s32 $0xFEDCBA98  }
0x8: {  	v2 =	vunpack.c.l.s4.s8 v0;
	v12 =	vunpack.c.0.s8.s32 v6;
	v13 =	vunpack.c.0.s8.s32 v7  }
0x9: {  	v1 =	vunpack.c.l.s4.s8 v1;
	v0 =	vlaneseq.u32;
	v14 =	vunpack.c.0.s8.s32 v21  }
0xa: {  	v15 =	vunpack.c.0.s8.s32 v22;
	v58 =	vor.u32 $0x68, v0;
	v7 =	vsel vm0, v13, v12  }
0xb: {  	s2 =	srdreg.scid;
	v18 =	vunpack.c.0.s8.s32 v1;
	v1 =	vor.u32 $0x38, v0;
	v0 =	vcombine.low v7, v7  }
0xc: {  	s0 =	rddreg [dreg:$0x0];
	s4 =	stileid.u32;
	v4 =	vunpack.c.l.s4.s8 v4;
	v5 =	vunpack.c.l.s4.s8 v5;
	s2 =	sand.u32 $0x1, s2;
	v29 =	vsel vm0, v15, v14  }
0xd: {  	s1 =	rddreg [dreg:$0x1];
	v8 =	vunpack.c.l.s4.s8 v23;
	v6 =	vunpack.c.l.s4.s8 v28;
	s4 =	sshll.u32 s4, $0xB;
	s5 =	sshll.u32 s2, $0xA;
	[tilespmem:$0x1FEC0] =	vst v0;
	v0 =	vcombine.low v29, v29  }
0xe: {  	s7 =	rddreg [dreg:$0x2];
	s3 =	simm.s32 $0x0;
	v16 =	vunpack.c.0.s8.s32 v31;
	v23 =	vunpack.c.0.s8.s32 v32;
	v10 =	vunpack.c.l.s4.s8 v10;
	s5 =	sor.u32 s5, s4;
	[tilespmem:$0x1FEB0] =	vst v1  }
0xf: {  	[smem:$0x7FF] =	sst s3;
	v11 =	vunpack.c.0.s8.s32 v11;
	v26 =	vunpack.c.0.s8.s32 v35;
	v31 =	vimm.s32 $0x76543210;
	s6 =	sshrl.u32 s5, $0x3;
	[tilespmem:$0x1FED0] =	vst v0  }
0x10: {  	v46 =	vunpack.c.l.s4.s8 v31;
	v17 =	vunpack.c.0.s8.s32 v2;
	v19 =	vunpack.c.0.s8.s32 v4;
	s1 =	sadd.s32 s1, s6;
	_ =	strace $0x80000047;
	[dreg:$0x4] =	wrdreg s5  }
0x11: {  	s8 =	sadd.s32 $0x1000, s7;
	v20 =	vunpack.c.0.s8.s32 v5;
	v21 =	vunpack.c.0.s8.s32 v8;
	v22 =	vunpack.c.0.s8.s32 v6;
	[dreg:$0x5] =	wrdreg s1  }
0x12: {  	s9 =	sadd.s32 $0x2000, s7;
	v8 =	vunpack.c.l.s4.s8 v30;
	v28 =	vunpack.c.0.s8.s32 v10;
	v36 =	vsel vm0, v23, v16;
	s10 =	sadd.s32 s6, s7;
	[dreg:$0x6] =	wrdreg s8  }
0x13: {  	v38 =	vsel vm0, v26, v11;
	v26 =	vimm.s32 $0x543210FE;
	v12 =	vsel vm0, v12, v13;
	s11 =	sadd.s32 $0x630000, s10;
	[dreg:$0x7] =	wrdreg s9  }
0x14: {  	v14 =	vsel vm0, v14, v15;
	v7 =	vunpack.c.l.s4.s8 v33;
	v1 =	vcombine.low v36, v36;
	s12 =	sadd.s32 $0x631000, s10;
	[dreg:$0x8] =	wrdreg s11  }
0x15: {  	v42 =	vunpack.c.l.s4.s8 v26;
	v3 =	vcombine.low v18, v17;
	v5 =	vcombine.low v20, v19;
	s13 =	sadd.s32 $0x632000, s10;
	[dreg:$0x9] =	wrdreg s12  }
0x16: {  	v26 =	vimm.s32 $0xDCBA9876;
	v9 =	vcombine.low v22, v21;
	v19 =	vcombine.low v19, v20;
	s14 =	sadd.s32 $0x633000, s10;
	[dreg:$0xa] =	wrdreg s13  }
0x17: {  	v43 =	vunpack.c.l.s4.s8 v26;
	v18 =	vcombine.low v17, v18;
	v50 =	vcombine.low v21, v22;
	s15 =	sadd.s32 $0x634000, s10;
	[dreg:$0xb] =	wrdreg s14  }
0x18: {  	v25 =	vunpack.c.0.s8.s32 v7;
	s16 =	sadd.s32 $0x635000, s10;
	v62 =	vand.u32 $0xF, v3;
	v3 =	vand.u32 $0xF, v19;
	[dreg:$0xc] =	wrdreg s15;
	[tilespmem:$0x1FEE0] =	vst v1  }
0x19: {  	s17 =	sadd.s32 $0x636000, s10;
	v30 =	vunpack.c.0.s8.s32 v42;
	v2 =	vand.u32 $0xF, v9;
	v32 =	vunpack.c.0.s8.s32 v43;
	[dreg:$0xd] =	wrdreg s16;
	[tilespmem:$0x1FF40] =	vst v3  }
0x1a: {  	s26 =	sadd.s32 $0x3000, s7;
	s18 =	sadd.s32 $0x637000, s10;
	v51 =	vand.u32 $0xF, v18;
	v0 =	vunpack.c.0.s8.s32 v8;
	[dreg:$0xe] =	wrdreg s17;
	v1 =	vcombine.low v38, v38;
	[tilespmem:$0x1FF60] =	vst v2  }
0x1b: {  	s29 =	sadd.s32 $0x5000, s7;
	v26 =	vimm.s32 $0xEDCBA987;
	s19 =	sadd.s32 $0x638000, s10;
	[dreg:$0xf] =	wrdreg s18;
	v48 =	vcombine.low v32, v30;
	v55 =	vcombine.low v30, v32;
	[tilespmem:$0x1FFB0] =	vst v51  }
0x1c: {  	s30 =	sadd.s32 $0x6000, s7;
	s20 =	sadd.s32 $0x639000, s10;
	[dreg:$0x10] =	wrdreg s19;
	v37 =	vcombine.low v25, v0;
	v53 =	vcombine.low v0, v25;
	v0 =	vand.u32 $0xF, v50;
	[tilespmem:$0x1FEF0] =	vst v1  }
0x1d: {  	s31 =	sadd.s32 $0x7000, s7;
	v16 =	vsel vm0, v16, v23;
	s21 =	sadd.s32 $0x63A000, s10;
	v29 =	vimm.s32 $0x6543210F;
	[dreg:$0x11] =	wrdreg s20;
	v56 =	vand.u32 $0xF, v48;
	[tilespmem:$0x1FF50] =	vst v0  }
0x1e: {  	s2 =	ssub.s32 $0x2, s2;
	s22 =	sadd.s32 $0x63B000, s10;
	v26 =	vunpack.c.l.s4.s8 v26;
	[dreg:$0x12] =	wrdreg s21;
	v1 =	vcombine.low v12, v12;
	v61 =	vand.u32 $0xF, v55;
	[tilespmem:$0x1FF90] =	vst v56  }
0x1f: {  	s28 =	sshrl.u32 s2, $0x1;
	v31 =	vunpack.c.0.s8.s32 v46;
	s23 =	sadd.s32 $0x63C000, s10;
	v44 =	vunpack.c.l.s4.s8 v29;
	v29 =	vunpack.c.l.s4.s8 v45;
	[dreg:$0x13] =	wrdreg s22;
	[tilespmem:$0x1FFD0] =	vst v61  }
0x20: {  	s4 =	ssub.s32 s2, s28;
	s24 =	sadd.s32 $0x63D000, s10;
	v8 =	vunpack.c.l.s4.s8 v34;
	v26 =	vunpack.c.0.s8.s32 v26;
	[dreg:$0x14] =	wrdreg s23;
	v40 =	vand.u32 $0xF, v37;
	[tilespmem:$0x1FF00] =	vst v1  }
0x21: {  	s28 =	sadd.s32 $0x4000, s7;
	s25 =	sadd.s32 $0x63E000, s10;
	[dreg:$0x15] =	wrdreg s24;
	v33 =	vunpack.c.0.s8.s32 v44;
	v59 =	vand.u32 $0xF, v53;
	v1 =	vcombine.low v14, v14;
	[tilespmem:$0x1FF70] =	vst v40  }
0x22: {  	s2 =	sadd.s32 $0x9000, s7;
	s6 =	sadd.s32 $0xA000, s7;
	[dreg:$0x16] =	wrdreg s25;
	v47 =	vunpack.c.0.s8.s32 v29;
	v27 =	vunpack.c.0.s8.s32 v8;
	v0 =	vlaneseq.u32;
	[tilespmem:$0x1FFA0] =	vst v59  }
0x23: {  	s5 =	sadd.s32 $0x400, s0;
	s1 =	sadd.s32 $0x63F000, s10;
	[dreg:$0x19] =	wrdreg s26;
	v34 =	vcombine.low v26, v33;
	v24 =	vor.u32 $0x78, v0;
	[tilespmem:$0x1FF10] =	vst v1;
	v1 =	vcombine.low v16, v16  }
0x24: {  	s0 =	smax.u32 s4, $0x1;
	[dreg:$0x1a] =	wrdreg s28;
	s9 =	sadd.s32 $0xB000, s7;
	v49 =	vand.u32 $0xF, v47;
	[tilespmem:$0x1FFC0] =	vst v24  }
0x25: {  	s10 =	sadd.s32 $0xC000, s7;
	s11 =	sadd.s32 $0xD000, s7;
	s12 =	sadd.s32 $0xE000, s7;
	v39 =	vcombine.low v28, v27;
	v52 =	vcombine.low v49, v31;
	[tilespmem:$0x1FF20] =	vst v1;
	v1 =	vand.u32 $0xF, v34  }
0x26: {  	s13 =	sadd.s32 $0xF000, s7;
	s15 =	simm.s32 $0x80;
	s16 =	simm.s32 $0x6400;
	[tilespmem:$0x1FF30] =	vst v1;
	v1 =	vcombine.low v33, v26  }
0x27: {  	s17 =	simm.s32 $0x8400;
	s18 =	simm.s32 $0x1;
	[dreg:$0x17] =	wrdreg s1;
	v54 =	vcombine.low v27, v28;
	v41 =	vand.u32 $0xF, v39;
	[tilespmem:$0x1FFF0] =	vst v52  }
0x28: {  	s19 =	simm.s32 $0xA400;
	s20 =	simm.s32 $0xC400;
	[dreg:$0x18] =	wrdreg s0;
	[tilespmem:$0x1FF80] =	vst v41;
	v1 =	vand.u32 $0xF, v1  }
0x29: {  	v60 =	vand.u32 $0xF, v5;
	s0 =	sadd.s32 $0x8000, s7;
	s1 =	simm.s32 $0x2;
	s7 =	simm.s32 $0x0;
	v63 =	vand.u32 $0xF, v54;
	[tilespmem:$0x1FFE0] =	vst v1  }
.LBB2_1:
0x2a: {  	[dreg:$0x1b] =	wrdreg s7  }
0x2b: {  	s4 =	rddreg [dreg:$0x5]  }
0x2c: {  	s26 =	simm.s32 $0x400;
	s8 =	simm.s32 $0x8000;
	s28 =	simm.s32 $0x5  }
0x2d: {  	[tilespmem:s3], [sflag:$0x5] =	stream.strided.gather [hbm4b:s4+s26], $0x6400, s8, s26, $0x38;
	[tilespmem:$0xE400] =	vst v63  }
0x2e: {  	_ =	swait.ge [sflag:s28], $0x6400  }
0x2f: {  	[sflag:s28] =	ssyncset.done $0x0  }
0x30: {  	s4 =	sand.u32 $0x7F80, s3;
	[sflag:s28] =	ssyncadd.s32 $0xFFFF9C00  }
0x31: {  	v26 =	vld [tilespmem:s4+$0x70]  }
0x32: {  	v29 =	vld [tilespmem:s4+$0x0]  }
0x33: {  	v30 =	vld [tilespmem:s4+$0x10]  }
0x34: {  	v33 =	vld [tilespmem:s4+$0x20]  }
0x35: {  	v34 =	vld [tilespmem:s4+$0x30]  }
0x36: {  	v38 =	vld [tilespmem:s4+$0x50]  }
0x37: {  	v45 =	vld [tilespmem:s4+$0x60]  }
0x38: {  	v37 =	vld [tilespmem:s4+$0x40]  }
0x39: {  	v27 =	vshll.u32 v26, $0x1  }
0x3a: {  	v28 =	vand.u32 $0xFFFFE000, v26;
	v26 =	vshrl.u32 v26, $0xC;
	v31 =	vshll.u32 v29, $0x1  }
0x3b: {  	v32 =	vshll.u32 v33, $0x1;
	v47 =	vand.u32 $0xFFFFE000, v29;
	v57 =	vshll.u32 v38, $0x1  }
0x3c: {  	v35 =	vshll.u32 v45, $0x1;
	v48 =	vand.u32 $0xFFFFE000, v30;
	v42 =	vand.u32 $0xFFFFE000, v33  }
0x3d: {  	v40 =	vand.u32 $0xFFFFE000, v34;
	v36 =	vshrl.u32 v34, $0xC;
	v41 =	vand.u32 $0xFFFFE000, v37  }
0x3e: {  	v39 =	vand.u32 $0xFFFFE000, v38;
	v27 =	vand.u32 $0x1FFE, v27;
	v26 =	vand.u32 $0x1, v26  }
0x3f: {  	v44 =	vand.u32 $0x1FFE, v31;
	v31 =	vshrl.u32 v29, $0xC;
	v29 =	vand.u32 $0x1FFE, v57  }
0x40: {  	v27 =	vor.u32 v28, v27;
	v28 =	vshll.u32 v30, $0x1;
	v44 =	vor.u32 v47, v44  }
0x41: {  	v43 =	vor.u32 v26, v27;
	v46 =	vand.u32 $0x1FFE, v28;
	v26 =	vshll.u32 v34, $0x1  }
0x42: {  	v27 =	vand.u32 $0x1FFE, v32;
	v28 =	vshll.u32 v37, $0x1;
	v32 =	vshrl.u32 v30, $0xC  }
0x43: {  	v30 =	vand.u32 $0x1FFE, v35;
	v35 =	vshrl.u32 v33, $0xC;
	v33 =	vshrl.u32 v37, $0xC  }
0x44: {  	v34 =	vshrl.u32 v38, $0xC;
	v38 =	vand.u32 $0xFFFFE000, v45;
	v37 =	vshrl.u32 v45, $0xC  }
0x45: {  	s7 =	simm.s32 $0x0;
	s8 =	simm.s32 $0x80;
	v26 =	vand.u32 $0x1FFE, v26;
	v28 =	vand.u32 $0x1FFE, v28;
	[tilespmem:s4+$0x70] =	vst v43;
	v43 =	vor.u32 v48, v46  }
.LBB2_2:
0x46: {  	s14 =	sand.u32 $0x7F80, s8;
	s7 =	sadd.s32 $0x8, s7;
	v27 =	vor.u32 v42, v27;
	v26 =	vor.u32 v40, v26;
	v28 =	vor.u32 v41, v28  }
0x47: {  	v31 =	vand.u32 $0x1, v31;
	v29 =	vor.u32 v39, v29;
	v30 =	vor.u32 v38, v30;
	v40 =	vld [tilespmem:s14+$0x70];
	p0 =	slt.u32 s7, $0x638  }
0x48: {  	v32 =	vand.u32 $0x1, v32;
	v35 =	vand.u32 $0x1, v35;
	v36 =	vand.u32 $0x1, v36;
	v38 =	vld [tilespmem:s14+$0x0]  }
0x49: {  	v33 =	vand.u32 $0x1, v33;
	v34 =	vand.u32 $0x1, v34;
	v37 =	vand.u32 $0x1, v37;
	v39 =	vld [tilespmem:s14+$0x10]  }
0x4a: {  	v31 =	vor.u32 v31, v44;
	v32 =	vor.u32 v32, v43;
	v27 =	vor.u32 v35, v27;
	v41 =	vld [tilespmem:s14+$0x20]  }
0x4b: {  	v26 =	vor.u32 v36, v26;
	v28 =	vor.u32 v33, v28;
	v29 =	vor.u32 v34, v29;
	v43 =	vld [tilespmem:s14+$0x30];
	[tilespmem:s4+$0x0] =	vst v31  }
0x4c: {  	v30 =	vor.u32 v37, v30;
	v33 =	vld [tilespmem:s14+$0x40];
	v31 =	vshll.u32 v40, $0x1;
	[tilespmem:s4+$0x10] =	vst v32  }
0x4d: {  	v32 =	vand.u32 $0xFFFFE000, v40;
	v35 =	vshrl.u32 v40, $0xC;
	v34 =	vld [tilespmem:s14+$0x50];
	v31 =	vand.u32 $0x1FFE, v31;
	[tilespmem:s4+$0x20] =	vst v27  }
0x4e: {  	v27 =	vshll.u32 v38, $0x1;
	v37 =	vld [tilespmem:s14+$0x60];
	v31 =	vor.u32 v32, v31;
	v32 =	vand.u32 $0x1, v35;
	[tilespmem:s4+$0x30] =	vst v26  }
0x4f: {  	v26 =	vshll.u32 v39, $0x1;
	v35 =	vshll.u32 v41, $0x1;
	v31 =	vor.u32 v32, v31;
	[tilespmem:s4+$0x40] =	vst v28  }
0x50: {  	v44 =	vand.u32 $0x1FFE, v27;
	v45 =	vand.u32 $0x1FFE, v26;
	v26 =	vshll.u32 v43, $0x1;
	[tilespmem:s14+$0x70] =	vst v31  }
0x51: {  	v27 =	vand.u32 $0x1FFE, v35;
	v26 =	vand.u32 $0x1FFE, v26;
	v28 =	vshll.u32 v33, $0x1;
	[tilespmem:s4+$0x50] =	vst v29  }
0x52: {  	v46 =	vand.u32 $0xFFFFE000, v38;
	v28 =	vand.u32 $0x1FFE, v28;
	v29 =	vshll.u32 v34, $0x1;
	[tilespmem:s4+$0x60] =	vst v30;
	s4 =	smov.u32 s14  }
0x53: {  	v31 =	vshrl.u32 v38, $0xC;
	v29 =	vand.u32 $0x1FFE, v29;
	v30 =	vshll.u32 v37, $0x1  }
.Ltmp0:
0x54: {  	v47 =	vand.u32 $0xFFFFE000, v39;
	v32 =	vshrl.u32 v39, $0xC;
	v30 =	vand.u32 $0x1FFE, v30;
	(pc) =	sbr.rel @p0 .LBB2_2-.Ltmp0, $4  }
0x55: {  	v42 =	vand.u32 $0xFFFFE000, v41;
	v35 =	vshrl.u32 v41, $0xC;
	v40 =	vand.u32 $0xFFFFE000, v43  }
0x56: {  	v36 =	vshrl.u32 v43, $0xC;
	v41 =	vand.u32 $0xFFFFE000, v33;
	v33 =	vshrl.u32 v33, $0xC  }
0x57: {  	v39 =	vand.u32 $0xFFFFE000, v34;
	v34 =	vshrl.u32 v34, $0xC;
	v38 =	vand.u32 $0xFFFFE000, v37  }
0x58: {  	s8 =	sadd.s32 $0x80, s8;
	v44 =	vor.u32 v46, v44;
	v43 =	vor.u32 v47, v45;
	v37 =	vshrl.u32 v37, $0xC  }
0x59: {  	v31 =	vand.u32 $0x1, v31  }
0x5a: {  	v32 =	vand.u32 $0x1, v32;
	v31 =	vor.u32 v31, v44  }
0x5b: {  	v27 =	vor.u32 v42, v27;
	v35 =	vand.u32 $0x1, v35;
	v32 =	vor.u32 v32, v43;
	[tilespmem:s4+$0x0] =	vst v31  }
0x5c: {  	v26 =	vor.u32 v40, v26;
	v54 =	vand.u32 $0x1, v36;
	v27 =	vor.u32 v35, v27;
	[tilespmem:s4+$0x10] =	vst v32  }
0x5d: {  	v28 =	vor.u32 v41, v28;
	v55 =	vand.u32 $0x1, v33;
	v26 =	vor.u32 v54, v26;
	[tilespmem:s4+$0x20] =	vst v27  }
0x5e: {  	v56 =	vand.u32 $0x1, v34;
	v28 =	vor.u32 v55, v28;
	v27 =	vor.u32 v39, v29;
	[tilespmem:s4+$0x30] =	vst v26  }
0x5f: {  	v57 =	vand.u32 $0x1, v37;
	v26 =	vor.u32 v38, v30;
	[tilespmem:s4+$0x40] =	vst v28;
	v27 =	vor.u32 v56, v27  }
0x60: {  	v26 =	vor.u32 v57, v26;
	[tilespmem:s4+$0x50] =	vst v27  }
0x61: {  	[tilespmem:s4+$0x60] =	vst v26  }
0x62: {  	v4 =	vld [tilespmem:$0x1FEB0]  }
0x63: {  	v6 =	vld [tilespmem:$0x1FEC0]  }
0x64: {  	v8 =	vld [tilespmem:$0x1FED0]  }
0x65: {  	v14 =	vld [tilespmem:$0x1FF10]  }
0x66: {  	s24 =	simm.s32 $0x0;
	v10 =	vld [tilespmem:$0x1FEE0]  }
0x67: {  	[tilespmem:s16], [sflag:$0x1] =	stream.indirect.gather [hbm4b:s5+s15], $0x40, s24, s15, $0xb8;
	v12 =	vld [tilespmem:$0x1FEF0]  }
0x68: {  	s25 =	simm.s32 $0x0;
	v13 =	vld [tilespmem:$0x1FF00]  }
0x69: {  	v18 =	vld [tilespmem:$0x1FF20];
	[tilespmem:s17], [sflag:$0x2] =	stream.indirect.gather [hbm4b:s5+s15], $0x40, s15, s15, $0xb8  }
.LBB2_4:
0x6a: {  	_ =	swait.ge [sflag:s18], $0x2000  }
0x6b: {  	p0 =	seq.s32 s25, $0x0;
	[sflag:s18] =	ssyncset.done $0x0  }
0x6c: {  	s7 =	simm.s32 @!p0 $0x3;
	[sflag:s18] =	ssyncadd.s32 $0xFFFFE000  }
0x6d: {  	_ =	swait.ge @!p0 [sflag:s7], $0x400  }
0x6e: {  	[sflag:s7] =	ssyncset.done @!p0 $0x0  }
0x6f: {  	[sflag:s7] =	ssyncadd.s32 @!p0 $0xFFFFFC00  }
0x70: {  	_ =	swait.ge @!p0 [sflag:s7], $0x400  }
0x71: {  	[sflag:s7] =	ssyncset.done @!p0 $0x0  }
0x72: {  	[sflag:s7] =	ssyncadd.s32 @!p0 $0xFFFFFC00  }
0x73: {  	_ =	swait.ge @!p0 [sflag:s7], $0x400  }
0x74: {  	[sflag:s7] =	ssyncset.done @!p0 $0x0  }
0x75: {  	[sflag:s7] =	ssyncadd.s32 @!p0 $0xFFFFFC00  }
0x76: {  	_ =	swait.ge @!p0 [sflag:s7], $0x400  }
0x77: {  	[sflag:s7] =	ssyncset.done @!p0 $0x0  }
0x78: {  	[sflag:s7] =	ssyncadd.s32 @!p0 $0xFFFFFC00  }
0x79: {  	_ =	swait.ge @!p0 [sflag:s7], $0x400  }
0x7a: {  	[sflag:s7] =	ssyncset.done @!p0 $0x0  }
0x7b: {  	[sflag:s7] =	ssyncadd.s32 @!p0 $0xFFFFFC00  }
0x7c: {  	s8 =	sand.u32 $0x60, s24;
	_ =	swait.ge @!p0 [sflag:s7], $0x400  }
0x7d: {  	s4 =	sand.u32 $0x30, s24;
	v0 =	vlaneseq.u32;
	s14 =	sor.u32 $0x10, s8;
	[sflag:s7] =	ssyncset.done @!p0 $0x0  }
0x7e: {  	v26 =	vor.u32 s4, v0;
	v27 =	vor.u32 s14, v0;
	[sflag:s7] =	ssyncadd.s32 @!p0 $0xFFFFFC00  }
0x7f: {  	v28 =	vand.u32 v4, v26;
	v35 =	vshll.u32 v27, $0x6;
	_ =	swait.ge @!p0 [sflag:s7], $0x400  }
0x80: {  	v29 =	vor.u32 v35, v28;
	[sflag:s7] =	ssyncset.done @!p0 $0x0  }
0x81: {  	[sflag:s7] =	ssyncadd.s32 @!p0 $0xFFFFFC00  }
0x82: {  	_ =	swait.ge @!p0 [sflag:s7], $0x400  }
0x83: {  	[sflag:s7] =	ssyncset.done @!p0 $0x0  }
0x84: {  	v30 =	vor.u32 s4, v62;
	v26 =	vshll.u32 v26, $0x7;
	v37 =	vand.u32 v24, v27;
	[sflag:s7] =	ssyncadd.s32 @!p0 $0xFFFFFC00  }
0x85: {  	v31 =	vor.u32 v26, v37;
	v27 =	vld.idx.msk [tilespmem:v29+s16+$0x0], $0xffff;
	v29 =	vand.u32 v6, v30  }
0x86: {  	v32 =	vor.u32 v35, v29;
	_ =	sdelay $0x2  }
0x87: {  	v33 =	vor.u32 s8, v0  }
0x88: {  	v34 =	vshll.u32 v33, $0x6;
	[tilespmem:v31+s19+$0x0] =	vst.idx.msk $0xffff, v27;
	v27 =	vshll.u32 v30, $0x7  }
0x89: {  	v28 =	vor.u32 v34, v28;
	v30 =	vor.u32 s4, v60;
	v31 =	vld.idx.msk [tilespmem:v32+s16+$0x0], $0xffff;
	v38 =	vor.u32 v27, v37  }
0x8a: {  	v56 =	vand.u32 v8, v30  }
0x8b: {  	v39 =	vor.u32 v35, v56;
	_ =	sdelay $0x2  }
0x8c: {  	v36 =	vand.u32 v58, v33;
	v28 =	vld.idx.msk [tilespmem:v28+s16+$0x0], $0xffff;
	[tilespmem:v38+s19+$0x0] =	vst.idx.msk $0xffff, v31  }
0x8d: {  	v26 =	vor.u32 v26, v36;
	v30 =	vshll.u32 v30, $0x7;
	v22 =	vld [tilespmem:$0x1FF60]  }
0x8e: {  	v45 =	vor.u32 v30, v37;
	v57 =	vld.idx.msk [tilespmem:v39+s16+$0x0], $0xffff;
	_ =	sdelay $0x3  }
0x8f: {  	[tilespmem:v26+s19+$0x0] =	vst.idx.msk $0xffff, v28;
	v31 =	vor.u32 s4, v22  }
0x90: {  	v29 =	vor.u32 v34, v29;
	[tilespmem:v45+s19+$0x0] =	vst.idx.msk $0xffff, v57;
	v44 =	vand.u32 v10, v31  }
0x91: {  	v9 =	vld [tilespmem:$0x1FF70];
	v40 =	vor.u32 v35, v44;
	_ =	sdelay $0x3  }
0x92: {  	v26 =	vor.u32 v27, v36;
	v27 =	vld.idx.msk [tilespmem:v29+s16+$0x0], $0xffff;
	v29 =	vshll.u32 v31, $0x7  }
0x93: {  	v28 =	vor.u32 v34, v56;
	v48 =	vor.u32 v29, v37;
	v31 =	vor.u32 s4, v9;
	v46 =	vld.idx.msk [tilespmem:v40+s16+$0x0], $0xffff  }
0x94: {  	v47 =	vand.u32 v12, v31  }
0x95: {  	v49 =	vor.u32 v35, v47;
	_ =	sdelay $0x1  }
0x96: {  	[tilespmem:v26+s19+$0x0] =	vst.idx.msk $0xffff, v27  }
0x97: {  	v27 =	vld.idx.msk [tilespmem:v28+s16+$0x0], $0xffff;
	[tilespmem:v48+s19+$0x0] =	vst.idx.msk $0xffff, v46  }
0x98: {  	v26 =	vor.u32 v30, v36;
	v30 =	vshll.u32 v31, $0x7;
	v7 =	vld [tilespmem:$0x1FF80]  }
0x99: {  	v28 =	vor.u32 v34, v44;
	v53 =	vor.u32 v30, v37;
	v32 =	vld.idx.msk [tilespmem:v49+s16+$0x0], $0xffff;
	_ =	sdelay $0x3  }
0x9a: {  	[tilespmem:v26+s19+$0x0] =	vst.idx.msk $0xffff, v27  }
0x9b: {  	v26 =	vor.u32 v29, v36;
	v28 =	vld.idx.msk [tilespmem:v28+s16+$0x0], $0xffff;
	v31 =	vor.u32 s4, v7;
	[tilespmem:v53+s19+$0x0] =	vst.idx.msk $0xffff, v32  }
0x9c: {  	v20 =	vmov v1;
	v1 =	vmov v24;
	v50 =	vand.u32 v13, v31;
	v24 =	vld [tilespmem:$0x1FF90]  }
0x9d: {  	v54 =	vor.u32 v35, v50;
	_ =	sdelay $0x2  }
0x9e: {  	[tilespmem:v26+s19+$0x0] =	vst.idx.msk $0xffff, v28  }
0x9f: {  	v31 =	vshll.u32 v31, $0x7;
	v2 =	vld [tilespmem:$0x1FF30];
	v55 =	vor.u32 s4, v24  }
0xa0: {  	s22 =	simm.s32 $0x20;
	v29 =	vor.u32 v34, v47;
	v51 =	vor.u32 v31, v37;
	v56 =	vld.idx.msk [tilespmem:v54+s16+$0x0], $0xffff;
	v57 =	vand.u32 v14, v55  }
0xa1: {  	s23 =	simm.s32 $0x4;
	s7 =	sand.u32 $0x60, s22;
	v41 =	vor.u32 v35, v57  }
0xa2: {  	s21 =	sand.u32 $0x30, s23;
	s26 =	sor.u32 $0x10, s7  }
0xa3: {  	v42 =	vor.u32 s21, v0;
	v43 =	vor.u32 s26, v0  }
0xa4: {  	v44 =	vand.u32 v4, v42;
	v30 =	vor.u32 v30, v36;
	v27 =	vshll.u32 v43, $0x6  }
0xa5: {  	v45 =	vor.u32 v27, v44;
	v29 =	vld.idx.msk [tilespmem:v29+s16+$0x0], $0xffff;
	v46 =	vor.u32 s4, v2;
	v32 =	vshll.u32 v55, $0x7;
	[tilespmem:v51+s19+$0x0] =	vst.idx.msk $0xffff, v56  }
0xa6: {  	v38 =	vor.u32 v34, v50;
	v33 =	vand.u32 v18, v46;
	v53 =	vor.u32 v32, v37;
	v40 =	vld.idx.msk [tilespmem:v41+s16+$0x0], $0xffff  }
0xa7: {  	v48 =	vor.u32 v35, v33;
	_ =	sdelay $0x1  }
0xa8: {  	v42 =	vshll.u32 v42, $0x7;
	v26 =	vand.u32 v1, v43  }
0xa9: {  	v47 =	vor.u32 s7, v0;
	v50 =	vor.u32 v42, v26;
	v55 =	vld.idx.msk [tilespmem:v45+s16+$0x0], $0xffff;
	[tilespmem:v30+s19+$0x0] =	vst.idx.msk $0xffff, v29  }
0xaa: {  	v28 =	vshll.u32 v47, $0x6;
	v31 =	vor.u32 v31, v36;
	v38 =	vld.idx.msk [tilespmem:v38+s16+$0x0], $0xffff;
	[tilespmem:v53+s19+$0x0] =	vst.idx.msk $0xffff, v40;
	v40 =	vshll.u32 v46, $0x7  }
0xab: {  	v54 =	vor.u32 v28, v44;
	v46 =	vld.idx.msk [tilespmem:v48+s16+$0x0], $0xffff;
	v48 =	vor.u32 v40, v37  }
0xac: {  	v49 =	vor.u32 s21, v62  }
0xad: {  	v56 =	vand.u32 v6, v49  }
0xae: {  	[tilespmem:v50+s19+$0x0] =	vst.idx.msk $0xffff, v55;
	v30 =	vor.u32 v27, v56  }
0xaf: {  	v29 =	vand.u32 v58, v47;
	v41 =	vor.u32 s4, v52;
	[tilespmem:v31+s19+$0x0] =	vst.idx.msk $0xffff, v38  }
0xb0: {  	v39 =	vor.u32 v34, v57;
	v43 =	vld.idx.msk [tilespmem:v54+s16+$0x0], $0xffff;
	v47 =	vand.u32 v4, v41;
	[tilespmem:v48+s19+$0x0] =	vst.idx.msk $0xffff, v46  }
0xb1: {  	v42 =	vor.u32 v42, v29;
	v44 =	vor.u32 v35, v47;
	v3 =	vld [tilespmem:$0x1FFB0]  }
0xb2: {  	v49 =	vshll.u32 v49, $0x7  }
0xb3: {  	v57 =	vor.u32 s21, v60;
	v45 =	vor.u32 v28, v56;
	v56 =	vor.u32 v49, v26;
	v30 =	vld.idx.msk [tilespmem:v30+s16+$0x0], $0xffff  }
0xb4: {  	v32 =	vor.u32 v32, v36;
	v51 =	vand.u32 v8, v57  }
0xb5: {  	v33 =	vor.u32 v34, v33;
	v31 =	vor.u32 v27, v51;
	v38 =	vld.idx.msk [tilespmem:v39+s16+$0x0], $0xffff;
	v41 =	vshll.u32 v41, $0x7  }
0xb6: {  	[tilespmem:v42+s19+$0x0] =	vst.idx.msk $0xffff, v43;
	v42 =	vld.idx.msk [tilespmem:v44+s16+$0x0], $0xffff;
	v44 =	vor.u32 v41, v37;
	v46 =	vor.u32 s4, v3  }
0xb7: {  	v43 =	vand.u32 v6, v46  }
0xb8: {  	v39 =	vor.u32 v49, v29;
	[tilespmem:v56+s19+$0x0] =	vst.idx.msk $0xffff, v30;
	v45 =	vld.idx.msk [tilespmem:v45+s16+$0x0], $0xffff;
	v30 =	vor.u32 v35, v43;
	_ =	sdelay $0x1  }
0xb9: {  	v48 =	vshll.u32 v57, $0x7;
	[tilespmem:v32+s19+$0x0] =	vst.idx.msk $0xffff, v38;
	v31 =	vld.idx.msk [tilespmem:v31+s16+$0x0], $0xffff  }
0xba: {  	v57 =	vor.u32 v48, v26;
	v33 =	vld.idx.msk [tilespmem:v33+s16+$0x0], $0xffff;
	[tilespmem:v44+s19+$0x0] =	vst.idx.msk $0xffff, v42  }
0xbb: {  	v56 =	vor.u32 v40, v36;
	v42 =	vshll.u32 v46, $0x7;
	v5 =	vld [tilespmem:$0x1FF40]  }
0xbc: {  	[tilespmem:v39+s19+$0x0] =	vst.idx.msk $0xffff, v45;
	v45 =	vor.u32 v42, v37;
	v30 =	vld.idx.msk [tilespmem:v30+s16+$0x0], $0xffff  }
0xbd: {  	v49 =	vor.u32 s21, v22  }
0xbe: {  	v50 =	vor.u32 v28, v51;
	v51 =	vand.u32 v10, v49  }
0xbf: {  	v55 =	vor.u32 v27, v51;
	[tilespmem:v57+s19+$0x0] =	vst.idx.msk $0xffff, v31  }
0xc0: {  	v40 =	vor.u32 v34, v47;
	[tilespmem:v56+s19+$0x0] =	vst.idx.msk $0xffff, v33  }
0xc1: {  	v44 =	vor.u32 s4, v5;
	[tilespmem:v45+s19+$0x0] =	vst.idx.msk $0xffff, v30  }
0xc2: {  	v47 =	vor.u32 v48, v29;
	v39 =	vand.u32 v8, v44;
	v25 =	vld [tilespmem:$0x1FF50]  }
0xc3: {  	v48 =	vshll.u32 v49, $0x7;
	v49 =	vor.u32 s21, v9;
	v46 =	vld.idx.msk [tilespmem:v50+s16+$0x0], $0xffff;
	v31 =	vor.u32 v35, v39  }
0xc4: {  	v57 =	vor.u32 v48, v26;
	v50 =	vor.u32 v28, v51;
	v32 =	vld.idx.msk [tilespmem:v55+s16+$0x0], $0xffff;
	v51 =	vand.u32 v12, v49  }
0xc5: {  	v54 =	vor.u32 s21, v7;
	v56 =	vor.u32 v41, v36;
	v40 =	vld.idx.msk [tilespmem:v40+s16+$0x0], $0xffff;
	v55 =	vor.u32 v27, v51  }
0xc6: {  	v41 =	vor.u32 v34, v43;
	v43 =	vor.u32 v48, v29;
	v48 =	vshll.u32 v49, $0x7  }
0xc7: {  	v42 =	vor.u32 v42, v36;
	v30 =	vshll.u32 v44, $0x7;
	v44 =	vor.u32 s4, v25  }
0xc8: {  	[tilespmem:v47+s19+$0x0] =	vst.idx.msk $0xffff, v46;
	v31 =	vld.idx.msk [tilespmem:v31+s16+$0x0], $0xffff;
	v46 =	vor.u32 v30, v37;
	v45 =	vand.u32 v10, v44  }
0xc9: {  	[tilespmem:v57+s19+$0x0] =	vst.idx.msk $0xffff, v32;
	v57 =	vor.u32 v28, v51;
	v47 =	vld.idx.msk [tilespmem:v50+s16+$0x0], $0xffff;
	v32 =	vor.u32 v35, v45  }
0xca: {  	[tilespmem:v56+s19+$0x0] =	vst.idx.msk $0xffff, v40;
	v56 =	vand.u32 v13, v54;
	v33 =	vld.idx.msk [tilespmem:v55+s16+$0x0], $0xffff;
	v55 =	vor.u32 v48, v26  }
0xcb: {  	v49 =	vor.u32 s21, v24;
	v40 =	vld.idx.msk [tilespmem:v41+s16+$0x0], $0xffff;
	v41 =	vor.u32 v30, v36;
	v30 =	vor.u32 v27, v56  }
0xcc: {  	v39 =	vor.u32 v34, v39;
	v48 =	vor.u32 v48, v29;
	v38 =	vor.u32 v28, v56  }
0xcd: {  	v56 =	vor.u32 s4, v63;
	[tilespmem:v46+s19+$0x0] =	vst.idx.msk $0xffff, v31;
	v31 =	vor.u32 s4, v59;
	v44 =	vshll.u32 v44, $0x7  }
0xce: {  	v59 =	vand.u32 v14, v49;
	[tilespmem:v43+s19+$0x0] =	vst.idx.msk $0xffff, v47;
	v43 =	vor.u32 v44, v37;
	v32 =	vld.idx.msk [tilespmem:v32+s16+$0x0], $0xffff  }
0xcf: {  	s28 =	simm.s32 $0x40;
	s23 =	simm.s32 $0x8;
	v49 =	vshll.u32 v49, $0x7;
	v47 =	vand.u32 v12, v31;
	[tilespmem:v55+s19+$0x0] =	vst.idx.msk $0xffff, v33;
	v46 =	vld.idx.msk [tilespmem:v57+s16+$0x0], $0xffff;
	v57 =	vshll.u32 v54, $0x7  }
0xd0: {  	s22 =	sand.u32 $0x30, s23;
	s7 =	sand.u32 $0x60, s28;
	v55 =	vor.u32 v28, v59;
	v50 =	vor.u32 v35, v47;
	v53 =	vld.idx.msk [tilespmem:v30+s16+$0x0], $0xffff;
	v54 =	vor.u32 v57, v26  }
0xd1: {  	v11 =	vmovc v52;
	[tilespmem:v42+s19+$0x0] =	vst.idx.msk $0xffff, v40;
	v40 =	vor.u32 v27, v59;
	v42 =	vor.u32 s22, v0;
	v30 =	vor.u32 s7, v0;
	s7 =	sor.u32 $0x10, s7  }
0xd2: {  	v17 =	vmovc v60;
	v60 =	vor.u32 v49, v26;
	v39 =	vld.idx.msk [tilespmem:v39+s16+$0x0], $0xffff;
	v45 =	vor.u32 v34, v45;
	v52 =	vor.u32 s7, v0  }
0xd3: {  	v51 =	vor.u32 v57, v29;
	v33 =	vshll.u32 v52, $0x6;
	[tilespmem:v43+s19+$0x0] =	vst.idx.msk $0xffff, v32;
	v32 =	vand.u32 v4, v42  }
0xd4: {  	[tilespmem:v48+s19+$0x0] =	vst.idx.msk $0xffff, v46;
	v48 =	vand.u32 v13, v56;
	v43 =	vshll.u32 v31, $0x7;
	v46 =	vor.u32 v33, v32  }
0xd5: {  	v15 =	vmov v58;
	[tilespmem:v54+s19+$0x0] =	vst.idx.msk $0xffff, v53;
	v54 =	vor.u32 s21, v2;
	v50 =	vld.idx.msk [tilespmem:v50+s16+$0x0], $0xffff;
	v57 =	vor.u32 v43, v37  }
0xd6: {  	v16 =	vmovc v1;
	v56 =	vshll.u32 v56, $0x7;
	v53 =	vor.u32 v35, v48;
	v38 =	vld.idx.msk [tilespmem:v38+s16+$0x0], $0xffff;
	v59 =	vand.u32 v18, v54  }
0xd7: {  	v1 =	vmovc v61;
	v40 =	vld.idx.msk [tilespmem:v40+s16+$0x0], $0xffff;
	v61 =	vor.u32 v27, v59;
	v31 =	vshll.u32 v30, $0x6;
	v30 =	vand.u32 v58, v30  }
0xd8: {  	[tilespmem:v41+s19+$0x0] =	vst.idx.msk $0xffff, v39;
	v42 =	vshll.u32 v42, $0x7;
	v58 =	vor.u32 v31, v32;
	v32 =	vand.u32 v16, v52  }
0xd9: {  	v23 =	vmovc v63;
	v39 =	vor.u32 s22, v62;
	v63 =	vor.u32 v56, v37;
	v41 =	vld.idx.msk [tilespmem:v46+s16+$0x0], $0xffff;
	v46 =	vor.u32 v42, v32  }
0xda: {  	v59 =	vor.u32 v28, v59;
	[tilespmem:v57+s19+$0x0] =	vst.idx.msk $0xffff, v50;
	v50 =	vand.u32 v6, v39  }
0xdb: {  	v52 =	vor.u32 s4, v1;
	[tilespmem:v51+s19+$0x0] =	vst.idx.msk $0xffff, v38;
	v53 =	vld.idx.msk [tilespmem:v53+s16+$0x0], $0xffff;
	v57 =	vor.u32 v33, v50  }
0xdc: {  	v54 =	vshll.u32 v54, $0x7;
	v16 =	vmovc v62;
	v62 =	vand.u32 v14, v52;
	[tilespmem:v60+s19+$0x0] =	vst.idx.msk $0xffff, v40;
	v60 =	vor.u32 s21, v11  }
0xdd: {  	v40 =	vor.u32 v35, v62;
	v38 =	vld.idx.msk [tilespmem:v61+s16+$0x0], $0xffff;
	v51 =	vand.u32 v4, v60;
	v61 =	vor.u32 v54, v26  }
0xde: {  	v58 =	vld.idx.msk [tilespmem:v58+s16+$0x0], $0xffff;
	v42 =	vor.u32 v42, v30;
	[tilespmem:v46+s19+$0x0] =	vst.idx.msk $0xffff, v41;
	v41 =	vor.u32 v27, v51  }
0xdf: {  	v39 =	vshll.u32 v39, $0x7;
	v46 =	vor.u32 v49, v29;
	v49 =	vor.u32 v31, v50;
	v50 =	vld.idx.msk [tilespmem:v55+s16+$0x0], $0xffff  }
0xe0: {  	v55 =	vor.u32 s22, v17;
	v57 =	vld.idx.msk [tilespmem:v57+s16+$0x0], $0xffff;
	[tilespmem:v63+s19+$0x0] =	vst.idx.msk $0xffff, v53;
	v53 =	vor.u32 v39, v32  }
0xe1: {  	v52 =	vshll.u32 v52, $0x7;
	v60 =	vshll.u32 v60, $0x7;
	v63 =	vand.u32 v8, v55  }
0xe2: {  	[tilespmem:v61+s19+$0x0] =	vst.idx.msk $0xffff, v38;
	v61 =	vor.u32 v52, v37;
	v40 =	vld.idx.msk [tilespmem:v40+s16+$0x0], $0xffff;
	v38 =	vor.u32 v33, v63  }
0xe3: {  	[tilespmem:v42+s19+$0x0] =	vst.idx.msk $0xffff, v58;
	v42 =	vor.u32 s21, v3;
	v58 =	vor.u32 v60, v26;
	v41 =	vld.idx.msk [tilespmem:v41+s16+$0x0], $0xffff  }
0xe4: {  	v39 =	vor.u32 v39, v30;
	[tilespmem:v46+s19+$0x0] =	vst.idx.msk $0xffff, v50;
	v46 =	vand.u32 v6, v42;
	v49 =	vld.idx.msk [tilespmem:v49+s16+$0x0], $0xffff  }
0xe5: {  	[tilespmem:v53+s19+$0x0] =	vst.idx.msk $0xffff, v57;
	v50 =	vor.u32 v27, v46;
	v53 =	vor.u32 v54, v29;
	v57 =	vld.idx.msk [tilespmem:v59+s16+$0x0], $0xffff  }
0xe6: {  	v55 =	vshll.u32 v55, $0x7;
	v54 =	vor.u32 v31, v63  }
0xe7: {  	v51 =	vor.u32 v28, v51;
	[tilespmem:v61+s19+$0x0] =	vst.idx.msk $0xffff, v40;
	v38 =	vld.idx.msk [tilespmem:v38+s16+$0x0], $0xffff;
	v61 =	vor.u32 v55, v32  }
0xe8: {  	v44 =	vor.u32 v44, v36;
	v47 =	vor.u32 v34, v47;
	v40 =	vor.u32 s22, v22;
	[tilespmem:v58+s19+$0x0] =	vst.idx.msk $0xffff, v41  }
0xe9: {  	v45 =	vld.idx.msk [tilespmem:v45+s16+$0x0], $0xffff;
	v42 =	vshll.u32 v42, $0x7;
	v41 =	vand.u32 v10, v40;
	[tilespmem:v39+s19+$0x0] =	vst.idx.msk $0xffff, v49  }
0xea: {  	v49 =	vor.u32 v42, v26;
	v63 =	vor.u32 v33, v41;
	v39 =	vld.idx.msk [tilespmem:v50+s16+$0x0], $0xffff;
	[tilespmem:v53+s19+$0x0] =	vst.idx.msk $0xffff, v57  }
0xeb: {  	v50 =	vor.u32 v55, v30;
	v53 =	vor.u32 s21, v5;
	v54 =	vld.idx.msk [tilespmem:v54+s16+$0x0], $0xffff;
	v55 =	vor.u32 v60, v29  }
0xec: {  	v59 =	vor.u32 v31, v41;
	[tilespmem:v61+s19+$0x0] =	vst.idx.msk $0xffff, v38;
	v38 =	vand.u32 v8, v53;
	v51 =	vld.idx.msk [tilespmem:v51+s16+$0x0], $0xffff  }
0xed: {  	v61 =	vor.u32 v27, v38  }
0xee: {  	[tilespmem:v44+s19+$0x0] =	vst.idx.msk $0xffff, v45;
	v46 =	vor.u32 v28, v46  }
0xef: {  	v43 =	vor.u32 v43, v36;
	v47 =	vld.idx.msk [tilespmem:v47+s16+$0x0], $0xffff;
	v40 =	vshll.u32 v40, $0x7;
	[tilespmem:v49+s19+$0x0] =	vst.idx.msk $0xffff, v39  }
0xf0: {  	v58 =	vor.u32 v40, v32;
	v63 =	vld.idx.msk [tilespmem:v63+s16+$0x0], $0xffff;
	[tilespmem:v50+s19+$0x0] =	vst.idx.msk $0xffff, v54  }
0xf1: {  	v45 =	vor.u32 v40, v30;
	v50 =	vshll.u32 v53, $0x7;
	[tilespmem:v55+s19+$0x0] =	vst.idx.msk $0xffff, v51;
	v51 =	vor.u32 s22, v9;
	v39 =	vld.idx.msk [tilespmem:v59+s16+$0x0], $0xffff  }
0xf2: {  	v54 =	vor.u32 v50, v26;
	v53 =	vld.idx.msk [tilespmem:v61+s16+$0x0], $0xffff;
	v61 =	vand.u32 v12, v51  }
0xf3: {  	v42 =	vor.u32 v42, v29;
	v60 =	vor.u32 s4, v20;
	v46 =	vld.idx.msk [tilespmem:v46+s16+$0x0], $0xffff;
	v55 =	vor.u32 v33, v61  }
0xf4: {  	[tilespmem:v43+s19+$0x0] =	vst.idx.msk $0xffff, v47;
	v49 =	vand.u32 v18, v60  }
0xf5: {  	v35 =	vor.u32 v35, v49;
	v59 =	vor.u32 s21, v25;
	[tilespmem:v58+s19+$0x0] =	vst.idx.msk $0xffff, v63  }
0xf6: {  	v48 =	vor.u32 v34, v48;
	v43 =	vand.u32 v10, v59;
	[tilespmem:v45+s19+$0x0] =	vst.idx.msk $0xffff, v39  }
0xf7: {  	v40 =	vor.u32 v56, v36;
	v41 =	vshll.u32 v60, $0x7;
	v47 =	vor.u32 v27, v43;
	[tilespmem:v54+s19+$0x0] =	vst.idx.msk $0xffff, v53  }
0xf8: {  	v51 =	vshll.u32 v51, $0x7;
	v60 =	vor.u32 v31, v61;
	v53 =	vor.u32 s22, v7;
	[tilespmem:v42+s19+$0x0] =	vst.idx.msk $0xffff, v46;
	v54 =	vld.idx.msk [tilespmem:v55+s16+$0x0], $0xffff  }
0xf9: {  	v19 =	vmovc v22;
	v58 =	vor.u32 v28, v38;
	v55 =	vor.u32 v51, v32;
	v63 =	vand.u32 v13, v53;
	v2 =	vld [tilespmem:$0x1FFA0]  }
0xfa: {  	v57 =	vor.u32 v41, v37;
	v37 =	vor.u32 v52, v36;
	v56 =	vld.idx.msk [tilespmem:v35+s16+$0x0], $0xffff;
	v61 =	vor.u32 v33, v63  }
0xfb: {  	v44 =	vor.u32 v28, v43;
	v43 =	vld.idx.msk [tilespmem:v48+s16+$0x0], $0xffff;
	v38 =	vor.u32 v34, v49;
	v39 =	vor.u32 v34, v62  }
0xfc: {  	v21 =	vmovc v24;
	v34 =	vor.u32 v41, v36;
	v45 =	vor.u32 v50, v29;
	v62 =	vshll.u32 v59, $0x7;
	v47 =	vld.idx.msk [tilespmem:v47+s16+$0x0], $0xffff  }
0xfd: {  	v49 =	vor.u32 v62, v26;
	v35 =	vor.u32 v62, v29;
	v51 =	vor.u32 v51, v30;
	v52 =	vld.idx.msk [tilespmem:v60+s16+$0x0], $0xffff  }
0xfe: {  	v1 =	vmov v11;
	v50 =	vor.u32 v31, v63;
	v48 =	vld.idx.msk [tilespmem:v58+s16+$0x0], $0xffff;
	v46 =	vor.u32 s21, v2;
	[tilespmem:v55+s19+$0x0] =	vst.idx.msk $0xffff, v54  }
0xff: {  	v22 =	vmov v20;
	[tilespmem:v57+s19+$0x0] =	vst.idx.msk $0xffff, v56;
	v55 =	vshll.u32 v53, $0x7;
	v63 =	vand.u32 v12, v46;
	v54 =	vld.idx.msk [tilespmem:v61+s16+$0x0], $0xffff  }
0x100: {  	s14 =	sshll.u32 s25, $0xA;
	s7 =	simm.s32 $0x60;
	v20 =	vmovc v9;
	s4 =	simm.s32 $0x4;
	v25 =	vmovc v7;
	v53 =	vor.u32 s22, v24;
	v24 =	vld [tilespmem:$0x1FFC0];
	v42 =	vor.u32 v27, v63;
	v36 =	vor.u32 v28, v63  }
.LBB2_5:
0x101: {  	v56 =	vor.u32 v55, v30  }
0x102: {  	s26 =	sand.u32 $0x60, s7;
	v41 =	vand.u32 v14, v53;
	v55 =	vor.u32 v55, v32;
	v60 =	vor.u32 s21, v23  }
0x103: {  	s23 =	sadd.s32 $0x4, s23;
	v46 =	vshll.u32 v46, $0x7;
	v5 =	vor.u32 s21, v22;
	v57 =	vor.u32 s26, v0  }
0x104: {  	v2 =	vld [tilespmem:$0x1FF30];
	s8 =	sand.u32 $0x30, s23;
	s26 =	sor.u32 $0x10, s26;
	v58 =	vor.u32 v31, v41;
	v59 =	vor.u32 v33, v41;
	v61 =	vand.u32 v13, v60  }
0x105: {  	v62 =	vor.u32 v46, v26;
	[tilespmem:v40+s19+$0x0] =	vst.idx.msk $0xffff, v43;
	v40 =	vor.u32 s8, v0;
	v43 =	vor.u32 s26, v0  }
0x106: {  	v60 =	vshll.u32 v60, $0x7;
	[tilespmem:v49+s19+$0x0] =	vst.idx.msk $0xffff, v47;
	v47 =	vld.idx.msk [tilespmem:v39+s16+$0x0], $0xffff;
	v39 =	vand.u32 v4, v40;
	v49 =	vshll.u32 v43, $0x6  }
0x107: {  	v41 =	vand.u32 v15, v57;
	[tilespmem:v51+s19+$0x0] =	vst.idx.msk $0xffff, v52;
	v51 =	vld.idx.msk [tilespmem:v42+s16+$0x0], $0xffff;
	v52 =	vor.u32 v49, v39  }
0x108: {  	v3 =	vor.u32 v60, v26;
	v43 =	vand.u32 v24, v43;
	v50 =	vld.idx.msk [tilespmem:v50+s16+$0x0], $0xffff;
	v42 =	vshll.u32 v57, $0x6  }
0x109: {  	[tilespmem:v55+s19+$0x0] =	vst.idx.msk $0xffff, v54;
	v55 =	vor.u32 v42, v39;
	v39 =	vshll.u32 v53, $0x7;
	v53 =	vor.u32 s22, v2;
	v2 =	vld [tilespmem:$0x1FFD0]  }
0x10a: {  	[tilespmem:v45+s19+$0x0] =	vst.idx.msk $0xffff, v48;
	v54 =	vor.u32 v27, v61;
	v57 =	vld.idx.msk [tilespmem:v59+s16+$0x0], $0xffff;
	v63 =	vand.u32 v18, v53  }
0x10b: {  	v45 =	vor.u32 v39, v30;
	v59 =	vor.u32 v39, v32;
	v39 =	vld.idx.msk [tilespmem:v44+s16+$0x0], $0xffff;
	v44 =	vor.u32 v31, v63  }
0x10c: {  	v48 =	vor.u32 v33, v63;
	[tilespmem:v37+s19+$0x0] =	vst.idx.msk $0xffff, v47;
	v37 =	vshll.u32 v40, $0x7;
	v40 =	vor.u32 s8, v16;
	v47 =	vld.idx.msk [tilespmem:v52+s16+$0x0], $0xffff  }
0x10d: {  	[tilespmem:v62+s19+$0x0] =	vst.idx.msk $0xffff, v51;
	v51 =	vand.u32 v6, v40;
	v52 =	vor.u32 v37, v43;
	v38 =	vld.idx.msk [tilespmem:v38+s16+$0x0], $0xffff  }
0x10e: {  	v37 =	vor.u32 v37, v41;
	v63 =	vor.u32 s21, v2;
	v55 =	vld.idx.msk [tilespmem:v55+s16+$0x0], $0xffff;
	v62 =	vor.u32 v49, v51  }
0x10f: {  	v54 =	vld.idx.msk [tilespmem:v54+s16+$0x0], $0xffff;
	v51 =	vor.u32 v42, v51;
	[tilespmem:v56+s19+$0x0] =	vst.idx.msk $0xffff, v50;
	v2 =	vand.u32 v14, v63  }
0x110: {  	v50 =	vshll.u32 v53, $0x7;
	v53 =	vor.u32 s22, v1;
	[tilespmem:v59+s19+$0x0] =	vst.idx.msk $0xffff, v57;
	v56 =	vld.idx.msk [tilespmem:v58+s16+$0x0], $0xffff;
	v57 =	vor.u32 v27, v2  }
0x111: {  	v58 =	vor.u32 v50, v30;
	v59 =	vand.u32 v4, v53;
	v50 =	vor.u32 v50, v32;
	v48 =	vld.idx.msk [tilespmem:v48+s16+$0x0], $0xffff  }
0x112: {  	v9 =	vand.u32 v18, v5;
	v40 =	vshll.u32 v40, $0x7;
	[tilespmem:v52+s19+$0x0] =	vst.idx.msk $0xffff, v47;
	v52 =	vor.u32 v33, v59  }
0x113: {  	v63 =	vshll.u32 v63, $0x7;
	v47 =	vor.u32 v31, v59;
	v59 =	vor.u32 s8, v17;
	[tilespmem:v37+s19+$0x0] =	vst.idx.msk $0xffff, v55;
	v55 =	vld [tilespmem:$0x1FFB0]  }
0x114: {  	v62 =	vld.idx.msk [tilespmem:v62+s16+$0x0], $0xffff;
	[tilespmem:v3+s19+$0x0] =	vst.idx.msk $0xffff, v54;
	v3 =	vand.u32 v8, v59;
	v54 =	vor.u32 v40, v43  }
0x115: {  	v11 =	vor.u32 v63, v26;
	v40 =	vor.u32 v40, v41;
	v7 =	vor.u32 v49, v3;
	v57 =	vld.idx.msk [tilespmem:v57+s16+$0x0], $0xffff  }
0x116: {  	v51 =	vld.idx.msk [tilespmem:v51+s16+$0x0], $0xffff;
	[tilespmem:v50+s19+$0x0] =	vst.idx.msk $0xffff, v48;
	v48 =	vor.u32 v27, v9;
	v27 =	vmov v33;
	v33 =	vshll.u32 v53, $0x7  }
0x117: {  	s21 =	smov.u32 s22;
	v50 =	vld.idx.msk [tilespmem:v52+s16+$0x0], $0xffff;
	v52 =	vor.u32 v33, v32  }
0x118: {  	v3 =	vor.u32 v42, v3;
	[tilespmem:v45+s19+$0x0] =	vst.idx.msk $0xffff, v56;
	v37 =	vor.u32 s21, v55  }
0x119: {  	v44 =	vld.idx.msk [tilespmem:v44+s16+$0x0], $0xffff;
	[tilespmem:v54+s19+$0x0] =	vst.idx.msk $0xffff, v62;
	v62 =	vshll.u32 v59, $0x7;
	v45 =	vand.u32 v6, v37  }
0x11a: {  	v7 =	vld.idx.msk [tilespmem:v7+s16+$0x0], $0xffff;
	v54 =	vor.u32 v27, v45;
	[tilespmem:v11+s19+$0x0] =	vst.idx.msk $0xffff, v57;
	v57 =	vor.u32 v62, v43  }
0x11b: {  	[tilespmem:v40+s19+$0x0] =	vst.idx.msk $0xffff, v51;
	v48 =	vld.idx.msk [tilespmem:v48+s16+$0x0], $0xffff  }
0x11c: {  	v46 =	vor.u32 v46, v29;
	[tilespmem:v52+s19+$0x0] =	vst.idx.msk $0xffff, v50;
	v52 =	vld [tilespmem:$0x1FF40]  }
0x11d: {  	v5 =	vshll.u32 v5, $0x7;
	s22 =	smov.u32 s8;
	v53 =	vor.u32 v33, v30;
	v33 =	vmovc v49;
	v49 =	vor.u32 v62, v41;
	v3 =	vld.idx.msk [tilespmem:v3+s16+$0x0], $0xffff  }
0x11e: {  	v56 =	vor.u32 s22, v19;
	v59 =	vor.u32 v5, v26;
	v26 =	vmov v32;
	[tilespmem:v58+s19+$0x0] =	vst.idx.msk $0xffff, v44  }
0x11f: {  	v37 =	vshll.u32 v37, $0x7;
	v51 =	vor.u32 s22, v20;
	v11 =	vand.u32 v10, v56;
	v40 =	vld.idx.msk [tilespmem:v54+s16+$0x0], $0xffff;
	[tilespmem:v57+s19+$0x0] =	vst.idx.msk $0xffff, v7  }
0x120: {  	v45 =	vor.u32 v31, v45;
	v55 =	vor.u32 v33, v11;
	v7 =	vld.idx.msk [tilespmem:v47+s16+$0x0], $0xffff;
	[tilespmem:v35+s19+$0x0] =	vst.idx.msk $0xffff, v39  }
0x121: {  	v32 =	vmovc v43;
	v62 =	vand.u32 v12, v51;
	v11 =	vor.u32 v42, v11;
	v35 =	vld.idx.msk [tilespmem:v36+s16+$0x0], $0xffff;
	v43 =	vor.u32 s21, v52  }
0x122: {  	v50 =	vor.u32 v37, v26;
	[tilespmem:v49+s19+$0x0] =	vst.idx.msk $0xffff, v3;
	v3 =	vld [tilespmem:$0x1FF50];
	v58 =	vand.u32 v8, v43  }
0x123: {  	v44 =	vor.u32 v33, v62;
	v54 =	vor.u32 v37, v30;
	v37 =	vor.u32 v27, v58  }
0x124: {  	v47 =	vshll.u32 v56, $0x7;
	v57 =	vor.u32 v42, v62;
	v39 =	vor.u32 v28, v2  }
0x125: {  	v55 =	vld.idx.msk [tilespmem:v55+s16+$0x0], $0xffff;
	[tilespmem:v59+s19+$0x0] =	vst.idx.msk $0xffff, v48;
	v48 =	vor.u32 v47, v41;
	v47 =	vor.u32 v47, v32  }
0x126: {  	v52 =	vor.u32 v28, v61;
	v11 =	vld.idx.msk [tilespmem:v11+s16+$0x0], $0xffff;
	v2 =	vshll.u32 v43, $0x7;
	v56 =	vor.u32 v31, v58  }
0x127: {  	v61 =	vld [tilespmem:$0x1FFA0];
	v43 =	vor.u32 v2, v26;
	[tilespmem:v50+s19+$0x0] =	vst.idx.msk $0xffff, v40;
	v40 =	vor.u32 v60, v29;
	v3 =	vor.u32 s21, v3  }
0x128: {  	[tilespmem:v53+s19+$0x0] =	vst.idx.msk $0xffff, v7;
	v60 =	vshll.u32 v51, $0x7;
	v7 =	vand.u32 v10, v3;
	v36 =	vld.idx.msk [tilespmem:v37+s16+$0x0], $0xffff  }
0x129: {  	v49 =	vld.idx.msk [tilespmem:v45+s16+$0x0], $0xffff;
	v45 =	vor.u32 v2, v30;
	[tilespmem:v34+s19+$0x0] =	vst.idx.msk $0xffff, v38;
	v2 =	vor.u32 v27, v7  }
0x12a: {  	v62 =	vor.u32 s22, v25;
	v51 =	vor.u32 v60, v41;
	v37 =	vor.u32 v63, v29;
	[tilespmem:v47+s19+$0x0] =	vst.idx.msk $0xffff, v55  }
0x12b: {  	s4 =	sadd.s32 $0x2, s4;
	v63 =	vor.u32 v60, v32;
	v55 =	vld.idx.msk [tilespmem:v44+s16+$0x0], $0xffff;
	v44 =	vor.u32 v31, v7;
	v7 =	vand.u32 v13, v62  }
0x12c: {  	p1 =	slt.u32 s4, $0x1E;
	[tilespmem:v46+s19+$0x0] =	vst.idx.msk $0xffff, v35;
	v50 =	vor.u32 v42, v7;
	v7 =	vor.u32 v33, v7  }
.Ltmp1:
0x12d: {  	v38 =	vor.u32 v28, v9;
	v34 =	vor.u32 v5, v29;
	[tilespmem:v43+s19+$0x0] =	vst.idx.msk $0xffff, v36;
	v43 =	vld.idx.msk [tilespmem:v52+s16+$0x0], $0xffff;
	(pc) =	sbr.rel @p1 .LBB2_5-.Ltmp1, $4  }
0x12e: {  	v53 =	vor.u32 s22, v21;
	v28 =	vmovc v31;
	v3 =	vshll.u32 v3, $0x7;
	v46 =	vor.u32 s21, v61;
	[tilespmem:v48+s19+$0x0] =	vst.idx.msk $0xffff, v11;
	v47 =	vld.idx.msk [tilespmem:v2+s16+$0x0], $0xffff  }
0x12f: {  	v35 =	vor.u32 v3, v30;
	v29 =	vmov v30;
	v30 =	vmov v41;
	v52 =	vld.idx.msk [tilespmem:v57+s16+$0x0], $0xffff;
	[tilespmem:v54+s19+$0x0] =	vst.idx.msk $0xffff, v49  }
0x130: {  	v2 =	vand.u32 v12, v46;
	v49 =	vor.u32 v3, v26;
	[tilespmem:v63+s19+$0x0] =	vst.idx.msk $0xffff, v55;
	v48 =	vld.idx.msk [tilespmem:v56+s16+$0x0], $0xffff  }
0x131: {  	s7 =	sadd.s32 $0x20, s7;
	v31 =	vmovc v42;
	v55 =	vshll.u32 v62, $0x7;
	v42 =	vor.u32 v27, v2;
	v54 =	vld.idx.msk [tilespmem:v7+s16+$0x0], $0xffff;
	v36 =	vor.u32 v28, v2  }
0x132: {  	v3 =	vor.u32 v55, v32;
	_ =	sdelay $0x3  }
0x133: {  	[tilespmem:v51+s19+$0x0] =	vst.idx.msk $0xffff, v52  }
0x134: {  	[tilespmem:v3+s19+$0x0] =	vst.idx.msk $0xffff, v54  }
0x135: {  	v2 =	vand.u32 v14, v53;
	v3 =	vshll.u32 v53, $0x7;
	v53 =	vld [tilespmem:$0x1FF30]  }
0x136: {  	v5 =	vor.u32 v33, v2;
	_ =	sdelay $0x3  }
0x137: {  	v7 =	vor.u32 v55, v30;
	v9 =	vld.idx.msk [tilespmem:v50+s16+$0x0], $0xffff;
	v11 =	vor.u32 s22, v53  }
0x138: {  	v2 =	vor.u32 v31, v2;
	v5 =	vld.idx.msk [tilespmem:v5+s16+$0x0], $0xffff;
	v55 =	vor.u32 v3, v32;
	v41 =	vand.u32 v18, v11  }
0x139: {  	v56 =	vor.u32 v33, v41;
	_ =	sdelay $0x2  }
0x13a: {  	[tilespmem:v7+s19+$0x0] =	vst.idx.msk $0xffff, v9  }
0x13b: {  	v3 =	vor.u32 v3, v30;
	v2 =	vld.idx.msk [tilespmem:v2+s16+$0x0], $0xffff;
	[tilespmem:v55+s19+$0x0] =	vst.idx.msk $0xffff, v5;
	v5 =	vshll.u32 v11, $0x7  }
0x13c: {  	v58 =	vor.u32 v5, v32;
	v11 =	vld.idx.msk [tilespmem:v56+s16+$0x0], $0xffff;
	_ =	sdelay $0x3  }
0x13d: {  	v9 =	vor.u32 s22, v1;
	[tilespmem:v3+s19+$0x0] =	vst.idx.msk $0xffff, v2  }
0x13e: {  	v57 =	vand.u32 v4, v9;
	v7 =	vor.u32 v31, v41;
	[tilespmem:v58+s19+$0x0] =	vst.idx.msk $0xffff, v11  }
0x13f: {  	v59 =	vor.u32 v33, v57;
	v55 =	vld [tilespmem:$0x1FFB0];
	_ =	sdelay $0x3  }
0x140: {  	v2 =	vor.u32 v5, v30;
	v3 =	vld.idx.msk [tilespmem:v7+s16+$0x0], $0xffff;
	v7 =	vshll.u32 v9, $0x7  }
0x141: {  	v5 =	vor.u32 v31, v57;
	v62 =	vor.u32 v7, v32;
	v11 =	vld.idx.msk [tilespmem:v59+s16+$0x0], $0xffff;
	v9 =	vor.u32 s22, v55  }
0x142: {  	v60 =	vand.u32 v6, v9  }
0x143: {  	v63 =	vor.u32 v33, v60;
	_ =	sdelay $0x1  }
0x144: {  	[tilespmem:v2+s19+$0x0] =	vst.idx.msk $0xffff, v3  }
0x145: {  	v3 =	vld.idx.msk [tilespmem:v5+s16+$0x0], $0xffff;
	[tilespmem:v62+s19+$0x0] =	vst.idx.msk $0xffff, v11  }
0x146: {  	v2 =	vor.u32 v7, v30;
	v7 =	vshll.u32 v9, $0x7;
	v54 =	vld [tilespmem:$0x1FF40]  }
0x147: {  	v58 =	vor.u32 v7, v32;
	v11 =	vld.idx.msk [tilespmem:v63+s16+$0x0], $0xffff;
	_ =	sdelay $0x1  }
0x148: {  	v5 =	vor.u32 v31, v60;
	_ =	sdelay $0x1  }
0x149: {  	[tilespmem:v2+s19+$0x0] =	vst.idx.msk $0xffff, v3  }
0x14a: {  	v9 =	vor.u32 s22, v54;
	[tilespmem:v58+s19+$0x0] =	vst.idx.msk $0xffff, v11  }
0x14b: {  	v57 =	vand.u32 v8, v9;
	v52 =	vld [tilespmem:$0x1FF50]  }
0x14c: {  	v2 =	vor.u32 v7, v30;
	v3 =	vld.idx.msk [tilespmem:v5+s16+$0x0], $0xffff;
	v59 =	vor.u32 v33, v57  }
0x14d: {  	v5 =	vor.u32 v31, v57;
	_ =	sdelay $0x2  }
0x14e: {  	v7 =	vshll.u32 v9, $0x7;
	v9 =	vor.u32 s22, v52  }
0x14f: {  	v62 =	vor.u32 v7, v32;
	v11 =	vld.idx.msk [tilespmem:v59+s16+$0x0], $0xffff;
	[tilespmem:v2+s19+$0x0] =	vst.idx.msk $0xffff, v3;
	v60 =	vand.u32 v10, v9  }
0x150: {  	v2 =	vor.u32 v7, v30;
	v3 =	vld.idx.msk [tilespmem:v5+s16+$0x0], $0xffff;
	v63 =	vor.u32 v33, v60  }
0x151: {  	v5 =	vor.u32 v31, v60;
	_ =	sdelay $0x1  }
0x152: {  	[tilespmem:v45+s19+$0x0] =	vst.idx.msk $0xffff, v48  }
0x153: {  	v44 =	vld.idx.msk [tilespmem:v44+s16+$0x0], $0xffff;
	[tilespmem:v62+s19+$0x0] =	vst.idx.msk $0xffff, v11;
	v7 =	vshll.u32 v9, $0x7  }
0x154: {  	[tilespmem:v2+s19+$0x0] =	vst.idx.msk $0xffff, v3;
	v57 =	vor.u32 v7, v32;
	v11 =	vld.idx.msk [tilespmem:v63+s16+$0x0], $0xffff  }
0x155: {  	v9 =	vor.u32 s22, v61;
	v2 =	vor.u32 v7, v30;
	v3 =	vld.idx.msk [tilespmem:v5+s16+$0x0], $0xffff  }
0x156: {  	v56 =	vand.u32 v12, v9  }
0x157: {  	[tilespmem:v49+s19+$0x0] =	vst.idx.msk $0xffff, v47;
	v58 =	vor.u32 v33, v56  }
0x158: {  	[tilespmem:v35+s19+$0x0] =	vst.idx.msk $0xffff, v44;
	v41 =	vor.u32 v31, v56  }
0x159: {  	v50 =	vor.u32 s22, v23;
	v42 =	vld.idx.msk [tilespmem:v42+s16+$0x0], $0xffff;
	v7 =	vshll.u32 v46, $0x7;
	v5 =	vor.u32 s21, v23;
	[tilespmem:v57+s19+$0x0] =	vst.idx.msk $0xffff, v11  }
0x15a: {  	v36 =	vld.idx.msk [tilespmem:v36+s16+$0x0], $0xffff;
	v47 =	vor.u32 v7, v26;
	v59 =	vand.u32 v13, v5;
	[tilespmem:v2+s19+$0x0] =	vst.idx.msk $0xffff, v3  }
0x15b: {  	v9 =	vshll.u32 v9, $0x7;
	v7 =	vor.u32 v7, v29;
	v49 =	vor.u32 v27, v59;
	v56 =	vld [tilespmem:$0x1FFD0]  }
0x15c: {  	v60 =	vand.u32 v13, v50;
	v62 =	vor.u32 v9, v32;
	v2 =	vor.u32 v28, v59;
	v11 =	vld.idx.msk [tilespmem:v58+s16+$0x0], $0xffff  }
0x15d: {  	v63 =	vor.u32 v33, v60;
	v3 =	vor.u32 v9, v30;
	v9 =	vld.idx.msk [tilespmem:v41+s16+$0x0], $0xffff  }
0x15e: {  	v35 =	vor.u32 v31, v60;
	v5 =	vshll.u32 v5, $0x7  }
0x15f: {  	v59 =	vor.u32 v5, v26;
	[tilespmem:v47+s19+$0x0] =	vst.idx.msk $0xffff, v42  }
0x160: {  	v5 =	vor.u32 v5, v29;
	[tilespmem:v7+s19+$0x0] =	vst.idx.msk $0xffff, v36;
	v42 =	vld.idx.msk [tilespmem:v49+s16+$0x0], $0xffff;
	v57 =	vor.u32 s21, v56  }
0x161: {  	v2 =	vld.idx.msk [tilespmem:v2+s16+$0x0], $0xffff;
	v49 =	vor.u32 s22, v56;
	[tilespmem:v62+s19+$0x0] =	vst.idx.msk $0xffff, v11;
	v11 =	vshll.u32 v50, $0x7;
	v58 =	vand.u32 v14, v57  }
0x162: {  	[tilespmem:v3+s19+$0x0] =	vst.idx.msk $0xffff, v9;
	v7 =	vld.idx.msk [tilespmem:v63+s16+$0x0], $0xffff;
	v63 =	vor.u32 v11, v32;
	v60 =	vor.u32 v27, v58  }
0x163: {  	v62 =	vand.u32 v14, v49;
	v9 =	vor.u32 v11, v30;
	v11 =	vld.idx.msk [tilespmem:v35+s16+$0x0], $0xffff;
	v3 =	vor.u32 v28, v58  }
0x164: {  	[tilespmem:v40+s19+$0x0] =	vst.idx.msk $0xffff, v43;
	v50 =	vor.u32 v33, v62  }
0x165: {  	v51 =	vor.u32 s21, v22;
	[tilespmem:v59+s19+$0x0] =	vst.idx.msk $0xffff, v42;
	v36 =	vor.u32 v31, v62  }
0x166: {  	v39 =	vld.idx.msk [tilespmem:v39+s16+$0x0], $0xffff;
	v41 =	vshll.u32 v57, $0x7;
	v58 =	vand.u32 v18, v51;
	[tilespmem:v5+s19+$0x0] =	vst.idx.msk $0xffff, v2  }
0x167: {  	v59 =	vor.u32 v41, v26;
	v41 =	vor.u32 v41, v29;
	[tilespmem:v63+s19+$0x0] =	vst.idx.msk $0xffff, v7;
	v57 =	vld.idx.msk [tilespmem:v60+s16+$0x0], $0xffff  }
0x168: {  	v27 =	vor.u32 v27, v58;
	v7 =	vshll.u32 v49, $0x7;
	[tilespmem:v9+s19+$0x0] =	vst.idx.msk $0xffff, v11;
	v60 =	vor.u32 s22, v22;
	v3 =	vld.idx.msk [tilespmem:v3+s16+$0x0], $0xffff  }
0x169: {  	v9 =	vor.u32 v28, v58;
	v2 =	vld.idx.msk [tilespmem:v50+s16+$0x0], $0xffff;
	v62 =	vor.u32 v7, v32;
	v5 =	vand.u32 v18, v60  }
0x16a: {  	v7 =	vor.u32 v7, v30;
	v11 =	vld.idx.msk [tilespmem:v36+s16+$0x0], $0xffff;
	v63 =	vor.u32 v33, v5  }
0x16b: {  	[tilespmem:v37+s19+$0x0] =	vst.idx.msk $0xffff, v39;
	v5 =	vor.u32 v31, v5  }
0x16c: {  	v28 =	vshll.u32 v51, $0x7;
	v31 =	vld.idx.msk [tilespmem:v38+s16+$0x0], $0xffff;
	[tilespmem:v59+s19+$0x0] =	vst.idx.msk $0xffff, v57  }
0x16d: {  	v26 =	vor.u32 v28, v26;
	[tilespmem:v41+s19+$0x0] =	vst.idx.msk $0xffff, v3;
	v27 =	vld.idx.msk [tilespmem:v27+s16+$0x0], $0xffff  }
0x16e: {  	v28 =	vor.u32 v28, v29;
	[tilespmem:v62+s19+$0x0] =	vst.idx.msk $0xffff, v2;
	v2 =	vshll.u32 v60, $0x7;
	v9 =	vld.idx.msk [tilespmem:v9+s16+$0x0], $0xffff  }
0x16f: {  	[tilespmem:v7+s19+$0x0] =	vst.idx.msk $0xffff, v11;
	v44 =	vor.u32 v2, v32;
	v3 =	vld.idx.msk [tilespmem:v63+s16+$0x0], $0xffff  }
0x170: {  	v2 =	vor.u32 v2, v30;
	v5 =	vld.idx.msk [tilespmem:v5+s16+$0x0], $0xffff  }
0x171: {  	[tilespmem:v34+s19+$0x0] =	vst.idx.msk $0xffff, v31  }
0x172: {  	[tilespmem:v26+s19+$0x0] =	vst.idx.msk $0xffff, v27  }
0x173: {  	s4 =	sadd.s32 $0x400, s14;
	[tilespmem:v28+s19+$0x0] =	vst.idx.msk $0xffff, v9  }
0x174: {  	s4 =	sand.u32 $0x3FC00, s4;
	[tilespmem:v44+s19+$0x0] =	vst.idx.msk $0xffff, v3  }
0x175: {  	s4 =	sshrl.u32 s4, $0x2;
	[tilespmem:v2+s19+$0x0] =	vst.idx.msk $0xffff, v5  }
0x176: {  	[tilespmem:s16], [sflag:$0x1] =	stream.indirect.gather [hbm4b:s5+s15], $0x40, s4, s15, $0xb8;
	[tilespmem:$0xE400] =	vst v63  }
0x177: {  	s28 =	sshll.u32 s25, $0x13;
	s7 =	rddreg [dreg:$0x4]  }
0x178: {  	s4 =	sor.u32 s7, s28  }
0x179: {  	s8 =	rddreg [dreg:$0x2];
	s21 =	sshrl.u32 s4, $0x3  }
0x17a: {  	s22 =	rddreg [dreg:$0x6];
	s4 =	sadd.s32 s8, s21  }
0x17b: {  	[hbm4b:s4+s3] =	stream.linear.scatter [tilespmem:s19], [sflag:$0x3], $0x400, $0x38;
	[tilespmem:$0xE400] =	vst v63  }
0x17c: {  	s23 =	simm.s32 $0xA800;
	s26 =	rddreg [dreg:$0x7];
	s4 =	sadd.s32 s21, s22  }
0x17d: {  	[hbm4b:s4+s3] =	stream.linear.scatter [tilespmem:s23], [sflag:$0x3], $0x400, $0x38;
	[tilespmem:$0xE400] =	vst v63  }
0x17e: {  	s28 =	simm.s32 $0xAC00;
	s7 =	rddreg [dreg:$0x19];
	s4 =	sadd.s32 s21, s26  }
0x17f: {  	[hbm4b:s4+s3] =	stream.linear.scatter [tilespmem:s28], [sflag:$0x3], $0x400, $0x38;
	[tilespmem:$0xE400] =	vst v63  }
0x180: {  	s8 =	simm.s32 $0xB000;
	s22 =	rddreg [dreg:$0x1a];
	s4 =	sadd.s32 s21, s7  }
0x181: {  	[hbm4b:s4+s3] =	stream.linear.scatter [tilespmem:s8], [sflag:$0x3], $0x400, $0x38;
	[tilespmem:$0xE400] =	vst v63  }
0x182: {  	s23 =	simm.s32 $0xB400;
	s4 =	sadd.s32 s21, s22  }
0x183: {  	[hbm4b:s4+s3] =	stream.linear.scatter [tilespmem:s23], [sflag:$0x3], $0x400, $0x38;
	[tilespmem:$0xE400] =	vst v63  }
0x184: {  	s26 =	sadd.s32 s21, s29;
	s28 =	simm.s32 $0xB800  }
0x185: {  	[hbm4b:s26+s3] =	stream.linear.scatter [tilespmem:s28], [sflag:$0x3], $0x400, $0x38;
	[tilespmem:$0xE400] =	vst v63  }
0x186: {  	s7 =	sadd.s32 s21, s30;
	s8 =	simm.s32 $0xBC00  }
0x187: {  	[hbm4b:s7+s3] =	stream.linear.scatter [tilespmem:s8], [sflag:$0x3], $0x400, $0x38;
	[tilespmem:$0xE400] =	vst v63  }
0x188: {  	s22 =	sadd.s32 s21, s31;
	s23 =	simm.s32 $0xC000  }
0x189: {  	[hbm4b:s22+s3] =	stream.linear.scatter [tilespmem:s23], [sflag:$0x3], $0x400, $0x38;
	[tilespmem:$0xE400] =	vst v63  }
0x18a: {  	_ =	swait.ge [sflag:s1], $0x2000  }
0x18b: {  	[sflag:s1] =	ssyncset.done $0x0  }
0x18c: {  	s4 =	simm.s32 @!p0 $0x4;
	[sflag:s1] =	ssyncadd.s32 $0xFFFFE000  }
0x18d: {  	_ =	swait.ge @!p0 [sflag:s4], $0x400  }
0x18e: {  	[sflag:s4] =	ssyncset.done @!p0 $0x0  }
0x18f: {  	[sflag:s4] =	ssyncadd.s32 @!p0 $0xFFFFFC00  }
0x190: {  	_ =	swait.ge @!p0 [sflag:s4], $0x400  }
0x191: {  	[sflag:s4] =	ssyncset.done @!p0 $0x0  }
0x192: {  	[sflag:s4] =	ssyncadd.s32 @!p0 $0xFFFFFC00  }
0x193: {  	_ =	swait.ge @!p0 [sflag:s4], $0x400  }
0x194: {  	[sflag:s4] =	ssyncset.done @!p0 $0x0  }
0x195: {  	[sflag:s4] =	ssyncadd.s32 @!p0 $0xFFFFFC00  }
0x196: {  	_ =	swait.ge @!p0 [sflag:s4], $0x400  }
0x197: {  	[sflag:s4] =	ssyncset.done @!p0 $0x0  }
0x198: {  	[sflag:s4] =	ssyncadd.s32 @!p0 $0xFFFFFC00  }
0x199: {  	_ =	swait.ge @!p0 [sflag:s4], $0x400  }
0x19a: {  	[sflag:s4] =	ssyncset.done @!p0 $0x0  }
0x19b: {  	s26 =	simm.s32 $0x0;
	[sflag:s4] =	ssyncadd.s32 @!p0 $0xFFFFFC00  }
0x19c: {  	s8 =	sand.u32 $0x60, s26;
	_ =	swait.ge @!p0 [sflag:s4], $0x400  }
0x19d: {  	s7 =	sand.u32 $0x30, s26;
	s28 =	sor.u32 $0x10, s8;
	[sflag:s4] =	ssyncset.done @!p0 $0x0  }
0x19e: {  	v2 =	vor.u32 s7, v0;
	v3 =	vor.u32 s28, v0;
	[sflag:s4] =	ssyncadd.s32 @!p0 $0xFFFFFC00  }
0x19f: {  	v5 =	vand.u32 v4, v2;
	v35 =	vshll.u32 v3, $0x6;
	_ =	swait.ge @!p0 [sflag:s4], $0x400  }
0x1a0: {  	v7 =	vor.u32 v35, v5;
	[sflag:s4] =	ssyncset.done @!p0 $0x0  }
0x1a1: {  	[sflag:s4] =	ssyncadd.s32 @!p0 $0xFFFFFC00  }
0x1a2: {  	_ =	swait.ge @!p0 [sflag:s4], $0x400  }
0x1a3: {  	[sflag:s4] =	ssyncset.done @!p0 $0x0  }
0x1a4: {  	v9 =	vor.u32 s7, v16;
	v2 =	vshll.u32 v2, $0x7;
	v37 =	vand.u32 v24, v3;
	[sflag:s4] =	ssyncadd.s32 @!p0 $0xFFFFFC00  }
0x1a5: {  	v27 =	vor.u32 s8, v0;
	v11 =	vor.u32 v2, v37;
	v3 =	vld.idx.msk [tilespmem:v7+s17+$0x0], $0xffff;
	v7 =	vand.u32 v6, v9  }
0x1a6: {  	v34 =	vshll.u32 v27, $0x6;
	v26 =	vor.u32 v35, v7  }
0x1a7: {  	v5 =	vor.u32 v34, v5;
	_ =	sdelay $0x2  }
0x1a8: {  	[tilespmem:v11+s20+$0x0] =	vst.idx.msk $0xffff, v3;
	v3 =	vshll.u32 v9, $0x7;
	v9 =	vor.u32 s7, v17  }
0x1a9: {  	v36 =	vand.u32 v15, v27;
	v11 =	vld.idx.msk [tilespmem:v26+s17+$0x0], $0xffff;
	v26 =	vand.u32 v8, v9;
	v28 =	vor.u32 v3, v37  }
0x1aa: {  	v2 =	vor.u32 v2, v36;
	v5 =	vld.idx.msk [tilespmem:v5+s17+$0x0], $0xffff;
	v29 =	vor.u32 v35, v26  }
0x1ab: {  	v7 =	vor.u32 v34, v7;
	_ =	sdelay $0x2  }
0x1ac: {  	v9 =	vshll.u32 v9, $0x7;
	[tilespmem:v28+s20+$0x0] =	vst.idx.msk $0xffff, v11;
	v11 =	vor.u32 s7, v19  }
0x1ad: {  	[tilespmem:v2+s20+$0x0] =	vst.idx.msk $0xffff, v5;
	v27 =	vld.idx.msk [tilespmem:v29+s17+$0x0], $0xffff;
	v28 =	vand.u32 v10, v11;
	v29 =	vor.u32 v9, v37  }
0x1ae: {  	v2 =	vor.u32 v3, v36;
	v3 =	vld.idx.msk [tilespmem:v7+s17+$0x0], $0xffff;
	v30 =	vor.u32 v35, v28  }
0x1af: {  	v5 =	vor.u32 v34, v26;
	_ =	sdelay $0x2  }
0x1b0: {  	v7 =	vshll.u32 v11, $0x7;
	v11 =	vor.u32 s7, v20;
	[tilespmem:v29+s20+$0x0] =	vst.idx.msk $0xffff, v27  }
0x1b1: {  	[tilespmem:v2+s20+$0x0] =	vst.idx.msk $0xffff, v3;
	v27 =	vand.u32 v12, v11;
	v29 =	vor.u32 v7, v37;
	v26 =	vld.idx.msk [tilespmem:v30+s17+$0x0], $0xffff  }
0x1b2: {  	v2 =	vor.u32 v9, v36;
	v3 =	vld.idx.msk [tilespmem:v5+s17+$0x0], $0xffff;
	v30 =	vor.u32 v35, v27  }
0x1b3: {  	v5 =	vor.u32 v34, v28;
	_ =	sdelay $0x2  }
0x1b4: {  	v9 =	vshll.u32 v11, $0x7;
	v11 =	vor.u32 s7, v25;
	[tilespmem:v29+s20+$0x0] =	vst.idx.msk $0xffff, v26  }
0x1b5: {  	[tilespmem:v2+s20+$0x0] =	vst.idx.msk $0xffff, v3;
	v28 =	vand.u32 v13, v11;
	v29 =	vor.u32 v9, v37;
	v26 =	vld.idx.msk [tilespmem:v30+s17+$0x0], $0xffff  }
0x1b6: {  	v2 =	vor.u32 v7, v36;
	v3 =	vld.idx.msk [tilespmem:v5+s17+$0x0], $0xffff;
	v30 =	vor.u32 v35, v28  }
0x1b7: {  	v5 =	vor.u32 v34, v27  }
0x1b8: {  	s22 =	simm.s32 $0x4  }
0x1b9: {  	s8 =	simm.s32 $0x20;
	s22 =	sand.u32 $0x30, s22  }
0x1ba: {  	v45 =	vor.u32 s22, v0;
	s4 =	sand.u32 $0x60, s8;
	v7 =	vshll.u32 v11, $0x7;
	v11 =	vor.u32 s7, v21;
	[tilespmem:v29+s20+$0x0] =	vst.idx.msk $0xffff, v26  }
0x1bb: {  	s23 =	sor.u32 $0x10, s4;
	[tilespmem:v2+s20+$0x0] =	vst.idx.msk $0xffff, v3;
	v29 =	vand.u32 v14, v11;
	v26 =	vld.idx.msk [tilespmem:v30+s17+$0x0], $0xffff;
	v30 =	vor.u32 v7, v37  }
0x1bc: {  	v46 =	vor.u32 s23, v0;
	v3 =	vor.u32 v9, v36;
	v5 =	vld.idx.msk [tilespmem:v5+s17+$0x0], $0xffff;
	v31 =	vor.u32 v35, v29  }
0x1bd: {  	v47 =	vand.u32 v4, v45;
	v27 =	vshll.u32 v46, $0x6;
	v9 =	vor.u32 v34, v28  }
0x1be: {  	v49 =	vor.u32 s4, v0;
	v2 =	vor.u32 v27, v47  }
0x1bf: {  	v48 =	vor.u32 s7, v53;
	v57 =	vor.u32 s22, v16;
	v28 =	vshll.u32 v49, $0x6  }
0x1c0: {  	v32 =	vshll.u32 v45, $0x7;
	v58 =	vor.u32 v28, v47;
	v11 =	vshll.u32 v11, $0x7;
	[tilespmem:v30+s20+$0x0] =	vst.idx.msk $0xffff, v26  }
0x1c1: {  	[tilespmem:v3+s20+$0x0] =	vst.idx.msk $0xffff, v5;
	v50 =	vor.u32 v11, v37;
	v30 =	vand.u32 v18, v48;
	v31 =	vld.idx.msk [tilespmem:v31+s17+$0x0], $0xffff  }
0x1c2: {  	v5 =	vor.u32 v7, v36;
	v9 =	vld.idx.msk [tilespmem:v9+s17+$0x0], $0xffff;
	v26 =	vand.u32 v24, v46;
	v51 =	vor.u32 v35, v30  }
0x1c3: {  	v59 =	vand.u32 v6, v57;
	v2 =	vld.idx.msk [tilespmem:v2+s17+$0x0], $0xffff;
	v7 =	vor.u32 v34, v29;
	v60 =	vor.u32 v32, v26  }
0x1c4: {  	v62 =	vor.u32 s7, v1;
	v3 =	vor.u32 v27, v59  }
0x1c5: {  	v41 =	vand.u32 v4, v62;
	v38 =	vor.u32 v28, v59;
	v29 =	vand.u32 v15, v49  }
0x1c6: {  	v33 =	vld.idx.msk [tilespmem:v58+s17+$0x0], $0xffff;
	v32 =	vor.u32 v32, v29;
	[tilespmem:v50+s20+$0x0] =	vst.idx.msk $0xffff, v31;
	v31 =	vshll.u32 v48, $0x7  }
0x1c7: {  	v43 =	vshll.u32 v57, $0x7;
	v49 =	vor.u32 s22, v17;
	[tilespmem:v5+s20+$0x0] =	vst.idx.msk $0xffff, v9;
	v63 =	vld.idx.msk [tilespmem:v51+s17+$0x0], $0xffff;
	v48 =	vor.u32 v31, v37  }
0x1c8: {  	v9 =	vor.u32 v11, v36;
	v7 =	vld.idx.msk [tilespmem:v7+s17+$0x0], $0xffff;
	[tilespmem:v60+s20+$0x0] =	vst.idx.msk $0xffff, v2;
	v2 =	vor.u32 v35, v41  }
0x1c9: {  	v11 =	vor.u32 v34, v30;
	v50 =	vand.u32 v8, v49;
	v3 =	vld.idx.msk [tilespmem:v3+s17+$0x0], $0xffff;
	v51 =	vor.u32 v43, v26  }
0x1ca: {  	v39 =	vshll.u32 v62, $0x7;
	v5 =	vor.u32 v27, v50  }
0x1cb: {  	v57 =	vor.u32 s7, v55;
	v58 =	vor.u32 v39, v37;
	[tilespmem:v32+s20+$0x0] =	vst.idx.msk $0xffff, v33  }
0x1cc: {  	v30 =	vor.u32 v43, v29;
	v32 =	vand.u32 v6, v57;
	v38 =	vld.idx.msk [tilespmem:v38+s17+$0x0], $0xffff;
	[tilespmem:v48+s20+$0x0] =	vst.idx.msk $0xffff, v63  }
0x1cd: {  	v59 =	vshll.u32 v49, $0x7;
	v60 =	vor.u32 s22, v19;
	[tilespmem:v9+s20+$0x0] =	vst.idx.msk $0xffff, v7;
	v62 =	vor.u32 v28, v50;
	v2 =	vld.idx.msk [tilespmem:v2+s17+$0x0], $0xffff  }
0x1ce: {  	v9 =	vor.u32 v31, v36;
	v11 =	vld.idx.msk [tilespmem:v11+s17+$0x0], $0xffff;
	[tilespmem:v51+s20+$0x0] =	vst.idx.msk $0xffff, v3;
	v3 =	vor.u32 v35, v32  }
0x1cf: {  	v31 =	vor.u32 v34, v41;
	v63 =	vand.u32 v10, v60;
	v48 =	vor.u32 v59, v26;
	v5 =	vld.idx.msk [tilespmem:v5+s17+$0x0], $0xffff  }
0x1d0: {  	v7 =	vor.u32 v27, v63  }
0x1d1: {  	v49 =	vor.u32 v59, v29;
	v50 =	vor.u32 s7, v54;
	[tilespmem:v30+s20+$0x0] =	vst.idx.msk $0xffff, v38  }
0x1d2: {  	v30 =	vand.u32 v8, v50;
	v54 =	vld.idx.msk [tilespmem:v62+s17+$0x0], $0xffff;
	[tilespmem:v58+s20+$0x0] =	vst.idx.msk $0xffff, v2;
	v2 =	vshll.u32 v57, $0x7  }
0x1d3: {  	[tilespmem:v9+s20+$0x0] =	vst.idx.msk $0xffff, v11;
	v11 =	vor.u32 v39, v36;
	v3 =	vld.idx.msk [tilespmem:v3+s17+$0x0], $0xffff;
	v51 =	vor.u32 v2, v37  }
0x1d4: {  	v55 =	vshll.u32 v60, $0x7;
	v31 =	vld.idx.msk [tilespmem:v31+s17+$0x0], $0xffff;
	[tilespmem:v48+s20+$0x0] =	vst.idx.msk $0xffff, v5;
	v5 =	vor.u32 v35, v30;
	v57 =	vor.u32 s22, v20  }
0x1d5: {  	v60 =	vor.u32 v55, v26;
	v58 =	vor.u32 v28, v63;
	v7 =	vld.idx.msk [tilespmem:v7+s17+$0x0], $0xffff;
	v59 =	vand.u32 v12, v57  }
0x1d6: {  	v47 =	vor.u32 s22, v53;
	v9 =	vor.u32 v27, v59  }
0x1d7: {  	v53 =	vand.u32 v18, v47;
	v32 =	vor.u32 v34, v32;
	[tilespmem:v49+s20+$0x0] =	vst.idx.msk $0xffff, v54  }
0x1d8: {  	v62 =	vor.u32 v55, v29;
	v63 =	vor.u32 s7, v52;
	[tilespmem:v51+s20+$0x0] =	vst.idx.msk $0xffff, v3;
	v3 =	vshll.u32 v50, $0x7  }
0x1d9: {  	[tilespmem:v11+s20+$0x0] =	vst.idx.msk $0xffff, v31;
	v38 =	vand.u32 v10, v63;
	v5 =	vld.idx.msk [tilespmem:v5+s17+$0x0], $0xffff;
	v48 =	vor.u32 v3, v37  }
0x1da: {  	s4 =	simm.s32 $0x8;
	v49 =	vshll.u32 v57, $0x7;
	v41 =	vld.idx.msk [tilespmem:v58+s17+$0x0], $0xffff;
	[tilespmem:v60+s20+$0x0] =	vst.idx.msk $0xffff, v7;
	v7 =	vor.u32 v35, v38;
	v51 =	vor.u32 s22, v25  }
0x1db: {  	s23 =	sand.u32 $0x30, s4;
	v52 =	vor.u32 v49, v26;
	v50 =	vor.u32 v28, v59;
	v9 =	vld.idx.msk [tilespmem:v9+s17+$0x0], $0xffff;
	v11 =	vand.u32 v13, v51  }
0x1dc: {  	v46 =	vor.u32 s23, v0;
	v55 =	vor.u32 s7, v61;
	v54 =	vor.u32 v27, v11  }
0x1dd: {  	v43 =	vor.u32 s22, v21;
	v39 =	vshll.u32 v55, $0x7;
	v2 =	vor.u32 v2, v36;
	v31 =	vld.idx.msk [tilespmem:v32+s17+$0x0], $0xffff  }
0x1de: {  	v30 =	vor.u32 v34, v30;
	v42 =	vor.u32 v49, v29;
	[tilespmem:v48+s20+$0x0] =	vst.idx.msk $0xffff, v5;
	v5 =	vshll.u32 v63, $0x7  }
0x1df: {  	s26 =	simm.s32 $0x40;
	v60 =	vand.u32 v14, v43;
	[tilespmem:v62+s20+$0x0] =	vst.idx.msk $0xffff, v41;
	v7 =	vld.idx.msk [tilespmem:v7+s17+$0x0], $0xffff;
	v33 =	vor.u32 v5, v37  }
0x1e0: {  	s28 =	sand.u32 $0x60, s26;
	v57 =	vor.u32 s7, v23;
	v41 =	vand.u32 v12, v55;
	v58 =	vld.idx.msk [tilespmem:v50+s17+$0x0], $0xffff;
	[tilespmem:v52+s20+$0x0] =	vst.idx.msk $0xffff, v9;
	v9 =	vshll.u32 v51, $0x7  }
0x1e1: {  	s8 =	sor.u32 $0x10, s28;
	v59 =	vor.u32 v35, v41;
	v45 =	vor.u32 v9, v29;
	v32 =	vld.idx.msk [tilespmem:v54+s17+$0x0], $0xffff;
	v9 =	vor.u32 v9, v26  }
0x1e2: {  	v49 =	vor.u32 s8, v0;
	[tilespmem:v2+s20+$0x0] =	vst.idx.msk $0xffff, v31;
	v43 =	vshll.u32 v43, $0x7;
	v2 =	vor.u32 v27, v60  }
0x1e3: {  	v3 =	vor.u32 v3, v36;
	v11 =	vor.u32 v28, v11;
	v62 =	vor.u32 s28, v0  }
0x1e4: {  	v31 =	vshll.u32 v62, $0x6;
	[tilespmem:v33+s20+$0x0] =	vst.idx.msk $0xffff, v7;
	v7 =	vand.u32 v4, v46;
	v33 =	vshll.u32 v49, $0x6  }
0x1e5: {  	v63 =	vld.idx.msk [tilespmem:v30+s17+$0x0], $0xffff;
	[tilespmem:v42+s20+$0x0] =	vst.idx.msk $0xffff, v58;
	v42 =	vand.u32 v13, v57;
	v58 =	vor.u32 v33, v7  }
0x1e6: {  	[tilespmem:v9+s20+$0x0] =	vst.idx.msk $0xffff, v32;
	v44 =	vld.idx.msk [tilespmem:v59+s17+$0x0], $0xffff;
	v59 =	vor.u32 v39, v37;
	v7 =	vor.u32 v31, v7  }
0x1e7: {  	v48 =	vor.u32 v28, v60;
	v60 =	vor.u32 v43, v26;
	v9 =	vor.u32 v35, v42;
	v2 =	vld.idx.msk [tilespmem:v2+s17+$0x0], $0xffff  }
0x1e8: {  	v30 =	vand.u32 v15, v62;
	v62 =	vor.u32 v27, v53;
	v11 =	vld.idx.msk [tilespmem:v11+s17+$0x0], $0xffff  }
0x1e9: {  	v46 =	vshll.u32 v46, $0x7;
	v32 =	vand.u32 v24, v49  }
0x1ea: {  	v47 =	vshll.u32 v47, $0x7;
	v50 =	vor.u32 s7, v56;
	[tilespmem:v3+s20+$0x0] =	vst.idx.msk $0xffff, v63;
	v49 =	vor.u32 v46, v32;
	v40 =	vld.idx.msk [tilespmem:v58+s17+$0x0], $0xffff  }
0x1eb: {  	v51 =	vshll.u32 v57, $0x7;
	v3 =	vor.u32 s23, v16;
	v46 =	vor.u32 v46, v30;
	[tilespmem:v59+s20+$0x0] =	vst.idx.msk $0xffff, v44;
	v7 =	vld.idx.msk [tilespmem:v7+s17+$0x0], $0xffff  }
0x1ec: {  	v57 =	vor.u32 v51, v37;
	v44 =	vand.u32 v6, v3;
	[tilespmem:v60+s20+$0x0] =	vst.idx.msk $0xffff, v2;
	v9 =	vld.idx.msk [tilespmem:v9+s17+$0x0], $0xffff  }
0x1ed: {  	[tilespmem:v45+s20+$0x0] =	vst.idx.msk $0xffff, v11;
	v60 =	vor.u32 v47, v26;
	v63 =	vor.u32 v33, v44;
	v11 =	vld.idx.msk [tilespmem:v62+s17+$0x0], $0xffff  }
0x1ee: {  	v56 =	vand.u32 v14, v50;
	v54 =	vor.u32 s22, v1  }
0x1ef: {  	v45 =	vand.u32 v4, v54;
	v2 =	vor.u32 v35, v56;
	[tilespmem:v49+s20+$0x0] =	vst.idx.msk $0xffff, v40  }
0x1f0: {  	v43 =	vor.u32 v43, v29;
	v48 =	vld.idx.msk [tilespmem:v48+s17+$0x0], $0xffff;
	v62 =	vor.u32 v27, v45;
	[tilespmem:v46+s20+$0x0] =	vst.idx.msk $0xffff, v7  }
0x1f1: {  	v53 =	vor.u32 v28, v53;
	v3 =	vshll.u32 v3, $0x7;
	[tilespmem:v57+s20+$0x0] =	vst.idx.msk $0xffff, v9  }
0x1f2: {  	v44 =	vor.u32 v31, v44;
	v52 =	vld.idx.msk [tilespmem:v63+s17+$0x0], $0xffff;
	v9 =	vor.u32 v3, v32;
	[tilespmem:v60+s20+$0x0] =	vst.idx.msk $0xffff, v11  }
0x1f3: {  	v50 =	vshll.u32 v50, $0x7;
	v7 =	vld [tilespmem:$0x1FFB0]  }
0x1f4: {  	v54 =	vshll.u32 v54, $0x7;
	v59 =	vor.u32 v50, v37;
	v2 =	vld.idx.msk [tilespmem:v2+s17+$0x0], $0xffff  }
0x1f5: {  	v49 =	vor.u32 s23, v17;
	v60 =	vor.u32 v54, v26;
	v40 =	vld.idx.msk [tilespmem:v62+s17+$0x0], $0xffff;
	[tilespmem:v43+s20+$0x0] =	vst.idx.msk $0xffff, v48  }
0x1f6: {  	v47 =	vor.u32 v47, v29;
	v63 =	vand.u32 v8, v49;
	v57 =	vld.idx.msk [tilespmem:v53+s17+$0x0], $0xffff  }
0x1f7: {  	v3 =	vor.u32 v3, v30;
	v11 =	vor.u32 v33, v63;
	[tilespmem:v9+s20+$0x0] =	vst.idx.msk $0xffff, v52;
	v9 =	vld.idx.msk [tilespmem:v44+s17+$0x0], $0xffff  }
0x1f8: {  	v7 =	vor.u32 s22, v7  }
0x1f9: {  	v38 =	vor.u32 v34, v38;
	[tilespmem:v59+s20+$0x0] =	vst.idx.msk $0xffff, v2;
	v43 =	vand.u32 v6, v7  }
0x1fa: {  	[tilespmem:v60+s20+$0x0] =	vst.idx.msk $0xffff, v40;
	v62 =	vor.u32 v27, v43  }
0x1fb: {  	v63 =	vor.u32 v31, v63;
	[tilespmem:v47+s20+$0x0] =	vst.idx.msk $0xffff, v57  }
0x1fc: {  	v49 =	vshll.u32 v49, $0x7;
	v11 =	vld.idx.msk [tilespmem:v11+s17+$0x0], $0xffff;
	[tilespmem:v3+s20+$0x0] =	vst.idx.msk $0xffff, v9  }
0x1fd: {  	v5 =	vor.u32 v5, v36;
	v58 =	vor.u32 v49, v32;
	v2 =	vor.u32 s23, v19;
	v47 =	vld [tilespmem:$0x1FF40]  }
0x1fe: {  	v38 =	vld.idx.msk [tilespmem:v38+s17+$0x0], $0xffff;
	v45 =	vor.u32 v28, v45;
	v59 =	vand.u32 v10, v2;
	v7 =	vshll.u32 v7, $0x7  }
0x1ff: {  	v60 =	vor.u32 v33, v59;
	v9 =	vor.u32 v7, v26;
	v3 =	vld.idx.msk [tilespmem:v62+s17+$0x0], $0xffff  }
0x200: {  	v41 =	vor.u32 v34, v41;
	v48 =	vld.idx.msk [tilespmem:v63+s17+$0x0], $0xffff;
	v62 =	vor.u32 v49, v30;
	_ =	sdelay $0x1  }
0x201: {  	v2 =	vshll.u32 v2, $0x7;
	[tilespmem:v58+s20+$0x0] =	vst.idx.msk $0xffff, v11;
	v47 =	vor.u32 s22, v47  }
0x202: {  	v45 =	vld.idx.msk [tilespmem:v45+s17+$0x0], $0xffff;
	v63 =	vor.u32 v54, v29;
	[tilespmem:v5+s20+$0x0] =	vst.idx.msk $0xffff, v38;
	v11 =	vand.u32 v8, v47  }
0x203: {  	v58 =	vor.u32 v2, v32;
	v5 =	vld.idx.msk [tilespmem:v60+s17+$0x0], $0xffff;
	v57 =	vor.u32 v27, v11;
	[tilespmem:v9+s20+$0x0] =	vst.idx.msk $0xffff, v3  }
0x204: {  	v39 =	vor.u32 v39, v36;
	v3 =	vor.u32 v31, v59;
	[tilespmem:v62+s20+$0x0] =	vst.idx.msk $0xffff, v48;
	v59 =	vld.idx.msk [tilespmem:v41+s17+$0x0], $0xffff  }
0x205: {  	v9 =	vld [tilespmem:$0x1FFE0];
	_ =	sdelay $0x1  }
0x206: {  	v43 =	vor.u32 v28, v43;
	v41 =	vshll.u32 v47, $0x7;
	[tilespmem:v63+s20+$0x0] =	vst.idx.msk $0xffff, v45  }
0x207: {  	v60 =	vor.u32 s23, v20;
	v47 =	vor.u32 v41, v26;
	[tilespmem:v58+s20+$0x0] =	vst.idx.msk $0xffff, v5;
	v62 =	vld.idx.msk [tilespmem:v57+s17+$0x0], $0xffff  }
0x208: {  	v2 =	vor.u32 v2, v30;
	v5 =	vand.u32 v12, v60;
	v3 =	vld.idx.msk [tilespmem:v3+s17+$0x0], $0xffff;
	[tilespmem:v39+s20+$0x0] =	vst.idx.msk $0xffff, v59  }
0x209: {  	v42 =	vor.u32 v34, v42;
	v63 =	vor.u32 v33, v5;
	v9 =	vor.u32 s7, v9;
	v55 =	vld [tilespmem:$0x1FF50]  }
0x20a: {  	v40 =	vor.u32 v51, v36;
	v7 =	vor.u32 v7, v29;
	v44 =	vand.u32 v18, v9  }
0x20b: {  	v11 =	vor.u32 v28, v11;
	v5 =	vor.u32 v31, v5;
	v35 =	vor.u32 v35, v44  }
0x20c: {  	v60 =	vshll.u32 v60, $0x7;
	v58 =	vld.idx.msk [tilespmem:v43+s17+$0x0], $0xffff;
	v39 =	vor.u32 v34, v56;
	v9 =	vshll.u32 v9, $0x7;
	[tilespmem:v47+s20+$0x0] =	vst.idx.msk $0xffff, v62  }
0x20d: {  	v53 =	vor.u32 v9, v37;
	v38 =	vor.u32 v34, v44;
	[tilespmem:v2+s20+$0x0] =	vst.idx.msk $0xffff, v3;
	v2 =	vor.u32 s23, v25  }
0x20e: {  	v3 =	vld.idx.msk [tilespmem:v63+s17+$0x0], $0xffff;
	v62 =	vor.u32 v60, v32;
	v48 =	vor.u32 s22, v55;
	v63 =	vand.u32 v13, v2  }
0x20f: {  	v34 =	vor.u32 v9, v36;
	v57 =	vand.u32 v10, v48;
	v9 =	vor.u32 v33, v63  }
0x210: {  	v45 =	vor.u32 v41, v29;
	v51 =	vor.u32 v60, v30;
	v59 =	vor.u32 v27, v57;
	v55 =	vld.idx.msk [tilespmem:v35+s17+$0x0], $0xffff  }
0x211: {  	v46 =	vor.u32 s22, v61;
	v43 =	vld.idx.msk [tilespmem:v42+s17+$0x0], $0xffff;
	[tilespmem:v7+s20+$0x0] =	vst.idx.msk $0xffff, v58;
	v58 =	vmov v15;
	v37 =	vor.u32 v50, v36  }
0x212: {  	v60 =	vmovc v17;
	v52 =	vld.idx.msk [tilespmem:v5+s17+$0x0], $0xffff;
	v5 =	vand.u32 v12, v46;
	v50 =	vor.u32 v31, v63;
	v7 =	vshll.u32 v48, $0x7  }
0x213: {  	v48 =	vld.idx.msk [tilespmem:v11+s17+$0x0], $0xffff;
	v42 =	vor.u32 v27, v5;
	v36 =	vor.u32 v28, v5;
	[tilespmem:v62+s20+$0x0] =	vst.idx.msk $0xffff, v3  }
0x214: {  	v44 =	vor.u32 v28, v57;
	v49 =	vor.u32 v7, v26;
	v35 =	vor.u32 v7, v29;
	v54 =	vld.idx.msk [tilespmem:v9+s17+$0x0], $0xffff  }
0x215: {  	s8 =	simm.s32 $0x60;
	s7 =	simm.s32 $0x4;
	v63 =	vmovc v23;
	v62 =	vmov v16;
	v47 =	vld.idx.msk [tilespmem:v59+s17+$0x0], $0xffff;
	[tilespmem:v53+s20+$0x0] =	vst.idx.msk $0xffff, v55;
	v55 =	vshll.u32 v2, $0x7;
	v53 =	vor.u32 s23, v21  }
.LBB2_7:
0x216: {  	v2 =	vor.u32 v55, v30  }
0x217: {  	s28 =	sand.u32 $0x60, s8;
	v3 =	vand.u32 v14, v53;
	v5 =	vor.u32 v55, v32;
	s4 =	sadd.s32 $0x4, s4;
	v46 =	vshll.u32 v46, $0x7  }
0x218: {  	s26 =	sand.u32 $0x30, s4;
	v7 =	vor.u32 s28, v0;
	s28 =	sor.u32 $0x10, s28;
	v9 =	vor.u32 v31, v3;
	v3 =	vor.u32 v33, v3  }
0x219: {  	v15 =	vld [tilespmem:$0x1FF30];
	v56 =	vor.u32 v46, v26;
	[tilespmem:v40+s20+$0x0] =	vst.idx.msk $0xffff, v43;
	v11 =	vor.u32 s26, v0;
	v40 =	vor.u32 s28, v0  }
0x21a: {  	v43 =	vor.u32 s22, v63;
	[tilespmem:v49+s20+$0x0] =	vst.idx.msk $0xffff, v47;
	v47 =	vld.idx.msk [tilespmem:v39+s17+$0x0], $0xffff;
	v39 =	vand.u32 v4, v11;
	v49 =	vshll.u32 v40, $0x6  }
0x21b: {  	v41 =	vand.u32 v58, v7;
	[tilespmem:v51+s20+$0x0] =	vst.idx.msk $0xffff, v52;
	v51 =	vld.idx.msk [tilespmem:v42+s17+$0x0], $0xffff;
	v61 =	vor.u32 v49, v39  }
0x21c: {  	v57 =	vshll.u32 v53, $0x7;
	v55 =	vand.u32 v13, v43;
	v50 =	vld.idx.msk [tilespmem:v50+s17+$0x0], $0xffff;
	v42 =	vshll.u32 v7, $0x6;
	[tilespmem:v45+s20+$0x0] =	vst.idx.msk $0xffff, v48  }
0x21d: {  	[tilespmem:v5+s20+$0x0] =	vst.idx.msk $0xffff, v54;
	v5 =	vor.u32 v27, v55;
	v7 =	vor.u32 v42, v39;
	v39 =	vld.idx.msk [tilespmem:v44+s17+$0x0], $0xffff  }
0x21e: {  	v11 =	vshll.u32 v11, $0x7;
	v40 =	vand.u32 v24, v40;
	v53 =	vor.u32 s23, v15;
	v15 =	vld [tilespmem:$0x1FFD0]  }
0x21f: {  	v45 =	vor.u32 v57, v30;
	v52 =	vor.u32 v11, v40;
	v54 =	vor.u32 v57, v32;
	v3 =	vld.idx.msk [tilespmem:v3+s17+$0x0], $0xffff  }
0x220: {  	v43 =	vshll.u32 v43, $0x7;
	v59 =	vand.u32 v18, v53;
	[tilespmem:v37+s20+$0x0] =	vst.idx.msk $0xffff, v47;
	v37 =	vor.u32 s26, v62;
	v47 =	vld.idx.msk [tilespmem:v61+s17+$0x0], $0xffff  }
0x221: {  	v48 =	vor.u32 v33, v59;
	[tilespmem:v56+s20+$0x0] =	vst.idx.msk $0xffff, v51;
	v61 =	vand.u32 v6, v37;
	v38 =	vld.idx.msk [tilespmem:v38+s17+$0x0], $0xffff  }
0x222: {  	v44 =	vor.u32 v31, v59;
	v59 =	vor.u32 v43, v26;
	v5 =	vld.idx.msk [tilespmem:v5+s17+$0x0], $0xffff;
	v56 =	vor.u32 v49, v61  }
0x223: {  	v17 =	vmovc v60;
	v11 =	vor.u32 v11, v41;
	v57 =	vor.u32 s22, v15;
	v7 =	vld.idx.msk [tilespmem:v7+s17+$0x0], $0xffff;
	v51 =	vor.u32 v42, v61  }
0x224: {  	v15 =	vmovc v58;
	[tilespmem:v2+s20+$0x0] =	vst.idx.msk $0xffff, v50;
	v2 =	vshll.u32 v53, $0x7;
	v50 =	vor.u32 s23, v1;
	v58 =	vand.u32 v14, v57  }
0x225: {  	[tilespmem:v54+s20+$0x0] =	vst.idx.msk $0xffff, v3;
	v9 =	vld.idx.msk [tilespmem:v9+s17+$0x0], $0xffff;
	v53 =	vor.u32 v2, v30;
	v61 =	vand.u32 v4, v50  }
0x226: {  	v2 =	vor.u32 v2, v32;
	v3 =	vor.u32 v27, v58;
	v48 =	vld.idx.msk [tilespmem:v48+s17+$0x0], $0xffff;
	[tilespmem:v52+s20+$0x0] =	vst.idx.msk $0xffff, v47  }
0x227: {  	v37 =	vshll.u32 v37, $0x7;
	v54 =	vor.u32 s26, v60;
	v52 =	vor.u32 v33, v61;
	v56 =	vld.idx.msk [tilespmem:v56+s17+$0x0], $0xffff;
	[tilespmem:v59+s20+$0x0] =	vst.idx.msk $0xffff, v5  }
0x228: {  	v60 =	vor.u32 s22, v22;
	v5 =	vand.u32 v8, v54;
	v59 =	vor.u32 v37, v40;
	[tilespmem:v11+s20+$0x0] =	vst.idx.msk $0xffff, v7;
	v11 =	vld [tilespmem:$0x1FFB0]  }
0x229: {  	v16 =	vmovc v62;
	v57 =	vshll.u32 v57, $0x7;
	v47 =	vor.u32 v31, v61;
	v61 =	vor.u32 v49, v5  }
0x22a: {  	v23 =	vmovc v63;
	v62 =	vand.u32 v18, v60;
	v37 =	vor.u32 v37, v41;
	v7 =	vshll.u32 v50, $0x7;
	v50 =	vld.idx.msk [tilespmem:v51+s17+$0x0], $0xffff  }
0x22b: {  	v63 =	vor.u32 v57, v26;
	v5 =	vor.u32 v42, v5;
	[tilespmem:v45+s20+$0x0] =	vst.idx.msk $0xffff, v9;
	v3 =	vld.idx.msk [tilespmem:v3+s17+$0x0], $0xffff  }
0x22c: {  	v46 =	vor.u32 v46, v29;
	s22 =	smov.u32 s23;
	[tilespmem:v2+s20+$0x0] =	vst.idx.msk $0xffff, v48;
	v2 =	vor.u32 v27, v62;
	v44 =	vld.idx.msk [tilespmem:v44+s17+$0x0], $0xffff  }
0x22d: {  	v45 =	vor.u32 v7, v32;
	v48 =	vld.idx.msk [tilespmem:v52+s17+$0x0], $0xffff;
	v11 =	vor.u32 s22, v11;
	[tilespmem:v59+s20+$0x0] =	vst.idx.msk $0xffff, v56  }
0x22e: {  	s23 =	smov.u32 s26;
	v60 =	vshll.u32 v60, $0x7;
	v7 =	vor.u32 v7, v30;
	v27 =	vmovc v33;
	v9 =	vand.u32 v6, v11;
	v56 =	vld.idx.msk [tilespmem:v61+s17+$0x0], $0xffff  }
0x22f: {  	v33 =	vmovc v49;
	v52 =	vshll.u32 v54, $0x7;
	v54 =	vor.u32 s23, v19;
	[tilespmem:v37+s20+$0x0] =	vst.idx.msk $0xffff, v50;
	v50 =	vld [tilespmem:$0x1FF40];
	v51 =	vor.u32 v27, v9  }
0x230: {  	v59 =	vor.u32 v52, v40;
	v49 =	vor.u32 v52, v41;
	[tilespmem:v63+s20+$0x0] =	vst.idx.msk $0xffff, v3;
	v5 =	vld.idx.msk [tilespmem:v5+s17+$0x0], $0xffff  }
0x231: {  	v61 =	vor.u32 v60, v26;
	v3 =	vand.u32 v10, v54;
	[tilespmem:v53+s20+$0x0] =	vst.idx.msk $0xffff, v44;
	v2 =	vld.idx.msk [tilespmem:v2+s17+$0x0], $0xffff  }
0x232: {  	v26 =	vmov v32;
	v52 =	vor.u32 v33, v3;
	v47 =	vld.idx.msk [tilespmem:v47+s17+$0x0], $0xffff;
	[tilespmem:v35+s20+$0x0] =	vst.idx.msk $0xffff, v39  }
0x233: {  	v11 =	vshll.u32 v11, $0x7;
	v9 =	vor.u32 v31, v9;
	v3 =	vor.u32 v42, v3;
	[tilespmem:v45+s20+$0x0] =	vst.idx.msk $0xffff, v48  }
0x234: {  	v32 =	vmovc v40;
	v39 =	vor.u32 v28, v58;
	v48 =	vor.u32 v28, v55;
	v37 =	vor.u32 s22, v50;
	v40 =	vld.idx.msk [tilespmem:v51+s17+$0x0], $0xffff  }
0x235: {  	v53 =	vor.u32 s23, v20;
	v45 =	vor.u32 v11, v26;
	v44 =	vand.u32 v8, v37;
	[tilespmem:v59+s20+$0x0] =	vst.idx.msk $0xffff, v56;
	v56 =	vld [tilespmem:$0x1FF50]  }
0x236: {  	v11 =	vor.u32 v11, v30;
	v35 =	vld.idx.msk [tilespmem:v36+s17+$0x0], $0xffff;
	[tilespmem:v49+s20+$0x0] =	vst.idx.msk $0xffff, v5;
	v50 =	vor.u32 v27, v44  }
0x237: {  	v51 =	vshll.u32 v54, $0x7;
	v5 =	vshll.u32 v37, $0x7;
	v37 =	vor.u32 v57, v29;
	v52 =	vld.idx.msk [tilespmem:v52+s17+$0x0], $0xffff;
	[tilespmem:v61+s20+$0x0] =	vst.idx.msk $0xffff, v2  }
0x238: {  	v59 =	vld [tilespmem:$0x1FFA0];
	v2 =	vor.u32 v51, v41;
	v61 =	vand.u32 v12, v53;
	v51 =	vor.u32 v51, v32  }
0x239: {  	v54 =	vor.u32 v31, v44;
	v3 =	vld.idx.msk [tilespmem:v3+s17+$0x0], $0xffff;
	[tilespmem:v7+s20+$0x0] =	vst.idx.msk $0xffff, v47;
	v44 =	vor.u32 v33, v61  }
0x23a: {  	v63 =	vmov v23;
	v47 =	vor.u32 v5, v26;
	v9 =	vld.idx.msk [tilespmem:v9+s17+$0x0], $0xffff;
	[tilespmem:v45+s20+$0x0] =	vst.idx.msk $0xffff, v40;
	v36 =	vor.u32 s22, v56  }
0x23b: {  	v55 =	vor.u32 v42, v61;
	v40 =	vor.u32 v43, v29;
	v43 =	vld.idx.msk [tilespmem:v50+s17+$0x0], $0xffff;
	v7 =	vand.u32 v10, v36  }
0x23c: {  	v61 =	vshll.u32 v53, $0x7;
	[tilespmem:v34+s20+$0x0] =	vst.idx.msk $0xffff, v38;
	v45 =	vor.u32 v5, v30;
	v5 =	vor.u32 v27, v7  }
0x23d: {  	v53 =	vor.u32 s23, v25;
	v38 =	vor.u32 v28, v62;
	v34 =	vor.u32 v60, v29;
	[tilespmem:v51+s20+$0x0] =	vst.idx.msk $0xffff, v52  }
0x23e: {  	s7 =	sadd.s32 $0x2, s7;
	v57 =	vor.u32 v61, v32;
	v56 =	vld.idx.msk [tilespmem:v44+s17+$0x0], $0xffff;
	v44 =	vor.u32 v31, v7;
	v7 =	vand.u32 v13, v53  }
0x23f: {  	p0 =	slt.u32 s7, $0x1E;
	v58 =	vmov v15;
	[tilespmem:v46+s20+$0x0] =	vst.idx.msk $0xffff, v35;
	v50 =	vor.u32 v42, v7;
	v7 =	vor.u32 v33, v7  }
.Ltmp2:
0x240: {  	v62 =	vmovc v16;
	v60 =	vmov v17;
	v28 =	vmov v31;
	v46 =	vor.u32 s22, v59;
	[tilespmem:v47+s20+$0x0] =	vst.idx.msk $0xffff, v43;
	v43 =	vld.idx.msk [tilespmem:v48+s17+$0x0], $0xffff;
	(pc) =	sbr.rel @p0 .LBB2_7-.Ltmp2, $4  }
0x241: {  	v51 =	vor.u32 v61, v41;
	v31 =	vmov v42;
	[tilespmem:v2+s20+$0x0] =	vst.idx.msk $0xffff, v3;
	v2 =	vshll.u32 v36, $0x7;
	v47 =	vld.idx.msk [tilespmem:v5+s17+$0x0], $0xffff  }
0x242: {  	v3 =	vand.u32 v12, v46;
	v52 =	vld.idx.msk [tilespmem:v55+s17+$0x0], $0xffff;
	[tilespmem:v11+s20+$0x0] =	vst.idx.msk $0xffff, v9;
	v49 =	vor.u32 v2, v26  }
0x243: {  	[tilespmem:v57+s20+$0x0] =	vst.idx.msk $0xffff, v56;
	v35 =	vor.u32 v2, v30;
	v42 =	vor.u32 v27, v3;
	v48 =	vld.idx.msk [tilespmem:v54+s17+$0x0], $0xffff  }
0x244: {  	s8 =	sadd.s32 $0x20, s8;
	v29 =	vmovc v30;
	v55 =	vshll.u32 v53, $0x7;
	v53 =	vor.u32 s23, v21;
	v36 =	vor.u32 v28, v3;
	v30 =	vmovc v41;
	v54 =	vld.idx.msk [tilespmem:v7+s17+$0x0], $0xffff  }
0x245: {  	v3 =	vor.u32 v55, v32;
	_ =	sdelay $0x3  }
0x246: {  	[tilespmem:v51+s20+$0x0] =	vst.idx.msk $0xffff, v52  }
0x247: {  	[tilespmem:v3+s20+$0x0] =	vst.idx.msk $0xffff, v54  }
0x248: {  	v2 =	vand.u32 v14, v53;
	v0 =	vld [tilespmem:$0x1FF30]  }
0x249: {  	v5 =	vor.u32 v33, v2;
	_ =	sdelay $0x3  }
0x24a: {  	v7 =	vor.u32 v55, v30;
	v9 =	vld.idx.msk [tilespmem:v50+s17+$0x0], $0xffff;
	v3 =	vshll.u32 v53, $0x7;
	v11 =	vor.u32 s23, v0  }
0x24b: {  	v2 =	vor.u32 v31, v2;
	v5 =	vld.idx.msk [tilespmem:v5+s17+$0x0], $0xffff;
	v56 =	vor.u32 v3, v32;
	v41 =	vand.u32 v18, v11  }
0x24c: {  	v57 =	vor.u32 v33, v41;
	_ =	sdelay $0x2  }
0x24d: {  	[tilespmem:v7+s20+$0x0] =	vst.idx.msk $0xffff, v9  }
0x24e: {  	v3 =	vor.u32 v3, v30;
	v2 =	vld.idx.msk [tilespmem:v2+s17+$0x0], $0xffff;
	[tilespmem:v56+s20+$0x0] =	vst.idx.msk $0xffff, v5;
	v5 =	vshll.u32 v11, $0x7  }
0x24f: {  	v54 =	vor.u32 v5, v32;
	v11 =	vld.idx.msk [tilespmem:v57+s17+$0x0], $0xffff;
	_ =	sdelay $0x3  }
0x250: {  	v9 =	vor.u32 s23, v1;
	[tilespmem:v3+s20+$0x0] =	vst.idx.msk $0xffff, v2  }
0x251: {  	v61 =	vand.u32 v4, v9;
	v7 =	vor.u32 v31, v41;
	[tilespmem:v54+s20+$0x0] =	vst.idx.msk $0xffff, v11  }
0x252: {  	v55 =	vor.u32 v33, v61;
	v0 =	vld [tilespmem:$0x1FFB0];
	_ =	sdelay $0x3  }
0x253: {  	v2 =	vor.u32 v5, v30;
	v3 =	vld.idx.msk [tilespmem:v7+s17+$0x0], $0xffff;
	v7 =	vshll.u32 v9, $0x7  }
0x254: {  	v5 =	vor.u32 v31, v61;
	v57 =	vor.u32 v7, v32;
	v11 =	vld.idx.msk [tilespmem:v55+s17+$0x0], $0xffff;
	v9 =	vor.u32 s23, v0  }
0x255: {  	v56 =	vand.u32 v6, v9  }
0x256: {  	v61 =	vor.u32 v33, v56;
	_ =	sdelay $0x1  }
0x257: {  	[tilespmem:v2+s20+$0x0] =	vst.idx.msk $0xffff, v3  }
0x258: {  	v3 =	vld.idx.msk [tilespmem:v5+s17+$0x0], $0xffff;
	[tilespmem:v57+s20+$0x0] =	vst.idx.msk $0xffff, v11  }
0x259: {  	v2 =	vor.u32 v7, v30;
	v7 =	vshll.u32 v9, $0x7;
	v0 =	vld [tilespmem:$0x1FF40]  }
0x25a: {  	v55 =	vor.u32 v7, v32;
	v11 =	vld.idx.msk [tilespmem:v61+s17+$0x0], $0xffff;
	_ =	sdelay $0x1  }
0x25b: {  	v5 =	vor.u32 v31, v56;
	_ =	sdelay $0x1  }
0x25c: {  	[tilespmem:v2+s20+$0x0] =	vst.idx.msk $0xffff, v3  }
0x25d: {  	v9 =	vor.u32 s23, v0;
	[tilespmem:v55+s20+$0x0] =	vst.idx.msk $0xffff, v11  }
0x25e: {  	v54 =	vand.u32 v8, v9;
	v0 =	vld [tilespmem:$0x1FF50]  }
0x25f: {  	v2 =	vor.u32 v7, v30;
	v3 =	vld.idx.msk [tilespmem:v5+s17+$0x0], $0xffff;
	v56 =	vor.u32 v33, v54  }
0x260: {  	v5 =	vor.u32 v31, v54;
	_ =	sdelay $0x2  }
0x261: {  	v7 =	vshll.u32 v9, $0x7;
	v9 =	vor.u32 s23, v0  }
0x262: {  	v61 =	vor.u32 v7, v32;
	v11 =	vld.idx.msk [tilespmem:v56+s17+$0x0], $0xffff;
	[tilespmem:v2+s20+$0x0] =	vst.idx.msk $0xffff, v3;
	v57 =	vand.u32 v10, v9  }
0x263: {  	v2 =	vor.u32 v7, v30;
	v3 =	vld.idx.msk [tilespmem:v5+s17+$0x0], $0xffff;
	v54 =	vor.u32 v33, v57  }
0x264: {  	v5 =	vor.u32 v31, v57;
	_ =	sdelay $0x1  }
0x265: {  	[tilespmem:v45+s20+$0x0] =	vst.idx.msk $0xffff, v48  }
0x266: {  	v44 =	vld.idx.msk [tilespmem:v44+s17+$0x0], $0xffff;
	[tilespmem:v61+s20+$0x0] =	vst.idx.msk $0xffff, v11;
	v7 =	vshll.u32 v9, $0x7  }
0x267: {  	[tilespmem:v2+s20+$0x0] =	vst.idx.msk $0xffff, v3;
	v56 =	vor.u32 v7, v32;
	v11 =	vld.idx.msk [tilespmem:v54+s17+$0x0], $0xffff  }
0x268: {  	v9 =	vor.u32 s23, v59;
	v2 =	vor.u32 v7, v30;
	v3 =	vld.idx.msk [tilespmem:v5+s17+$0x0], $0xffff  }
0x269: {  	v55 =	vand.u32 v12, v9  }
0x26a: {  	[tilespmem:v49+s20+$0x0] =	vst.idx.msk $0xffff, v47;
	v57 =	vor.u32 v33, v55  }
0x26b: {  	v50 =	vor.u32 s23, v63;
	[tilespmem:v35+s20+$0x0] =	vst.idx.msk $0xffff, v44;
	v41 =	vor.u32 v31, v55  }
0x26c: {  	v42 =	vld.idx.msk [tilespmem:v42+s17+$0x0], $0xffff;
	v7 =	vshll.u32 v46, $0x7;
	v9 =	vshll.u32 v9, $0x7;
	v5 =	vor.u32 s22, v63;
	[tilespmem:v56+s20+$0x0] =	vst.idx.msk $0xffff, v11  }
0x26d: {  	v36 =	vld.idx.msk [tilespmem:v36+s17+$0x0], $0xffff;
	v52 =	vor.u32 v7, v26;
	v61 =	vand.u32 v13, v5;
	[tilespmem:v2+s20+$0x0] =	vst.idx.msk $0xffff, v3  }
0x26e: {  	v7 =	vor.u32 v7, v29;
	v53 =	vor.u32 v27, v61;
	v2 =	vor.u32 v28, v61;
	v61 =	vld [tilespmem:$0x1FFD0]  }
0x26f: {  	v55 =	vor.u32 v9, v32;
	v54 =	vand.u32 v13, v50;
	v11 =	vld.idx.msk [tilespmem:v57+s17+$0x0], $0xffff  }
0x270: {  	v56 =	vor.u32 v33, v54;
	v3 =	vor.u32 v9, v30;
	v9 =	vld.idx.msk [tilespmem:v41+s17+$0x0], $0xffff  }
0x271: {  	v5 =	vshll.u32 v5, $0x7;
	v35 =	vor.u32 v31, v54  }
0x272: {  	v47 =	vor.u32 v5, v26;
	[tilespmem:v52+s20+$0x0] =	vst.idx.msk $0xffff, v42  }
0x273: {  	v5 =	vor.u32 v5, v29;
	[tilespmem:v7+s20+$0x0] =	vst.idx.msk $0xffff, v36;
	v42 =	vld.idx.msk [tilespmem:v53+s17+$0x0], $0xffff;
	v41 =	vor.u32 s22, v61  }
0x274: {  	v2 =	vld.idx.msk [tilespmem:v2+s17+$0x0], $0xffff;
	v53 =	vor.u32 s23, v61;
	[tilespmem:v55+s20+$0x0] =	vst.idx.msk $0xffff, v11;
	v11 =	vshll.u32 v50, $0x7;
	v57 =	vand.u32 v14, v41  }
0x275: {  	[tilespmem:v3+s20+$0x0] =	vst.idx.msk $0xffff, v9;
	v7 =	vld.idx.msk [tilespmem:v56+s17+$0x0], $0xffff;
	v55 =	vor.u32 v11, v32;
	v52 =	vor.u32 v27, v57  }
0x276: {  	v54 =	vand.u32 v14, v53;
	v9 =	vor.u32 v11, v30;
	v11 =	vld.idx.msk [tilespmem:v35+s17+$0x0], $0xffff;
	v3 =	vor.u32 v28, v57  }
0x277: {  	[tilespmem:v40+s20+$0x0] =	vst.idx.msk $0xffff, v43;
	v56 =	vor.u32 v33, v54  }
0x278: {  	[tilespmem:v47+s20+$0x0] =	vst.idx.msk $0xffff, v42;
	v41 =	vshll.u32 v41, $0x7;
	v36 =	vor.u32 v31, v54  }
0x279: {  	v39 =	vld.idx.msk [tilespmem:v39+s17+$0x0], $0xffff;
	v57 =	vor.u32 s22, v22;
	v51 =	vor.u32 v41, v26;
	[tilespmem:v5+s20+$0x0] =	vst.idx.msk $0xffff, v2  }
0x27a: {  	v41 =	vor.u32 v41, v29;
	v50 =	vand.u32 v18, v57;
	[tilespmem:v55+s20+$0x0] =	vst.idx.msk $0xffff, v7;
	v48 =	vld.idx.msk [tilespmem:v52+s17+$0x0], $0xffff  }
0x27b: {  	v27 =	vor.u32 v27, v50;
	v7 =	vshll.u32 v53, $0x7;
	[tilespmem:v9+s20+$0x0] =	vst.idx.msk $0xffff, v11;
	v52 =	vor.u32 s23, v22;
	v3 =	vld.idx.msk [tilespmem:v3+s17+$0x0], $0xffff  }
0x27c: {  	v9 =	vor.u32 v28, v50;
	v2 =	vld.idx.msk [tilespmem:v56+s17+$0x0], $0xffff;
	v53 =	vor.u32 v7, v32;
	v5 =	vand.u32 v18, v52  }
0x27d: {  	v7 =	vor.u32 v7, v30;
	v11 =	vld.idx.msk [tilespmem:v36+s17+$0x0], $0xffff;
	v54 =	vor.u32 v33, v5  }
0x27e: {  	[tilespmem:v37+s20+$0x0] =	vst.idx.msk $0xffff, v39;
	v5 =	vor.u32 v31, v5  }
0x27f: {  	v55 =	vshll.u32 v57, $0x7;
	v56 =	vld.idx.msk [tilespmem:v38+s17+$0x0], $0xffff;
	[tilespmem:v51+s20+$0x0] =	vst.idx.msk $0xffff, v48  }
0x280: {  	v26 =	vor.u32 v55, v26;
	[tilespmem:v41+s20+$0x0] =	vst.idx.msk $0xffff, v3;
	v27 =	vld.idx.msk [tilespmem:v27+s17+$0x0], $0xffff  }
0x281: {  	v28 =	vor.u32 v55, v29;
	[tilespmem:v53+s20+$0x0] =	vst.idx.msk $0xffff, v2;
	v2 =	vshll.u32 v52, $0x7;
	v9 =	vld.idx.msk [tilespmem:v9+s17+$0x0], $0xffff  }
0x282: {  	[tilespmem:v7+s20+$0x0] =	vst.idx.msk $0xffff, v11;
	v57 =	vor.u32 v2, v32;
	v3 =	vld.idx.msk [tilespmem:v54+s17+$0x0], $0xffff  }
0x283: {  	v2 =	vor.u32 v2, v30;
	v5 =	vld.idx.msk [tilespmem:v5+s17+$0x0], $0xffff  }
0x284: {  	[tilespmem:v34+s20+$0x0] =	vst.idx.msk $0xffff, v56  }
0x285: {  	[tilespmem:v26+s20+$0x0] =	vst.idx.msk $0xffff, v27  }
0x286: {  	s4 =	sadd.s32 $0x600, s14;
	[tilespmem:v28+s20+$0x0] =	vst.idx.msk $0xffff, v9  }
0x287: {  	s4 =	sand.u32 $0x3FE00, s4;
	[tilespmem:v57+s20+$0x0] =	vst.idx.msk $0xffff, v3  }
0x288: {  	s4 =	sshrl.u32 s4, $0x2;
	[tilespmem:v2+s20+$0x0] =	vst.idx.msk $0xffff, v5  }
0x289: {  	[tilespmem:s17], [sflag:$0x2] =	stream.indirect.gather [hbm4b:s5+s15], $0x40, s4, s15, $0xb8;
	[tilespmem:$0xE400] =	vst v63  }
0x28a: {  	s26 =	sadd.s32 s21, s0  }
0x28b: {  	[hbm4b:s26+s3] =	stream.linear.scatter [tilespmem:s20], [sflag:$0x4], $0x400, $0x38;
	[tilespmem:$0xE400] =	vst v63  }
0x28c: {  	s28 =	sadd.s32 s21, s2;
	s7 =	simm.s32 $0xC800  }
0x28d: {  	[hbm4b:s28+s3] =	stream.linear.scatter [tilespmem:s7], [sflag:$0x4], $0x400, $0x38;
	[tilespmem:$0xE400] =	vst v63  }
0x28e: {  	s8 =	sadd.s32 s21, s6;
	s14 =	simm.s32 $0xCC00  }
0x28f: {  	[hbm4b:s8+s3] =	stream.linear.scatter [tilespmem:s14], [sflag:$0x4], $0x400, $0x38;
	[tilespmem:$0xE400] =	vst v63  }
0x290: {  	s22 =	sadd.s32 s21, s9;
	s23 =	simm.s32 $0xD000  }
0x291: {  	[hbm4b:s22+s3] =	stream.linear.scatter [tilespmem:s23], [sflag:$0x4], $0x400, $0x38;
	[tilespmem:$0xE400] =	vst v63  }
0x292: {  	s25 =	sadd.s32 $0x1, s25;
	s26 =	sadd.s32 s21, s10;
	s28 =	simm.s32 $0xD400  }
0x293: {  	[hbm4b:s26+s3] =	stream.linear.scatter [tilespmem:s28], [sflag:$0x4], $0x400, $0x38;
	[tilespmem:$0xE400] =	vst v63  }
0x294: {  	p0 =	sne.s32 s25, $0x63;
	s8 =	sadd.s32 s21, s11;
	s14 =	simm.s32 $0xD800  }
0x295: {  	[hbm4b:s8+s3] =	stream.linear.scatter [tilespmem:s14], [sflag:$0x4], $0x400, $0x38;
	[tilespmem:$0xE400] =	vst v63  }
.Ltmp3:
0x296: {  	_ = 	snop;
	(pc) =	sbr.rel @p0 .LBB2_4-.Ltmp3, $4  }
0x297: {  	s22 =	sadd.s32 s21, s12;
	s23 =	simm.s32 $0xDC00  }
0x298: {  	[hbm4b:s22+s3] =	stream.linear.scatter [tilespmem:s23], [sflag:$0x4], $0x400, $0x38;
	[tilespmem:$0xE400] =	vst v63  }
0x299: {  	s26 =	sadd.s32 s21, s13;
	s28 =	simm.s32 $0xE000  }
0x29a: {  	v52 =	vmov v1;
	v1 =	vmov v22;
	[hbm4b:s26+s3] =	stream.linear.scatter [tilespmem:s28], [sflag:$0x4], $0x400, $0x38;
	[tilespmem:$0xE400] =	vst v63  }
0x29b: {  	_ =	swait.ge [sflag:s18], $0x2000  }
0x29c: {  	[sflag:s18] =	ssyncset.done $0x0  }
0x29d: {  	s24 =	simm.s32 $0x3;
	[sflag:s18] =	ssyncadd.s32 $0xFFFFE000  }
0x29e: {  	_ =	swait.ge [sflag:s24], $0x400  }
0x29f: {  	[sflag:s24] =	ssyncset.done $0x0  }
0x2a0: {  	[sflag:s24] =	ssyncadd.s32 $0xFFFFFC00  }
0x2a1: {  	_ =	swait.ge [sflag:s24], $0x400  }
0x2a2: {  	[sflag:s24] =	ssyncset.done $0x0  }
0x2a3: {  	[sflag:s24] =	ssyncadd.s32 $0xFFFFFC00  }
0x2a4: {  	_ =	swait.ge [sflag:s24], $0x400  }
0x2a5: {  	[sflag:s24] =	ssyncset.done $0x0  }
0x2a6: {  	[sflag:s24] =	ssyncadd.s32 $0xFFFFFC00  }
0x2a7: {  	_ =	swait.ge [sflag:s24], $0x400  }
0x2a8: {  	[sflag:s24] =	ssyncset.done $0x0  }
0x2a9: {  	[sflag:s24] =	ssyncadd.s32 $0xFFFFFC00  }
0x2aa: {  	_ =	swait.ge [sflag:s24], $0x400  }
0x2ab: {  	[sflag:s24] =	ssyncset.done $0x0  }
0x2ac: {  	s4 =	simm.s32 $0x0;
	[sflag:s24] =	ssyncadd.s32 $0xFFFFFC00  }
0x2ad: {  	s8 =	sand.u32 $0x60, s4;
	_ =	swait.ge [sflag:s24], $0x400  }
0x2ae: {  	v0 =	vlaneseq.u32;
	s7 =	sand.u32 $0x30, s4;
	s21 =	sor.u32 $0x10, s8;
	[sflag:s24] =	ssyncset.done $0x0  }
0x2af: {  	v2 =	vor.u32 s7, v0;
	v3 =	vor.u32 s21, v0;
	[sflag:s24] =	ssyncadd.s32 $0xFFFFFC00  }
0x2b0: {  	v5 =	vand.u32 v4, v2;
	v35 =	vshll.u32 v3, $0x6;
	_ =	swait.ge [sflag:s24], $0x400  }
0x2b1: {  	v7 =	vor.u32 v35, v5;
	[sflag:s24] =	ssyncset.done $0x0  }
0x2b2: {  	[sflag:s24] =	ssyncadd.s32 $0xFFFFFC00  }
0x2b3: {  	_ =	swait.ge [sflag:s24], $0x400  }
0x2b4: {  	[sflag:s24] =	ssyncset.done $0x0  }
0x2b5: {  	v9 =	vor.u32 s7, v62;
	v2 =	vshll.u32 v2, $0x7;
	v37 =	vand.u32 v24, v3;
	[sflag:s24] =	ssyncadd.s32 $0xFFFFFC00  }
0x2b6: {  	v11 =	vor.u32 v2, v37;
	v3 =	vld.idx.msk [tilespmem:v7+s16+$0x0], $0xffff;
	v7 =	vand.u32 v6, v9  }
0x2b7: {  	v26 =	vor.u32 v35, v7;
	_ =	sdelay $0x2  }
0x2b8: {  	v27 =	vor.u32 s8, v0  }
0x2b9: {  	v34 =	vshll.u32 v27, $0x6;
	[tilespmem:v11+s19+$0x0] =	vst.idx.msk $0xffff, v3;
	v3 =	vshll.u32 v9, $0x7  }
0x2ba: {  	v5 =	vor.u32 v34, v5;
	v9 =	vor.u32 s7, v60;
	v11 =	vld.idx.msk [tilespmem:v26+s16+$0x0], $0xffff;
	v28 =	vor.u32 v3, v37  }
0x2bb: {  	v26 =	vand.u32 v8, v9  }
0x2bc: {  	v29 =	vor.u32 v35, v26;
	_ =	sdelay $0x2  }
0x2bd: {  	v36 =	vand.u32 v58, v27;
	v5 =	vld.idx.msk [tilespmem:v5+s16+$0x0], $0xffff;
	[tilespmem:v28+s19+$0x0] =	vst.idx.msk $0xffff, v11  }
0x2be: {  	v2 =	vor.u32 v2, v36;
	v9 =	vshll.u32 v9, $0x7;
	v19 =	vld [tilespmem:$0x1FF60]  }
0x2bf: {  	v27 =	vld.idx.msk [tilespmem:v29+s16+$0x0], $0xffff;
	v29 =	vor.u32 v9, v37;
	_ =	sdelay $0x3  }
0x2c0: {  	[tilespmem:v2+s19+$0x0] =	vst.idx.msk $0xffff, v5;
	v11 =	vor.u32 s7, v19  }
0x2c1: {  	v7 =	vor.u32 v34, v7;
	[tilespmem:v29+s19+$0x0] =	vst.idx.msk $0xffff, v27;
	v28 =	vand.u32 v10, v11  }
0x2c2: {  	v21 =	vld [tilespmem:$0x1FF70];
	v30 =	vor.u32 v35, v28;
	_ =	sdelay $0x3  }
0x2c3: {  	v2 =	vor.u32 v3, v36;
	v3 =	vld.idx.msk [tilespmem:v7+s16+$0x0], $0xffff;
	v7 =	vshll.u32 v11, $0x7  }
0x2c4: {  	v5 =	vor.u32 v34, v26;
	v29 =	vor.u32 v7, v37;
	v11 =	vor.u32 s7, v21;
	v26 =	vld.idx.msk [tilespmem:v30+s16+$0x0], $0xffff  }
0x2c5: {  	v27 =	vand.u32 v12, v11  }
0x2c6: {  	v30 =	vor.u32 v35, v27;
	_ =	sdelay $0x1  }
0x2c7: {  	[tilespmem:v2+s19+$0x0] =	vst.idx.msk $0xffff, v3  }
0x2c8: {  	v3 =	vld.idx.msk [tilespmem:v5+s16+$0x0], $0xffff;
	[tilespmem:v29+s19+$0x0] =	vst.idx.msk $0xffff, v26  }
0x2c9: {  	v2 =	vor.u32 v9, v36;
	v9 =	vshll.u32 v11, $0x7;
	v47 =	vld [tilespmem:$0x1FF80]  }
0x2ca: {  	v5 =	vor.u32 v34, v28;
	v29 =	vor.u32 v9, v37;
	v26 =	vld.idx.msk [tilespmem:v30+s16+$0x0], $0xffff;
	_ =	sdelay $0x3  }
0x2cb: {  	[tilespmem:v2+s19+$0x0] =	vst.idx.msk $0xffff, v3  }
0x2cc: {  	v2 =	vor.u32 v7, v36;
	v3 =	vld.idx.msk [tilespmem:v5+s16+$0x0], $0xffff;
	v11 =	vor.u32 s7, v47;
	[tilespmem:v29+s19+$0x0] =	vst.idx.msk $0xffff, v26  }
0x2cd: {  	v28 =	vand.u32 v13, v11;
	v25 =	vld [tilespmem:$0x1FF90]  }
0x2ce: {  	v30 =	vor.u32 v35, v28;
	_ =	sdelay $0x2  }
0x2cf: {  	[tilespmem:v2+s19+$0x0] =	vst.idx.msk $0xffff, v3  }
0x2d0: {  	v5 =	vor.u32 v34, v27;
	v7 =	vshll.u32 v11, $0x7;
	v22 =	vld [tilespmem:$0x1FF30];
	v11 =	vor.u32 s7, v25  }
0x2d1: {  	s22 =	simm.s32 $0x20;
	v26 =	vld.idx.msk [tilespmem:v30+s16+$0x0], $0xffff;
	v29 =	vand.u32 v14, v11;
	v30 =	vor.u32 v7, v37  }
0x2d2: {  	s23 =	simm.s32 $0x4;
	s4 =	sand.u32 $0x60, s22;
	v31 =	vor.u32 v35, v29  }
0x2d3: {  	s14 =	sand.u32 $0x30, s23;
	s25 =	sor.u32 $0x10, s4  }
0x2d4: {  	v32 =	vor.u32 s14, v0;
	v33 =	vor.u32 s25, v0  }
0x2d5: {  	v38 =	vand.u32 v4, v32;
	v27 =	vshll.u32 v33, $0x6;
	v3 =	vor.u32 v9, v36;
	v5 =	vld.idx.msk [tilespmem:v5+s16+$0x0], $0xffff  }
0x2d6: {  	v9 =	vor.u32 v34, v28;
	v39 =	vor.u32 s7, v22;
	v11 =	vshll.u32 v11, $0x7;
	[tilespmem:v30+s19+$0x0] =	vst.idx.msk $0xffff, v26  }
0x2d7: {  	v2 =	vor.u32 v27, v38;
	v41 =	vor.u32 v11, v37;
	v30 =	vand.u32 v18, v39;
	v31 =	vld.idx.msk [tilespmem:v31+s16+$0x0], $0xffff  }
0x2d8: {  	v42 =	vor.u32 v35, v30;
	_ =	sdelay $0x1  }
0x2d9: {  	[tilespmem:v3+s19+$0x0] =	vst.idx.msk $0xffff, v5  }
0x2da: {  	v32 =	vshll.u32 v32, $0x7;
	v5 =	vor.u32 v7, v36;
	v9 =	vld.idx.msk [tilespmem:v9+s16+$0x0], $0xffff;
	v26 =	vand.u32 v24, v33  }
0x2db: {  	v2 =	vld.idx.msk [tilespmem:v2+s16+$0x0], $0xffff;
	v44 =	vor.u32 v32, v26;
	[tilespmem:v41+s19+$0x0] =	vst.idx.msk $0xffff, v31;
	v31 =	vshll.u32 v39, $0x7  }
0x2dc: {  	v40 =	vor.u32 s4, v0;
	v48 =	vld.idx.msk [tilespmem:v42+s16+$0x0], $0xffff;
	v49 =	vor.u32 v31, v37  }
0x2dd: {  	v43 =	vor.u32 s14, v62;
	v28 =	vshll.u32 v40, $0x6  }
0x2de: {  	v56 =	vand.u32 v6, v43;
	v55 =	vor.u32 v28, v38  }
0x2df: {  	v3 =	vor.u32 v27, v56;
	[tilespmem:v5+s19+$0x0] =	vst.idx.msk $0xffff, v9  }
0x2e0: {  	v57 =	vor.u32 s7, v52;
	[tilespmem:v44+s19+$0x0] =	vst.idx.msk $0xffff, v2  }
0x2e1: {  	v7 =	vor.u32 v34, v29;
	v41 =	vand.u32 v4, v57;
	[tilespmem:v49+s19+$0x0] =	vst.idx.msk $0xffff, v48  }
0x2e2: {  	v20 =	vmov v24;
	v29 =	vand.u32 v58, v40;
	v2 =	vor.u32 v35, v41;
	v24 =	vld [tilespmem:$0x1FFB0]  }
0x2e3: {  	v43 =	vshll.u32 v43, $0x7;
	v33 =	vld.idx.msk [tilespmem:v55+s16+$0x0], $0xffff;
	v32 =	vor.u32 v32, v29  }
0x2e4: {  	v50 =	vor.u32 s14, v60;
	v46 =	vor.u32 v43, v26;
	v3 =	vld.idx.msk [tilespmem:v3+s16+$0x0], $0xffff  }
0x2e5: {  	v45 =	vand.u32 v8, v50;
	v38 =	vor.u32 v28, v56  }
0x2e6: {  	v5 =	vor.u32 v27, v45;
	v9 =	vor.u32 v11, v36;
	v7 =	vld.idx.msk [tilespmem:v7+s16+$0x0], $0xffff;
	v39 =	vshll.u32 v57, $0x7  }
0x2e7: {  	v11 =	vor.u32 v34, v30;
	v53 =	vor.u32 v39, v37;
	v2 =	vld.idx.msk [tilespmem:v2+s16+$0x0], $0xffff;
	v51 =	vor.u32 s7, v24  }
0x2e8: {  	[tilespmem:v32+s19+$0x0] =	vst.idx.msk $0xffff, v33;
	v32 =	vand.u32 v6, v51  }
0x2e9: {  	[tilespmem:v46+s19+$0x0] =	vst.idx.msk $0xffff, v3;
	v3 =	vor.u32 v35, v32  }
0x2ea: {  	v38 =	vld.idx.msk [tilespmem:v38+s16+$0x0], $0xffff  }
0x2eb: {  	v54 =	vshll.u32 v50, $0x7;
	v30 =	vor.u32 v43, v29;
	[tilespmem:v9+s19+$0x0] =	vst.idx.msk $0xffff, v7;
	v5 =	vld.idx.msk [tilespmem:v5+s16+$0x0], $0xffff  }
0x2ec: {  	v48 =	vor.u32 v54, v26;
	v11 =	vld.idx.msk [tilespmem:v11+s16+$0x0], $0xffff;
	[tilespmem:v53+s19+$0x0] =	vst.idx.msk $0xffff, v2  }
0x2ed: {  	v9 =	vor.u32 v31, v36;
	v2 =	vshll.u32 v51, $0x7;
	v24 =	vld [tilespmem:$0x1FF40]  }
0x2ee: {  	v56 =	vor.u32 v28, v45;
	v50 =	vor.u32 v2, v37;
	v3 =	vld.idx.msk [tilespmem:v3+s16+$0x0], $0xffff  }
0x2ef: {  	v55 =	vor.u32 s14, v19  }
0x2f0: {  	v57 =	vand.u32 v10, v55;
	[tilespmem:v30+s19+$0x0] =	vst.idx.msk $0xffff, v38  }
0x2f1: {  	v7 =	vor.u32 v27, v57;
	[tilespmem:v48+s19+$0x0] =	vst.idx.msk $0xffff, v5  }
0x2f2: {  	v31 =	vor.u32 v34, v41;
	[tilespmem:v9+s19+$0x0] =	vst.idx.msk $0xffff, v11  }
0x2f3: {  	v41 =	vor.u32 v54, v29;
	v51 =	vld.idx.msk [tilespmem:v56+s16+$0x0], $0xffff;
	v49 =	vor.u32 s7, v24;
	[tilespmem:v50+s19+$0x0] =	vst.idx.msk $0xffff, v3  }
0x2f4: {  	v53 =	vshll.u32 v55, $0x7;
	v55 =	vor.u32 v28, v57;
	v30 =	vand.u32 v8, v49;
	v24 =	vld [tilespmem:$0x1FF50]  }
0x2f5: {  	v54 =	vor.u32 s14, v21;
	v5 =	vor.u32 v35, v30  }
0x2f6: {  	s4 =	simm.s32 $0x8;
	v57 =	vor.u32 v53, v26;
	v7 =	vld.idx.msk [tilespmem:v7+s16+$0x0], $0xffff;
	v56 =	vand.u32 v12, v54  }
0x2f7: {  	s21 =	sand.u32 $0x30, s4;
	v11 =	vor.u32 v39, v36;
	v31 =	vld.idx.msk [tilespmem:v31+s16+$0x0], $0xffff;
	v9 =	vor.u32 v27, v56  }
0x2f8: {  	v43 =	vor.u32 s14, v25;
	v46 =	vor.u32 s21, v0;
	v48 =	vor.u32 v53, v29;
	[tilespmem:v41+s19+$0x0] =	vst.idx.msk $0xffff, v51  }
0x2f9: {  	v32 =	vor.u32 v34, v32;
	v3 =	vshll.u32 v49, $0x7;
	v41 =	vld.idx.msk [tilespmem:v55+s16+$0x0], $0xffff;
	v49 =	vor.u32 s7, v24  }
0x2fa: {  	v53 =	vor.u32 v28, v56;
	v5 =	vld.idx.msk [tilespmem:v5+s16+$0x0], $0xffff;
	v50 =	vor.u32 v3, v37;
	v38 =	vand.u32 v10, v49  }
0x2fb: {  	[tilespmem:v57+s19+$0x0] =	vst.idx.msk $0xffff, v7;
	v51 =	vshll.u32 v54, $0x7;
	v54 =	vor.u32 s14, v47;
	v7 =	vor.u32 v35, v38  }
0x2fc: {  	[tilespmem:v11+s19+$0x0] =	vst.idx.msk $0xffff, v31;
	v9 =	vld.idx.msk [tilespmem:v9+s16+$0x0], $0xffff;
	v55 =	vor.u32 v51, v26;
	v11 =	vand.u32 v13, v54  }
0x2fd: {  	v39 =	vor.u32 s7, v59;
	v2 =	vor.u32 v2, v36;
	v56 =	vor.u32 v27, v11  }
0x2fe: {  	v30 =	vor.u32 v34, v30;
	v3 =	vor.u32 v3, v36;
	v31 =	vld.idx.msk [tilespmem:v32+s16+$0x0], $0xffff;
	[tilespmem:v48+s19+$0x0] =	vst.idx.msk $0xffff, v41  }
0x2ff: {  	v47 =	vor.u32 s14, v22;
	v42 =	vor.u32 v51, v29;
	[tilespmem:v50+s19+$0x0] =	vst.idx.msk $0xffff, v5;
	v5 =	vshll.u32 v49, $0x7;
	v57 =	vld.idx.msk [tilespmem:v53+s16+$0x0], $0xffff  }
0x300: {  	s26 =	simm.s32 $0x40;
	v51 =	vor.u32 s7, v63;
	v41 =	vand.u32 v12, v39;
	v33 =	vor.u32 v5, v37;
	v7 =	vld.idx.msk [tilespmem:v7+s16+$0x0], $0xffff  }
0x301: {  	s28 =	sand.u32 $0x60, s26;
	v11 =	vor.u32 v28, v11;
	[tilespmem:v55+s19+$0x0] =	vst.idx.msk $0xffff, v9;
	v9 =	vshll.u32 v54, $0x7;
	v54 =	vor.u32 v35, v41  }
0x302: {  	s8 =	sor.u32 $0x10, s28;
	v55 =	vand.u32 v14, v43;
	v45 =	vor.u32 v9, v29;
	v32 =	vld.idx.msk [tilespmem:v56+s16+$0x0], $0xffff;
	v9 =	vor.u32 v9, v26  }
0x303: {  	[tilespmem:v2+s19+$0x0] =	vst.idx.msk $0xffff, v31;
	v49 =	vor.u32 s8, v0;
	v39 =	vshll.u32 v39, $0x7;
	v2 =	vor.u32 v27, v55  }
0x304: {  	v43 =	vshll.u32 v43, $0x7;
	v56 =	vor.u32 s28, v0;
	v48 =	vor.u32 v28, v55;
	v50 =	vld.idx.msk [tilespmem:v30+s16+$0x0], $0xffff;
	[tilespmem:v42+s19+$0x0] =	vst.idx.msk $0xffff, v57  }
0x305: {  	v53 =	vand.u32 v18, v47;
	[tilespmem:v33+s19+$0x0] =	vst.idx.msk $0xffff, v7;
	v7 =	vand.u32 v4, v46;
	v33 =	vshll.u32 v49, $0x6  }
0x306: {  	v42 =	vand.u32 v13, v51;
	v57 =	vor.u32 v39, v37;
	v40 =	vor.u32 v33, v7;
	v44 =	vld.idx.msk [tilespmem:v54+s16+$0x0], $0xffff  }
0x307: {  	v47 =	vshll.u32 v47, $0x7;
	v31 =	vshll.u32 v56, $0x6;
	[tilespmem:v9+s19+$0x0] =	vst.idx.msk $0xffff, v32;
	v9 =	vor.u32 v35, v42;
	v11 =	vld.idx.msk [tilespmem:v11+s16+$0x0], $0xffff  }
0x308: {  	v30 =	vand.u32 v58, v56;
	v2 =	vld.idx.msk [tilespmem:v2+s16+$0x0], $0xffff;
	v7 =	vor.u32 v31, v7;
	v54 =	vor.u32 v43, v26  }
0x309: {  	v55 =	vor.u32 v27, v53;
	v32 =	vand.u32 v20, v49;
	[tilespmem:v3+s19+$0x0] =	vst.idx.msk $0xffff, v50;
	v3 =	vor.u32 s21, v62  }
0x30a: {  	v0 =	vmovc v52;
	v50 =	vor.u32 s7, v61;
	v51 =	vshll.u32 v51, $0x7;
	v46 =	vshll.u32 v46, $0x7  }
0x30b: {  	v49 =	vor.u32 v46, v32;
	v40 =	vld.idx.msk [tilespmem:v40+s16+$0x0], $0xffff;
	[tilespmem:v57+s19+$0x0] =	vst.idx.msk $0xffff, v44;
	v44 =	vand.u32 v6, v3  }
0x30c: {  	[tilespmem:v45+s19+$0x0] =	vst.idx.msk $0xffff, v11;
	v57 =	vor.u32 v51, v37;
	v9 =	vld.idx.msk [tilespmem:v9+s16+$0x0], $0xffff;
	v52 =	vor.u32 v33, v44  }
0x30d: {  	v56 =	vand.u32 v14, v50;
	v46 =	vor.u32 v46, v30;
	[tilespmem:v54+s19+$0x0] =	vst.idx.msk $0xffff, v2;
	v7 =	vld.idx.msk [tilespmem:v7+s16+$0x0], $0xffff  }
0x30e: {  	v2 =	vor.u32 v35, v56;
	v54 =	vor.u32 s14, v0;
	v11 =	vld.idx.msk [tilespmem:v55+s16+$0x0], $0xffff;
	v55 =	vor.u32 v47, v26  }
0x30f: {  	v43 =	vor.u32 v43, v29;
	v45 =	vand.u32 v4, v54  }
0x310: {  	v48 =	vld.idx.msk [tilespmem:v48+s16+$0x0], $0xffff;
	v3 =	vshll.u32 v3, $0x7;
	[tilespmem:v49+s19+$0x0] =	vst.idx.msk $0xffff, v40;
	v40 =	vor.u32 v27, v45  }
0x311: {  	v44 =	vor.u32 v31, v44;
	v52 =	vld.idx.msk [tilespmem:v52+s16+$0x0], $0xffff;
	[tilespmem:v57+s19+$0x0] =	vst.idx.msk $0xffff, v9;
	v9 =	vor.u32 v3, v32  }
0x312: {  	v53 =	vor.u32 v28, v53;
	[tilespmem:v46+s19+$0x0] =	vst.idx.msk $0xffff, v7  }
0x313: {  	v50 =	vshll.u32 v50, $0x7;
	[tilespmem:v55+s19+$0x0] =	vst.idx.msk $0xffff, v11;
	v2 =	vld.idx.msk [tilespmem:v2+s16+$0x0], $0xffff  }
0x314: {  	v54 =	vshll.u32 v54, $0x7;
	v55 =	vor.u32 v50, v37;
	v20 =	vld [tilespmem:$0x1FFB0]  }
0x315: {  	v46 =	vor.u32 v54, v26;
	[tilespmem:v43+s19+$0x0] =	vst.idx.msk $0xffff, v48;
	v40 =	vld.idx.msk [tilespmem:v40+s16+$0x0], $0xffff  }
0x316: {  	v3 =	vor.u32 v3, v30;
	[tilespmem:v9+s19+$0x0] =	vst.idx.msk $0xffff, v52;
	v9 =	vld.idx.msk [tilespmem:v44+s16+$0x0], $0xffff  }
0x317: {  	v47 =	vor.u32 v47, v29;
	v49 =	vor.u32 s21, v60;
	v52 =	vld.idx.msk [tilespmem:v53+s16+$0x0], $0xffff  }
0x318: {  	v57 =	vand.u32 v8, v49  }
0x319: {  	v11 =	vor.u32 v33, v57;
	v7 =	vor.u32 s14, v20;
	[tilespmem:v55+s19+$0x0] =	vst.idx.msk $0xffff, v2  }
0x31a: {  	v43 =	vand.u32 v6, v7;
	[tilespmem:v46+s19+$0x0] =	vst.idx.msk $0xffff, v40  }
0x31b: {  	v44 =	vor.u32 v27, v43;
	[tilespmem:v3+s19+$0x0] =	vst.idx.msk $0xffff, v9  }
0x31c: {  	[tilespmem:v47+s19+$0x0] =	vst.idx.msk $0xffff, v52  }
0x31d: {  	v38 =	vor.u32 v34, v38;
	v49 =	vshll.u32 v49, $0x7;
	v48 =	vor.u32 v31, v57;
	v57 =	vmovc v25;
	v25 =	vld [tilespmem:$0x1FF40]  }
0x31e: {  	v53 =	vor.u32 v49, v32;
	v11 =	vld.idx.msk [tilespmem:v11+s16+$0x0], $0xffff  }
0x31f: {  	v7 =	vshll.u32 v7, $0x7  }
0x320: {  	v2 =	vor.u32 s21, v19;
	v9 =	vor.u32 v7, v26;
	v3 =	vld.idx.msk [tilespmem:v44+s16+$0x0], $0xffff  }
0x321: {  	v5 =	vor.u32 v5, v36;
	v45 =	vor.u32 v28, v45;
	v40 =	vand.u32 v10, v2  }
0x322: {  	v41 =	vor.u32 v34, v41;
	v38 =	vld.idx.msk [tilespmem:v38+s16+$0x0], $0xffff;
	v46 =	vor.u32 v33, v40;
	v47 =	vor.u32 s14, v25  }
0x323: {  	v48 =	vld.idx.msk [tilespmem:v48+s16+$0x0], $0xffff;
	[tilespmem:v53+s19+$0x0] =	vst.idx.msk $0xffff, v11;
	v44 =	vor.u32 v49, v30;
	v11 =	vand.u32 v8, v47  }
0x324: {  	v52 =	vor.u32 v27, v11  }
0x325: {  	[tilespmem:v9+s19+$0x0] =	vst.idx.msk $0xffff, v3;
	v3 =	vor.u32 v31, v40  }
0x326: {  	v2 =	vshll.u32 v2, $0x7;
	v45 =	vld.idx.msk [tilespmem:v45+s16+$0x0], $0xffff;
	v49 =	vor.u32 v54, v29  }
0x327: {  	v55 =	vor.u32 v2, v32;
	[tilespmem:v5+s19+$0x0] =	vst.idx.msk $0xffff, v38;
	v5 =	vld.idx.msk [tilespmem:v46+s16+$0x0], $0xffff  }
0x328: {  	v39 =	vor.u32 v39, v36;
	[tilespmem:v44+s19+$0x0] =	vst.idx.msk $0xffff, v48;
	v48 =	vld.idx.msk [tilespmem:v41+s16+$0x0], $0xffff;
	v41 =	vshll.u32 v47, $0x7  }
0x329: {  	v47 =	vor.u32 v41, v26;
	v46 =	vld.idx.msk [tilespmem:v52+s16+$0x0], $0xffff  }
0x32a: {  	v2 =	vor.u32 v2, v30;
	v3 =	vld.idx.msk [tilespmem:v3+s16+$0x0], $0xffff  }
0x32b: {  	[tilespmem:v49+s19+$0x0] =	vst.idx.msk $0xffff, v45  }
0x32c: {  	v9 =	vor.u32 s7, v1;
	[tilespmem:v55+s19+$0x0] =	vst.idx.msk $0xffff, v5  }
0x32d: {  	v44 =	vand.u32 v18, v9;
	[tilespmem:v39+s19+$0x0] =	vst.idx.msk $0xffff, v48  }
0x32e: {  	v45 =	vor.u32 s21, v21;
	v35 =	vor.u32 v35, v44;
	[tilespmem:v47+s19+$0x0] =	vst.idx.msk $0xffff, v46  }
0x32f: {  	v43 =	vor.u32 v28, v43;
	v5 =	vand.u32 v12, v45;
	[tilespmem:v2+s19+$0x0] =	vst.idx.msk $0xffff, v3  }
0x330: {  	v22 =	vmov v0;
	v38 =	vor.u32 v33, v5;
	v0 =	vld [tilespmem:$0x1FF80]  }
0x331: {  	v42 =	vor.u32 v34, v42  }
0x332: {  	v7 =	vor.u32 v7, v29;
	v9 =	vshll.u32 v9, $0x7;
	v48 =	vor.u32 s14, v24  }
0x333: {  	v11 =	vor.u32 v28, v11;
	v53 =	vor.u32 v9, v37;
	v55 =	vld.idx.msk [tilespmem:v35+s16+$0x0], $0xffff;
	v46 =	vand.u32 v10, v48  }
0x334: {  	v40 =	vor.u32 v51, v36;
	v47 =	vld.idx.msk [tilespmem:v43+s16+$0x0], $0xffff;
	v43 =	vshll.u32 v45, $0x7;
	v49 =	vor.u32 v27, v46  }
0x335: {  	v37 =	vor.u32 v50, v36;
	v3 =	vld.idx.msk [tilespmem:v38+s16+$0x0], $0xffff;
	v54 =	vor.u32 v43, v32;
	v2 =	vor.u32 s21, v0  }
0x336: {  	v5 =	vor.u32 v31, v5;
	v39 =	vor.u32 v34, v56;
	v52 =	vand.u32 v13, v2  }
0x337: {  	v21 =	vmovc v20;
	v38 =	vor.u32 v34, v44;
	v34 =	vor.u32 v9, v36;
	v9 =	vor.u32 v33, v52  }
0x338: {  	v45 =	vor.u32 v41, v29;
	v51 =	vor.u32 v43, v30;
	v43 =	vld.idx.msk [tilespmem:v42+s16+$0x0], $0xffff;
	[tilespmem:v53+s19+$0x0] =	vst.idx.msk $0xffff, v55  }
0x339: {  	v44 =	vor.u32 v28, v46;
	v46 =	vor.u32 s14, v59;
	[tilespmem:v7+s19+$0x0] =	vst.idx.msk $0xffff, v47;
	v7 =	vshll.u32 v48, $0x7;
	v47 =	vld.idx.msk [tilespmem:v49+s16+$0x0], $0xffff  }
0x33a: {  	v19 =	vlaneseq.u32;
	[tilespmem:v54+s19+$0x0] =	vst.idx.msk $0xffff, v3;
	v49 =	vor.u32 v7, v26;
	v48 =	vld.idx.msk [tilespmem:v11+s16+$0x0], $0xffff;
	v35 =	vor.u32 v7, v29  }
0x33b: {  	v53 =	vor.u32 s21, v57;
	v0 =	vmovc v24;
	v50 =	vor.u32 v31, v52;
	v52 =	vld.idx.msk [tilespmem:v5+s16+$0x0], $0xffff;
	v5 =	vand.u32 v12, v46  }
0x33c: {  	s8 =	simm.s32 $0x60;
	s7 =	simm.s32 $0x4;
	v24 =	vmovc v18;
	v55 =	vshll.u32 v2, $0x7;
	v42 =	vor.u32 v27, v5;
	v36 =	vor.u32 v28, v5;
	v54 =	vld.idx.msk [tilespmem:v9+s16+$0x0], $0xffff  }
.LBB2_10:
0x33d: {  	v2 =	vor.u32 v55, v30;
	v3 =	vand.u32 v14, v53;
	v5 =	vor.u32 v55, v32;
	v18 =	vld [tilespmem:$0x1FF30]  }
0x33e: {  	s23 =	sand.u32 $0x60, s8;
	s4 =	sadd.s32 $0x4, s4;
	v46 =	vshll.u32 v46, $0x7;
	v20 =	vmovc v57;
	v57 =	vor.u32 s14, v61;
	v9 =	vor.u32 v31, v3  }
0x33f: {  	s22 =	sand.u32 $0x30, s4;
	v7 =	vor.u32 s23, v19;
	s23 =	sor.u32 $0x10, s23;
	v3 =	vor.u32 v33, v3;
	v56 =	vor.u32 v46, v26;
	[tilespmem:v40+s19+$0x0] =	vst.idx.msk $0xffff, v43  }
0x340: {  	v11 =	vor.u32 s22, v19;
	v40 =	vor.u32 s23, v19;
	v41 =	vand.u32 v58, v7;
	[tilespmem:v49+s19+$0x0] =	vst.idx.msk $0xffff, v47;
	v47 =	vld.idx.msk [tilespmem:v39+s16+$0x0], $0xffff  }
0x341: {  	v43 =	vor.u32 s14, v63;
	v39 =	vand.u32 v4, v11;
	v49 =	vshll.u32 v40, $0x6;
	[tilespmem:v51+s19+$0x0] =	vst.idx.msk $0xffff, v52;
	v51 =	vld.idx.msk [tilespmem:v42+s16+$0x0], $0xffff  }
0x342: {  	v58 =	vshll.u32 v53, $0x7;
	v63 =	vor.u32 v49, v39;
	v53 =	vor.u32 s21, v18;
	v18 =	vld [tilespmem:$0x1FFC0]  }
0x343: {  	v55 =	vand.u32 v13, v43;
	v11 =	vshll.u32 v11, $0x7;
	v50 =	vld.idx.msk [tilespmem:v50+s16+$0x0], $0xffff;
	v42 =	vshll.u32 v7, $0x6;
	[tilespmem:v45+s19+$0x0] =	vst.idx.msk $0xffff, v48  }
0x344: {  	v43 =	vshll.u32 v43, $0x7;
	v45 =	vor.u32 v58, v30;
	[tilespmem:v5+s19+$0x0] =	vst.idx.msk $0xffff, v54;
	v7 =	vor.u32 v42, v39  }
0x345: {  	v5 =	vor.u32 v27, v55;
	v54 =	vor.u32 v58, v32;
	v39 =	vld.idx.msk [tilespmem:v44+s16+$0x0], $0xffff;
	v59 =	vand.u32 v24, v53  }
0x346: {  	v58 =	vand.u32 v14, v57;
	v57 =	vshll.u32 v57, $0x7;
	v3 =	vld.idx.msk [tilespmem:v3+s16+$0x0], $0xffff;
	v44 =	vor.u32 v31, v59  }
0x347: {  	v48 =	vor.u32 v33, v59;
	[tilespmem:v37+s19+$0x0] =	vst.idx.msk $0xffff, v47;
	v47 =	vld.idx.msk [tilespmem:v63+s16+$0x0], $0xffff;
	v40 =	vand.u32 v18, v40  }
0x348: {  	v59 =	vor.u32 v43, v26;
	v37 =	vor.u32 s22, v62;
	v38 =	vld.idx.msk [tilespmem:v38+s16+$0x0], $0xffff;
	v52 =	vor.u32 v11, v40  }
0x349: {  	[tilespmem:v56+s19+$0x0] =	vst.idx.msk $0xffff, v51;
	v63 =	vand.u32 v6, v37;
	v7 =	vld.idx.msk [tilespmem:v7+s16+$0x0], $0xffff;
	v11 =	vor.u32 v11, v41  }
0x34a: {  	v5 =	vld.idx.msk [tilespmem:v5+s16+$0x0], $0xffff;
	v62 =	vor.u32 v49, v63;
	v51 =	vor.u32 v42, v63;
	[tilespmem:v2+s19+$0x0] =	vst.idx.msk $0xffff, v50  }
0x34b: {  	v2 =	vshll.u32 v53, $0x7;
	v50 =	vor.u32 s21, v22;
	[tilespmem:v54+s19+$0x0] =	vst.idx.msk $0xffff, v3;
	v3 =	vor.u32 v27, v58  }
0x34c: {  	v53 =	vor.u32 v2, v30;
	v63 =	vand.u32 v4, v50;
	v2 =	vor.u32 v2, v32;
	v48 =	vld.idx.msk [tilespmem:v48+s16+$0x0], $0xffff  }
0x34d: {  	v37 =	vshll.u32 v37, $0x7;
	v9 =	vld.idx.msk [tilespmem:v9+s16+$0x0], $0xffff;
	v54 =	vor.u32 s22, v60;
	[tilespmem:v52+s19+$0x0] =	vst.idx.msk $0xffff, v47;
	v52 =	vor.u32 v33, v63  }
0x34e: {  	v60 =	vor.u32 s14, v1;
	v47 =	vor.u32 v31, v63;
	v63 =	vor.u32 v57, v26;
	[tilespmem:v11+s19+$0x0] =	vst.idx.msk $0xffff, v7  }
0x34f: {  	s14 =	smov.u32 s21;
	v56 =	vld.idx.msk [tilespmem:v62+s16+$0x0], $0xffff;
	[tilespmem:v59+s19+$0x0] =	vst.idx.msk $0xffff, v5;
	v5 =	vand.u32 v8, v54;
	v59 =	vor.u32 v37, v40  }
0x350: {  	v18 =	vmovc v61;
	v7 =	vshll.u32 v50, $0x7;
	v11 =	vor.u32 s14, v21;
	v50 =	vld.idx.msk [tilespmem:v51+s16+$0x0], $0xffff;
	v61 =	vor.u32 v49, v5  }
0x351: {  	v62 =	vand.u32 v24, v60;
	v37 =	vor.u32 v37, v41;
	v3 =	vld.idx.msk [tilespmem:v3+s16+$0x0], $0xffff;
	[tilespmem:v2+s19+$0x0] =	vst.idx.msk $0xffff, v48  }
0x352: {  	[tilespmem:v45+s19+$0x0] =	vst.idx.msk $0xffff, v9;
	v9 =	vand.u32 v6, v11;
	v5 =	vor.u32 v42, v5;
	v48 =	vld.idx.msk [tilespmem:v52+s16+$0x0], $0xffff  }
0x353: {  	v45 =	vor.u32 v7, v32;
	v2 =	vor.u32 v27, v62;
	v27 =	vmovc v33;
	v52 =	vshll.u32 v54, $0x7;
	v54 =	vld [tilespmem:$0x1FF60]  }
0x354: {  	v51 =	vor.u32 v27, v9;
	[tilespmem:v59+s19+$0x0] =	vst.idx.msk $0xffff, v56  }
0x355: {  	v59 =	vor.u32 v52, v40;
	v56 =	vld.idx.msk [tilespmem:v61+s16+$0x0], $0xffff  }
0x356: {  	v44 =	vld.idx.msk [tilespmem:v44+s16+$0x0], $0xffff;
	[tilespmem:v37+s19+$0x0] =	vst.idx.msk $0xffff, v50  }
0x357: {  	v46 =	vor.u32 v46, v29;
	s21 =	smov.u32 s22;
	v60 =	vshll.u32 v60, $0x7;
	[tilespmem:v63+s19+$0x0] =	vst.idx.msk $0xffff, v3;
	v5 =	vld.idx.msk [tilespmem:v5+s16+$0x0], $0xffff  }
0x358: {  	v33 =	vmov v49;
	v49 =	vor.u32 v52, v41;
	v2 =	vld.idx.msk [tilespmem:v2+s16+$0x0], $0xffff;
	v54 =	vor.u32 s21, v54;
	[tilespmem:v45+s19+$0x0] =	vst.idx.msk $0xffff, v48  }
0x359: {  	v61 =	vor.u32 v60, v26;
	v26 =	vmovc v32;
	v32 =	vmov v40;
	v3 =	vand.u32 v10, v54;
	v40 =	vld.idx.msk [tilespmem:v51+s16+$0x0], $0xffff  }
0x35a: {  	v7 =	vor.u32 v7, v30;
	v52 =	vor.u32 v33, v3;
	[tilespmem:v59+s19+$0x0] =	vst.idx.msk $0xffff, v56;
	v56 =	vld [tilespmem:$0x1FF70]  }
0x35b: {  	v11 =	vshll.u32 v11, $0x7;
	v9 =	vor.u32 v31, v9;
	v37 =	vor.u32 s14, v25;
	v63 =	vmovc v23;
	[tilespmem:v53+s19+$0x0] =	vst.idx.msk $0xffff, v44  }
0x35c: {  	v44 =	vand.u32 v8, v37;
	v47 =	vld.idx.msk [tilespmem:v47+s16+$0x0], $0xffff;
	[tilespmem:v35+s19+$0x0] =	vst.idx.msk $0xffff, v39;
	v3 =	vor.u32 v42, v3  }
0x35d: {  	v50 =	vor.u32 v27, v44;
	v39 =	vor.u32 v28, v58;
	v35 =	vld.idx.msk [tilespmem:v36+s16+$0x0], $0xffff;
	v45 =	vor.u32 v11, v26  }
0x35e: {  	v48 =	vor.u32 v28, v55;
	v51 =	vshll.u32 v54, $0x7;
	v54 =	vor.u32 v31, v44;
	v59 =	vld [tilespmem:$0x1FFA0];
	[tilespmem:v49+s19+$0x0] =	vst.idx.msk $0xffff, v5  }
0x35f: {  	v5 =	vshll.u32 v37, $0x7;
	v37 =	vor.u32 v57, v29;
	v53 =	vor.u32 s21, v56;
	v52 =	vld.idx.msk [tilespmem:v52+s16+$0x0], $0xffff;
	[tilespmem:v61+s19+$0x0] =	vst.idx.msk $0xffff, v2  }
0x360: {  	v58 =	vmovc v15;
	v57 =	vld [tilespmem:$0x1FF80];
	v2 =	vor.u32 v51, v41;
	v51 =	vor.u32 v51, v32;
	v44 =	vand.u32 v12, v53  }
0x361: {  	v3 =	vld.idx.msk [tilespmem:v3+s16+$0x0], $0xffff;
	[tilespmem:v7+s19+$0x0] =	vst.idx.msk $0xffff, v47;
	v55 =	vor.u32 v42, v44;
	v44 =	vor.u32 v33, v44  }
0x362: {  	v36 =	vor.u32 s14, v0;
	v11 =	vor.u32 v11, v30;
	v61 =	vmov v18;
	[tilespmem:v45+s19+$0x0] =	vst.idx.msk $0xffff, v40;
	v9 =	vld.idx.msk [tilespmem:v9+s16+$0x0], $0xffff  }
0x363: {  	v7 =	vand.u32 v10, v36;
	v47 =	vor.u32 v5, v26;
	v40 =	vor.u32 v43, v29;
	v43 =	vld.idx.msk [tilespmem:v50+s16+$0x0], $0xffff  }
0x364: {  	v45 =	vor.u32 v5, v30;
	v5 =	vor.u32 v27, v7;
	v49 =	vshll.u32 v53, $0x7;
	[tilespmem:v34+s19+$0x0] =	vst.idx.msk $0xffff, v38  }
0x365: {  	v53 =	vor.u32 s21, v57;
	v38 =	vor.u32 v28, v62;
	v34 =	vor.u32 v60, v29;
	[tilespmem:v51+s19+$0x0] =	vst.idx.msk $0xffff, v52  }
0x366: {  	s7 =	sadd.s32 $0x2, s7;
	v57 =	vor.u32 v49, v32;
	v56 =	vld.idx.msk [tilespmem:v44+s16+$0x0], $0xffff;
	v44 =	vor.u32 v31, v7;
	v7 =	vand.u32 v13, v53  }
0x367: {  	p0 =	slt.u32 s7, $0x1E;
	v62 =	vmov v16;
	[tilespmem:v46+s19+$0x0] =	vst.idx.msk $0xffff, v35;
	v50 =	vor.u32 v42, v7;
	v7 =	vor.u32 v33, v7  }
.Ltmp4:
0x368: {  	v60 =	vmovc v17;
	v28 =	vmov v31;
	v29 =	vmov v30;
	v46 =	vor.u32 s14, v59;
	[tilespmem:v47+s19+$0x0] =	vst.idx.msk $0xffff, v43;
	v43 =	vld.idx.msk [tilespmem:v48+s16+$0x0], $0xffff;
	(pc) =	sbr.rel @p0 .LBB2_10-.Ltmp4, $4  }
0x369: {  	v51 =	vor.u32 v49, v41;
	[tilespmem:v2+s19+$0x0] =	vst.idx.msk $0xffff, v3;
	v2 =	vshll.u32 v36, $0x7;
	v31 =	vmov v42;
	v47 =	vld.idx.msk [tilespmem:v5+s16+$0x0], $0xffff  }
0x36a: {  	v3 =	vand.u32 v12, v46;
	v52 =	vld.idx.msk [tilespmem:v55+s16+$0x0], $0xffff;
	[tilespmem:v11+s19+$0x0] =	vst.idx.msk $0xffff, v9;
	v49 =	vor.u32 v2, v26  }
0x36b: {  	v35 =	vor.u32 v2, v30;
	v42 =	vor.u32 v27, v3;
	v48 =	vld.idx.msk [tilespmem:v54+s16+$0x0], $0xffff;
	[tilespmem:v57+s19+$0x0] =	vst.idx.msk $0xffff, v56  }
0x36c: {  	s8 =	sadd.s32 $0x20, s8;
	v55 =	vshll.u32 v53, $0x7;
	v53 =	vor.u32 s21, v20;
	v36 =	vor.u32 v28, v3;
	v30 =	vmovc v41;
	v57 =	vmovc v20;
	v54 =	vld.idx.msk [tilespmem:v7+s16+$0x0], $0xffff  }
0x36d: {  	v3 =	vor.u32 v55, v32;
	_ =	sdelay $0x3  }
0x36e: {  	[tilespmem:v51+s19+$0x0] =	vst.idx.msk $0xffff, v52  }
0x36f: {  	[tilespmem:v3+s19+$0x0] =	vst.idx.msk $0xffff, v54  }
0x370: {  	v2 =	vand.u32 v14, v53;
	v3 =	vshll.u32 v53, $0x7;
	v53 =	vld [tilespmem:$0x1FF30]  }
0x371: {  	v7 =	vor.u32 v55, v30;
	v5 =	vor.u32 v33, v2;
	v9 =	vld.idx.msk [tilespmem:v50+s16+$0x0], $0xffff  }
0x372: {  	v2 =	vor.u32 v31, v2;
	_ =	sdelay $0x2  }
0x373: {  	v11 =	vor.u32 s21, v53  }
0x374: {  	v5 =	vld.idx.msk [tilespmem:v5+s16+$0x0], $0xffff;
	v55 =	vor.u32 v3, v32;
	[tilespmem:v7+s19+$0x0] =	vst.idx.msk $0xffff, v9;
	v41 =	vand.u32 v24, v11  }
0x375: {  	v3 =	vor.u32 v3, v30;
	v2 =	vld.idx.msk [tilespmem:v2+s16+$0x0], $0xffff;
	v56 =	vor.u32 v33, v41  }
0x376: {  	v7 =	vor.u32 v31, v41;
	_ =	sdelay $0x2  }
0x377: {  	v9 =	vor.u32 s21, v22;
	[tilespmem:v55+s19+$0x0] =	vst.idx.msk $0xffff, v5;
	v5 =	vshll.u32 v11, $0x7  }
0x378: {  	v54 =	vand.u32 v4, v9;
	v55 =	vor.u32 v5, v32;
	[tilespmem:v3+s19+$0x0] =	vst.idx.msk $0xffff, v2;
	v11 =	vld.idx.msk [tilespmem:v56+s16+$0x0], $0xffff  }
0x379: {  	v2 =	vor.u32 v5, v30;
	v56 =	vor.u32 v33, v54;
	v3 =	vld.idx.msk [tilespmem:v7+s16+$0x0], $0xffff  }
0x37a: {  	v5 =	vor.u32 v31, v54;
	_ =	sdelay $0x2  }
0x37b: {  	v7 =	vshll.u32 v9, $0x7;
	v9 =	vor.u32 s21, v21;
	[tilespmem:v55+s19+$0x0] =	vst.idx.msk $0xffff, v11  }
0x37c: {  	v54 =	vand.u32 v6, v9;
	v55 =	vor.u32 v7, v32;
	[tilespmem:v2+s19+$0x0] =	vst.idx.msk $0xffff, v3;
	v11 =	vld.idx.msk [tilespmem:v56+s16+$0x0], $0xffff  }
0x37d: {  	v2 =	vor.u32 v7, v30;
	v56 =	vor.u32 v33, v54;
	v3 =	vld.idx.msk [tilespmem:v5+s16+$0x0], $0xffff  }
0x37e: {  	v5 =	vor.u32 v31, v54;
	_ =	sdelay $0x2  }
0x37f: {  	v7 =	vshll.u32 v9, $0x7;
	v9 =	vor.u32 s21, v25;
	[tilespmem:v55+s19+$0x0] =	vst.idx.msk $0xffff, v11  }
0x380: {  	v54 =	vand.u32 v8, v9;
	v55 =	vor.u32 v7, v32;
	[tilespmem:v2+s19+$0x0] =	vst.idx.msk $0xffff, v3;
	v11 =	vld.idx.msk [tilespmem:v56+s16+$0x0], $0xffff  }
0x381: {  	v2 =	vor.u32 v7, v30;
	v56 =	vor.u32 v33, v54;
	v3 =	vld.idx.msk [tilespmem:v5+s16+$0x0], $0xffff  }
0x382: {  	v5 =	vor.u32 v31, v54;
	_ =	sdelay $0x2  }
0x383: {  	v7 =	vshll.u32 v9, $0x7;
	v9 =	vor.u32 s21, v0;
	[tilespmem:v55+s19+$0x0] =	vst.idx.msk $0xffff, v11  }
0x384: {  	v54 =	vand.u32 v10, v9;
	v55 =	vor.u32 v7, v32;
	[tilespmem:v2+s19+$0x0] =	vst.idx.msk $0xffff, v3;
	v11 =	vld.idx.msk [tilespmem:v56+s16+$0x0], $0xffff  }
0x385: {  	v2 =	vor.u32 v7, v30;
	v56 =	vor.u32 v33, v54;
	v3 =	vld.idx.msk [tilespmem:v5+s16+$0x0], $0xffff  }
0x386: {  	v5 =	vor.u32 v31, v54  }
0x387: {  	[tilespmem:v45+s19+$0x0] =	vst.idx.msk $0xffff, v48  }
0x388: {  	v44 =	vld.idx.msk [tilespmem:v44+s16+$0x0], $0xffff  }
0x389: {  	v7 =	vshll.u32 v9, $0x7;
	v9 =	vor.u32 s21, v59;
	[tilespmem:v55+s19+$0x0] =	vst.idx.msk $0xffff, v11  }
0x38a: {  	v54 =	vand.u32 v12, v9;
	v55 =	vor.u32 v7, v32;
	[tilespmem:v2+s19+$0x0] =	vst.idx.msk $0xffff, v3;
	v11 =	vld.idx.msk [tilespmem:v56+s16+$0x0], $0xffff  }
0x38b: {  	v2 =	vor.u32 v7, v30;
	v56 =	vor.u32 v33, v54;
	v3 =	vld.idx.msk [tilespmem:v5+s16+$0x0], $0xffff  }
0x38c: {  	[tilespmem:v49+s19+$0x0] =	vst.idx.msk $0xffff, v47;
	v41 =	vor.u32 v31, v54;
	v7 =	vshll.u32 v46, $0x7;
	v5 =	vor.u32 s14, v63  }
0x38d: {  	v42 =	vld.idx.msk [tilespmem:v42+s16+$0x0], $0xffff;
	[tilespmem:v35+s19+$0x0] =	vst.idx.msk $0xffff, v44;
	v47 =	vor.u32 v7, v26;
	v46 =	vand.u32 v13, v5  }
0x38e: {  	v50 =	vor.u32 s21, v63;
	v36 =	vld.idx.msk [tilespmem:v36+s16+$0x0], $0xffff;
	v52 =	vor.u32 v27, v46  }
0x38f: {  	v9 =	vshll.u32 v9, $0x7;
	v54 =	vand.u32 v13, v50;
	v7 =	vor.u32 v7, v29;
	[tilespmem:v55+s19+$0x0] =	vst.idx.msk $0xffff, v11  }
0x390: {  	v55 =	vor.u32 v9, v32;
	[tilespmem:v2+s19+$0x0] =	vst.idx.msk $0xffff, v3;
	v2 =	vor.u32 v28, v46;
	v11 =	vld.idx.msk [tilespmem:v56+s16+$0x0], $0xffff  }
0x391: {  	v3 =	vor.u32 v9, v30;
	v56 =	vor.u32 v33, v54;
	v9 =	vld.idx.msk [tilespmem:v41+s16+$0x0], $0xffff  }
0x392: {  	v5 =	vshll.u32 v5, $0x7;
	v35 =	vor.u32 v31, v54;
	[tilespmem:v47+s19+$0x0] =	vst.idx.msk $0xffff, v42;
	v41 =	vor.u32 s14, v61  }
0x393: {  	v42 =	vld.idx.msk [tilespmem:v52+s16+$0x0], $0xffff;
	v46 =	vand.u32 v14, v41;
	v52 =	vor.u32 v5, v26  }
0x394: {  	v49 =	vor.u32 s21, v61;
	[tilespmem:v7+s19+$0x0] =	vst.idx.msk $0xffff, v36;
	v5 =	vor.u32 v5, v29;
	v54 =	vor.u32 v27, v46  }
0x395: {  	v2 =	vld.idx.msk [tilespmem:v2+s16+$0x0], $0xffff;
	[tilespmem:v55+s19+$0x0] =	vst.idx.msk $0xffff, v11;
	v11 =	vshll.u32 v50, $0x7;
	v55 =	vand.u32 v14, v49  }
0x396: {  	[tilespmem:v3+s19+$0x0] =	vst.idx.msk $0xffff, v9;
	v3 =	vor.u32 v28, v46;
	v7 =	vld.idx.msk [tilespmem:v56+s16+$0x0], $0xffff;
	v44 =	vor.u32 v11, v32  }
0x397: {  	[tilespmem:v40+s19+$0x0] =	vst.idx.msk $0xffff, v43;
	v56 =	vor.u32 v33, v55;
	v9 =	vor.u32 v11, v30;
	v11 =	vld.idx.msk [tilespmem:v35+s16+$0x0], $0xffff  }
0x398: {  	v39 =	vld.idx.msk [tilespmem:v39+s16+$0x0], $0xffff;
	v41 =	vshll.u32 v41, $0x7;
	v50 =	vor.u32 s14, v1;
	[tilespmem:v52+s19+$0x0] =	vst.idx.msk $0xffff, v42;
	v36 =	vor.u32 v31, v55  }
0x399: {  	v52 =	vand.u32 v24, v50;
	v51 =	vld.idx.msk [tilespmem:v54+s16+$0x0], $0xffff;
	v54 =	vor.u32 v41, v26  }
0x39a: {  	v55 =	vor.u32 s21, v1;
	v27 =	vor.u32 v27, v52;
	v41 =	vor.u32 v41, v29;
	[tilespmem:v5+s19+$0x0] =	vst.idx.msk $0xffff, v2  }
0x39b: {  	v5 =	vand.u32 v24, v55;
	v3 =	vld.idx.msk [tilespmem:v3+s16+$0x0], $0xffff;
	[tilespmem:v44+s19+$0x0] =	vst.idx.msk $0xffff, v7;
	v7 =	vshll.u32 v49, $0x7  }
0x39c: {  	[tilespmem:v9+s19+$0x0] =	vst.idx.msk $0xffff, v11;
	v9 =	vor.u32 v28, v52;
	v2 =	vld.idx.msk [tilespmem:v56+s16+$0x0], $0xffff;
	v56 =	vor.u32 v7, v32  }
0x39d: {  	v48 =	vor.u32 v33, v5;
	v7 =	vor.u32 v7, v30;
	v11 =	vld.idx.msk [tilespmem:v36+s16+$0x0], $0xffff  }
0x39e: {  	[tilespmem:v37+s19+$0x0] =	vst.idx.msk $0xffff, v39;
	v5 =	vor.u32 v31, v5  }
0x39f: {  	v31 =	vld.idx.msk [tilespmem:v38+s16+$0x0], $0xffff;
	v28 =	vshll.u32 v50, $0x7;
	[tilespmem:v54+s19+$0x0] =	vst.idx.msk $0xffff, v51  }
0x3a0: {  	v26 =	vor.u32 v28, v26;
	v27 =	vld.idx.msk [tilespmem:v27+s16+$0x0], $0xffff;
	[tilespmem:v41+s19+$0x0] =	vst.idx.msk $0xffff, v3  }
0x3a1: {  	v28 =	vor.u32 v28, v29;
	v9 =	vld.idx.msk [tilespmem:v9+s16+$0x0], $0xffff;
	[tilespmem:v56+s19+$0x0] =	vst.idx.msk $0xffff, v2;
	v2 =	vshll.u32 v55, $0x7  }
0x3a2: {  	[tilespmem:v7+s19+$0x0] =	vst.idx.msk $0xffff, v11;
	v3 =	vld.idx.msk [tilespmem:v48+s16+$0x0], $0xffff;
	v49 =	vor.u32 v2, v32  }
0x3a3: {  	v2 =	vor.u32 v2, v30;
	v5 =	vld.idx.msk [tilespmem:v5+s16+$0x0], $0xffff  }
0x3a4: {  	[tilespmem:v34+s19+$0x0] =	vst.idx.msk $0xffff, v31  }
0x3a5: {  	[tilespmem:v26+s19+$0x0] =	vst.idx.msk $0xffff, v27  }
0x3a6: {  	[tilespmem:v28+s19+$0x0] =	vst.idx.msk $0xffff, v9  }
0x3a7: {  	[tilespmem:v49+s19+$0x0] =	vst.idx.msk $0xffff, v3  }
0x3a8: {  	[tilespmem:v2+s19+$0x0] =	vst.idx.msk $0xffff, v5  }
0x3a9: {  	s4 =	simm.s32 $0x0;
	s7 =	rddreg [dreg:$0x8]  }
0x3aa: {  	[hbm4b:s7+s4] =	stream.linear.scatter [tilespmem:s19], [sflag:$0x3], $0x400, $0x38;
	[tilespmem:$0xE400] =	vst v63  }
0x3ab: {  	s8 =	simm.s32 $0xA800;
	s14 =	rddreg [dreg:$0x9]  }
0x3ac: {  	[hbm4b:s14+s4] =	stream.linear.scatter [tilespmem:s8], [sflag:$0x3], $0x400, $0x38;
	[tilespmem:$0xE400] =	vst v63  }
0x3ad: {  	s22 =	simm.s32 $0xAC00;
	s21 =	rddreg [dreg:$0xa]  }
0x3ae: {  	[hbm4b:s21+s4] =	stream.linear.scatter [tilespmem:s22], [sflag:$0x3], $0x400, $0x38;
	[tilespmem:$0xE400] =	vst v63  }
0x3af: {  	s25 =	simm.s32 $0xB000;
	s23 =	rddreg [dreg:$0xb]  }
0x3b0: {  	[hbm4b:s23+s4] =	stream.linear.scatter [tilespmem:s25], [sflag:$0x3], $0x400, $0x38;
	[tilespmem:$0xE400] =	vst v63  }
0x3b1: {  	s28 =	simm.s32 $0xB400;
	s26 =	rddreg [dreg:$0xc]  }
0x3b2: {  	[hbm4b:s26+s4] =	stream.linear.scatter [tilespmem:s28], [sflag:$0x3], $0x400, $0x38;
	[tilespmem:$0xE400] =	vst v63  }
0x3b3: {  	s14 =	rddreg [dreg:$0xd];
	s21 =	simm.s32 $0xB800  }
0x3b4: {  	[hbm4b:s14+s4] =	stream.linear.scatter [tilespmem:s21], [sflag:$0x3], $0x400, $0x38;
	[tilespmem:$0xE400] =	vst v63  }
0x3b5: {  	s22 =	rddreg [dreg:$0xe];
	s23 =	simm.s32 $0xBC00  }
0x3b6: {  	[hbm4b:s22+s4] =	stream.linear.scatter [tilespmem:s23], [sflag:$0x3], $0x400, $0x38;
	[tilespmem:$0xE400] =	vst v63  }
0x3b7: {  	s25 =	rddreg [dreg:$0xf];
	s26 =	simm.s32 $0xC000  }
0x3b8: {  	[hbm4b:s25+s4] =	stream.linear.scatter [tilespmem:s26], [sflag:$0x3], $0x400, $0x38;
	[tilespmem:$0xE400] =	vst v63  }
0x3b9: {  	_ =	swait.ge [sflag:s1], $0x2000  }
0x3ba: {  	[sflag:s1] =	ssyncset.done $0x0  }
0x3bb: {  	s25 =	simm.s32 $0x4;
	[sflag:s1] =	ssyncadd.s32 $0xFFFFE000  }
0x3bc: {  	_ =	swait.ge [sflag:s25], $0x400  }
0x3bd: {  	[sflag:s25] =	ssyncset.done $0x0  }
0x3be: {  	[sflag:s25] =	ssyncadd.s32 $0xFFFFFC00  }
0x3bf: {  	_ =	swait.ge [sflag:s25], $0x400  }
0x3c0: {  	[sflag:s25] =	ssyncset.done $0x0  }
0x3c1: {  	[sflag:s25] =	ssyncadd.s32 $0xFFFFFC00  }
0x3c2: {  	_ =	swait.ge [sflag:s25], $0x400  }
0x3c3: {  	[sflag:s25] =	ssyncset.done $0x0  }
0x3c4: {  	[sflag:s25] =	ssyncadd.s32 $0xFFFFFC00  }
0x3c5: {  	_ =	swait.ge [sflag:s25], $0x400  }
0x3c6: {  	[sflag:s25] =	ssyncset.done $0x0  }
0x3c7: {  	[sflag:s25] =	ssyncadd.s32 $0xFFFFFC00  }
0x3c8: {  	_ =	swait.ge [sflag:s25], $0x400  }
0x3c9: {  	[sflag:s25] =	ssyncset.done $0x0  }
0x3ca: {  	[sflag:s25] =	ssyncadd.s32 $0xFFFFFC00  }
0x3cb: {  	_ =	swait.ge [sflag:s25], $0x400  }
0x3cc: {  	[sflag:s25] =	ssyncset.done $0x0  }
0x3cd: {  	[sflag:s25] =	ssyncadd.s32 $0xFFFFFC00  }
0x3ce: {  	_ =	swait.ge [sflag:s25], $0x400  }
0x3cf: {  	s28 =	sand.u32 $0x60, s4;
	[sflag:s25] =	ssyncset.done $0x0  }
0x3d0: {  	s7 =	sand.u32 $0x30, s4;
	s14 =	sor.u32 $0x10, s28;
	[sflag:s25] =	ssyncadd.s32 $0xFFFFFC00  }
0x3d1: {  	v2 =	vor.u32 s7, v19;
	v3 =	vor.u32 s14, v19;
	_ =	swait.ge [sflag:s25], $0x400  }
0x3d2: {  	v5 =	vand.u32 v4, v2;
	v35 =	vshll.u32 v3, $0x6;
	v56 =	vld [tilespmem:$0x1FFC0]  }
0x3d3: {  	v7 =	vor.u32 v35, v5;
	_ =	sdelay $0x2  }
0x3d4: {  	[sflag:s25] =	ssyncset.done $0x0  }
0x3d5: {  	v9 =	vor.u32 s7, v62;
	v2 =	vshll.u32 v2, $0x7;
	[sflag:s25] =	ssyncadd.s32 $0xFFFFFC00;
	v37 =	vand.u32 v56, v3  }
0x3d6: {  	v3 =	vld.idx.msk [tilespmem:v7+s17+$0x0], $0xffff;
	v7 =	vand.u32 v6, v9;
	v11 =	vor.u32 v2, v37  }
0x3d7: {  	v26 =	vor.u32 v35, v7;
	_ =	sdelay $0x3  }
0x3d8: {  	[tilespmem:v11+s20+$0x0] =	vst.idx.msk $0xffff, v3;
	v3 =	vshll.u32 v9, $0x7  }
0x3d9: {  	v11 =	vld.idx.msk [tilespmem:v26+s17+$0x0], $0xffff;
	v28 =	vor.u32 v3, v37;
	_ =	sdelay $0x2  }
0x3da: {  	v27 =	vor.u32 s28, v19  }
0x3db: {  	v34 =	vshll.u32 v27, $0x6;
	v9 =	vor.u32 s7, v60  }
0x3dc: {  	v5 =	vor.u32 v34, v5;
	v26 =	vand.u32 v8, v9;
	[tilespmem:v28+s20+$0x0] =	vst.idx.msk $0xffff, v11  }
0x3dd: {  	v29 =	vor.u32 v35, v26;
	v49 =	vld [tilespmem:$0x1FF60];
	_ =	sdelay $0x2  }
0x3de: {  	v36 =	vand.u32 v58, v27  }
0x3df: {  	v5 =	vld.idx.msk [tilespmem:v5+s17+$0x0], $0xffff;
	v2 =	vor.u32 v2, v36;
	v9 =	vshll.u32 v9, $0x7  }
0x3e0: {  	v7 =	vor.u32 v34, v7;
	v27 =	vld.idx.msk [tilespmem:v29+s17+$0x0], $0xffff;
	v29 =	vor.u32 v9, v37;
	v11 =	vor.u32 s7, v49  }
0x3e1: {  	v28 =	vand.u32 v10, v11  }
0x3e2: {  	v30 =	vor.u32 v35, v28;
	_ =	sdelay $0x1  }
0x3e3: {  	[tilespmem:v2+s20+$0x0] =	vst.idx.msk $0xffff, v5  }
0x3e4: {  	v2 =	vor.u32 v3, v36;
	v3 =	vld.idx.msk [tilespmem:v7+s17+$0x0], $0xffff;
	[tilespmem:v29+s20+$0x0] =	vst.idx.msk $0xffff, v27  }
0x3e5: {  	v7 =	vshll.u32 v11, $0x7;
	v48 =	vld [tilespmem:$0x1FF70]  }
0x3e6: {  	v5 =	vor.u32 v34, v26;
	v29 =	vor.u32 v7, v37;
	v26 =	vld.idx.msk [tilespmem:v30+s17+$0x0], $0xffff;
	_ =	sdelay $0x3  }
0x3e7: {  	[tilespmem:v2+s20+$0x0] =	vst.idx.msk $0xffff, v3  }
0x3e8: {  	v11 =	vor.u32 s7, v48;
	[tilespmem:v29+s20+$0x0] =	vst.idx.msk $0xffff, v26  }
0x3e9: {  	v27 =	vand.u32 v12, v11;
	v47 =	vld [tilespmem:$0x1FF80]  }
0x3ea: {  	v30 =	vor.u32 v35, v27;
	_ =	sdelay $0x1  }
0x3eb: {  	v2 =	vor.u32 v9, v36;
	v3 =	vld.idx.msk [tilespmem:v5+s17+$0x0], $0xffff  }
0x3ec: {  	v5 =	vor.u32 v34, v28  }
0x3ed: {  	v9 =	vshll.u32 v11, $0x7;
	v11 =	vor.u32 s7, v47  }
0x3ee: {  	v29 =	vor.u32 v9, v37;
	v26 =	vld.idx.msk [tilespmem:v30+s17+$0x0], $0xffff;
	v28 =	vand.u32 v13, v11  }
0x3ef: {  	v30 =	vor.u32 v35, v28  }
0x3f0: {  	[tilespmem:v2+s20+$0x0] =	vst.idx.msk $0xffff, v3  }
0x3f1: {  	s21 =	simm.s32 $0x20;
	s22 =	simm.s32 $0x4;
	v2 =	vor.u32 v7, v36;
	v3 =	vld.idx.msk [tilespmem:v5+s17+$0x0], $0xffff  }
0x3f2: {  	s14 =	sand.u32 $0x30, s22;
	s4 =	sand.u32 $0x60, s21;
	v5 =	vor.u32 v34, v27  }
0x3f3: {  	v50 =	vor.u32 s14, v19;
	s23 =	sor.u32 $0x10, s4;
	[tilespmem:v29+s20+$0x0] =	vst.idx.msk $0xffff, v26;
	v7 =	vshll.u32 v11, $0x7;
	v11 =	vor.u32 s7, v57  }
0x3f4: {  	v51 =	vor.u32 s23, v19;
	v29 =	vand.u32 v14, v11;
	v26 =	vld.idx.msk [tilespmem:v30+s17+$0x0], $0xffff;
	v30 =	vor.u32 v7, v37  }
0x3f5: {  	v52 =	vand.u32 v4, v50;
	v27 =	vshll.u32 v51, $0x6;
	v31 =	vor.u32 v35, v29  }
0x3f6: {  	[tilespmem:v2+s20+$0x0] =	vst.idx.msk $0xffff, v3;
	v2 =	vor.u32 v27, v52  }
0x3f7: {  	v39 =	vor.u32 s7, v53;
	v40 =	vor.u32 s4, v19;
	v3 =	vor.u32 v9, v36;
	v5 =	vld.idx.msk [tilespmem:v5+s17+$0x0], $0xffff  }
0x3f8: {  	v43 =	vor.u32 s14, v62;
	v9 =	vor.u32 v34, v28;
	v28 =	vshll.u32 v40, $0x6  }
0x3f9: {  	v32 =	vshll.u32 v50, $0x7;
	v11 =	vshll.u32 v11, $0x7;
	v50 =	vor.u32 v28, v52;
	[tilespmem:v30+s20+$0x0] =	vst.idx.msk $0xffff, v26  }
0x3fa: {  	v54 =	vor.u32 v11, v37;
	v30 =	vand.u32 v24, v39;
	v26 =	vand.u32 v56, v51;
	v31 =	vld.idx.msk [tilespmem:v31+s17+$0x0], $0xffff  }
0x3fb: {  	v2 =	vld.idx.msk [tilespmem:v2+s17+$0x0], $0xffff;
	v51 =	vand.u32 v6, v43;
	v55 =	vor.u32 v35, v30;
	v52 =	vor.u32 v32, v26  }
0x3fc: {  	[tilespmem:v3+s20+$0x0] =	vst.idx.msk $0xffff, v5;
	v3 =	vor.u32 v27, v51  }
0x3fd: {  	v5 =	vor.u32 v7, v36;
	v7 =	vor.u32 v34, v29;
	v29 =	vand.u32 v58, v40;
	v9 =	vld.idx.msk [tilespmem:v9+s17+$0x0], $0xffff  }
0x3fe: {  	v33 =	vld.idx.msk [tilespmem:v50+s17+$0x0], $0xffff;
	v50 =	vor.u32 s14, v60;
	v43 =	vshll.u32 v43, $0x7;
	v32 =	vor.u32 v32, v29  }
0x3ff: {  	v38 =	vor.u32 v28, v51;
	[tilespmem:v54+s20+$0x0] =	vst.idx.msk $0xffff, v31;
	v31 =	vshll.u32 v39, $0x7;
	v39 =	vor.u32 s7, v22  }
0x400: {  	[tilespmem:v52+s20+$0x0] =	vst.idx.msk $0xffff, v2;
	v54 =	vld.idx.msk [tilespmem:v55+s17+$0x0], $0xffff;
	v41 =	vand.u32 v4, v39;
	v55 =	vor.u32 v31, v37  }
0x401: {  	v51 =	vand.u32 v8, v50;
	v52 =	vor.u32 v43, v26;
	v3 =	vld.idx.msk [tilespmem:v3+s17+$0x0], $0xffff;
	v2 =	vor.u32 v35, v41  }
0x402: {  	[tilespmem:v5+s20+$0x0] =	vst.idx.msk $0xffff, v9;
	v5 =	vor.u32 v27, v51  }
0x403: {  	v40 =	vor.u32 s7, v21;
	v9 =	vor.u32 v11, v36;
	v7 =	vld.idx.msk [tilespmem:v7+s17+$0x0], $0xffff  }
0x404: {  	v11 =	vor.u32 v34, v30;
	v30 =	vor.u32 v43, v29;
	[tilespmem:v32+s20+$0x0] =	vst.idx.msk $0xffff, v33;
	v39 =	vshll.u32 v39, $0x7  }
0x405: {  	v32 =	vand.u32 v6, v40;
	v38 =	vld.idx.msk [tilespmem:v38+s17+$0x0], $0xffff;
	[tilespmem:v55+s20+$0x0] =	vst.idx.msk $0xffff, v54;
	v54 =	vor.u32 v39, v37  }
0x406: {  	v49 =	vor.u32 s14, v49;
	[tilespmem:v52+s20+$0x0] =	vst.idx.msk $0xffff, v3;
	v55 =	vshll.u32 v50, $0x7;
	v50 =	vor.u32 v28, v51;
	v2 =	vld.idx.msk [tilespmem:v2+s17+$0x0], $0xffff  }
0x407: {  	v3 =	vor.u32 v35, v32;
	v51 =	vand.u32 v10, v49;
	v5 =	vld.idx.msk [tilespmem:v5+s17+$0x0], $0xffff;
	v52 =	vor.u32 v55, v26  }
0x408: {  	[tilespmem:v9+s20+$0x0] =	vst.idx.msk $0xffff, v7;
	v7 =	vor.u32 v27, v51  }
0x409: {  	v33 =	vor.u32 s7, v25;
	v9 =	vor.u32 v31, v36;
	v31 =	vor.u32 v34, v41;
	v11 =	vld.idx.msk [tilespmem:v11+s17+$0x0], $0xffff  }
0x40a: {  	[tilespmem:v30+s20+$0x0] =	vst.idx.msk $0xffff, v38;
	v30 =	vand.u32 v8, v33;
	v41 =	vor.u32 v55, v29  }
0x40b: {  	v55 =	vshll.u32 v49, $0x7;
	v49 =	vor.u32 s14, v48;
	[tilespmem:v54+s20+$0x0] =	vst.idx.msk $0xffff, v2;
	v2 =	vshll.u32 v40, $0x7;
	v40 =	vld.idx.msk [tilespmem:v50+s17+$0x0], $0xffff  }
0x40c: {  	[tilespmem:v52+s20+$0x0] =	vst.idx.msk $0xffff, v5;
	v50 =	vor.u32 v28, v51;
	v3 =	vld.idx.msk [tilespmem:v3+s17+$0x0], $0xffff;
	v54 =	vor.u32 v2, v37  }
0x40d: {  	v5 =	vor.u32 v35, v30;
	v51 =	vand.u32 v12, v49;
	v52 =	vor.u32 v55, v26;
	v7 =	vld.idx.msk [tilespmem:v7+s17+$0x0], $0xffff  }
0x40e: {  	[tilespmem:v9+s20+$0x0] =	vst.idx.msk $0xffff, v11;
	v9 =	vor.u32 v27, v51  }
0x40f: {  	v11 =	vor.u32 v39, v36;
	v31 =	vld.idx.msk [tilespmem:v31+s17+$0x0], $0xffff  }
0x410: {  	v32 =	vor.u32 v34, v32;
	v39 =	vor.u32 v55, v29;
	[tilespmem:v41+s20+$0x0] =	vst.idx.msk $0xffff, v40  }
0x411: {  	v48 =	vshll.u32 v49, $0x7;
	v49 =	vor.u32 v28, v51;
	[tilespmem:v54+s20+$0x0] =	vst.idx.msk $0xffff, v3;
	v3 =	vshll.u32 v33, $0x7;
	v41 =	vld.idx.msk [tilespmem:v50+s17+$0x0], $0xffff  }
0x412: {  	v54 =	vor.u32 s7, v0;
	[tilespmem:v52+s20+$0x0] =	vst.idx.msk $0xffff, v7;
	v5 =	vld.idx.msk [tilespmem:v5+s17+$0x0], $0xffff;
	v55 =	vor.u32 v3, v37  }
0x413: {  	v51 =	vor.u32 v48, v26;
	v50 =	vor.u32 s14, v47;
	v38 =	vand.u32 v10, v54;
	v9 =	vld.idx.msk [tilespmem:v9+s17+$0x0], $0xffff  }
0x414: {  	[tilespmem:v11+s20+$0x0] =	vst.idx.msk $0xffff, v31;
	v11 =	vand.u32 v13, v50;
	v7 =	vor.u32 v35, v38  }
0x415: {  	v52 =	vor.u32 v27, v11  }
0x416: {  	v2 =	vor.u32 v2, v36;
	v31 =	vld.idx.msk [tilespmem:v32+s17+$0x0], $0xffff;
	[tilespmem:v39+s20+$0x0] =	vst.idx.msk $0xffff, v41  }
0x417: {  	v43 =	vor.u32 s14, v57;
	v39 =	vor.u32 s7, v59;
	[tilespmem:v55+s20+$0x0] =	vst.idx.msk $0xffff, v5  }
0x418: {  	v30 =	vor.u32 v34, v30;
	v5 =	vshll.u32 v54, $0x7;
	v41 =	vand.u32 v12, v39;
	[tilespmem:v51+s20+$0x0] =	vst.idx.msk $0xffff, v9  }
0x419: {  	v9 =	vshll.u32 v50, $0x7;
	v55 =	vand.u32 v14, v43;
	v7 =	vld.idx.msk [tilespmem:v7+s17+$0x0], $0xffff;
	v33 =	vor.u32 v5, v37  }
0x41a: {  	s26 =	simm.s32 $0x40;
	s4 =	simm.s32 $0x8;
	v54 =	vor.u32 v35, v41;
	v45 =	vor.u32 v9, v29;
	v32 =	vld.idx.msk [tilespmem:v52+s17+$0x0], $0xffff;
	v9 =	vor.u32 v9, v26  }
0x41b: {  	s28 =	sand.u32 $0x60, s26;
	s21 =	sand.u32 $0x30, s4;
	v42 =	vor.u32 v48, v29;
	[tilespmem:v2+s20+$0x0] =	vst.idx.msk $0xffff, v31;
	v40 =	vld.idx.msk [tilespmem:v49+s17+$0x0], $0xffff;
	v2 =	vor.u32 v27, v55  }
0x41c: {  	v46 =	vor.u32 s21, v19;
	v47 =	vor.u32 s28, v19;
	v3 =	vor.u32 v3, v36  }
0x41d: {  	s8 =	sor.u32 $0x10, s28;
	v31 =	vshll.u32 v47, $0x6;
	v11 =	vor.u32 v28, v11;
	v39 =	vshll.u32 v39, $0x7  }
0x41e: {  	v49 =	vor.u32 s8, v19;
	v50 =	vld.idx.msk [tilespmem:v30+s17+$0x0], $0xffff;
	v51 =	vor.u32 s7, v63;
	v57 =	vor.u32 v39, v37;
	[tilespmem:v33+s20+$0x0] =	vst.idx.msk $0xffff, v7  }
0x41f: {  	v43 =	vshll.u32 v43, $0x7;
	v7 =	vand.u32 v4, v46;
	v33 =	vshll.u32 v49, $0x6;
	[tilespmem:v9+s20+$0x0] =	vst.idx.msk $0xffff, v32;
	v44 =	vld.idx.msk [tilespmem:v54+s17+$0x0], $0xffff  }
0x420: {  	[tilespmem:v42+s20+$0x0] =	vst.idx.msk $0xffff, v40;
	v40 =	vor.u32 v33, v7;
	v2 =	vld.idx.msk [tilespmem:v2+s17+$0x0], $0xffff;
	v54 =	vor.u32 v43, v26  }
0x421: {  	v30 =	vand.u32 v58, v47;
	v47 =	vor.u32 s14, v53;
	v42 =	vand.u32 v13, v51  }
0x422: {  	v48 =	vor.u32 v28, v55;
	v53 =	vand.u32 v24, v47;
	v9 =	vor.u32 v35, v42  }
0x423: {  	v47 =	vshll.u32 v47, $0x7;
	v55 =	vor.u32 v27, v53;
	[tilespmem:v3+s20+$0x0] =	vst.idx.msk $0xffff, v50;
	v11 =	vld.idx.msk [tilespmem:v11+s17+$0x0], $0xffff  }
0x424: {  	v3 =	vor.u32 s21, v62;
	v50 =	vor.u32 s7, v61;
	v46 =	vshll.u32 v46, $0x7;
	[tilespmem:v57+s20+$0x0] =	vst.idx.msk $0xffff, v44  }
0x425: {  	v32 =	vand.u32 v56, v49;
	v7 =	vor.u32 v31, v7;
	v40 =	vld.idx.msk [tilespmem:v40+s17+$0x0], $0xffff;
	[tilespmem:v54+s20+$0x0] =	vst.idx.msk $0xffff, v2  }
0x426: {  	v51 =	vshll.u32 v51, $0x7;
	v49 =	vor.u32 v46, v32;
	v44 =	vand.u32 v6, v3;
	v54 =	vld [tilespmem:$0x1FFF0]  }
0x427: {  	v56 =	vand.u32 v14, v50;
	v57 =	vor.u32 v51, v37;
	v9 =	vld.idx.msk [tilespmem:v9+s17+$0x0], $0xffff;
	v52 =	vor.u32 v33, v44  }
0x428: {  	v2 =	vor.u32 v35, v56;
	[tilespmem:v45+s20+$0x0] =	vst.idx.msk $0xffff, v11;
	v11 =	vld.idx.msk [tilespmem:v55+s17+$0x0], $0xffff;
	v55 =	vor.u32 v47, v26;
	_ =	sdelay $0x1  }
0x429: {  	v50 =	vshll.u32 v50, $0x7;
	v46 =	vor.u32 v46, v30;
	v43 =	vor.u32 v43, v29;
	v7 =	vld.idx.msk [tilespmem:v7+s17+$0x0], $0xffff  }
0x42a: {  	v3 =	vshll.u32 v3, $0x7;
	v44 =	vor.u32 v31, v44;
	v48 =	vld.idx.msk [tilespmem:v48+s17+$0x0], $0xffff;
	[tilespmem:v49+s20+$0x0] =	vst.idx.msk $0xffff, v40;
	v54 =	vor.u32 s14, v54  }
0x42b: {  	v52 =	vld.idx.msk [tilespmem:v52+s17+$0x0], $0xffff;
	[tilespmem:v57+s20+$0x0] =	vst.idx.msk $0xffff, v9;
	v9 =	vor.u32 v3, v32;
	v45 =	vand.u32 v4, v54  }
0x42c: {  	[tilespmem:v55+s20+$0x0] =	vst.idx.msk $0xffff, v11;
	v55 =	vor.u32 v50, v37;
	v2 =	vld.idx.msk [tilespmem:v2+s17+$0x0], $0xffff;
	v40 =	vor.u32 v27, v45;
	_ =	sdelay $0x1  }
0x42d: {  	v53 =	vor.u32 v28, v53;
	v49 =	vor.u32 s21, v60;
	[tilespmem:v46+s20+$0x0] =	vst.idx.msk $0xffff, v7  }
0x42e: {  	v38 =	vor.u32 v34, v38;
	v57 =	vand.u32 v8, v49;
	[tilespmem:v43+s20+$0x0] =	vst.idx.msk $0xffff, v48  }
0x42f: {  	v7 =	vor.u32 s14, v21;
	v11 =	vor.u32 v33, v57;
	v54 =	vshll.u32 v54, $0x7;
	[tilespmem:v9+s20+$0x0] =	vst.idx.msk $0xffff, v52;
	v9 =	vld.idx.msk [tilespmem:v44+s17+$0x0], $0xffff  }
0x430: {  	v43 =	vand.u32 v6, v7;
	v46 =	vor.u32 v54, v26;
	[tilespmem:v55+s20+$0x0] =	vst.idx.msk $0xffff, v2;
	v40 =	vld.idx.msk [tilespmem:v40+s17+$0x0], $0xffff  }
0x431: {  	v3 =	vor.u32 v3, v30;
	v44 =	vor.u32 v27, v43;
	v2 =	vld [tilespmem:$0x1FF60]  }
0x432: {  	v47 =	vor.u32 v47, v29;
	v48 =	vor.u32 v31, v57;
	v52 =	vld.idx.msk [tilespmem:v53+s17+$0x0], $0xffff  }
0x433: {  	v49 =	vshll.u32 v49, $0x7;
	v45 =	vor.u32 v28, v45  }
0x434: {  	v5 =	vor.u32 v5, v36;
	v53 =	vor.u32 v49, v32;
	v11 =	vld.idx.msk [tilespmem:v11+s17+$0x0], $0xffff  }
0x435: {  	v41 =	vor.u32 v34, v41;
	v38 =	vld.idx.msk [tilespmem:v38+s17+$0x0], $0xffff;
	v7 =	vshll.u32 v7, $0x7;
	[tilespmem:v46+s20+$0x0] =	vst.idx.msk $0xffff, v40  }
0x436: {  	[tilespmem:v3+s20+$0x0] =	vst.idx.msk $0xffff, v9;
	v9 =	vor.u32 v7, v26;
	v2 =	vor.u32 s21, v2;
	v3 =	vld.idx.msk [tilespmem:v44+s17+$0x0], $0xffff  }
0x437: {  	[tilespmem:v47+s20+$0x0] =	vst.idx.msk $0xffff, v52;
	v48 =	vld.idx.msk [tilespmem:v48+s17+$0x0], $0xffff;
	v40 =	vand.u32 v10, v2;
	v44 =	vor.u32 v49, v30  }
0x438: {  	v47 =	vor.u32 s14, v25;
	v45 =	vld.idx.msk [tilespmem:v45+s17+$0x0], $0xffff;
	v49 =	vor.u32 v54, v29;
	v57 =	vor.u32 v33, v40  }
0x439: {  	[tilespmem:v53+s20+$0x0] =	vst.idx.msk $0xffff, v11;
	v11 =	vand.u32 v8, v47  }
0x43a: {  	[tilespmem:v5+s20+$0x0] =	vst.idx.msk $0xffff, v38;
	v52 =	vor.u32 v27, v11  }
0x43b: {  	[tilespmem:v9+s20+$0x0] =	vst.idx.msk $0xffff, v3;
	v3 =	vor.u32 v31, v40  }
0x43c: {  	[tilespmem:v44+s20+$0x0] =	vst.idx.msk $0xffff, v48;
	v48 =	vld.idx.msk [tilespmem:v41+s17+$0x0], $0xffff  }
0x43d: {  	v39 =	vor.u32 v39, v36;
	v2 =	vshll.u32 v2, $0x7;
	[tilespmem:v49+s20+$0x0] =	vst.idx.msk $0xffff, v45;
	v5 =	vld.idx.msk [tilespmem:v57+s17+$0x0], $0xffff  }
0x43e: {  	v41 =	vshll.u32 v47, $0x7;
	v57 =	vor.u32 v2, v32;
	v45 =	vld [tilespmem:$0x1FF70]  }
0x43f: {  	v46 =	vld.idx.msk [tilespmem:v52+s17+$0x0], $0xffff;
	v47 =	vor.u32 v41, v26  }
0x440: {  	v2 =	vor.u32 v2, v30;
	v3 =	vld.idx.msk [tilespmem:v3+s17+$0x0], $0xffff;
	_ =	sdelay $0x1  }
0x441: {  	[tilespmem:v39+s20+$0x0] =	vst.idx.msk $0xffff, v48  }
0x442: {  	[tilespmem:v57+s20+$0x0] =	vst.idx.msk $0xffff, v5  }
0x443: {  	v43 =	vor.u32 v28, v43;
	v9 =	vor.u32 s7, v1;
	[tilespmem:v47+s20+$0x0] =	vst.idx.msk $0xffff, v46  }
0x444: {  	v44 =	vand.u32 v24, v9;
	v45 =	vor.u32 s21, v45;
	[tilespmem:v2+s20+$0x0] =	vst.idx.msk $0xffff, v3  }
0x445: {  	v35 =	vor.u32 v35, v44;
	v5 =	vand.u32 v12, v45;
	v2 =	vld [tilespmem:$0x1FF80]  }
0x446: {  	v48 =	vor.u32 s14, v0;
	v57 =	vor.u32 v33, v5  }
0x447: {  	v42 =	vor.u32 v34, v42;
	v7 =	vor.u32 v7, v29;
	v46 =	vand.u32 v10, v48  }
0x448: {  	v11 =	vor.u32 v28, v11;
	v9 =	vshll.u32 v9, $0x7;
	v47 =	vld.idx.msk [tilespmem:v43+s17+$0x0], $0xffff;
	v49 =	vor.u32 v27, v46  }
0x449: {  	v40 =	vor.u32 v51, v36;
	v53 =	vor.u32 v9, v37;
	v38 =	vor.u32 v34, v44  }
0x44a: {  	v43 =	vshll.u32 v45, $0x7;
	v55 =	vld.idx.msk [tilespmem:v35+s17+$0x0], $0xffff;
	v5 =	vor.u32 v31, v5;
	v2 =	vor.u32 s21, v2  }
0x44b: {  	v39 =	vor.u32 v34, v56;
	v54 =	vor.u32 v43, v32;
	v3 =	vld.idx.msk [tilespmem:v57+s17+$0x0], $0xffff;
	v57 =	vand.u32 v13, v2  }
0x44c: {  	v34 =	vor.u32 v9, v36;
	v51 =	vor.u32 v43, v30;
	v43 =	vld.idx.msk [tilespmem:v42+s17+$0x0], $0xffff;
	v9 =	vor.u32 v33, v57  }
0x44d: {  	v37 =	vor.u32 v50, v36;
	v45 =	vor.u32 v41, v29;
	[tilespmem:v7+s20+$0x0] =	vst.idx.msk $0xffff, v47;
	v47 =	vld.idx.msk [tilespmem:v49+s17+$0x0], $0xffff  }
0x44e: {  	v44 =	vor.u32 v28, v46;
	v46 =	vor.u32 s14, v59;
	v7 =	vshll.u32 v48, $0x7;
	v48 =	vld.idx.msk [tilespmem:v11+s17+$0x0], $0xffff  }
0x44f: {  	v49 =	vor.u32 v7, v26;
	[tilespmem:v53+s20+$0x0] =	vst.idx.msk $0xffff, v55;
	v52 =	vld.idx.msk [tilespmem:v5+s17+$0x0], $0xffff;
	v5 =	vand.u32 v12, v46  }
0x450: {  	v35 =	vor.u32 v7, v29;
	v53 =	vor.u32 s21, v20;
	v42 =	vor.u32 v27, v5;
	[tilespmem:v54+s20+$0x0] =	vst.idx.msk $0xffff, v3  }
0x451: {  	s8 =	simm.s32 $0x60;
	s7 =	simm.s32 $0x4;
	v36 =	vor.u32 v28, v5;
	v55 =	vshll.u32 v2, $0x7;
	v50 =	vor.u32 v31, v57;
	v54 =	vld.idx.msk [tilespmem:v9+s17+$0x0], $0xffff  }
.LBB2_12:
0x452: {  	s23 =	sand.u32 $0x60, s8  }
0x453: {  	v7 =	vor.u32 s23, v19  }
0x454: {  	v41 =	vand.u32 v58, v7;
	v58 =	vld [tilespmem:$0x1FF30];
	_ =	sdelay $0x1  }
0x455: {  	s4 =	sadd.s32 $0x4, s4;
	[tilespmem:v40+s20+$0x0] =	vst.idx.msk $0xffff, v43  }
0x456: {  	v3 =	vand.u32 v14, v53;
	v5 =	vor.u32 v55, v32;
	v57 =	vshll.u32 v53, $0x7;
	s22 =	sand.u32 $0x30, s4;
	s23 =	sor.u32 $0x10, s23;
	[tilespmem:v49+s20+$0x0] =	vst.idx.msk $0xffff, v47  }
0x457: {  	v9 =	vor.u32 v31, v3;
	v11 =	vor.u32 s22, v19;
	v40 =	vor.u32 s23, v19;
	v47 =	vld.idx.msk [tilespmem:v39+s17+$0x0], $0xffff;
	[tilespmem:v51+s20+$0x0] =	vst.idx.msk $0xffff, v52  }
0x458: {  	v3 =	vor.u32 v33, v3;
	v43 =	vor.u32 s14, v63;
	v50 =	vld.idx.msk [tilespmem:v50+s17+$0x0], $0xffff;
	[tilespmem:v45+s20+$0x0] =	vst.idx.msk $0xffff, v48;
	v53 =	vor.u32 s21, v58  }
0x459: {  	v63 =	vand.u32 v4, v11;
	v49 =	vshll.u32 v40, $0x6;
	v39 =	vld.idx.msk [tilespmem:v44+s17+$0x0], $0xffff;
	v59 =	vand.u32 v24, v53  }
0x45a: {  	v52 =	vor.u32 v49, v63;
	v44 =	vor.u32 v31, v59;
	v48 =	vor.u32 v33, v59;
	v59 =	vld [tilespmem:$0x1FFC0]  }
0x45b: {  	v2 =	vor.u32 v55, v30;
	v46 =	vshll.u32 v46, $0x7;
	v51 =	vld.idx.msk [tilespmem:v42+s17+$0x0], $0xffff;
	v42 =	vshll.u32 v7, $0x6  }
0x45c: {  	v56 =	vor.u32 v46, v26;
	v55 =	vand.u32 v13, v43;
	v7 =	vor.u32 v42, v63  }
0x45d: {  	v11 =	vshll.u32 v11, $0x7;
	v43 =	vshll.u32 v43, $0x7;
	[tilespmem:v5+s20+$0x0] =	vst.idx.msk $0xffff, v54;
	v5 =	vor.u32 v27, v55  }
0x45e: {  	v45 =	vor.u32 v57, v30;
	v63 =	vor.u32 v57, v32;
	v57 =	vor.u32 s14, v61;
	v3 =	vld.idx.msk [tilespmem:v3+s17+$0x0], $0xffff  }
0x45f: {  	v54 =	vor.u32 s22, v60;
	[tilespmem:v37+s20+$0x0] =	vst.idx.msk $0xffff, v47;
	v37 =	vor.u32 s22, v62;
	v47 =	vld.idx.msk [tilespmem:v52+s17+$0x0], $0xffff;
	v40 =	vand.u32 v59, v40  }
0x460: {  	v58 =	vand.u32 v14, v57;
	v61 =	vand.u32 v6, v37;
	v38 =	vld.idx.msk [tilespmem:v38+s17+$0x0], $0xffff;
	v52 =	vor.u32 v11, v40  }
0x461: {  	[tilespmem:v56+s20+$0x0] =	vst.idx.msk $0xffff, v51;
	v7 =	vld.idx.msk [tilespmem:v7+s17+$0x0], $0xffff;
	v62 =	vor.u32 v49, v61;
	v11 =	vor.u32 v11, v41  }
0x462: {  	v5 =	vld.idx.msk [tilespmem:v5+s17+$0x0], $0xffff;
	v51 =	vor.u32 v42, v61;
	[tilespmem:v2+s20+$0x0] =	vst.idx.msk $0xffff, v50;
	v59 =	vor.u32 v43, v26  }
0x463: {  	v2 =	vshll.u32 v53, $0x7;
	v50 =	vor.u32 s21, v22;
	[tilespmem:v63+s20+$0x0] =	vst.idx.msk $0xffff, v3;
	v3 =	vor.u32 v27, v58  }
0x464: {  	v53 =	vor.u32 v2, v30;
	v63 =	vand.u32 v4, v50;
	v2 =	vor.u32 v2, v32;
	v48 =	vld.idx.msk [tilespmem:v48+s17+$0x0], $0xffff  }
0x465: {  	v60 =	vor.u32 s14, v1;
	v57 =	vshll.u32 v57, $0x7;
	v9 =	vld.idx.msk [tilespmem:v9+s17+$0x0], $0xffff;
	[tilespmem:v52+s20+$0x0] =	vst.idx.msk $0xffff, v47;
	v52 =	vor.u32 v33, v63  }
0x466: {  	v37 =	vshll.u32 v37, $0x7;
	v47 =	vor.u32 v31, v63;
	v63 =	vor.u32 v57, v26;
	[tilespmem:v11+s20+$0x0] =	vst.idx.msk $0xffff, v7  }
0x467: {  	s14 =	smov.u32 s21;
	v56 =	vld.idx.msk [tilespmem:v62+s17+$0x0], $0xffff;
	[tilespmem:v59+s20+$0x0] =	vst.idx.msk $0xffff, v5;
	v5 =	vand.u32 v8, v54;
	v59 =	vor.u32 v37, v40  }
0x468: {  	v7 =	vshll.u32 v50, $0x7;
	v11 =	vor.u32 s14, v21;
	v50 =	vld.idx.msk [tilespmem:v51+s17+$0x0], $0xffff;
	v61 =	vor.u32 v49, v5  }
0x469: {  	v62 =	vand.u32 v24, v60;
	v37 =	vor.u32 v37, v41;
	v3 =	vld.idx.msk [tilespmem:v3+s17+$0x0], $0xffff;
	[tilespmem:v2+s20+$0x0] =	vst.idx.msk $0xffff, v48  }
0x46a: {  	[tilespmem:v45+s20+$0x0] =	vst.idx.msk $0xffff, v9;
	v9 =	vand.u32 v6, v11;
	v5 =	vor.u32 v42, v5;
	v48 =	vld.idx.msk [tilespmem:v52+s17+$0x0], $0xffff  }
0x46b: {  	v45 =	vor.u32 v7, v32;
	v2 =	vor.u32 v27, v62;
	v27 =	vmovc v33;
	v52 =	vshll.u32 v54, $0x7;
	v54 =	vld [tilespmem:$0x1FF60]  }
0x46c: {  	v51 =	vor.u32 v27, v9;
	[tilespmem:v59+s20+$0x0] =	vst.idx.msk $0xffff, v56  }
0x46d: {  	v59 =	vor.u32 v52, v40;
	v56 =	vld.idx.msk [tilespmem:v61+s17+$0x0], $0xffff  }
0x46e: {  	v44 =	vld.idx.msk [tilespmem:v44+s17+$0x0], $0xffff;
	[tilespmem:v37+s20+$0x0] =	vst.idx.msk $0xffff, v50  }
0x46f: {  	v46 =	vor.u32 v46, v29;
	s21 =	smov.u32 s22;
	v60 =	vshll.u32 v60, $0x7;
	[tilespmem:v63+s20+$0x0] =	vst.idx.msk $0xffff, v3;
	v5 =	vld.idx.msk [tilespmem:v5+s17+$0x0], $0xffff  }
0x470: {  	v33 =	vmov v49;
	v49 =	vor.u32 v52, v41;
	v2 =	vld.idx.msk [tilespmem:v2+s17+$0x0], $0xffff;
	v54 =	vor.u32 s21, v54;
	[tilespmem:v45+s20+$0x0] =	vst.idx.msk $0xffff, v48  }
0x471: {  	v61 =	vor.u32 v60, v26;
	v26 =	vmovc v32;
	v32 =	vmov v40;
	v3 =	vand.u32 v10, v54;
	v40 =	vld.idx.msk [tilespmem:v51+s17+$0x0], $0xffff  }
0x472: {  	v7 =	vor.u32 v7, v30;
	v52 =	vor.u32 v33, v3;
	[tilespmem:v59+s20+$0x0] =	vst.idx.msk $0xffff, v56;
	v56 =	vld [tilespmem:$0x1FF70]  }
0x473: {  	v11 =	vshll.u32 v11, $0x7;
	v9 =	vor.u32 v31, v9;
	v37 =	vor.u32 s14, v25;
	[tilespmem:v53+s20+$0x0] =	vst.idx.msk $0xffff, v44  }
0x474: {  	v44 =	vand.u32 v8, v37;
	v47 =	vld.idx.msk [tilespmem:v47+s17+$0x0], $0xffff;
	[tilespmem:v35+s20+$0x0] =	vst.idx.msk $0xffff, v39;
	v3 =	vor.u32 v42, v3  }
0x475: {  	v50 =	vor.u32 v27, v44;
	v39 =	vor.u32 v28, v58;
	v35 =	vld.idx.msk [tilespmem:v36+s17+$0x0], $0xffff;
	v45 =	vor.u32 v11, v26  }
0x476: {  	v48 =	vor.u32 v28, v55;
	v51 =	vshll.u32 v54, $0x7;
	v54 =	vor.u32 v31, v44;
	v59 =	vld [tilespmem:$0x1FFA0];
	[tilespmem:v49+s20+$0x0] =	vst.idx.msk $0xffff, v5  }
0x477: {  	v5 =	vshll.u32 v37, $0x7;
	v37 =	vor.u32 v57, v29;
	v53 =	vor.u32 s21, v56;
	v52 =	vld.idx.msk [tilespmem:v52+s17+$0x0], $0xffff;
	[tilespmem:v61+s20+$0x0] =	vst.idx.msk $0xffff, v2  }
0x478: {  	v63 =	vmovc v23;
	v57 =	vld [tilespmem:$0x1FF80];
	v2 =	vor.u32 v51, v41;
	v51 =	vor.u32 v51, v32;
	v44 =	vand.u32 v12, v53  }
0x479: {  	v3 =	vld.idx.msk [tilespmem:v3+s17+$0x0], $0xffff;
	[tilespmem:v7+s20+$0x0] =	vst.idx.msk $0xffff, v47;
	v55 =	vor.u32 v42, v44;
	v44 =	vor.u32 v33, v44  }
0x47a: {  	v58 =	vmov v15;
	v36 =	vor.u32 s14, v0;
	v11 =	vor.u32 v11, v30;
	[tilespmem:v45+s20+$0x0] =	vst.idx.msk $0xffff, v40;
	v9 =	vld.idx.msk [tilespmem:v9+s17+$0x0], $0xffff  }
0x47b: {  	v7 =	vand.u32 v10, v36;
	v47 =	vor.u32 v5, v26;
	v40 =	vor.u32 v43, v29;
	v43 =	vld.idx.msk [tilespmem:v50+s17+$0x0], $0xffff  }
0x47c: {  	v45 =	vor.u32 v5, v30;
	v5 =	vor.u32 v27, v7;
	v49 =	vshll.u32 v53, $0x7;
	[tilespmem:v34+s20+$0x0] =	vst.idx.msk $0xffff, v38  }
0x47d: {  	v53 =	vor.u32 s21, v57;
	v38 =	vor.u32 v28, v62;
	v34 =	vor.u32 v60, v29;
	[tilespmem:v51+s20+$0x0] =	vst.idx.msk $0xffff, v52  }
0x47e: {  	s7 =	sadd.s32 $0x2, s7;
	v57 =	vor.u32 v49, v32;
	v56 =	vld.idx.msk [tilespmem:v44+s17+$0x0], $0xffff;
	v44 =	vor.u32 v31, v7;
	v7 =	vand.u32 v13, v53  }
0x47f: {  	p0 =	slt.u32 s7, $0x1E;
	v61 =	vmov v18;
	[tilespmem:v46+s20+$0x0] =	vst.idx.msk $0xffff, v35;
	v50 =	vor.u32 v42, v7;
	v7 =	vor.u32 v33, v7  }
.Ltmp5:
0x480: {  	v62 =	vmovc v16;
	v60 =	vmov v17;
	v28 =	vmov v31;
	v46 =	vor.u32 s14, v59;
	[tilespmem:v47+s20+$0x0] =	vst.idx.msk $0xffff, v43;
	v43 =	vld.idx.msk [tilespmem:v48+s17+$0x0], $0xffff;
	(pc) =	sbr.rel @p0 .LBB2_12-.Ltmp5, $4  }
0x481: {  	v51 =	vor.u32 v49, v41;
	[tilespmem:v2+s20+$0x0] =	vst.idx.msk $0xffff, v3;
	v2 =	vshll.u32 v36, $0x7;
	v31 =	vmov v42;
	v47 =	vld.idx.msk [tilespmem:v5+s17+$0x0], $0xffff  }
0x482: {  	v3 =	vand.u32 v12, v46;
	v52 =	vld.idx.msk [tilespmem:v55+s17+$0x0], $0xffff;
	[tilespmem:v11+s20+$0x0] =	vst.idx.msk $0xffff, v9;
	v49 =	vor.u32 v2, v26  }
0x483: {  	v35 =	vor.u32 v2, v30;
	v42 =	vor.u32 v27, v3;
	v48 =	vld.idx.msk [tilespmem:v54+s17+$0x0], $0xffff;
	[tilespmem:v57+s20+$0x0] =	vst.idx.msk $0xffff, v56  }
0x484: {  	s8 =	sadd.s32 $0x20, s8;
	v29 =	vmovc v30;
	v55 =	vshll.u32 v53, $0x7;
	v53 =	vor.u32 s21, v20;
	v36 =	vor.u32 v28, v3;
	v30 =	vmovc v41;
	v54 =	vld.idx.msk [tilespmem:v7+s17+$0x0], $0xffff  }
0x485: {  	v3 =	vor.u32 v55, v32;
	_ =	sdelay $0x3  }
0x486: {  	[tilespmem:v51+s20+$0x0] =	vst.idx.msk $0xffff, v52  }
0x487: {  	[tilespmem:v3+s20+$0x0] =	vst.idx.msk $0xffff, v54  }
0x488: {  	v2 =	vand.u32 v14, v53;
	v11 =	vld [tilespmem:$0x1FF30]  }
0x489: {  	v7 =	vor.u32 v55, v30;
	v5 =	vor.u32 v33, v2;
	v9 =	vld.idx.msk [tilespmem:v50+s17+$0x0], $0xffff  }
0x48a: {  	v2 =	vor.u32 v31, v2;
	_ =	sdelay $0x2  }
0x48b: {  	v3 =	vshll.u32 v53, $0x7;
	v11 =	vor.u32 s21, v11  }
0x48c: {  	v5 =	vld.idx.msk [tilespmem:v5+s17+$0x0], $0xffff;
	v20 =	vor.u32 v3, v32;
	[tilespmem:v7+s20+$0x0] =	vst.idx.msk $0xffff, v9;
	v41 =	vand.u32 v24, v11  }
0x48d: {  	v3 =	vor.u32 v3, v30;
	v2 =	vld.idx.msk [tilespmem:v2+s17+$0x0], $0xffff;
	v23 =	vor.u32 v33, v41  }
0x48e: {  	v54 =	vor.u32 v31, v41;
	_ =	sdelay $0x2  }
0x48f: {  	v56 =	vor.u32 s21, v22;
	[tilespmem:v20+s20+$0x0] =	vst.idx.msk $0xffff, v5;
	v55 =	vshll.u32 v11, $0x7  }
0x490: {  	v15 =	vand.u32 v4, v56;
	v16 =	vor.u32 v55, v32;
	[tilespmem:v3+s20+$0x0] =	vst.idx.msk $0xffff, v2;
	v57 =	vld.idx.msk [tilespmem:v23+s17+$0x0], $0xffff  }
0x491: {  	v17 =	vor.u32 v33, v15;
	v2 =	vor.u32 v55, v30;
	v3 =	vld.idx.msk [tilespmem:v54+s17+$0x0], $0xffff  }
0x492: {  	v18 =	vor.u32 v31, v15;
	_ =	sdelay $0x2  }
0x493: {  	v19 =	vshll.u32 v56, $0x7;
	v20 =	vor.u32 s21, v21;
	[tilespmem:v16+s20+$0x0] =	vst.idx.msk $0xffff, v57  }
0x494: {  	v21 =	vand.u32 v6, v20;
	v23 =	vor.u32 v19, v32;
	[tilespmem:v2+s20+$0x0] =	vst.idx.msk $0xffff, v3;
	v11 =	vld.idx.msk [tilespmem:v17+s17+$0x0], $0xffff  }
0x495: {  	v54 =	vor.u32 v33, v21;
	v2 =	vor.u32 v19, v30;
	v3 =	vld.idx.msk [tilespmem:v18+s17+$0x0], $0xffff  }
0x496: {  	v55 =	vor.u32 v31, v21;
	_ =	sdelay $0x2  }
0x497: {  	v56 =	vshll.u32 v20, $0x7;
	v57 =	vor.u32 s21, v25;
	[tilespmem:v23+s20+$0x0] =	vst.idx.msk $0xffff, v11  }
0x498: {  	v15 =	vor.u32 v56, v32;
	v8 =	vand.u32 v8, v57;
	[tilespmem:v2+s20+$0x0] =	vst.idx.msk $0xffff, v3;
	v11 =	vld.idx.msk [tilespmem:v54+s17+$0x0], $0xffff  }
0x499: {  	v16 =	vor.u32 v33, v8;
	v2 =	vor.u32 v56, v30;
	v3 =	vld.idx.msk [tilespmem:v55+s17+$0x0], $0xffff  }
0x49a: {  	v17 =	vor.u32 v31, v8;
	_ =	sdelay $0x2  }
0x49b: {  	v19 =	vor.u32 s21, v0;
	v18 =	vshll.u32 v57, $0x7;
	[tilespmem:v15+s20+$0x0] =	vst.idx.msk $0xffff, v11  }
0x49c: {  	v20 =	vand.u32 v10, v19;
	v21 =	vor.u32 v18, v32;
	[tilespmem:v2+s20+$0x0] =	vst.idx.msk $0xffff, v3;
	v11 =	vld.idx.msk [tilespmem:v16+s17+$0x0], $0xffff  }
0x49d: {  	v23 =	vor.u32 v33, v20;
	v2 =	vor.u32 v18, v30;
	v3 =	vld.idx.msk [tilespmem:v17+s17+$0x0], $0xffff  }
0x49e: {  	v52 =	vor.u32 v31, v20  }
0x49f: {  	[tilespmem:v45+s20+$0x0] =	vst.idx.msk $0xffff, v48  }
0x4a0: {  	v44 =	vld.idx.msk [tilespmem:v44+s17+$0x0], $0xffff  }
0x4a1: {  	v53 =	vshll.u32 v19, $0x7;
	v54 =	vor.u32 s21, v59;
	[tilespmem:v21+s20+$0x0] =	vst.idx.msk $0xffff, v11  }
0x4a2: {  	v56 =	vor.u32 v53, v32;
	v55 =	vand.u32 v12, v54;
	[tilespmem:v2+s20+$0x0] =	vst.idx.msk $0xffff, v3;
	v11 =	vld.idx.msk [tilespmem:v23+s17+$0x0], $0xffff  }
0x4a3: {  	v57 =	vor.u32 v33, v55;
	v2 =	vor.u32 v53, v30;
	v3 =	vld.idx.msk [tilespmem:v52+s17+$0x0], $0xffff  }
0x4a4: {  	[tilespmem:v49+s20+$0x0] =	vst.idx.msk $0xffff, v47;
	v41 =	vor.u32 v31, v55  }
0x4a5: {  	v42 =	vld.idx.msk [tilespmem:v42+s17+$0x0], $0xffff;
	[tilespmem:v35+s20+$0x0] =	vst.idx.msk $0xffff, v44;
	v19 =	vor.u32 s21, v63;
	v12 =	vor.u32 s14, v63;
	v15 =	vshll.u32 v46, $0x7  }
0x4a6: {  	v36 =	vld.idx.msk [tilespmem:v36+s17+$0x0], $0xffff;
	v20 =	vand.u32 v13, v19;
	v16 =	vand.u32 v13, v12;
	v17 =	vor.u32 v15, v26  }
0x4a7: {  	v9 =	vshll.u32 v54, $0x7;
	v7 =	vor.u32 v15, v29;
	v18 =	vor.u32 v27, v16;
	[tilespmem:v56+s20+$0x0] =	vst.idx.msk $0xffff, v11  }
0x4a8: {  	v21 =	vor.u32 v9, v32;
	[tilespmem:v2+s20+$0x0] =	vst.idx.msk $0xffff, v3;
	v2 =	vor.u32 v28, v16;
	v11 =	vld.idx.msk [tilespmem:v57+s17+$0x0], $0xffff  }
0x4a9: {  	v5 =	vshll.u32 v12, $0x7;
	v23 =	vor.u32 v33, v20;
	v3 =	vor.u32 v9, v30;
	v52 =	vld.idx.msk [tilespmem:v41+s17+$0x0], $0xffff  }
0x4aa: {  	v35 =	vor.u32 v31, v20;
	v55 =	vor.u32 v5, v26  }
0x4ab: {  	v5 =	vor.u32 v5, v29;
	v12 =	vshll.u32 v19, $0x7;
	v53 =	vor.u32 s14, v61;
	[tilespmem:v17+s20+$0x0] =	vst.idx.msk $0xffff, v42  }
0x4ac: {  	v15 =	vor.u32 v12, v32;
	[tilespmem:v7+s20+$0x0] =	vst.idx.msk $0xffff, v36;
	v42 =	vld.idx.msk [tilespmem:v18+s17+$0x0], $0xffff;
	v54 =	vand.u32 v14, v53  }
0x4ad: {  	v56 =	vor.u32 v27, v54;
	v57 =	vor.u32 s21, v61;
	v2 =	vld.idx.msk [tilespmem:v2+s17+$0x0], $0xffff;
	[tilespmem:v21+s20+$0x0] =	vst.idx.msk $0xffff, v11  }
0x4ae: {  	v14 =	vand.u32 v14, v57;
	[tilespmem:v3+s20+$0x0] =	vst.idx.msk $0xffff, v52;
	v3 =	vor.u32 v28, v54;
	v13 =	vld.idx.msk [tilespmem:v23+s17+$0x0], $0xffff  }
0x4af: {  	v48 =	vor.u32 s21, v1;
	v17 =	vor.u32 v12, v30;
	v16 =	vor.u32 v33, v14;
	v18 =	vld.idx.msk [tilespmem:v35+s17+$0x0], $0xffff  }
0x4b0: {  	[tilespmem:v40+s20+$0x0] =	vst.idx.msk $0xffff, v43;
	v51 =	vand.u32 v24, v48;
	v36 =	vor.u32 v31, v14  }
0x4b1: {  	v39 =	vld.idx.msk [tilespmem:v39+s17+$0x0], $0xffff;
	v19 =	vor.u32 s14, v1;
	[tilespmem:v55+s20+$0x0] =	vst.idx.msk $0xffff, v42;
	v41 =	vshll.u32 v53, $0x7;
	v50 =	vshll.u32 v57, $0x7  }
0x4b2: {  	v20 =	vld.idx.msk [tilespmem:v56+s17+$0x0], $0xffff;
	v21 =	vand.u32 v24, v19;
	v23 =	vor.u32 v41, v26;
	[tilespmem:v5+s20+$0x0] =	vst.idx.msk $0xffff, v2  }
0x4b3: {  	v27 =	vor.u32 v27, v21;
	v41 =	vor.u32 v41, v29;
	v3 =	vld.idx.msk [tilespmem:v3+s17+$0x0], $0xffff;
	[tilespmem:v15+s20+$0x0] =	vst.idx.msk $0xffff, v13  }
0x4b4: {  	v52 =	vor.u32 v50, v32;
	v54 =	vor.u32 v28, v21;
	[tilespmem:v17+s20+$0x0] =	vst.idx.msk $0xffff, v18;
	v2 =	vld.idx.msk [tilespmem:v16+s17+$0x0], $0xffff  }
0x4b5: {  	v53 =	vor.u32 v33, v51;
	v7 =	vor.u32 v50, v30;
	v11 =	vld.idx.msk [tilespmem:v36+s17+$0x0], $0xffff  }
0x4b6: {  	[tilespmem:v37+s20+$0x0] =	vst.idx.msk $0xffff, v39;
	v5 =	vor.u32 v31, v51  }
0x4b7: {  	v55 =	vshll.u32 v19, $0x7;
	v56 =	vld.idx.msk [tilespmem:v38+s17+$0x0], $0xffff;
	[tilespmem:v23+s20+$0x0] =	vst.idx.msk $0xffff, v20  }
0x4b8: {  	v26 =	vor.u32 v55, v26;
	v27 =	vld.idx.msk [tilespmem:v27+s17+$0x0], $0xffff;
	[tilespmem:v41+s20+$0x0] =	vst.idx.msk $0xffff, v3  }
0x4b9: {  	v28 =	vor.u32 v55, v29;
	v9 =	vld.idx.msk [tilespmem:v54+s17+$0x0], $0xffff;
	[tilespmem:v52+s20+$0x0] =	vst.idx.msk $0xffff, v2;
	v2 =	vshll.u32 v48, $0x7  }
0x4ba: {  	[tilespmem:v7+s20+$0x0] =	vst.idx.msk $0xffff, v11;
	v3 =	vld.idx.msk [tilespmem:v53+s17+$0x0], $0xffff;
	v57 =	vor.u32 v2, v32  }
0x4bb: {  	v2 =	vor.u32 v2, v30;
	v5 =	vld.idx.msk [tilespmem:v5+s17+$0x0], $0xffff  }
0x4bc: {  	[tilespmem:v34+s20+$0x0] =	vst.idx.msk $0xffff, v56  }
0x4bd: {  	[tilespmem:v26+s20+$0x0] =	vst.idx.msk $0xffff, v27  }
0x4be: {  	[tilespmem:v28+s20+$0x0] =	vst.idx.msk $0xffff, v9  }
0x4bf: {  	[tilespmem:v57+s20+$0x0] =	vst.idx.msk $0xffff, v3  }
0x4c0: {  	[tilespmem:v2+s20+$0x0] =	vst.idx.msk $0xffff, v5  }
0x4c1: {  	s4 =	rddreg [dreg:$0x10]  }
0x4c2: {  	[hbm4b:s4+s3] =	stream.linear.scatter [tilespmem:s20], [sflag:$0x4], $0x400, $0x38;
	[tilespmem:$0xE400] =	vst v63  }
0x4c3: {  	s7 =	simm.s32 $0xC800;
	s8 =	rddreg [dreg:$0x11]  }
0x4c4: {  	[hbm4b:s8+s3] =	stream.linear.scatter [tilespmem:s7], [sflag:$0x4], $0x400, $0x38;
	[tilespmem:$0xE400] =	vst v63  }
0x4c5: {  	s21 =	simm.s32 $0xCC00;
	s14 =	rddreg [dreg:$0x12]  }
0x4c6: {  	[hbm4b:s14+s3] =	stream.linear.scatter [tilespmem:s21], [sflag:$0x4], $0x400, $0x38;
	[tilespmem:$0xE400] =	vst v63  }
0x4c7: {  	s23 =	simm.s32 $0xD000;
	s22 =	rddreg [dreg:$0x13]  }
0x4c8: {  	[hbm4b:s22+s3] =	stream.linear.scatter [tilespmem:s23], [sflag:$0x4], $0x400, $0x38;
	[tilespmem:$0xE400] =	vst v63  }
0x4c9: {  	s28 =	simm.s32 $0xD400;
	s26 =	rddreg [dreg:$0x14]  }
0x4ca: {  	[hbm4b:s26+s3] =	stream.linear.scatter [tilespmem:s28], [sflag:$0x4], $0x400, $0x38;
	[tilespmem:$0xE400] =	vst v63  }
0x4cb: {  	s7 =	rddreg [dreg:$0x15];
	s8 =	simm.s32 $0xD800  }
0x4cc: {  	[hbm4b:s7+s3] =	stream.linear.scatter [tilespmem:s8], [sflag:$0x4], $0x400, $0x38;
	[tilespmem:$0xE400] =	vst v63  }
0x4cd: {  	s14 =	rddreg [dreg:$0x16];
	s21 =	simm.s32 $0xDC00  }
0x4ce: {  	[hbm4b:s14+s3] =	stream.linear.scatter [tilespmem:s21], [sflag:$0x4], $0x400, $0x38;
	[tilespmem:$0xE400] =	vst v63  }
0x4cf: {  	s22 =	rddreg [dreg:$0x17];
	s23 =	simm.s32 $0xE000  }
0x4d0: {  	[hbm4b:s22+s3] =	stream.linear.scatter [tilespmem:s23], [sflag:$0x4], $0x400, $0x38;
	[tilespmem:$0xE400] =	vst v63  }
0x4d1: {  	_ =	swait.ge [sflag:s24], $0x400  }
0x4d2: {  	[sflag:s24] =	ssyncset.done $0x0  }
0x4d3: {  	[sflag:s24] =	ssyncadd.s32 $0xFFFFFC00  }
0x4d4: {  	_ =	swait.ge [sflag:s24], $0x400  }
0x4d5: {  	[sflag:s24] =	ssyncset.done $0x0  }
0x4d6: {  	[sflag:s24] =	ssyncadd.s32 $0xFFFFFC00  }
0x4d7: {  	_ =	swait.ge [sflag:s24], $0x400  }
0x4d8: {  	[sflag:s24] =	ssyncset.done $0x0  }
0x4d9: {  	[sflag:s24] =	ssyncadd.s32 $0xFFFFFC00  }
0x4da: {  	_ =	swait.ge [sflag:s24], $0x400  }
0x4db: {  	[sflag:s24] =	ssyncset.done $0x0  }
0x4dc: {  	[sflag:s24] =	ssyncadd.s32 $0xFFFFFC00  }
0x4dd: {  	_ =	swait.ge [sflag:s24], $0x400  }
0x4de: {  	[sflag:s24] =	ssyncset.done $0x0  }
0x4df: {  	[sflag:s24] =	ssyncadd.s32 $0xFFFFFC00  }
0x4e0: {  	_ =	swait.ge [sflag:s24], $0x400  }
0x4e1: {  	[sflag:s24] =	ssyncset.done $0x0  }
0x4e2: {  	[sflag:s24] =	ssyncadd.s32 $0xFFFFFC00  }
0x4e3: {  	_ =	swait.ge [sflag:s24], $0x400  }
0x4e4: {  	[sflag:s24] =	ssyncset.done $0x0  }
0x4e5: {  	[sflag:s24] =	ssyncadd.s32 $0xFFFFFC00  }
0x4e6: {  	_ =	swait.ge [sflag:s24], $0x400  }
0x4e7: {  	[sflag:s24] =	ssyncset.done $0x0  }
0x4e8: {  	[sflag:s24] =	ssyncadd.s32 $0xFFFFFC00  }
0x4e9: {  	_ =	swait.ge [sflag:s25], $0x400  }
0x4ea: {  	[sflag:s25] =	ssyncset.done $0x0  }
0x4eb: {  	[sflag:s25] =	ssyncadd.s32 $0xFFFFFC00  }
0x4ec: {  	_ =	swait.ge [sflag:s25], $0x400  }
0x4ed: {  	[sflag:s25] =	ssyncset.done $0x0  }
0x4ee: {  	[sflag:s25] =	ssyncadd.s32 $0xFFFFFC00  }
0x4ef: {  	_ =	swait.ge [sflag:s25], $0x400  }
0x4f0: {  	[sflag:s25] =	ssyncset.done $0x0  }
0x4f1: {  	[sflag:s25] =	ssyncadd.s32 $0xFFFFFC00  }
0x4f2: {  	_ =	swait.ge [sflag:s25], $0x400  }
0x4f3: {  	[sflag:s25] =	ssyncset.done $0x0  }
0x4f4: {  	[sflag:s25] =	ssyncadd.s32 $0xFFFFFC00  }
0x4f5: {  	_ =	swait.ge [sflag:s25], $0x400  }
0x4f6: {  	[sflag:s25] =	ssyncset.done $0x0  }
0x4f7: {  	[sflag:s25] =	ssyncadd.s32 $0xFFFFFC00  }
0x4f8: {  	_ =	swait.ge [sflag:s25], $0x400  }
0x4f9: {  	[sflag:s25] =	ssyncset.done $0x0  }
0x4fa: {  	[sflag:s25] =	ssyncadd.s32 $0xFFFFFC00  }
0x4fb: {  	_ =	swait.ge [sflag:s25], $0x400  }
0x4fc: {  	[sflag:s25] =	ssyncset.done $0x0  }
0x4fd: {  	[sflag:s25] =	ssyncadd.s32 $0xFFFFFC00  }
0x4fe: {  	_ =	swait.ge [sflag:s25], $0x400  }
0x4ff: {  	s26 =	rddreg [dreg:$0x1b]  }
0x500: {  	s28 =	rddreg [dreg:$0x18];
	s7 =	sadd.s32 $0x1, s26  }
0x501: {  	p0 =	sne.s32 s7, s28  }
.Ltmp6:
0x502: {  	_ = 	snop;
	(pc) =	sbr.rel @p0 .LBB2_1-.Ltmp6, $3  }
0x503: {  	_ =	sdelay $0x1  }
0x504: {  	[sflag:s25] =	ssyncset.done $0x0  }
0x505: {  	v52 =	vmov v22;
	v24 =	vld [tilespmem:$0x1FFC0];
	[sflag:s25] =	ssyncadd.s32 $0xFFFFFC00  }
0x506: {  	_ =	sfence.sel $0x180000  }
0x507: {  	[bflag:$0x0] =	sbarrier.arrive $0xFFFF  }
0x508: {  	_ =	strace $0x90000047  }
0x509: {  	s0 =	stileid.u32;
	[bflag:$0x2] =	sbarrier.arrive $0xFFFF  }
0x50a: {  	p0 =	sne.s32 s0, $0x0;
	s0 =	rddreg [dreg:$0x3]  }
0x50b: {  	s0 =	sadd.s32 @!p0 $0x100000, s0  }
0x50c: {  	[sflag:s0] =	ssyncadd.tile.s32 @!p0 $0x1;
	_ =	shalt  }
.Lfunc_end2:
_tile_overlayer_lowered:
.L_overlay_start_2:
0x50d: {  	(tag) =	ssettag $0x2  }
0x50e: {  	s0 =	rddreg [dreg:$0x0];
	s2 =	stileid.u32  }
0x50f: {  	s1 =	rddreg [dreg:$0x1];
	p0 =	sne.s32 s2, $0x0  }
0x510: {  	s3 =	rddreg [dreg:$0x2];
	[bflag:$0x3] =	sbarrier.arrive $0xFFFF;
	s2 =	simm.s32 @!p0 $0x1C05  }
0x511: {  	[timem:s3], [sflag:s2] =	dma.local @!p0 [hbm:s0], s1  }
0x512: {  	s0 =	simm.s32 @!p0 $0x5  }
0x513: {  	_ =	swait.ge @!p0 [sflag:s0], s1  }
0x514: {  	s1 =	ssub.s32 @!p0 $0x0, s1;
	[sflag:s0] =	ssyncset.done @!p0 $0x0  }
0x515: {  	[sflag:s0] =	ssyncadd.s32 @!p0 s1  }
0x516: {  	[bflag:$0x3] =	sbarrier.arrive $0xFFFF  }
0x517: {  	_ =	shalt  }

</sc_bundles>
